<compile_context>
chip_gen: v7x
topology: tpu7x:2x2x1
jax: 0.10.2.dev20260603
libtpu: 0.0.44.dev20260713+nightly
codegen_flags: <defaults>
</compile_context>

<pallas_src>
import functools

import jax
import jax.numpy as jnp
from jax import lax
from jax.experimental import pallas as pl
from jax.experimental.pallas import tpu as pltpu
from jax.experimental.pallas import tpu_sc as plsc


@functools.cache
def _build_fused(seq: int, batch: int, dim: int, nv: int):
    info = plsc.get_sparse_core_info()
    nc, ns = info.num_cores, info.num_subcores
    npos = seq * batch
    ppt = npos // ns
    assert ppt * ns == npos
    unit = batch // 2
    upt = ppt // unit
    assert upt * unit == ppt and ppt % 8 == 0
    dpc = dim // nc
    assert dpc * nc == dim

    mesh = plsc.VectorSubcoreMesh(core_axis_name="c", subcore_axis_name="s")

    @functools.partial(
        pl.kernel,
        out_type=jax.ShapeDtypeStruct((seq * dim * batch,), jnp.float32),
        mesh=mesh,
        scratch_types=[
            pltpu.VMEM((ppt,), jnp.int32),
            [pltpu.VMEM((unit,), jnp.float32) for _ in range(4)],
            pltpu.VMEM_SHARED((nv,), jnp.float32),
            pltpu.SemaphoreType.DMA,
            [pltpu.SemaphoreType.DMA for _ in range(4)],
            [pltpu.SemaphoreType.DMA for _ in range(4)],
        ],
        compiler_params=pltpu.CompilerParams(use_tc_tiling_on_sc=True),
    )
    def fused_kernel(table_hbm, idx_hbm, out_hbm, idx_v, gath_v, row_sh,
                     ssem, gsem, osem):
        cid = lax.axis_index("c")
        tid = lax.axis_index("s")
        p0 = tid * ppt
        d0 = cid * dpc

        def _idx_args(k):
            p = p0 + k * unit
            return (
                idx_hbm.at[p // batch, pl.ds(p % batch, unit)],
                idx_v.at[pl.ds(k * unit, unit)],
                gsem[0],
            )

        for k in range(upt):
            pltpu.async_copy(*_idx_args(k))
        for k in range(upt):
            pltpu.make_async_copy(*_idx_args(k)).wait()

        @pl.when(tid == 0)
        def _stage_first():
            pltpu.async_copy(table_hbm.at[d0], row_sh, ssem)

        @pl.loop(0, dpc)
        def _dim(dl):
            dg = d0 + dl

            @pl.when(tid == 0)
            def _wait_stage():
                pltpu.make_async_copy(table_hbm.at[dg], row_sh, ssem).wait()

            plsc.subcore_barrier()

            def _gather_args(k, b):
                return (
                    row_sh.at[idx_v.at[pl.ds(k * unit, unit)]],
                    gath_v[b],
                    gsem[b],
                )

            def _write_args(k, b):
                p = p0 + k * unit
                off = (p // batch * dim + dg) * batch + p % batch
                return (gath_v[b], out_hbm.at[pl.ds(off, unit)], osem[b])

            nb = 4
            for k in range(upt):
                b = k % nb
                if k == 0:
                    for j in range(min(nb - 1, upt)):
                        pltpu.async_copy(*_gather_args(j, j % nb))
                if k + nb - 1 < upt:
                    if k >= 1:
                        pltpu.make_async_copy(*_write_args(k - 1, (k - 1) % nb)).wait()
                    pltpu.async_copy(*_gather_args(k + nb - 1, (k + nb - 1) % nb))
                pltpu.make_async_copy(*_gather_args(k, b)).wait()
                pltpu.async_copy(*_write_args(k, b))

            plsc.subcore_barrier()

            @pl.when(jnp.logical_and(tid == 0, dl + 1 < dpc))
            def _stage_next():
                pltpu.async_copy(table_hbm.at[dg + 1], row_sh, ssem)

            for k in range(max(0, upt - nb), upt):
                pltpu.make_async_copy(*_write_args(k, k % nb)).wait()

    return fused_kernel


def kernel(token_ids, table):
    b, s = token_ids.shape
    nv, dim = table.shape
    table_t = table.T
    idx_t = token_ids.T.astype(jnp.int32)
    out_flat = _build_fused(s, b, dim, nv)(table_t, idx_t)
    out_t = out_flat.reshape(s, dim, b)
    return jnp.transpose(out_t, (2, 0, 1))

# --- scband reference (transcript-rebuilt; emitter-appended) ---
"""Pipeline reference for scband-embedding-20332375180123 (READ-ONLY COPY).

The authoritative reference and input builder live on the scoring server;
editing this copy changes nothing except your own understanding.
"""

import jax, jax.numpy as jnp
import numpy as np

NUM_EMBEDDINGS = 1000000
EMBEDDING_DIM = 64

def setup_inputs(seed: int = 0) -> dict:
    key = jax.random.key(seed)
    k_idx, k_tab = jax.random.split(key)
    token_ids = jax.random.randint(k_idx, (4096, 200), 0, NUM_EMBEDDINGS, dtype=jnp.int64 if jax.config.jax_enable_x64 else jnp.int32)
    # trunc_normal_(mean=0, std=1, a=-3, b=3)
    table = jax.random.truncated_normal(k_tab, -3.0, 3.0, (NUM_EMBEDDINGS, EMBEDDING_DIM), dtype=jnp.float32)
    return {"token_ids": token_ids, "table": table}

def reference(token_ids, table):
    # result = self.table[token_ids]
    return jnp.take(table, token_ids, axis=0)

if __name__ == "__main__":
    import jax
    _d = setup_inputs()
    print(jax.jit(kernel)(*tuple(_d.values())))

</pallas_src>

<mosaic_0001>
#map = affine_map<(d0, d1) -> (0, 0)>
#map1 = affine_map<(d0, d1) -> (0)>
module attributes {stable_mosaic.version = 14 : i64} {
  func.func @fused_kernel(%arg0: i32, %arg1: i32, %arg2: memref<64x1000000xf32, #tpu.memory_space<hbm>>, %arg3: memref<200x4096xi32, #tpu.memory_space<hbm>>, %arg4: memref<52428800xf32, #tpu.memory_space<hbm>>, %arg5: memref<51200xi32, #tpu.memory_space<vmem>>, %arg6: memref<2048xf32, #tpu.memory_space<vmem>>, %arg7: memref<2048xf32, #tpu.memory_space<vmem>>, %arg8: memref<2048xf32, #tpu.memory_space<vmem>>, %arg9: memref<2048xf32, #tpu.memory_space<vmem>>, %arg10: memref<1000000xf32, #tpu.memory_space<vmem_shared>>, %arg11: memref<!tpu.dma_semaphore, #tpu.memory_space<semaphore_mem>>, %arg12: memref<!tpu.dma_semaphore, #tpu.memory_space<semaphore_mem>>, %arg13: memref<!tpu.dma_semaphore, #tpu.memory_space<semaphore_mem>>, %arg14: memref<!tpu.dma_semaphore, #tpu.memory_space<semaphore_mem>>, %arg15: memref<!tpu.dma_semaphore, #tpu.memory_space<semaphore_mem>>, %arg16: memref<!tpu.dma_semaphore, #tpu.memory_space<semaphore_mem>>, %arg17: memref<!tpu.dma_semaphore, #tpu.memory_space<semaphore_mem>>, %arg18: memref<!tpu.dma_semaphore, #tpu.memory_space<semaphore_mem>>, %arg19: memref<!tpu.dma_semaphore, #tpu.memory_space<semaphore_mem>>) attributes {dimension_semantics = [#tpu.dimension_semantics<core_parallel>, #tpu.dimension_semantics<subcore_parallel>], iteration_bounds = array<i64: 2, 16>, scalar_prefetch = 0 : i64, scratch_operands = 15 : i64, tpu.core_type = #tpu.core_type<sc_vector_subcore>, window_params = [{transform_indices = #map}, {transform_indices = #map}, {transform_indices = #map1}]} {
    %mul3A = arith.constant 51200 : i32
    %mul3A_0 = arith.muli %arg1, %mul3A : i32
    %mul3A_1 = arith.constant 32 : i32
    %mul3A_2 = arith.muli %arg0, %mul3A_1 : i32
    %add3A = arith.constant 0 : i32
    %add3A_3 = arith.addi %mul3A_0, %add3A : i32
    %jit3A = arith.constant 4096 : i32
    %div3A = arith.divsi %add3A_3, %jit3A : i32
    %sign3A = arith.constant 0 : i32
    %sign3A_4 = arith.cmpi sgt, %add3A_3, %sign3A : i32
    %sign3A_5 = arith.extui %sign3A_4 : i1 to i32
    %sign3A_6 = arith.constant 0 : i32
    %sign3A_7 = arith.cmpi slt, %add3A_3, %sign3A_6 : i32
    %sign3A_8 = arith.extui %sign3A_7 : i1 to i32
    %sign3A_9 = arith.subi %sign3A_5, %sign3A_8 : i32
    %sign3A_10 = arith.constant 0 : i32
    %sign3A_11 = arith.cmpi sgt, %jit3A, %sign3A_10 : i32
    %sign3A_12 = arith.extui %sign3A_11 : i1 to i32
    %sign3A_13 = arith.constant 0 : i32
    %sign3A_14 = arith.cmpi slt, %jit3A, %sign3A_13 : i32
    %sign3A_15 = arith.extui %sign3A_14 : i1 to i32
    %sign3A_16 = arith.subi %sign3A_12, %sign3A_15 : i32
    %ne3A = arith.cmpi ne, %sign3A_9, %sign3A_16 : i32
    %rem3A = arith.remsi %add3A_3, %jit3A : i32
    %ne3A_17 = arith.constant 0 : i32
    %ne3A_18 = arith.cmpi ne, %rem3A, %ne3A_17 : i32
    %and3A = arith.andi %ne3A, %ne3A_18 : i1
    %sub3A = arith.constant 1 : i32
    %sub3A_19 = arith.subi %div3A, %sub3A : i32
    %select_n3A = arith.select %and3A, %sub3A_19, %div3A : i32
    %jit3A_20 = arith.constant 4096 : i32
    %eq3A = arith.constant 0 : i32
    %eq3A_21 = arith.cmpi eq, %jit3A_20, %eq3A : i32
    %jit3A_22 = arith.constant 1 : i32
    %select_n3A_23 = arith.select %eq3A_21, %jit3A_22, %jit3A_20 : i32
    %rem3A_24 = arith.remsi %add3A_3, %select_n3A_23 : i32
    %ne3A_25 = arith.constant 0 : i32
    %ne3A_26 = arith.cmpi ne, %rem3A_24, %ne3A_25 : i32
    %lt3A = arith.constant 0 : i32
    %lt3A_27 = arith.cmpi slt, %rem3A_24, %lt3A : i32
    %lt3A_28 = arith.constant 0 : i32
    %lt3A_29 = arith.cmpi slt, %select_n3A_23, %lt3A_28 : i32
    %ne3A_30 = arith.xori %lt3A_27, %lt3A_29 : i1
    %and3A_31 = arith.andi %ne3A_30, %ne3A_26 : i1
    %add3A_32 = arith.addi %rem3A_24, %select_n3A_23 : i32
    %select_n3A_33 = arith.select %and3A_31, %add3A_32, %rem3A_24 : i32
    %dma_start3A = arith.constant 0 : i32
    %dma_start3A_34 = tpu.memref_slice %arg5[%dma_start3A] : memref<51200xi32, #tpu.memory_space<vmem>> -> memref<2048xi32, #tpu.memory_space<vmem>>
    %dma_start3A_35 = tpu.memref_slice %arg3[%select_n3A, %select_n3A_33] : memref<200x4096xi32, #tpu.memory_space<hbm>> -> memref<1x2048xi32, #tpu.memory_space<hbm>>
    %dma_start3A_36 = tpu.memref_squeeze %dma_start3A_35 : memref<1x2048xi32, #tpu.memory_space<hbm>> -> memref<2048xi32, #tpu.memory_space<hbm>>
    %dma_start3A_37 = arith.constant 0 : i32
    %dma_start3A_38 = tpu.memref_slice %arg5[%dma_start3A_37] : memref<51200xi32, #tpu.memory_space<vmem>> -> memref<2048xi32, #tpu.memory_space<vmem>>
    %dma_start3A_39 = tpu.memref_slice %arg3[%select_n3A, %select_n3A_33] : memref<200x4096xi32, #tpu.memory_space<hbm>> -> memref<1x2048xi32, #tpu.memory_space<hbm>>
    %dma_start3A_40 = tpu.memref_squeeze %dma_start3A_39 : memref<1x2048xi32, #tpu.memory_space<hbm>> -> memref<2048xi32, #tpu.memory_space<hbm>>
    tpu.enqueue_dma source(%dma_start3A_40 : memref<2048xi32, #tpu.memory_space<hbm>>) target(%dma_start3A_38 : memref<2048xi32, #tpu.memory_space<vmem>>) target_semaphore(%arg12 : memref<!tpu.dma_semaphore, #tpu.memory_space<semaphore_mem>>)
    %add3A_41 = arith.constant 2048 : i32
    %add3A_42 = arith.addi %mul3A_0, %add3A_41 : i32
    %jit3A_43 = arith.constant 4096 : i32
    %div3A_44 = arith.divsi %add3A_42, %jit3A_43 : i32
    %sign3A_45 = arith.constant 0 : i32
    %sign3A_46 = arith.cmpi sgt, %add3A_42, %sign3A_45 : i32
    %sign3A_47 = arith.extui %sign3A_46 : i1 to i32
    %sign3A_48 = arith.constant 0 : i32
    %sign3A_49 = arith.cmpi slt, %add3A_42, %sign3A_48 : i32
    %sign3A_50 = arith.extui %sign3A_49 : i1 to i32
    %sign3A_51 = arith.subi %sign3A_47, %sign3A_50 : i32
    %sign3A_52 = arith.constant 0 : i32
    %sign3A_53 = arith.cmpi sgt, %jit3A_43, %sign3A_52 : i32
    %sign3A_54 = arith.extui %sign3A_53 : i1 to i32
    %sign3A_55 = arith.constant 0 : i32
    %sign3A_56 = arith.cmpi slt, %jit3A_43, %sign3A_55 : i32
    %sign3A_57 = arith.extui %sign3A_56 : i1 to i32
    %sign3A_58 = arith.subi %sign3A_54, %sign3A_57 : i32
    %ne3A_59 = arith.cmpi ne, %sign3A_51, %sign3A_58 : i32
    %rem3A_60 = arith.remsi %add3A_42, %jit3A_43 : i32
    %ne3A_61 = arith.constant 0 : i32
    %ne3A_62 = arith.cmpi ne, %rem3A_60, %ne3A_61 : i32
    %and3A_63 = arith.andi %ne3A_59, %ne3A_62 : i1
    %sub3A_64 = arith.constant 1 : i32
    %sub3A_65 = arith.subi %div3A_44, %sub3A_64 : i32
    %select_n3A_66 = arith.select %and3A_63, %sub3A_65, %div3A_44 : i32
    %jit3A_67 = arith.constant 4096 : i32
    %eq3A_68 = arith.constant 0 : i32
    %eq3A_69 = arith.cmpi eq, %jit3A_67, %eq3A_68 : i32
    %jit3A_70 = arith.constant 1 : i32
    %select_n3A_71 = arith.select %eq3A_69, %jit3A_70, %jit3A_67 : i32
    %rem3A_72 = arith.remsi %add3A_42, %select_n3A_71 : i32
    %ne3A_73 = arith.constant 0 : i32
    %ne3A_74 = arith.cmpi ne, %rem3A_72, %ne3A_73 : i32
    %lt3A_75 = arith.constant 0 : i32
    %lt3A_76 = arith.cmpi slt, %rem3A_72, %lt3A_75 : i32
    %lt3A_77 = arith.constant 0 : i32
    %lt3A_78 = arith.cmpi slt, %select_n3A_71, %lt3A_77 : i32
    %ne3A_79 = arith.xori %lt3A_76, %lt3A_78 : i1
    %and3A_80 = arith.andi %ne3A_79, %ne3A_74 : i1
    %add3A_81 = arith.addi %rem3A_72, %select_n3A_71 : i32
    %select_n3A_82 = arith.select %and3A_80, %add3A_81, %rem3A_72 : i32
    %dma_start3A_83 = arith.constant 2048 : i32
    %dma_start3A_84 = tpu.memref_slice %arg5[%dma_start3A_83] : memref<51200xi32, #tpu.memory_space<vmem>> -> memref<2048xi32, #tpu.memory_space<vmem>>
    %dma_start3A_85 = tpu.memref_slice %arg3[%select_n3A_66, %select_n3A_82] : memref<200x4096xi32, #tpu.memory_space<hbm>> -> memref<1x2048xi32, #tpu.memory_space<hbm>>
    %dma_start3A_86 = tpu.memref_squeeze %dma_start3A_85 : memref<1x2048xi32, #tpu.memory_space<hbm>> -> memref<2048xi32, #tpu.memory_space<hbm>>
    %dma_start3A_87 = arith.constant 2048 : i32
    %dma_start3A_88 = tpu.memref_slice %arg5[%dma_start3A_87] : memref<51200xi32, #tpu.memory_space<vmem>> -> memref<2048xi32, #tpu.memory_space<vmem>>
    %dma_start3A_89 = tpu.memref_slice %arg3[%select_n3A_66, %select_n3A_82] : memref<200x4096xi32, #tpu.memory_space<hbm>> -> memref<1x2048xi32, #tpu.memory_space<hbm>>
    %dma_start3A_90 = tpu.memref_squeeze %dma_start3A_89 : memref<1x2048xi32, #tpu.memory_space<hbm>> -> memref<2048xi32, #tpu.memory_space<hbm>>
    tpu.enqueue_dma source(%dma_start3A_90 : memref<2048xi32, #tpu.memory_space<hbm>>) target(%dma_start3A_88 : memref<2048xi32, #tpu.memory_space<vmem>>) target_semaphore(%arg12 : memref<!tpu.dma_semaphore, #tpu.memory_space<semaphore_mem>>)
    %add3A_91 = arith.constant 4096 : i32
    %add3A_92 = arith.addi %mul3A_0, %add3A_91 : i32
    %jit3A_93 = arith.constant 4096 : i32
    %div3A_94 = arith.divsi %add3A_92, %jit3A_93 : i32
    %sign3A_95 = arith.constant 0 : i32
    %sign3A_96 = arith.cmpi sgt, %add3A_92, %sign3A_95 : i32
    %sign3A_97 = arith.extui %sign3A_96 : i1 to i32
    %sign3A_98 = arith.constant 0 : i32
    %sign3A_99 = arith.cmpi slt, %add3A_92, %sign3A_98 : i32
    %sign3A_100 = arith.extui %sign3A_99 : i1 to i32
    %sign3A_101 = arith.subi %sign3A_97, %sign3A_100 : i32
    %sign3A_102 = arith.constant 0 : i32
    %sign3A_103 = arith.cmpi sgt, %jit3A_93, %sign3A_102 : i32
    %sign3A_104 = arith.extui %sign3A_103 : i1 to i32
    %sign3A_105 = arith.constant 0 : i32
    %sign3A_106 = arith.cmpi slt, %jit3A_93, %sign3A_105 : i32
    %sign3A_107 = arith.extui %sign3A_106 : i1 to i32
    %sign3A_108 = arith.subi %sign3A_104, %sign3A_107 : i32
    %ne3A_109 = arith.cmpi ne, %sign3A_101, %sign3A_108 : i32
    %rem3A_110 = arith.remsi %add3A_92, %jit3A_93 : i32
    %ne3A_111 = arith.constant 0 : i32
    %ne3A_112 = arith.cmpi ne, %rem3A_110, %ne3A_111 : i32
    %and3A_113 = arith.andi %ne3A_109, %ne3A_112 : i1
    %sub3A_114 = arith.constant 1 : i32
    %sub3A_115 = arith.subi %div3A_94, %sub3A_114 : i32
    %select_n3A_116 = arith.select %and3A_113, %sub3A_115, %div3A_94 : i32
    %jit3A_117 = arith.constant 4096 : i32
    %eq3A_118 = arith.constant 0 : i32
    %eq3A_119 = arith.cmpi eq, %jit3A_117, %eq3A_118 : i32
    %jit3A_120 = arith.constant 1 : i32
    %select_n3A_121 = arith.select %eq3A_119, %jit3A_120, %jit3A_117 : i32
    %rem3A_122 = arith.remsi %add3A_92, %select_n3A_121 : i32
    %ne3A_123 = arith.constant 0 : i32
    %ne3A_124 = arith.cmpi ne, %rem3A_122, %ne3A_123 : i32
    %lt3A_125 = arith.constant 0 : i32
    %lt3A_126 = arith.cmpi slt, %rem3A_122, %lt3A_125 : i32
    %lt3A_127 = arith.constant 0 : i32
    %lt3A_128 = arith.cmpi slt, %select_n3A_121, %lt3A_127 : i32
    %ne3A_129 = arith.xori %lt3A_126, %lt3A_128 : i1
    %and3A_130 = arith.andi %ne3A_129, %ne3A_124 : i1
    %add3A_131 = arith.addi %rem3A_122, %select_n3A_121 : i32
    %select_n3A_132 = arith.select %and3A_130, %add3A_131, %rem3A_122 : i32
    %dma_start3A_133 = arith.constant 4096 : i32
    %dma_start3A_134 = tpu.memref_slice %arg5[%dma_start3A_133] : memref<51200xi32, #tpu.memory_space<vmem>> -> memref<2048xi32, #tpu.memory_space<vmem>>
    %dma_start3A_135 = tpu.memref_slice %arg3[%select_n3A_116, %select_n3A_132] : memref<200x4096xi32, #tpu.memory_space<hbm>> -> memref<1x2048xi32, #tpu.memory_space<hbm>>
    %dma_start3A_136 = tpu.memref_squeeze %dma_start3A_135 : memref<1x2048xi32, #tpu.memory_space<hbm>> -> memref<2048xi32, #tpu.memory_space<hbm>>
    %dma_start3A_137 = arith.constant 4096 : i32
    %dma_start3A_138 = tpu.memref_slice %arg5[%dma_start3A_137] : memref<51200xi32, #tpu.memory_space<vmem>> -> memref<2048xi32, #tpu.memory_space<vmem>>
    %dma_start3A_139 = tpu.memref_slice %arg3[%select_n3A_116, %select_n3A_132] : memref<200x4096xi32, #tpu.memory_space<hbm>> -> memref<1x2048xi32, #tpu.memory_space<hbm>>
    %dma_start3A_140 = tpu.memref_squeeze %dma_start3A_139 : memref<1x2048xi32, #tpu.memory_space<hbm>> -> memref<2048xi32, #tpu.memory_space<hbm>>
    tpu.enqueue_dma source(%dma_start3A_140 : memref<2048xi32, #tpu.memory_space<hbm>>) target(%dma_start3A_138 : memref<2048xi32, #tpu.memory_space<vmem>>) target_semaphore(%arg12 : memref<!tpu.dma_semaphore, #tpu.memory_space<semaphore_mem>>)
    %add3A_141 = arith.constant 6144 : i32
    %add3A_142 = arith.addi %mul3A_0, %add3A_141 : i32
    %jit3A_143 = arith.constant 4096 : i32
    %div3A_144 = arith.divsi %add3A_142, %jit3A_143 : i32
    %sign3A_145 = arith.constant 0 : i32
    %sign3A_146 = arith.cmpi sgt, %add3A_142, %sign3A_145 : i32
    %sign3A_147 = arith.extui %sign3A_146 : i1 to i32
    %sign3A_148 = arith.constant 0 : i32
    %sign3A_149 = arith.cmpi slt, %add3A_142, %sign3A_148 : i32
    %sign3A_150 = arith.extui %sign3A_149 : i1 to i32
    %sign3A_151 = arith.subi %sign3A_147, %sign3A_150 : i32
    %sign3A_152 = arith.constant 0 : i32
    %sign3A_153 = arith.cmpi sgt, %jit3A_143, %sign3A_152 : i32
    %sign3A_154 = arith.extui %sign3A_153 : i1 to i32
    %sign3A_155 = arith.constant 0 : i32
    %sign3A_156 = arith.cmpi slt, %jit3A_143, %sign3A_155 : i32
    %sign3A_157 = arith.extui %sign3A_156 : i1 to i32
    %sign3A_158 = arith.subi %sign3A_154, %sign3A_157 : i32
    %ne3A_159 = arith.cmpi ne, %sign3A_151, %sign3A_158 : i32
    %rem3A_160 = arith.remsi %add3A_142, %jit3A_143 : i32
    %ne3A_161 = arith.constant 0 : i32
    %ne3A_162 = arith.cmpi ne, %rem3A_160, %ne3A_161 : i32
    %and3A_163 = arith.andi %ne3A_159, %ne3A_162 : i1
    %sub3A_164 = arith.constant 1 : i32
    %sub3A_165 = arith.subi %div3A_144, %sub3A_164 : i32
    %select_n3A_166 = arith.select %and3A_163, %sub3A_165, %div3A_144 : i32
    %jit3A_167 = arith.constant 4096 : i32
    %eq3A_168 = arith.constant 0 : i32
    %eq3A_169 = arith.cmpi eq, %jit3A_167, %eq3A_168 : i32
    %jit3A_170 = arith.constant 1 : i32
    %select_n3A_171 = arith.select %eq3A_169, %jit3A_170, %jit3A_167 : i32
    %rem3A_172 = arith.remsi %add3A_142, %select_n3A_171 : i32
    %ne3A_173 = arith.constant 0 : i32
    %ne3A_174 = arith.cmpi ne, %rem3A_172, %ne3A_173 : i32
    %lt3A_175 = arith.constant 0 : i32
    %lt3A_176 = arith.cmpi slt, %rem3A_172, %lt3A_175 : i32
    %lt3A_177 = arith.constant 0 : i32
    %lt3A_178 = arith.cmpi slt, %select_n3A_171, %lt3A_177 : i32
    %ne3A_179 = arith.xori %lt3A_176, %lt3A_178 : i1
    %and3A_180 = arith.andi %ne3A_179, %ne3A_174 : i1
    %add3A_181 = arith.addi %rem3A_172, %select_n3A_171 : i32
    %select_n3A_182 = arith.select %and3A_180, %add3A_181, %rem3A_172 : i32
    %dma_start3A_183 = arith.constant 6144 : i32
    %dma_start3A_184 = tpu.memref_slice %arg5[%dma_start3A_183] : memref<51200xi32, #tpu.memory_space<vmem>> -> memref<2048xi32, #tpu.memory_space<vmem>>
    %dma_start3A_185 = tpu.memref_slice %arg3[%select_n3A_166, %select_n3A_182] : memref<200x4096xi32, #tpu.memory_space<hbm>> -> memref<1x2048xi32, #tpu.memory_space<hbm>>
    %dma_start3A_186 = tpu.memref_squeeze %dma_start3A_185 : memref<1x2048xi32, #tpu.memory_space<hbm>> -> memref<2048xi32, #tpu.memory_space<hbm>>
    %dma_start3A_187 = arith.constant 6144 : i32
    %dma_start3A_188 = tpu.memref_slice %arg5[%dma_start3A_187] : memref<51200xi32, #tpu.memory_space<vmem>> -> memref<2048xi32, #tpu.memory_space<vmem>>
    %dma_start3A_189 = tpu.memref_slice %arg3[%select_n3A_166, %select_n3A_182] : memref<200x4096xi32, #tpu.memory_space<hbm>> -> memref<1x2048xi32, #tpu.memory_space<hbm>>
    %dma_start3A_190 = tpu.memref_squeeze %dma_start3A_189 : memref<1x2048xi32, #tpu.memory_space<hbm>> -> memref<2048xi32, #tpu.memory_space<hbm>>
    tpu.enqueue_dma source(%dma_start3A_190 : memref<2048xi32, #tpu.memory_space<hbm>>) target(%dma_start3A_188 : memref<2048xi32, #tpu.memory_space<vmem>>) target_semaphore(%arg12 : memref<!tpu.dma_semaphore, #tpu.memory_space<semaphore_mem>>)
    %add3A_191 = arith.constant 8192 : i32
    %add3A_192 = arith.addi %mul3A_0, %add3A_191 : i32
    %jit3A_193 = arith.constant 4096 : i32
    %div3A_194 = arith.divsi %add3A_192, %jit3A_193 : i32
    %sign3A_195 = arith.constant 0 : i32
    %sign3A_196 = arith.cmpi sgt, %add3A_192, %sign3A_195 : i32
    %sign3A_197 = arith.extui %sign3A_196 : i1 to i32
    %sign3A_198 = arith.constant 0 : i32
    %sign3A_199 = arith.cmpi slt, %add3A_192, %sign3A_198 : i32
    %sign3A_200 = arith.extui %sign3A_199 : i1 to i32
    %sign3A_201 = arith.subi %sign3A_197, %sign3A_200 : i32
    %sign3A_202 = arith.constant 0 : i32
    %sign3A_203 = arith.cmpi sgt, %jit3A_193, %sign3A_202 : i32
    %sign3A_204 = arith.extui %sign3A_203 : i1 to i32
    %sign3A_205 = arith.constant 0 : i32
    %sign3A_206 = arith.cmpi slt, %jit3A_193, %sign3A_205 : i32
    %sign3A_207 = arith.extui %sign3A_206 : i1 to i32
    %sign3A_208 = arith.subi %sign3A_204, %sign3A_207 : i32
    %ne3A_209 = arith.cmpi ne, %sign3A_201, %sign3A_208 : i32
    %rem3A_210 = arith.remsi %add3A_192, %jit3A_193 : i32
    %ne3A_211 = arith.constant 0 : i32
    %ne3A_212 = arith.cmpi ne, %rem3A_210, %ne3A_211 : i32
    %and3A_213 = arith.andi %ne3A_209, %ne3A_212 : i1
    %sub3A_214 = arith.constant 1 : i32
    %sub3A_215 = arith.subi %div3A_194, %sub3A_214 : i32
    %select_n3A_216 = arith.select %and3A_213, %sub3A_215, %div3A_194 : i32
    %jit3A_217 = arith.constant 4096 : i32
    %eq3A_218 = arith.constant 0 : i32
    %eq3A_219 = arith.cmpi eq, %jit3A_217, %eq3A_218 : i32
    %jit3A_220 = arith.constant 1 : i32
    %select_n3A_221 = arith.select %eq3A_219, %jit3A_220, %jit3A_217 : i32
    %rem3A_222 = arith.remsi %add3A_192, %select_n3A_221 : i32
    %ne3A_223 = arith.constant 0 : i32
    %ne3A_224 = arith.cmpi ne, %rem3A_222, %ne3A_223 : i32
    %lt3A_225 = arith.constant 0 : i32
    %lt3A_226 = arith.cmpi slt, %rem3A_222, %lt3A_225 : i32
    %lt3A_227 = arith.constant 0 : i32
    %lt3A_228 = arith.cmpi slt, %select_n3A_221, %lt3A_227 : i32
    %ne3A_229 = arith.xori %lt3A_226, %lt3A_228 : i1
    %and3A_230 = arith.andi %ne3A_229, %ne3A_224 : i1
    %add3A_231 = arith.addi %rem3A_222, %select_n3A_221 : i32
    %select_n3A_232 = arith.select %and3A_230, %add3A_231, %rem3A_222 : i32
    %dma_start3A_233 = arith.constant 8192 : i32
    %dma_start3A_234 = tpu.memref_slice %arg5[%dma_start3A_233] : memref<51200xi32, #tpu.memory_space<vmem>> -> memref<2048xi32, #tpu.memory_space<vmem>>
    %dma_start3A_235 = tpu.memref_slice %arg3[%select_n3A_216, %select_n3A_232] : memref<200x4096xi32, #tpu.memory_space<hbm>> -> memref<1x2048xi32, #tpu.memory_space<hbm>>
    %dma_start3A_236 = tpu.memref_squeeze %dma_start3A_235 : memref<1x2048xi32, #tpu.memory_space<hbm>> -> memref<2048xi32, #tpu.memory_space<hbm>>
    %dma_start3A_237 = arith.constant 8192 : i32
    %dma_start3A_238 = tpu.memref_slice %arg5[%dma_start3A_237] : memref<51200xi32, #tpu.memory_space<vmem>> -> memref<2048xi32, #tpu.memory_space<vmem>>
    %dma_start3A_239 = tpu.memref_slice %arg3[%select_n3A_216, %select_n3A_232] : memref<200x4096xi32, #tpu.memory_space<hbm>> -> memref<1x2048xi32, #tpu.memory_space<hbm>>
    %dma_start3A_240 = tpu.memref_squeeze %dma_start3A_239 : memref<1x2048xi32, #tpu.memory_space<hbm>> -> memref<2048xi32, #tpu.memory_space<hbm>>
    tpu.enqueue_dma source(%dma_start3A_240 : memref<2048xi32, #tpu.memory_space<hbm>>) target(%dma_start3A_238 : memref<2048xi32, #tpu.memory_space<vmem>>) target_semaphore(%arg12 : memref<!tpu.dma_semaphore, #tpu.memory_space<semaphore_mem>>)
    %add3A_241 = arith.constant 10240 : i32
    %add3A_242 = arith.addi %mul3A_0, %add3A_241 : i32
    %jit3A_243 = arith.constant 4096 : i32
    %div3A_244 = arith.divsi %add3A_242, %jit3A_243 : i32
    %sign3A_245 = arith.constant 0 : i32
    %sign3A_246 = arith.cmpi sgt, %add3A_242, %sign3A_245 : i32
    %sign3A_247 = arith.extui %sign3A_246 : i1 to i32
    %sign3A_248 = arith.constant 0 : i32
    %sign3A_249 = arith.cmpi slt, %add3A_242, %sign3A_248 : i32
    %sign3A_250 = arith.extui %sign3A_249 : i1 to i32
    %sign3A_251 = arith.subi %sign3A_247, %sign3A_250 : i32
    %sign3A_252 = arith.constant 0 : i32
    %sign3A_253 = arith.cmpi sgt, %jit3A_243, %sign3A_252 : i32
    %sign3A_254 = arith.extui %sign3A_253 : i1 to i32
    %sign3A_255 = arith.constant 0 : i32
    %sign3A_256 = arith.cmpi slt, %jit3A_243, %sign3A_255 : i32
    %sign3A_257 = arith.extui %sign3A_256 : i1 to i32
    %sign3A_258 = arith.subi %sign3A_254, %sign3A_257 : i32
    %ne3A_259 = arith.cmpi ne, %sign3A_251, %sign3A_258 : i32
    %rem3A_260 = arith.remsi %add3A_242, %jit3A_243 : i32
    %ne3A_261 = arith.constant 0 : i32
    %ne3A_262 = arith.cmpi ne, %rem3A_260, %ne3A_261 : i32
    %and3A_263 = arith.andi %ne3A_259, %ne3A_262 : i1
    %sub3A_264 = arith.constant 1 : i32
    %sub3A_265 = arith.subi %div3A_244, %sub3A_264 : i32
    %select_n3A_266 = arith.select %and3A_263, %sub3A_265, %div3A_244 : i32
    %jit3A_267 = arith.constant 4096 : i32
    %eq3A_268 = arith.constant 0 : i32
    %eq3A_269 = arith.cmpi eq, %jit3A_267, %eq3A_268 : i32
    %jit3A_270 = arith.constant 1 : i32
    %select_n3A_271 = arith.select %eq3A_269, %jit3A_270, %jit3A_267 : i32
    %rem3A_272 = arith.remsi %add3A_242, %select_n3A_271 : i32
    %ne3A_273 = arith.constant 0 : i32
    %ne3A_274 = arith.cmpi ne, %rem3A_272, %ne3A_273 : i32
    %lt3A_275 = arith.constant 0 : i32
    %lt3A_276 = arith.cmpi slt, %rem3A_272, %lt3A_275 : i32
    %lt3A_277 = arith.constant 0 : i32
    %lt3A_278 = arith.cmpi slt, %select_n3A_271, %lt3A_277 : i32
    %ne3A_279 = arith.xori %lt3A_276, %lt3A_278 : i1
    %and3A_280 = arith.andi %ne3A_279, %ne3A_274 : i1
    %add3A_281 = arith.addi %rem3A_272, %select_n3A_271 : i32
    %select_n3A_282 = arith.select %and3A_280, %add3A_281, %rem3A_272 : i32
    %dma_start3A_283 = arith.constant 10240 : i32
    %dma_start3A_284 = tpu.memref_slice %arg5[%dma_start3A_283] : memref<51200xi32, #tpu.memory_space<vmem>> -> memref<2048xi32, #tpu.memory_space<vmem>>
    %dma_start3A_285 = tpu.memref_slice %arg3[%select_n3A_266, %select_n3A_282] : memref<200x4096xi32, #tpu.memory_space<hbm>> -> memref<1x2048xi32, #tpu.memory_space<hbm>>
    %dma_start3A_286 = tpu.memref_squeeze %dma_start3A_285 : memref<1x2048xi32, #tpu.memory_space<hbm>> -> memref<2048xi32, #tpu.memory_space<hbm>>
    %dma_start3A_287 = arith.constant 10240 : i32
    %dma_start3A_288 = tpu.memref_slice %arg5[%dma_start3A_287] : memref<51200xi32, #tpu.memory_space<vmem>> -> memref<2048xi32, #tpu.memory_space<vmem>>
    %dma_start3A_289 = tpu.memref_slice %arg3[%select_n3A_266, %select_n3A_282] : memref<200x4096xi32, #tpu.memory_space<hbm>> -> memref<1x2048xi32, #tpu.memory_space<hbm>>
    %dma_start3A_290 = tpu.memref_squeeze %dma_start3A_289 : memref<1x2048xi32, #tpu.memory_space<hbm>> -> memref<2048xi32, #tpu.memory_space<hbm>>
    tpu.enqueue_dma source(%dma_start3A_290 : memref<2048xi32, #tpu.memory_space<hbm>>) target(%dma_start3A_288 : memref<2048xi32, #tpu.memory_space<vmem>>) target_semaphore(%arg12 : memref<!tpu.dma_semaphore, #tpu.memory_space<semaphore_mem>>)
    %add3A_291 = arith.constant 12288 : i32
    %add3A_292 = arith.addi %mul3A_0, %add3A_291 : i32
    %jit3A_293 = arith.constant 4096 : i32
    %div3A_294 = arith.divsi %add3A_292, %jit3A_293 : i32
    %sign3A_295 = arith.constant 0 : i32
    %sign3A_296 = arith.cmpi sgt, %add3A_292, %sign3A_295 : i32
    %sign3A_297 = arith.extui %sign3A_296 : i1 to i32
    %sign3A_298 = arith.constant 0 : i32
    %sign3A_299 = arith.cmpi slt, %add3A_292, %sign3A_298 : i32
    %sign3A_300 = arith.extui %sign3A_299 : i1 to i32
    %sign3A_301 = arith.subi %sign3A_297, %sign3A_300 : i32
    %sign3A_302 = arith.constant 0 : i32
    %sign3A_303 = arith.cmpi sgt, %jit3A_293, %sign3A_302 : i32
    %sign3A_304 = arith.extui %sign3A_303 : i1 to i32
    %sign3A_305 = arith.constant 0 : i32
    %sign3A_306 = arith.cmpi slt, %jit3A_293, %sign3A_305 : i32
    %sign3A_307 = arith.extui %sign3A_306 : i1 to i32
    %sign3A_308 = arith.subi %sign3A_304, %sign3A_307 : i32
    %ne3A_309 = arith.cmpi ne, %sign3A_301, %sign3A_308 : i32
    %rem3A_310 = arith.remsi %add3A_292, %jit3A_293 : i32
    %ne3A_311 = arith.constant 0 : i32
    %ne3A_312 = arith.cmpi ne, %rem3A_310, %ne3A_311 : i32
    %and3A_313 = arith.andi %ne3A_309, %ne3A_312 : i1
    %sub3A_314 = arith.constant 1 : i32
    %sub3A_315 = arith.subi %div3A_294, %sub3A_314 : i32
    %select_n3A_316 = arith.select %and3A_313, %sub3A_315, %div3A_294 : i32
    %jit3A_317 = arith.constant 4096 : i32
    %eq3A_318 = arith.constant 0 : i32
    %eq3A_319 = arith.cmpi eq, %jit3A_317, %eq3A_318 : i32
    %jit3A_320 = arith.constant 1 : i32
    %select_n3A_321 = arith.select %eq3A_319, %jit3A_320, %jit3A_317 : i32
    %rem3A_322 = arith.remsi %add3A_292, %select_n3A_321 : i32
    %ne3A_323 = arith.constant 0 : i32
    %ne3A_324 = arith.cmpi ne, %rem3A_322, %ne3A_323 : i32
    %lt3A_325 = arith.constant 0 : i32
    %lt3A_326 = arith.cmpi slt, %rem3A_322, %lt3A_325 : i32
    %lt3A_327 = arith.constant 0 : i32
    %lt3A_328 = arith.cmpi slt, %select_n3A_321, %lt3A_327 : i32
    %ne3A_329 = arith.xori %lt3A_326, %lt3A_328 : i1
    %and3A_330 = arith.andi %ne3A_329, %ne3A_324 : i1
    %add3A_331 = arith.addi %rem3A_322, %select_n3A_321 : i32
    %select_n3A_332 = arith.select %and3A_330, %add3A_331, %rem3A_322 : i32
    %dma_start3A_333 = arith.constant 12288 : i32
    %dma_start3A_334 = tpu.memref_slice %arg5[%dma_start3A_333] : memref<51200xi32, #tpu.memory_space<vmem>> -> memref<2048xi32, #tpu.memory_space<vmem>>
    %dma_start3A_335 = tpu.memref_slice %arg3[%select_n3A_316, %select_n3A_332] : memref<200x4096xi32, #tpu.memory_space<hbm>> -> memref<1x2048xi32, #tpu.memory_space<hbm>>
    %dma_start3A_336 = tpu.memref_squeeze %dma_start3A_335 : memref<1x2048xi32, #tpu.memory_space<hbm>> -> memref<2048xi32, #tpu.memory_space<hbm>>
    %dma_start3A_337 = arith.constant 12288 : i32
    %dma_start3A_338 = tpu.memref_slice %arg5[%dma_start3A_337] : memref<51200xi32, #tpu.memory_space<vmem>> -> memref<2048xi32, #tpu.memory_space<vmem>>
    %dma_start3A_339 = tpu.memref_slice %arg3[%select_n3A_316, %select_n3A_332] : memref<200x4096xi32, #tpu.memory_space<hbm>> -> memref<1x2048xi32, #tpu.memory_space<hbm>>
    %dma_start3A_340 = tpu.memref_squeeze %dma_start3A_339 : memref<1x2048xi32, #tpu.memory_space<hbm>> -> memref<2048xi32, #tpu.memory_space<hbm>>
    tpu.enqueue_dma source(%dma_start3A_340 : memref<2048xi32, #tpu.memory_space<hbm>>) target(%dma_start3A_338 : memref<2048xi32, #tpu.memory_space<vmem>>) target_semaphore(%arg12 : memref<!tpu.dma_semaphore, #tpu.memory_space<semaphore_mem>>)
    %add3A_341 = arith.constant 14336 : i32
    %add3A_342 = arith.addi %mul3A_0, %add3A_341 : i32
    %jit3A_343 = arith.constant 4096 : i32
    %div3A_344 = arith.divsi %add3A_342, %jit3A_343 : i32
    %sign3A_345 = arith.constant 0 : i32
    %sign3A_346 = arith.cmpi sgt, %add3A_342, %sign3A_345 : i32
    %sign3A_347 = arith.extui %sign3A_346 : i1 to i32
    %sign3A_348 = arith.constant 0 : i32
    %sign3A_349 = arith.cmpi slt, %add3A_342, %sign3A_348 : i32
    %sign3A_350 = arith.extui %sign3A_349 : i1 to i32
    %sign3A_351 = arith.subi %sign3A_347, %sign3A_350 : i32
    %sign3A_352 = arith.constant 0 : i32
    %sign3A_353 = arith.cmpi sgt, %jit3A_343, %sign3A_352 : i32
    %sign3A_354 = arith.extui %sign3A_353 : i1 to i32
    %sign3A_355 = arith.constant 0 : i32
    %sign3A_356 = arith.cmpi slt, %jit3A_343, %sign3A_355 : i32
    %sign3A_357 = arith.extui %sign3A_356 : i1 to i32
    %sign3A_358 = arith.subi %sign3A_354, %sign3A_357 : i32
    %ne3A_359 = arith.cmpi ne, %sign3A_351, %sign3A_358 : i32
    %rem3A_360 = arith.remsi %add3A_342, %jit3A_343 : i32
    %ne3A_361 = arith.constant 0 : i32
    %ne3A_362 = arith.cmpi ne, %rem3A_360, %ne3A_361 : i32
    %and3A_363 = arith.andi %ne3A_359, %ne3A_362 : i1
    %sub3A_364 = arith.constant 1 : i32
    %sub3A_365 = arith.subi %div3A_344, %sub3A_364 : i32
    %select_n3A_366 = arith.select %and3A_363, %sub3A_365, %div3A_344 : i32
    %jit3A_367 = arith.constant 4096 : i32
    %eq3A_368 = arith.constant 0 : i32
    %eq3A_369 = arith.cmpi eq, %jit3A_367, %eq3A_368 : i32
    %jit3A_370 = arith.constant 1 : i32
    %select_n3A_371 = arith.select %eq3A_369, %jit3A_370, %jit3A_367 : i32
    %rem3A_372 = arith.remsi %add3A_342, %select_n3A_371 : i32
    %ne3A_373 = arith.constant 0 : i32
    %ne3A_374 = arith.cmpi ne, %rem3A_372, %ne3A_373 : i32
    %lt3A_375 = arith.constant 0 : i32
    %lt3A_376 = arith.cmpi slt, %rem3A_372, %lt3A_375 : i32
    %lt3A_377 = arith.constant 0 : i32
    %lt3A_378 = arith.cmpi slt, %select_n3A_371, %lt3A_377 : i32
    %ne3A_379 = arith.xori %lt3A_376, %lt3A_378 : i1
    %and3A_380 = arith.andi %ne3A_379, %ne3A_374 : i1
    %add3A_381 = arith.addi %rem3A_372, %select_n3A_371 : i32
    %select_n3A_382 = arith.select %and3A_380, %add3A_381, %rem3A_372 : i32
    %dma_start3A_383 = arith.constant 14336 : i32
    %dma_start3A_384 = tpu.memref_slice %arg5[%dma_start3A_383] : memref<51200xi32, #tpu.memory_space<vmem>> -> memref<2048xi32, #tpu.memory_space<vmem>>
    %dma_start3A_385 = tpu.memref_slice %arg3[%select_n3A_366, %select_n3A_382] : memref<200x4096xi32, #tpu.memory_space<hbm>> -> memref<1x2048xi32, #tpu.memory_space<hbm>>
    %dma_start3A_386 = tpu.memref_squeeze %dma_start3A_385 : memref<1x2048xi32, #tpu.memory_space<hbm>> -> memref<2048xi32, #tpu.memory_space<hbm>>
    %dma_start3A_387 = arith.constant 14336 : i32
    %dma_start3A_388 = tpu.memref_slice %arg5[%dma_start3A_387] : memref<51200xi32, #tpu.memory_space<vmem>> -> memref<2048xi32, #tpu.memory_space<vmem>>
    %dma_start3A_389 = tpu.memref_slice %arg3[%select_n3A_366, %select_n3A_382] : memref<200x4096xi32, #tpu.memory_space<hbm>> -> memref<1x2048xi32, #tpu.memory_space<hbm>>
    %dma_start3A_390 = tpu.memref_squeeze %dma_start3A_389 : memref<1x2048xi32, #tpu.memory_space<hbm>> -> memref<2048xi32, #tpu.memory_space<hbm>>
    tpu.enqueue_dma source(%dma_start3A_390 : memref<2048xi32, #tpu.memory_space<hbm>>) target(%dma_start3A_388 : memref<2048xi32, #tpu.memory_space<vmem>>) target_semaphore(%arg12 : memref<!tpu.dma_semaphore, #tpu.memory_space<semaphore_mem>>)
    %add3A_391 = arith.constant 16384 : i32
    %add3A_392 = arith.addi %mul3A_0, %add3A_391 : i32
    %jit3A_393 = arith.constant 4096 : i32
    %div3A_394 = arith.divsi %add3A_392, %jit3A_393 : i32
    %sign3A_395 = arith.constant 0 : i32
    %sign3A_396 = arith.cmpi sgt, %add3A_392, %sign3A_395 : i32
    %sign3A_397 = arith.extui %sign3A_396 : i1 to i32
    %sign3A_398 = arith.constant 0 : i32
    %sign3A_399 = arith.cmpi slt, %add3A_392, %sign3A_398 : i32
    %sign3A_400 = arith.extui %sign3A_399 : i1 to i32
    %sign3A_401 = arith.subi %sign3A_397, %sign3A_400 : i32
    %sign3A_402 = arith.constant 0 : i32
    %sign3A_403 = arith.cmpi sgt, %jit3A_393, %sign3A_402 : i32
    %sign3A_404 = arith.extui %sign3A_403 : i1 to i32
    %sign3A_405 = arith.constant 0 : i32
    %sign3A_406 = arith.cmpi slt, %jit3A_393, %sign3A_405 : i32
    %sign3A_407 = arith.extui %sign3A_406 : i1 to i32
    %sign3A_408 = arith.subi %sign3A_404, %sign3A_407 : i32
    %ne3A_409 = arith.cmpi ne, %sign3A_401, %sign3A_408 : i32
    %rem3A_410 = arith.remsi %add3A_392, %jit3A_393 : i32
    %ne3A_411 = arith.constant 0 : i32
    %ne3A_412 = arith.cmpi ne, %rem3A_410, %ne3A_411 : i32
    %and3A_413 = arith.andi %ne3A_409, %ne3A_412 : i1
    %sub3A_414 = arith.constant 1 : i32
    %sub3A_415 = arith.subi %div3A_394, %sub3A_414 : i32
    %select_n3A_416 = arith.select %and3A_413, %sub3A_415, %div3A_394 : i32
    %jit3A_417 = arith.constant 4096 : i32
    %eq3A_418 = arith.constant 0 : i32
    %eq3A_419 = arith.cmpi eq, %jit3A_417, %eq3A_418 : i32
    %jit3A_420 = arith.constant 1 : i32
    %select_n3A_421 = arith.select %eq3A_419, %jit3A_420, %jit3A_417 : i32
    %rem3A_422 = arith.remsi %add3A_392, %select_n3A_421 : i32
    %ne3A_423 = arith.constant 0 : i32
    %ne3A_424 = arith.cmpi ne, %rem3A_422, %ne3A_423 : i32
    %lt3A_425 = arith.constant 0 : i32
    %lt3A_426 = arith.cmpi slt, %rem3A_422, %lt3A_425 : i32
    %lt3A_427 = arith.constant 0 : i32
    %lt3A_428 = arith.cmpi slt, %select_n3A_421, %lt3A_427 : i32
    %ne3A_429 = arith.xori %lt3A_426, %lt3A_428 : i1
    %and3A_430 = arith.andi %ne3A_429, %ne3A_424 : i1
    %add3A_431 = arith.addi %rem3A_422, %select_n3A_421 : i32
    %select_n3A_432 = arith.select %and3A_430, %add3A_431, %rem3A_422 : i32
    %dma_start3A_433 = arith.constant 16384 : i32
    %dma_start3A_434 = tpu.memref_slice %arg5[%dma_start3A_433] : memref<51200xi32, #tpu.memory_space<vmem>> -> memref<2048xi32, #tpu.memory_space<vmem>>
    %dma_start3A_435 = tpu.memref_slice %arg3[%select_n3A_416, %select_n3A_432] : memref<200x4096xi32, #tpu.memory_space<hbm>> -> memref<1x2048xi32, #tpu.memory_space<hbm>>
    %dma_start3A_436 = tpu.memref_squeeze %dma_start3A_435 : memref<1x2048xi32, #tpu.memory_space<hbm>> -> memref<2048xi32, #tpu.memory_space<hbm>>
    %dma_start3A_437 = arith.constant 16384 : i32
    %dma_start3A_438 = tpu.memref_slice %arg5[%dma_start3A_437] : memref<51200xi32, #tpu.memory_space<vmem>> -> memref<2048xi32, #tpu.memory_space<vmem>>
    %dma_start3A_439 = tpu.memref_slice %arg3[%select_n3A_416, %select_n3A_432] : memref<200x4096xi32, #tpu.memory_space<hbm>> -> memref<1x2048xi32, #tpu.memory_space<hbm>>
    %dma_start3A_440 = tpu.memref_squeeze %dma_start3A_439 : memref<1x2048xi32, #tpu.memory_space<hbm>> -> memref<2048xi32, #tpu.memory_space<hbm>>
    tpu.enqueue_dma source(%dma_start3A_440 : memref<2048xi32, #tpu.memory_space<hbm>>) target(%dma_start3A_438 : memref<2048xi32, #tpu.memory_space<vmem>>) target_semaphore(%arg12 : memref<!tpu.dma_semaphore, #tpu.memory_space<semaphore_mem>>)
    %add3A_441 = arith.constant 18432 : i32
    %add3A_442 = arith.addi %mul3A_0, %add3A_441 : i32
    %jit3A_443 = arith.constant 4096 : i32
    %div3A_444 = arith.divsi %add3A_442, %jit3A_443 : i32
    %sign3A_445 = arith.constant 0 : i32
    %sign3A_446 = arith.cmpi sgt, %add3A_442, %sign3A_445 : i32
    %sign3A_447 = arith.extui %sign3A_446 : i1 to i32
    %sign3A_448 = arith.constant 0 : i32
    %sign3A_449 = arith.cmpi slt, %add3A_442, %sign3A_448 : i32
    %sign3A_450 = arith.extui %sign3A_449 : i1 to i32
    %sign3A_451 = arith.subi %sign3A_447, %sign3A_450 : i32
    %sign3A_452 = arith.constant 0 : i32
    %sign3A_453 = arith.cmpi sgt, %jit3A_443, %sign3A_452 : i32
    %sign3A_454 = arith.extui %sign3A_453 : i1 to i32
    %sign3A_455 = arith.constant 0 : i32
    %sign3A_456 = arith.cmpi slt, %jit3A_443, %sign3A_455 : i32
    %sign3A_457 = arith.extui %sign3A_456 : i1 to i32
    %sign3A_458 = arith.subi %sign3A_454, %sign3A_457 : i32
    %ne3A_459 = arith.cmpi ne, %sign3A_451, %sign3A_458 : i32
    %rem3A_460 = arith.remsi %add3A_442, %jit3A_443 : i32
    %ne3A_461 = arith.constant 0 : i32
    %ne3A_462 = arith.cmpi ne, %rem3A_460, %ne3A_461 : i32
    %and3A_463 = arith.andi %ne3A_459, %ne3A_462 : i1
    %sub3A_464 = arith.constant 1 : i32
    %sub3A_465 = arith.subi %div3A_444, %sub3A_464 : i32
    %select_n3A_466 = arith.select %and3A_463, %sub3A_465, %div3A_444 : i32
    %jit3A_467 = arith.constant 4096 : i32
    %eq3A_468 = arith.constant 0 : i32
    %eq3A_469 = arith.cmpi eq, %jit3A_467, %eq3A_468 : i32
    %jit3A_470 = arith.constant 1 : i32
    %select_n3A_471 = arith.select %eq3A_469, %jit3A_470, %jit3A_467 : i32
    %rem3A_472 = arith.remsi %add3A_442, %select_n3A_471 : i32
    %ne3A_473 = arith.constant 0 : i32
    %ne3A_474 = arith.cmpi ne, %rem3A_472, %ne3A_473 : i32
    %lt3A_475 = arith.constant 0 : i32
    %lt3A_476 = arith.cmpi slt, %rem3A_472, %lt3A_475 : i32
    %lt3A_477 = arith.constant 0 : i32
    %lt3A_478 = arith.cmpi slt, %select_n3A_471, %lt3A_477 : i32
    %ne3A_479 = arith.xori %lt3A_476, %lt3A_478 : i1
    %and3A_480 = arith.andi %ne3A_479, %ne3A_474 : i1
    %add3A_481 = arith.addi %rem3A_472, %select_n3A_471 : i32
    %select_n3A_482 = arith.select %and3A_480, %add3A_481, %rem3A_472 : i32
    %dma_start3A_483 = arith.constant 18432 : i32
    %dma_start3A_484 = tpu.memref_slice %arg5[%dma_start3A_483] : memref<51200xi32, #tpu.memory_space<vmem>> -> memref<2048xi32, #tpu.memory_space<vmem>>
    %dma_start3A_485 = tpu.memref_slice %arg3[%select_n3A_466, %select_n3A_482] : memref<200x4096xi32, #tpu.memory_space<hbm>> -> memref<1x2048xi32, #tpu.memory_space<hbm>>
    %dma_start3A_486 = tpu.memref_squeeze %dma_start3A_485 : memref<1x2048xi32, #tpu.memory_space<hbm>> -> memref<2048xi32, #tpu.memory_space<hbm>>
    %dma_start3A_487 = arith.constant 18432 : i32
    %dma_start3A_488 = tpu.memref_slice %arg5[%dma_start3A_487] : memref<51200xi32, #tpu.memory_space<vmem>> -> memref<2048xi32, #tpu.memory_space<vmem>>
    %dma_start3A_489 = tpu.memref_slice %arg3[%select_n3A_466, %select_n3A_482] : memref<200x4096xi32, #tpu.memory_space<hbm>> -> memref<1x2048xi32, #tpu.memory_space<hbm>>
    %dma_start3A_490 = tpu.memref_squeeze %dma_start3A_489 : memref<1x2048xi32, #tpu.memory_space<hbm>> -> memref<2048xi32, #tpu.memory_space<hbm>>
    tpu.enqueue_dma source(%dma_start3A_490 : memref<2048xi32, #tpu.memory_space<hbm>>) target(%dma_start3A_488 : memref<2048xi32, #tpu.memory_space<vmem>>) target_semaphore(%arg12 : memref<!tpu.dma_semaphore, #tpu.memory_space<semaphore_mem>>)
    %add3A_491 = arith.constant 20480 : i32
    %add3A_492 = arith.addi %mul3A_0, %add3A_491 : i32
    %jit3A_493 = arith.constant 4096 : i32
    %div3A_494 = arith.divsi %add3A_492, %jit3A_493 : i32
    %sign3A_495 = arith.constant 0 : i32
    %sign3A_496 = arith.cmpi sgt, %add3A_492, %sign3A_495 : i32
    %sign3A_497 = arith.extui %sign3A_496 : i1 to i32
    %sign3A_498 = arith.constant 0 : i32
    %sign3A_499 = arith.cmpi slt, %add3A_492, %sign3A_498 : i32
    %sign3A_500 = arith.extui %sign3A_499 : i1 to i32
    %sign3A_501 = arith.subi %sign3A_497, %sign3A_500 : i32
    %sign3A_502 = arith.constant 0 : i32
    %sign3A_503 = arith.cmpi sgt, %jit3A_493, %sign3A_502 : i32
    %sign3A_504 = arith.extui %sign3A_503 : i1 to i32
    %sign3A_505 = arith.constant 0 : i32
    %sign3A_506 = arith.cmpi slt, %jit3A_493, %sign3A_505 : i32
    %sign3A_507 = arith.extui %sign3A_506 : i1 to i32
    %sign3A_508 = arith.subi %sign3A_504, %sign3A_507 : i32
    %ne3A_509 = arith.cmpi ne, %sign3A_501, %sign3A_508 : i32
    %rem3A_510 = arith.remsi %add3A_492, %jit3A_493 : i32
    %ne3A_511 = arith.constant 0 : i32
    %ne3A_512 = arith.cmpi ne, %rem3A_510, %ne3A_511 : i32
    %and3A_513 = arith.andi %ne3A_509, %ne3A_512 : i1
    %sub3A_514 = arith.constant 1 : i32
    %sub3A_515 = arith.subi %div3A_494, %sub3A_514 : i32
    %select_n3A_516 = arith.select %and3A_513, %sub3A_515, %div3A_494 : i32
    %jit3A_517 = arith.constant 4096 : i32
    %eq3A_518 = arith.constant 0 : i32
    %eq3A_519 = arith.cmpi eq, %jit3A_517, %eq3A_518 : i32
    %jit3A_520 = arith.constant 1 : i32
    %select_n3A_521 = arith.select %eq3A_519, %jit3A_520, %jit3A_517 : i32
    %rem3A_522 = arith.remsi %add3A_492, %select_n3A_521 : i32
    %ne3A_523 = arith.constant 0 : i32
    %ne3A_524 = arith.cmpi ne, %rem3A_522, %ne3A_523 : i32
    %lt3A_525 = arith.constant 0 : i32
    %lt3A_526 = arith.cmpi slt, %rem3A_522, %lt3A_525 : i32
    %lt3A_527 = arith.constant 0 : i32
    %lt3A_528 = arith.cmpi slt, %select_n3A_521, %lt3A_527 : i32
    %ne3A_529 = arith.xori %lt3A_526, %lt3A_528 : i1
    %and3A_530 = arith.andi %ne3A_529, %ne3A_524 : i1
    %add3A_531 = arith.addi %rem3A_522, %select_n3A_521 : i32
    %select_n3A_532 = arith.select %and3A_530, %add3A_531, %rem3A_522 : i32
    %dma_start3A_533 = arith.constant 20480 : i32
    %dma_start3A_534 = tpu.memref_slice %arg5[%dma_start3A_533] : memref<51200xi32, #tpu.memory_space<vmem>> -> memref<2048xi32, #tpu.memory_space<vmem>>
    %dma_start3A_535 = tpu.memref_slice %arg3[%select_n3A_516, %select_n3A_532] : memref<200x4096xi32, #tpu.memory_space<hbm>> -> memref<1x2048xi32, #tpu.memory_space<hbm>>
    %dma_start3A_536 = tpu.memref_squeeze %dma_start3A_535 : memref<1x2048xi32, #tpu.memory_space<hbm>> -> memref<2048xi32, #tpu.memory_space<hbm>>
    %dma_start3A_537 = arith.constant 20480 : i32
    %dma_start3A_538 = tpu.memref_slice %arg5[%dma_start3A_537] : memref<51200xi32, #tpu.memory_space<vmem>> -> memref<2048xi32, #tpu.memory_space<vmem>>
    %dma_start3A_539 = tpu.memref_slice %arg3[%select_n3A_516, %select_n3A_532] : memref<200x4096xi32, #tpu.memory_space<hbm>> -> memref<1x2048xi32, #tpu.memory_space<hbm>>
    %dma_start3A_540 = tpu.memref_squeeze %dma_start3A_539 : memref<1x2048xi32, #tpu.memory_space<hbm>> -> memref<2048xi32, #tpu.memory_space<hbm>>
    tpu.enqueue_dma source(%dma_start3A_540 : memref<2048xi32, #tpu.memory_space<hbm>>) target(%dma_start3A_538 : memref<2048xi32, #tpu.memory_space<vmem>>) target_semaphore(%arg12 : memref<!tpu.dma_semaphore, #tpu.memory_space<semaphore_mem>>)
    %add3A_541 = arith.constant 22528 : i32
    %add3A_542 = arith.addi %mul3A_0, %add3A_541 : i32
    %jit3A_543 = arith.constant 4096 : i32
    %div3A_544 = arith.divsi %add3A_542, %jit3A_543 : i32
    %sign3A_545 = arith.constant 0 : i32
    %sign3A_546 = arith.cmpi sgt, %add3A_542, %sign3A_545 : i32
    %sign3A_547 = arith.extui %sign3A_546 : i1 to i32
    %sign3A_548 = arith.constant 0 : i32
    %sign3A_549 = arith.cmpi slt, %add3A_542, %sign3A_548 : i32
    %sign3A_550 = arith.extui %sign3A_549 : i1 to i32
    %sign3A_551 = arith.subi %sign3A_547, %sign3A_550 : i32
    %sign3A_552 = arith.constant 0 : i32
    %sign3A_553 = arith.cmpi sgt, %jit3A_543, %sign3A_552 : i32
    %sign3A_554 = arith.extui %sign3A_553 : i1 to i32
    %sign3A_555 = arith.constant 0 : i32
    %sign3A_556 = arith.cmpi slt, %jit3A_543, %sign3A_555 : i32
    %sign3A_557 = arith.extui %sign3A_556 : i1 to i32
    %sign3A_558 = arith.subi %sign3A_554, %sign3A_557 : i32
    %ne3A_559 = arith.cmpi ne, %sign3A_551, %sign3A_558 : i32
    %rem3A_560 = arith.remsi %add3A_542, %jit3A_543 : i32
    %ne3A_561 = arith.constant 0 : i32
    %ne3A_562 = arith.cmpi ne, %rem3A_560, %ne3A_561 : i32
    %and3A_563 = arith.andi %ne3A_559, %ne3A_562 : i1
    %sub3A_564 = arith.constant 1 : i32
    %sub3A_565 = arith.subi %div3A_544, %sub3A_564 : i32
    %select_n3A_566 = arith.select %and3A_563, %sub3A_565, %div3A_544 : i32
    %jit3A_567 = arith.constant 4096 : i32
    %eq3A_568 = arith.constant 0 : i32
    %eq3A_569 = arith.cmpi eq, %jit3A_567, %eq3A_568 : i32
    %jit3A_570 = arith.constant 1 : i32
    %select_n3A_571 = arith.select %eq3A_569, %jit3A_570, %jit3A_567 : i32
    %rem3A_572 = arith.remsi %add3A_542, %select_n3A_571 : i32
    %ne3A_573 = arith.constant 0 : i32
    %ne3A_574 = arith.cmpi ne, %rem3A_572, %ne3A_573 : i32
    %lt3A_575 = arith.constant 0 : i32
    %lt3A_576 = arith.cmpi slt, %rem3A_572, %lt3A_575 : i32
    %lt3A_577 = arith.constant 0 : i32
    %lt3A_578 = arith.cmpi slt, %select_n3A_571, %lt3A_577 : i32
    %ne3A_579 = arith.xori %lt3A_576, %lt3A_578 : i1
    %and3A_580 = arith.andi %ne3A_579, %ne3A_574 : i1
    %add3A_581 = arith.addi %rem3A_572, %select_n3A_571 : i32
    %select_n3A_582 = arith.select %and3A_580, %add3A_581, %rem3A_572 : i32
    %dma_start3A_583 = arith.constant 22528 : i32
    %dma_start3A_584 = tpu.memref_slice %arg5[%dma_start3A_583] : memref<51200xi32, #tpu.memory_space<vmem>> -> memref<2048xi32, #tpu.memory_space<vmem>>
    %dma_start3A_585 = tpu.memref_slice %arg3[%select_n3A_566, %select_n3A_582] : memref<200x4096xi32, #tpu.memory_space<hbm>> -> memref<1x2048xi32, #tpu.memory_space<hbm>>
    %dma_start3A_586 = tpu.memref_squeeze %dma_start3A_585 : memref<1x2048xi32, #tpu.memory_space<hbm>> -> memref<2048xi32, #tpu.memory_space<hbm>>
    %dma_start3A_587 = arith.constant 22528 : i32
    %dma_start3A_588 = tpu.memref_slice %arg5[%dma_start3A_587] : memref<51200xi32, #tpu.memory_space<vmem>> -> memref<2048xi32, #tpu.memory_space<vmem>>
    %dma_start3A_589 = tpu.memref_slice %arg3[%select_n3A_566, %select_n3A_582] : memref<200x4096xi32, #tpu.memory_space<hbm>> -> memref<1x2048xi32, #tpu.memory_space<hbm>>
    %dma_start3A_590 = tpu.memref_squeeze %dma_start3A_589 : memref<1x2048xi32, #tpu.memory_space<hbm>> -> memref<2048xi32, #tpu.memory_space<hbm>>
    tpu.enqueue_dma source(%dma_start3A_590 : memref<2048xi32, #tpu.memory_space<hbm>>) target(%dma_start3A_588 : memref<2048xi32, #tpu.memory_space<vmem>>) target_semaphore(%arg12 : memref<!tpu.dma_semaphore, #tpu.memory_space<semaphore_mem>>)
    %add3A_591 = arith.constant 24576 : i32
    %add3A_592 = arith.addi %mul3A_0, %add3A_591 : i32
    %jit3A_593 = arith.constant 4096 : i32
    %div3A_594 = arith.divsi %add3A_592, %jit3A_593 : i32
    %sign3A_595 = arith.constant 0 : i32
    %sign3A_596 = arith.cmpi sgt, %add3A_592, %sign3A_595 : i32
    %sign3A_597 = arith.extui %sign3A_596 : i1 to i32
    %sign3A_598 = arith.constant 0 : i32
    %sign3A_599 = arith.cmpi slt, %add3A_592, %sign3A_598 : i32
    %sign3A_600 = arith.extui %sign3A_599 : i1 to i32
    %sign3A_601 = arith.subi %sign3A_597, %sign3A_600 : i32
    %sign3A_602 = arith.constant 0 : i32
    %sign3A_603 = arith.cmpi sgt, %jit3A_593, %sign3A_602 : i32
    %sign3A_604 = arith.extui %sign3A_603 : i1 to i32
    %sign3A_605 = arith.constant 0 : i32
    %sign3A_606 = arith.cmpi slt, %jit3A_593, %sign3A_605 : i32
    %sign3A_607 = arith.extui %sign3A_606 : i1 to i32
    %sign3A_608 = arith.subi %sign3A_604, %sign3A_607 : i32
    %ne3A_609 = arith.cmpi ne, %sign3A_601, %sign3A_608 : i32
    %rem3A_610 = arith.remsi %add3A_592, %jit3A_593 : i32
    %ne3A_611 = arith.constant 0 : i32
    %ne3A_612 = arith.cmpi ne, %rem3A_610, %ne3A_611 : i32
    %and3A_613 = arith.andi %ne3A_609, %ne3A_612 : i1
    %sub3A_614 = arith.constant 1 : i32
    %sub3A_615 = arith.subi %div3A_594, %sub3A_614 : i32
    %select_n3A_616 = arith.select %and3A_613, %sub3A_615, %div3A_594 : i32
    %jit3A_617 = arith.constant 4096 : i32
    %eq3A_618 = arith.constant 0 : i32
    %eq3A_619 = arith.cmpi eq, %jit3A_617, %eq3A_618 : i32
    %jit3A_620 = arith.constant 1 : i32
    %select_n3A_621 = arith.select %eq3A_619, %jit3A_620, %jit3A_617 : i32
    %rem3A_622 = arith.remsi %add3A_592, %select_n3A_621 : i32
    %ne3A_623 = arith.constant 0 : i32
    %ne3A_624 = arith.cmpi ne, %rem3A_622, %ne3A_623 : i32
    %lt3A_625 = arith.constant 0 : i32
    %lt3A_626 = arith.cmpi slt, %rem3A_622, %lt3A_625 : i32
    %lt3A_627 = arith.constant 0 : i32
    %lt3A_628 = arith.cmpi slt, %select_n3A_621, %lt3A_627 : i32
    %ne3A_629 = arith.xori %lt3A_626, %lt3A_628 : i1
    %and3A_630 = arith.andi %ne3A_629, %ne3A_624 : i1
    %add3A_631 = arith.addi %rem3A_622, %select_n3A_621 : i32
    %select_n3A_632 = arith.select %and3A_630, %add3A_631, %rem3A_622 : i32
    %dma_start3A_633 = arith.constant 24576 : i32
    %dma_start3A_634 = tpu.memref_slice %arg5[%dma_start3A_633] : memref<51200xi32, #tpu.memory_space<vmem>> -> memref<2048xi32, #tpu.memory_space<vmem>>
    %dma_start3A_635 = tpu.memref_slice %arg3[%select_n3A_616, %select_n3A_632] : memref<200x4096xi32, #tpu.memory_space<hbm>> -> memref<1x2048xi32, #tpu.memory_space<hbm>>
    %dma_start3A_636 = tpu.memref_squeeze %dma_start3A_635 : memref<1x2048xi32, #tpu.memory_space<hbm>> -> memref<2048xi32, #tpu.memory_space<hbm>>
    %dma_start3A_637 = arith.constant 24576 : i32
    %dma_start3A_638 = tpu.memref_slice %arg5[%dma_start3A_637] : memref<51200xi32, #tpu.memory_space<vmem>> -> memref<2048xi32, #tpu.memory_space<vmem>>
    %dma_start3A_639 = tpu.memref_slice %arg3[%select_n3A_616, %select_n3A_632] : memref<200x4096xi32, #tpu.memory_space<hbm>> -> memref<1x2048xi32, #tpu.memory_space<hbm>>
    %dma_start3A_640 = tpu.memref_squeeze %dma_start3A_639 : memref<1x2048xi32, #tpu.memory_space<hbm>> -> memref<2048xi32, #tpu.memory_space<hbm>>
    tpu.enqueue_dma source(%dma_start3A_640 : memref<2048xi32, #tpu.memory_space<hbm>>) target(%dma_start3A_638 : memref<2048xi32, #tpu.memory_space<vmem>>) target_semaphore(%arg12 : memref<!tpu.dma_semaphore, #tpu.memory_space<semaphore_mem>>)
    %add3A_641 = arith.constant 26624 : i32
    %add3A_642 = arith.addi %mul3A_0, %add3A_641 : i32
    %jit3A_643 = arith.constant 4096 : i32
    %div3A_644 = arith.divsi %add3A_642, %jit3A_643 : i32
    %sign3A_645 = arith.constant 0 : i32
    %sign3A_646 = arith.cmpi sgt, %add3A_642, %sign3A_645 : i32
    %sign3A_647 = arith.extui %sign3A_646 : i1 to i32
    %sign3A_648 = arith.constant 0 : i32
    %sign3A_649 = arith.cmpi slt, %add3A_642, %sign3A_648 : i32
    %sign3A_650 = arith.extui %sign3A_649 : i1 to i32
    %sign3A_651 = arith.subi %sign3A_647, %sign3A_650 : i32
    %sign3A_652 = arith.constant 0 : i32
    %sign3A_653 = arith.cmpi sgt, %jit3A_643, %sign3A_652 : i32
    %sign3A_654 = arith.extui %sign3A_653 : i1 to i32
    %sign3A_655 = arith.constant 0 : i32
    %sign3A_656 = arith.cmpi slt, %jit3A_643, %sign3A_655 : i32
    %sign3A_657 = arith.extui %sign3A_656 : i1 to i32
    %sign3A_658 = arith.subi %sign3A_654, %sign3A_657 : i32
    %ne3A_659 = arith.cmpi ne, %sign3A_651, %sign3A_658 : i32
    %rem3A_660 = arith.remsi %add3A_642, %jit3A_643 : i32
    %ne3A_661 = arith.constant 0 : i32
    %ne3A_662 = arith.cmpi ne, %rem3A_660, %ne3A_661 : i32
    %and3A_663 = arith.andi %ne3A_659, %ne3A_662 : i1
    %sub3A_664 = arith.constant 1 : i32
    %sub3A_665 = arith.subi %div3A_644, %sub3A_664 : i32
    %select_n3A_666 = arith.select %and3A_663, %sub3A_665, %div3A_644 : i32
    %jit3A_667 = arith.constant 4096 : i32
    %eq3A_668 = arith.constant 0 : i32
    %eq3A_669 = arith.cmpi eq, %jit3A_667, %eq3A_668 : i32
    %jit3A_670 = arith.constant 1 : i32
    %select_n3A_671 = arith.select %eq3A_669, %jit3A_670, %jit3A_667 : i32
    %rem3A_672 = arith.remsi %add3A_642, %select_n3A_671 : i32
    %ne3A_673 = arith.constant 0 : i32
    %ne3A_674 = arith.cmpi ne, %rem3A_672, %ne3A_673 : i32
    %lt3A_675 = arith.constant 0 : i32
    %lt3A_676 = arith.cmpi slt, %rem3A_672, %lt3A_675 : i32
    %lt3A_677 = arith.constant 0 : i32
    %lt3A_678 = arith.cmpi slt, %select_n3A_671, %lt3A_677 : i32
    %ne3A_679 = arith.xori %lt3A_676, %lt3A_678 : i1
    %and3A_680 = arith.andi %ne3A_679, %ne3A_674 : i1
    %add3A_681 = arith.addi %rem3A_672, %select_n3A_671 : i32
    %select_n3A_682 = arith.select %and3A_680, %add3A_681, %rem3A_672 : i32
    %dma_start3A_683 = arith.constant 26624 : i32
    %dma_start3A_684 = tpu.memref_slice %arg5[%dma_start3A_683] : memref<51200xi32, #tpu.memory_space<vmem>> -> memref<2048xi32, #tpu.memory_space<vmem>>
    %dma_start3A_685 = tpu.memref_slice %arg3[%select_n3A_666, %select_n3A_682] : memref<200x4096xi32, #tpu.memory_space<hbm>> -> memref<1x2048xi32, #tpu.memory_space<hbm>>
    %dma_start3A_686 = tpu.memref_squeeze %dma_start3A_685 : memref<1x2048xi32, #tpu.memory_space<hbm>> -> memref<2048xi32, #tpu.memory_space<hbm>>
    %dma_start3A_687 = arith.constant 26624 : i32
    %dma_start3A_688 = tpu.memref_slice %arg5[%dma_start3A_687] : memref<51200xi32, #tpu.memory_space<vmem>> -> memref<2048xi32, #tpu.memory_space<vmem>>
    %dma_start3A_689 = tpu.memref_slice %arg3[%select_n3A_666, %select_n3A_682] : memref<200x4096xi32, #tpu.memory_space<hbm>> -> memref<1x2048xi32, #tpu.memory_space<hbm>>
    %dma_start3A_690 = tpu.memref_squeeze %dma_start3A_689 : memref<1x2048xi32, #tpu.memory_space<hbm>> -> memref<2048xi32, #tpu.memory_space<hbm>>
    tpu.enqueue_dma source(%dma_start3A_690 : memref<2048xi32, #tpu.memory_space<hbm>>) target(%dma_start3A_688 : memref<2048xi32, #tpu.memory_space<vmem>>) target_semaphore(%arg12 : memref<!tpu.dma_semaphore, #tpu.memory_space<semaphore_mem>>)
    %add3A_691 = arith.constant 28672 : i32
    %add3A_692 = arith.addi %mul3A_0, %add3A_691 : i32
    %jit3A_693 = arith.constant 4096 : i32
    %div3A_694 = arith.divsi %add3A_692, %jit3A_693 : i32
    %sign3A_695 = arith.constant 0 : i32
    %sign3A_696 = arith.cmpi sgt, %add3A_692, %sign3A_695 : i32
    %sign3A_697 = arith.extui %sign3A_696 : i1 to i32
    %sign3A_698 = arith.constant 0 : i32
    %sign3A_699 = arith.cmpi slt, %add3A_692, %sign3A_698 : i32
    %sign3A_700 = arith.extui %sign3A_699 : i1 to i32
    %sign3A_701 = arith.subi %sign3A_697, %sign3A_700 : i32
    %sign3A_702 = arith.constant 0 : i32
    %sign3A_703 = arith.cmpi sgt, %jit3A_693, %sign3A_702 : i32
    %sign3A_704 = arith.extui %sign3A_703 : i1 to i32
    %sign3A_705 = arith.constant 0 : i32
    %sign3A_706 = arith.cmpi slt, %jit3A_693, %sign3A_705 : i32
    %sign3A_707 = arith.extui %sign3A_706 : i1 to i32
    %sign3A_708 = arith.subi %sign3A_704, %sign3A_707 : i32
    %ne3A_709 = arith.cmpi ne, %sign3A_701, %sign3A_708 : i32
    %rem3A_710 = arith.remsi %add3A_692, %jit3A_693 : i32
    %ne3A_711 = arith.constant 0 : i32
    %ne3A_712 = arith.cmpi ne, %rem3A_710, %ne3A_711 : i32
    %and3A_713 = arith.andi %ne3A_709, %ne3A_712 : i1
    %sub3A_714 = arith.constant 1 : i32
    %sub3A_715 = arith.subi %div3A_694, %sub3A_714 : i32
    %select_n3A_716 = arith.select %and3A_713, %sub3A_715, %div3A_694 : i32
    %jit3A_717 = arith.constant 4096 : i32
    %eq3A_718 = arith.constant 0 : i32
    %eq3A_719 = arith.cmpi eq, %jit3A_717, %eq3A_718 : i32
    %jit3A_720 = arith.constant 1 : i32
    %select_n3A_721 = arith.select %eq3A_719, %jit3A_720, %jit3A_717 : i32
    %rem3A_722 = arith.remsi %add3A_692, %select_n3A_721 : i32
    %ne3A_723 = arith.constant 0 : i32
    %ne3A_724 = arith.cmpi ne, %rem3A_722, %ne3A_723 : i32
    %lt3A_725 = arith.constant 0 : i32
    %lt3A_726 = arith.cmpi slt, %rem3A_722, %lt3A_725 : i32
    %lt3A_727 = arith.constant 0 : i32
    %lt3A_728 = arith.cmpi slt, %select_n3A_721, %lt3A_727 : i32
    %ne3A_729 = arith.xori %lt3A_726, %lt3A_728 : i1
    %and3A_730 = arith.andi %ne3A_729, %ne3A_724 : i1
    %add3A_731 = arith.addi %rem3A_722, %select_n3A_721 : i32
    %select_n3A_732 = arith.select %and3A_730, %add3A_731, %rem3A_722 : i32
    %dma_start3A_733 = arith.constant 28672 : i32
    %dma_start3A_734 = tpu.memref_slice %arg5[%dma_start3A_733] : memref<51200xi32, #tpu.memory_space<vmem>> -> memref<2048xi32, #tpu.memory_space<vmem>>
    %dma_start3A_735 = tpu.memref_slice %arg3[%select_n3A_716, %select_n3A_732] : memref<200x4096xi32, #tpu.memory_space<hbm>> -> memref<1x2048xi32, #tpu.memory_space<hbm>>
    %dma_start3A_736 = tpu.memref_squeeze %dma_start3A_735 : memref<1x2048xi32, #tpu.memory_space<hbm>> -> memref<2048xi32, #tpu.memory_space<hbm>>
    %dma_start3A_737 = arith.constant 28672 : i32
    %dma_start3A_738 = tpu.memref_slice %arg5[%dma_start3A_737] : memref<51200xi32, #tpu.memory_space<vmem>> -> memref<2048xi32, #tpu.memory_space<vmem>>
    %dma_start3A_739 = tpu.memref_slice %arg3[%select_n3A_716, %select_n3A_732] : memref<200x4096xi32, #tpu.memory_space<hbm>> -> memref<1x2048xi32, #tpu.memory_space<hbm>>
    %dma_start3A_740 = tpu.memref_squeeze %dma_start3A_739 : memref<1x2048xi32, #tpu.memory_space<hbm>> -> memref<2048xi32, #tpu.memory_space<hbm>>
    tpu.enqueue_dma source(%dma_start3A_740 : memref<2048xi32, #tpu.memory_space<hbm>>) target(%dma_start3A_738 : memref<2048xi32, #tpu.memory_space<vmem>>) target_semaphore(%arg12 : memref<!tpu.dma_semaphore, #tpu.memory_space<semaphore_mem>>)
    %add3A_741 = arith.constant 30720 : i32
    %add3A_742 = arith.addi %mul3A_0, %add3A_741 : i32
    %jit3A_743 = arith.constant 4096 : i32
    %div3A_744 = arith.divsi %add3A_742, %jit3A_743 : i32
    %sign3A_745 = arith.constant 0 : i32
    %sign3A_746 = arith.cmpi sgt, %add3A_742, %sign3A_745 : i32
    %sign3A_747 = arith.extui %sign3A_746 : i1 to i32
    %sign3A_748 = arith.constant 0 : i32
    %sign3A_749 = arith.cmpi slt, %add3A_742, %sign3A_748 : i32
    %sign3A_750 = arith.extui %sign3A_749 : i1 to i32
    %sign3A_751 = arith.subi %sign3A_747, %sign3A_750 : i32
    %sign3A_752 = arith.constant 0 : i32
    %sign3A_753 = arith.cmpi sgt, %jit3A_743, %sign3A_752 : i32
    %sign3A_754 = arith.extui %sign3A_753 : i1 to i32
    %sign3A_755 = arith.constant 0 : i32
    %sign3A_756 = arith.cmpi slt, %jit3A_743, %sign3A_755 : i32
    %sign3A_757 = arith.extui %sign3A_756 : i1 to i32
    %sign3A_758 = arith.subi %sign3A_754, %sign3A_757 : i32
    %ne3A_759 = arith.cmpi ne, %sign3A_751, %sign3A_758 : i32
    %rem3A_760 = arith.remsi %add3A_742, %jit3A_743 : i32
    %ne3A_761 = arith.constant 0 : i32
    %ne3A_762 = arith.cmpi ne, %rem3A_760, %ne3A_761 : i32
    %and3A_763 = arith.andi %ne3A_759, %ne3A_762 : i1
    %sub3A_764 = arith.constant 1 : i32
    %sub3A_765 = arith.subi %div3A_744, %sub3A_764 : i32
    %select_n3A_766 = arith.select %and3A_763, %sub3A_765, %div3A_744 : i32
    %jit3A_767 = arith.constant 4096 : i32
    %eq3A_768 = arith.constant 0 : i32
    %eq3A_769 = arith.cmpi eq, %jit3A_767, %eq3A_768 : i32
    %jit3A_770 = arith.constant 1 : i32
    %select_n3A_771 = arith.select %eq3A_769, %jit3A_770, %jit3A_767 : i32
    %rem3A_772 = arith.remsi %add3A_742, %select_n3A_771 : i32
    %ne3A_773 = arith.constant 0 : i32
    %ne3A_774 = arith.cmpi ne, %rem3A_772, %ne3A_773 : i32
    %lt3A_775 = arith.constant 0 : i32
    %lt3A_776 = arith.cmpi slt, %rem3A_772, %lt3A_775 : i32
    %lt3A_777 = arith.constant 0 : i32
    %lt3A_778 = arith.cmpi slt, %select_n3A_771, %lt3A_777 : i32
    %ne3A_779 = arith.xori %lt3A_776, %lt3A_778 : i1
    %and3A_780 = arith.andi %ne3A_779, %ne3A_774 : i1
    %add3A_781 = arith.addi %rem3A_772, %select_n3A_771 : i32
    %select_n3A_782 = arith.select %and3A_780, %add3A_781, %rem3A_772 : i32
    %dma_start3A_783 = arith.constant 30720 : i32
    %dma_start3A_784 = tpu.memref_slice %arg5[%dma_start3A_783] : memref<51200xi32, #tpu.memory_space<vmem>> -> memref<2048xi32, #tpu.memory_space<vmem>>
    %dma_start3A_785 = tpu.memref_slice %arg3[%select_n3A_766, %select_n3A_782] : memref<200x4096xi32, #tpu.memory_space<hbm>> -> memref<1x2048xi32, #tpu.memory_space<hbm>>
    %dma_start3A_786 = tpu.memref_squeeze %dma_start3A_785 : memref<1x2048xi32, #tpu.memory_space<hbm>> -> memref<2048xi32, #tpu.memory_space<hbm>>
    %dma_start3A_787 = arith.constant 30720 : i32
    %dma_start3A_788 = tpu.memref_slice %arg5[%dma_start3A_787] : memref<51200xi32, #tpu.memory_space<vmem>> -> memref<2048xi32, #tpu.memory_space<vmem>>
    %dma_start3A_789 = tpu.memref_slice %arg3[%select_n3A_766, %select_n3A_782] : memref<200x4096xi32, #tpu.memory_space<hbm>> -> memref<1x2048xi32, #tpu.memory_space<hbm>>
    %dma_start3A_790 = tpu.memref_squeeze %dma_start3A_789 : memref<1x2048xi32, #tpu.memory_space<hbm>> -> memref<2048xi32, #tpu.memory_space<hbm>>
    tpu.enqueue_dma source(%dma_start3A_790 : memref<2048xi32, #tpu.memory_space<hbm>>) target(%dma_start3A_788 : memref<2048xi32, #tpu.memory_space<vmem>>) target_semaphore(%arg12 : memref<!tpu.dma_semaphore, #tpu.memory_space<semaphore_mem>>)
    %add3A_791 = arith.constant 32768 : i32
    %add3A_792 = arith.addi %mul3A_0, %add3A_791 : i32
    %jit3A_793 = arith.constant 4096 : i32
    %div3A_794 = arith.divsi %add3A_792, %jit3A_793 : i32
    %sign3A_795 = arith.constant 0 : i32
    %sign3A_796 = arith.cmpi sgt, %add3A_792, %sign3A_795 : i32
    %sign3A_797 = arith.extui %sign3A_796 : i1 to i32
    %sign3A_798 = arith.constant 0 : i32
    %sign3A_799 = arith.cmpi slt, %add3A_792, %sign3A_798 : i32
    %sign3A_800 = arith.extui %sign3A_799 : i1 to i32
    %sign3A_801 = arith.subi %sign3A_797, %sign3A_800 : i32
    %sign3A_802 = arith.constant 0 : i32
    %sign3A_803 = arith.cmpi sgt, %jit3A_793, %sign3A_802 : i32
    %sign3A_804 = arith.extui %sign3A_803 : i1 to i32
    %sign3A_805 = arith.constant 0 : i32
    %sign3A_806 = arith.cmpi slt, %jit3A_793, %sign3A_805 : i32
    %sign3A_807 = arith.extui %sign3A_806 : i1 to i32
    %sign3A_808 = arith.subi %sign3A_804, %sign3A_807 : i32
    %ne3A_809 = arith.cmpi ne, %sign3A_801, %sign3A_808 : i32
    %rem3A_810 = arith.remsi %add3A_792, %jit3A_793 : i32
    %ne3A_811 = arith.constant 0 : i32
    %ne3A_812 = arith.cmpi ne, %rem3A_810, %ne3A_811 : i32
    %and3A_813 = arith.andi %ne3A_809, %ne3A_812 : i1
    %sub3A_814 = arith.constant 1 : i32
    %sub3A_815 = arith.subi %div3A_794, %sub3A_814 : i32
    %select_n3A_816 = arith.select %and3A_813, %sub3A_815, %div3A_794 : i32
    %jit3A_817 = arith.constant 4096 : i32
    %eq3A_818 = arith.constant 0 : i32
    %eq3A_819 = arith.cmpi eq, %jit3A_817, %eq3A_818 : i32
    %jit3A_820 = arith.constant 1 : i32
    %select_n3A_821 = arith.select %eq3A_819, %jit3A_820, %jit3A_817 : i32
    %rem3A_822 = arith.remsi %add3A_792, %select_n3A_821 : i32
    %ne3A_823 = arith.constant 0 : i32
    %ne3A_824 = arith.cmpi ne, %rem3A_822, %ne3A_823 : i32
    %lt3A_825 = arith.constant 0 : i32
    %lt3A_826 = arith.cmpi slt, %rem3A_822, %lt3A_825 : i32
    %lt3A_827 = arith.constant 0 : i32
    %lt3A_828 = arith.cmpi slt, %select_n3A_821, %lt3A_827 : i32
    %ne3A_829 = arith.xori %lt3A_826, %lt3A_828 : i1
    %and3A_830 = arith.andi %ne3A_829, %ne3A_824 : i1
    %add3A_831 = arith.addi %rem3A_822, %select_n3A_821 : i32
    %select_n3A_832 = arith.select %and3A_830, %add3A_831, %rem3A_822 : i32
    %dma_start3A_833 = arith.constant 32768 : i32
    %dma_start3A_834 = tpu.memref_slice %arg5[%dma_start3A_833] : memref<51200xi32, #tpu.memory_space<vmem>> -> memref<2048xi32, #tpu.memory_space<vmem>>
    %dma_start3A_835 = tpu.memref_slice %arg3[%select_n3A_816, %select_n3A_832] : memref<200x4096xi32, #tpu.memory_space<hbm>> -> memref<1x2048xi32, #tpu.memory_space<hbm>>
    %dma_start3A_836 = tpu.memref_squeeze %dma_start3A_835 : memref<1x2048xi32, #tpu.memory_space<hbm>> -> memref<2048xi32, #tpu.memory_space<hbm>>
    %dma_start3A_837 = arith.constant 32768 : i32
    %dma_start3A_838 = tpu.memref_slice %arg5[%dma_start3A_837] : memref<51200xi32, #tpu.memory_space<vmem>> -> memref<2048xi32, #tpu.memory_space<vmem>>
    %dma_start3A_839 = tpu.memref_slice %arg3[%select_n3A_816, %select_n3A_832] : memref<200x4096xi32, #tpu.memory_space<hbm>> -> memref<1x2048xi32, #tpu.memory_space<hbm>>
    %dma_start3A_840 = tpu.memref_squeeze %dma_start3A_839 : memref<1x2048xi32, #tpu.memory_space<hbm>> -> memref<2048xi32, #tpu.memory_space<hbm>>
    tpu.enqueue_dma source(%dma_start3A_840 : memref<2048xi32, #tpu.memory_space<hbm>>) target(%dma_start3A_838 : memref<2048xi32, #tpu.memory_space<vmem>>) target_semaphore(%arg12 : memref<!tpu.dma_semaphore, #tpu.memory_space<semaphore_mem>>)
    %add3A_841 = arith.constant 34816 : i32
    %add3A_842 = arith.addi %mul3A_0, %add3A_841 : i32
    %jit3A_843 = arith.constant 4096 : i32
    %div3A_844 = arith.divsi %add3A_842, %jit3A_843 : i32
    %sign3A_845 = arith.constant 0 : i32
    %sign3A_846 = arith.cmpi sgt, %add3A_842, %sign3A_845 : i32
    %sign3A_847 = arith.extui %sign3A_846 : i1 to i32
    %sign3A_848 = arith.constant 0 : i32
    %sign3A_849 = arith.cmpi slt, %add3A_842, %sign3A_848 : i32
    %sign3A_850 = arith.extui %sign3A_849 : i1 to i32
    %sign3A_851 = arith.subi %sign3A_847, %sign3A_850 : i32
    %sign3A_852 = arith.constant 0 : i32
    %sign3A_853 = arith.cmpi sgt, %jit3A_843, %sign3A_852 : i32
    %sign3A_854 = arith.extui %sign3A_853 : i1 to i32
    %sign3A_855 = arith.constant 0 : i32
    %sign3A_856 = arith.cmpi slt, %jit3A_843, %sign3A_855 : i32
    %sign3A_857 = arith.extui %sign3A_856 : i1 to i32
    %sign3A_858 = arith.subi %sign3A_854, %sign3A_857 : i32
    %ne3A_859 = arith.cmpi ne, %sign3A_851, %sign3A_858 : i32
    %rem3A_860 = arith.remsi %add3A_842, %jit3A_843 : i32
    %ne3A_861 = arith.constant 0 : i32
    %ne3A_862 = arith.cmpi ne, %rem3A_860, %ne3A_861 : i32
    %and3A_863 = arith.andi %ne3A_859, %ne3A_862 : i1
    %sub3A_864 = arith.constant 1 : i32
    %sub3A_865 = arith.subi %div3A_844, %sub3A_864 : i32
    %select_n3A_866 = arith.select %and3A_863, %sub3A_865, %div3A_844 : i32
    %jit3A_867 = arith.constant 4096 : i32
    %eq3A_868 = arith.constant 0 : i32
    %eq3A_869 = arith.cmpi eq, %jit3A_867, %eq3A_868 : i32
    %jit3A_870 = arith.constant 1 : i32
    %select_n3A_871 = arith.select %eq3A_869, %jit3A_870, %jit3A_867 : i32
    %rem3A_872 = arith.remsi %add3A_842, %select_n3A_871 : i32
    %ne3A_873 = arith.constant 0 : i32
    %ne3A_874 = arith.cmpi ne, %rem3A_872, %ne3A_873 : i32
    %lt3A_875 = arith.constant 0 : i32
    %lt3A_876 = arith.cmpi slt, %rem3A_872, %lt3A_875 : i32
    %lt3A_877 = arith.constant 0 : i32
    %lt3A_878 = arith.cmpi slt, %select_n3A_871, %lt3A_877 : i32
    %ne3A_879 = arith.xori %lt3A_876, %lt3A_878 : i1
    %and3A_880 = arith.andi %ne3A_879, %ne3A_874 : i1
    %add3A_881 = arith.addi %rem3A_872, %select_n3A_871 : i32
    %select_n3A_882 = arith.select %and3A_880, %add3A_881, %rem3A_872 : i32
    %dma_start3A_883 = arith.constant 34816 : i32
    %dma_start3A_884 = tpu.memref_slice %arg5[%dma_start3A_883] : memref<51200xi32, #tpu.memory_space<vmem>> -> memref<2048xi32, #tpu.memory_space<vmem>>
    %dma_start3A_885 = tpu.memref_slice %arg3[%select_n3A_866, %select_n3A_882] : memref<200x4096xi32, #tpu.memory_space<hbm>> -> memref<1x2048xi32, #tpu.memory_space<hbm>>
    %dma_start3A_886 = tpu.memref_squeeze %dma_start3A_885 : memref<1x2048xi32, #tpu.memory_space<hbm>> -> memref<2048xi32, #tpu.memory_space<hbm>>
    %dma_start3A_887 = arith.constant 34816 : i32
    %dma_start3A_888 = tpu.memref_slice %arg5[%dma_start3A_887] : memref<51200xi32, #tpu.memory_space<vmem>> -> memref<2048xi32, #tpu.memory_space<vmem>>
    %dma_start3A_889 = tpu.memref_slice %arg3[%select_n3A_866, %select_n3A_882] : memref<200x4096xi32, #tpu.memory_space<hbm>> -> memref<1x2048xi32, #tpu.memory_space<hbm>>
    %dma_start3A_890 = tpu.memref_squeeze %dma_start3A_889 : memref<1x2048xi32, #tpu.memory_space<hbm>> -> memref<2048xi32, #tpu.memory_space<hbm>>
    tpu.enqueue_dma source(%dma_start3A_890 : memref<2048xi32, #tpu.memory_space<hbm>>) target(%dma_start3A_888 : memref<2048xi32, #tpu.memory_space<vmem>>) target_semaphore(%arg12 : memref<!tpu.dma_semaphore, #tpu.memory_space<semaphore_mem>>)
    %add3A_891 = arith.constant 36864 : i32
    %add3A_892 = arith.addi %mul3A_0, %add3A_891 : i32
    %jit3A_893 = arith.constant 4096 : i32
    %div3A_894 = arith.divsi %add3A_892, %jit3A_893 : i32
    %sign3A_895 = arith.constant 0 : i32
    %sign3A_896 = arith.cmpi sgt, %add3A_892, %sign3A_895 : i32
    %sign3A_897 = arith.extui %sign3A_896 : i1 to i32
    %sign3A_898 = arith.constant 0 : i32
    %sign3A_899 = arith.cmpi slt, %add3A_892, %sign3A_898 : i32
    %sign3A_900 = arith.extui %sign3A_899 : i1 to i32
    %sign3A_901 = arith.subi %sign3A_897, %sign3A_900 : i32
    %sign3A_902 = arith.constant 0 : i32
    %sign3A_903 = arith.cmpi sgt, %jit3A_893, %sign3A_902 : i32
    %sign3A_904 = arith.extui %sign3A_903 : i1 to i32
    %sign3A_905 = arith.constant 0 : i32
    %sign3A_906 = arith.cmpi slt, %jit3A_893, %sign3A_905 : i32
    %sign3A_907 = arith.extui %sign3A_906 : i1 to i32
    %sign3A_908 = arith.subi %sign3A_904, %sign3A_907 : i32
    %ne3A_909 = arith.cmpi ne, %sign3A_901, %sign3A_908 : i32
    %rem3A_910 = arith.remsi %add3A_892, %jit3A_893 : i32
    %ne3A_911 = arith.constant 0 : i32
    %ne3A_912 = arith.cmpi ne, %rem3A_910, %ne3A_911 : i32
    %and3A_913 = arith.andi %ne3A_909, %ne3A_912 : i1
    %sub3A_914 = arith.constant 1 : i32
    %sub3A_915 = arith.subi %div3A_894, %sub3A_914 : i32
    %select_n3A_916 = arith.select %and3A_913, %sub3A_915, %div3A_894 : i32
    %jit3A_917 = arith.constant 4096 : i32
    %eq3A_918 = arith.constant 0 : i32
    %eq3A_919 = arith.cmpi eq, %jit3A_917, %eq3A_918 : i32
    %jit3A_920 = arith.constant 1 : i32
    %select_n3A_921 = arith.select %eq3A_919, %jit3A_920, %jit3A_917 : i32
    %rem3A_922 = arith.remsi %add3A_892, %select_n3A_921 : i32
    %ne3A_923 = arith.constant 0 : i32
    %ne3A_924 = arith.cmpi ne, %rem3A_922, %ne3A_923 : i32
    %lt3A_925 = arith.constant 0 : i32
    %lt3A_926 = arith.cmpi slt, %rem3A_922, %lt3A_925 : i32
    %lt3A_927 = arith.constant 0 : i32
    %lt3A_928 = arith.cmpi slt, %select_n3A_921, %lt3A_927 : i32
    %ne3A_929 = arith.xori %lt3A_926, %lt3A_928 : i1
    %and3A_930 = arith.andi %ne3A_929, %ne3A_924 : i1
    %add3A_931 = arith.addi %rem3A_922, %select_n3A_921 : i32
    %select_n3A_932 = arith.select %and3A_930, %add3A_931, %rem3A_922 : i32
    %dma_start3A_933 = arith.constant 36864 : i32
    %dma_start3A_934 = tpu.memref_slice %arg5[%dma_start3A_933] : memref<51200xi32, #tpu.memory_space<vmem>> -> memref<2048xi32, #tpu.memory_space<vmem>>
    %dma_start3A_935 = tpu.memref_slice %arg3[%select_n3A_916, %select_n3A_932] : memref<200x4096xi32, #tpu.memory_space<hbm>> -> memref<1x2048xi32, #tpu.memory_space<hbm>>
    %dma_start3A_936 = tpu.memref_squeeze %dma_start3A_935 : memref<1x2048xi32, #tpu.memory_space<hbm>> -> memref<2048xi32, #tpu.memory_space<hbm>>
    %dma_start3A_937 = arith.constant 36864 : i32
    %dma_start3A_938 = tpu.memref_slice %arg5[%dma_start3A_937] : memref<51200xi32, #tpu.memory_space<vmem>> -> memref<2048xi32, #tpu.memory_space<vmem>>
    %dma_start3A_939 = tpu.memref_slice %arg3[%select_n3A_916, %select_n3A_932] : memref<200x4096xi32, #tpu.memory_space<hbm>> -> memref<1x2048xi32, #tpu.memory_space<hbm>>
    %dma_start3A_940 = tpu.memref_squeeze %dma_start3A_939 : memref<1x2048xi32, #tpu.memory_space<hbm>> -> memref<2048xi32, #tpu.memory_space<hbm>>
    tpu.enqueue_dma source(%dma_start3A_940 : memref<2048xi32, #tpu.memory_space<hbm>>) target(%dma_start3A_938 : memref<2048xi32, #tpu.memory_space<vmem>>) target_semaphore(%arg12 : memref<!tpu.dma_semaphore, #tpu.memory_space<semaphore_mem>>)
    %add3A_941 = arith.constant 38912 : i32
    %add3A_942 = arith.addi %mul3A_0, %add3A_941 : i32
    %jit3A_943 = arith.constant 4096 : i32
    %div3A_944 = arith.divsi %add3A_942, %jit3A_943 : i32
    %sign3A_945 = arith.constant 0 : i32
    %sign3A_946 = arith.cmpi sgt, %add3A_942, %sign3A_945 : i32
    %sign3A_947 = arith.extui %sign3A_946 : i1 to i32
    %sign3A_948 = arith.constant 0 : i32
    %sign3A_949 = arith.cmpi slt, %add3A_942, %sign3A_948 : i32
    %sign3A_950 = arith.extui %sign3A_949 : i1 to i32
    %sign3A_951 = arith.subi %sign3A_947, %sign3A_950 : i32
    %sign3A_952 = arith.constant 0 : i32
    %sign3A_953 = arith.cmpi sgt, %jit3A_943, %sign3A_952 : i32
    %sign3A_954 = arith.extui %sign3A_953 : i1 to i32
    %sign3A_955 = arith.constant 0 : i32
    %sign3A_956 = arith.cmpi slt, %jit3A_943, %sign3A_955 : i32
    %sign3A_957 = arith.extui %sign3A_956 : i1 to i32
    %sign3A_958 = arith.subi %sign3A_954, %sign3A_957 : i32
    %ne3A_959 = arith.cmpi ne, %sign3A_951, %sign3A_958 : i32
    %rem3A_960 = arith.remsi %add3A_942, %jit3A_943 : i32
    %ne3A_961 = arith.constant 0 : i32
    %ne3A_962 = arith.cmpi ne, %rem3A_960, %ne3A_961 : i32
    %and3A_963 = arith.andi %ne3A_959, %ne3A_962 : i1
    %sub3A_964 = arith.constant 1 : i32
    %sub3A_965 = arith.subi %div3A_944, %sub3A_964 : i32
    %select_n3A_966 = arith.select %and3A_963, %sub3A_965, %div3A_944 : i32
    %jit3A_967 = arith.constant 4096 : i32
    %eq3A_968 = arith.constant 0 : i32
    %eq3A_969 = arith.cmpi eq, %jit3A_967, %eq3A_968 : i32
    %jit3A_970 = arith.constant 1 : i32
    %select_n3A_971 = arith.select %eq3A_969, %jit3A_970, %jit3A_967 : i32
    %rem3A_972 = arith.remsi %add3A_942, %select_n3A_971 : i32
    %ne3A_973 = arith.constant 0 : i32
    %ne3A_974 = arith.cmpi ne, %rem3A_972, %ne3A_973 : i32
    %lt3A_975 = arith.constant 0 : i32
    %lt3A_976 = arith.cmpi slt, %rem3A_972, %lt3A_975 : i32
    %lt3A_977 = arith.constant 0 : i32
    %lt3A_978 = arith.cmpi slt, %select_n3A_971, %lt3A_977 : i32
    %ne3A_979 = arith.xori %lt3A_976, %lt3A_978 : i1
    %and3A_980 = arith.andi %ne3A_979, %ne3A_974 : i1
    %add3A_981 = arith.addi %rem3A_972, %select_n3A_971 : i32
    %select_n3A_982 = arith.select %and3A_980, %add3A_981, %rem3A_972 : i32
    %dma_start3A_983 = arith.constant 38912 : i32
    %dma_start3A_984 = tpu.memref_slice %arg5[%dma_start3A_983] : memref<51200xi32, #tpu.memory_space<vmem>> -> memref<2048xi32, #tpu.memory_space<vmem>>
    %dma_start3A_985 = tpu.memref_slice %arg3[%select_n3A_966, %select_n3A_982] : memref<200x4096xi32, #tpu.memory_space<hbm>> -> memref<1x2048xi32, #tpu.memory_space<hbm>>
    %dma_start3A_986 = tpu.memref_squeeze %dma_start3A_985 : memref<1x2048xi32, #tpu.memory_space<hbm>> -> memref<2048xi32, #tpu.memory_space<hbm>>
    %dma_start3A_987 = arith.constant 38912 : i32
    %dma_start3A_988 = tpu.memref_slice %arg5[%dma_start3A_987] : memref<51200xi32, #tpu.memory_space<vmem>> -> memref<2048xi32, #tpu.memory_space<vmem>>
    %dma_start3A_989 = tpu.memref_slice %arg3[%select_n3A_966, %select_n3A_982] : memref<200x4096xi32, #tpu.memory_space<hbm>> -> memref<1x2048xi32, #tpu.memory_space<hbm>>
    %dma_start3A_990 = tpu.memref_squeeze %dma_start3A_989 : memref<1x2048xi32, #tpu.memory_space<hbm>> -> memref<2048xi32, #tpu.memory_space<hbm>>
    tpu.enqueue_dma source(%dma_start3A_990 : memref<2048xi32, #tpu.memory_space<hbm>>) target(%dma_start3A_988 : memref<2048xi32, #tpu.memory_space<vmem>>) target_semaphore(%arg12 : memref<!tpu.dma_semaphore, #tpu.memory_space<semaphore_mem>>)
    %add3A_991 = arith.constant 40960 : i32
    %add3A_992 = arith.addi %mul3A_0, %add3A_991 : i32
    %jit3A_993 = arith.constant 4096 : i32
    %div3A_994 = arith.divsi %add3A_992, %jit3A_993 : i32
    %sign3A_995 = arith.constant 0 : i32
    %sign3A_996 = arith.cmpi sgt, %add3A_992, %sign3A_995 : i32
    %sign3A_997 = arith.extui %sign3A_996 : i1 to i32
    %sign3A_998 = arith.constant 0 : i32
    %sign3A_999 = arith.cmpi slt, %add3A_992, %sign3A_998 : i32
    %sign3A_1000 = arith.extui %sign3A_999 : i1 to i32
    %sign3A_1001 = arith.subi %sign3A_997, %sign3A_1000 : i32
    %sign3A_1002 = arith.constant 0 : i32
    %sign3A_1003 = arith.cmpi sgt, %jit3A_993, %sign3A_1002 : i32
    %sign3A_1004 = arith.extui %sign3A_1003 : i1 to i32
    %sign3A_1005 = arith.constant 0 : i32
    %sign3A_1006 = arith.cmpi slt, %jit3A_993, %sign3A_1005 : i32
    %sign3A_1007 = arith.extui %sign3A_1006 : i1 to i32
    %sign3A_1008 = arith.subi %sign3A_1004, %sign3A_1007 : i32
    %ne3A_1009 = arith.cmpi ne, %sign3A_1001, %sign3A_1008 : i32
    %rem3A_1010 = arith.remsi %add3A_992, %jit3A_993 : i32
    %ne3A_1011 = arith.constant 0 : i32
    %ne3A_1012 = arith.cmpi ne, %rem3A_1010, %ne3A_1011 : i32
    %and3A_1013 = arith.andi %ne3A_1009, %ne3A_1012 : i1
    %sub3A_1014 = arith.constant 1 : i32
    %sub3A_1015 = arith.subi %div3A_994, %sub3A_1014 : i32
    %select_n3A_1016 = arith.select %and3A_1013, %sub3A_1015, %div3A_994 : i32
    %jit3A_1017 = arith.constant 4096 : i32
    %eq3A_1018 = arith.constant 0 : i32
    %eq3A_1019 = arith.cmpi eq, %jit3A_1017, %eq3A_1018 : i32
    %jit3A_1020 = arith.constant 1 : i32
    %select_n3A_1021 = arith.select %eq3A_1019, %jit3A_1020, %jit3A_1017 : i32
    %rem3A_1022 = arith.remsi %add3A_992, %select_n3A_1021 : i32
    %ne3A_1023 = arith.constant 0 : i32
    %ne3A_1024 = arith.cmpi ne, %rem3A_1022, %ne3A_1023 : i32
    %lt3A_1025 = arith.constant 0 : i32
    %lt3A_1026 = arith.cmpi slt, %rem3A_1022, %lt3A_1025 : i32
    %lt3A_1027 = arith.constant 0 : i32
    %lt3A_1028 = arith.cmpi slt, %select_n3A_1021, %lt3A_1027 : i32
    %ne3A_1029 = arith.xori %lt3A_1026, %lt3A_1028 : i1
    %and3A_1030 = arith.andi %ne3A_1029, %ne3A_1024 : i1
    %add3A_1031 = arith.addi %rem3A_1022, %select_n3A_1021 : i32
    %select_n3A_1032 = arith.select %and3A_1030, %add3A_1031, %rem3A_1022 : i32
    %dma_start3A_1033 = arith.constant 40960 : i32
    %dma_start3A_1034 = tpu.memref_slice %arg5[%dma_start3A_1033] : memref<51200xi32, #tpu.memory_space<vmem>> -> memref<2048xi32, #tpu.memory_space<vmem>>
    %dma_start3A_1035 = tpu.memref_slice %arg3[%select_n3A_1016, %select_n3A_1032] : memref<200x4096xi32, #tpu.memory_space<hbm>> -> memref<1x2048xi32, #tpu.memory_space<hbm>>
    %dma_start3A_1036 = tpu.memref_squeeze %dma_start3A_1035 : memref<1x2048xi32, #tpu.memory_space<hbm>> -> memref<2048xi32, #tpu.memory_space<hbm>>
    %dma_start3A_1037 = arith.constant 40960 : i32
    %dma_start3A_1038 = tpu.memref_slice %arg5[%dma_start3A_1037] : memref<51200xi32, #tpu.memory_space<vmem>> -> memref<2048xi32, #tpu.memory_space<vmem>>
    %dma_start3A_1039 = tpu.memref_slice %arg3[%select_n3A_1016, %select_n3A_1032] : memref<200x4096xi32, #tpu.memory_space<hbm>> -> memref<1x2048xi32, #tpu.memory_space<hbm>>
    %dma_start3A_1040 = tpu.memref_squeeze %dma_start3A_1039 : memref<1x2048xi32, #tpu.memory_space<hbm>> -> memref<2048xi32, #tpu.memory_space<hbm>>
    tpu.enqueue_dma source(%dma_start3A_1040 : memref<2048xi32, #tpu.memory_space<hbm>>) target(%dma_start3A_1038 : memref<2048xi32, #tpu.memory_space<vmem>>) target_semaphore(%arg12 : memref<!tpu.dma_semaphore, #tpu.memory_space<semaphore_mem>>)
    %add3A_1041 = arith.constant 43008 : i32
    %add3A_1042 = arith.addi %mul3A_0, %add3A_1041 : i32
    %jit3A_1043 = arith.constant 4096 : i32
    %div3A_1044 = arith.divsi %add3A_1042, %jit3A_1043 : i32
    %sign3A_1045 = arith.constant 0 : i32
    %sign3A_1046 = arith.cmpi sgt, %add3A_1042, %sign3A_1045 : i32
    %sign3A_1047 = arith.extui %sign3A_1046 : i1 to i32
    %sign3A_1048 = arith.constant 0 : i32
    %sign3A_1049 = arith.cmpi slt, %add3A_1042, %sign3A_1048 : i32
    %sign3A_1050 = arith.extui %sign3A_1049 : i1 to i32
    %sign3A_1051 = arith.subi %sign3A_1047, %sign3A_1050 : i32
    %sign3A_1052 = arith.constant 0 : i32
    %sign3A_1053 = arith.cmpi sgt, %jit3A_1043, %sign3A_1052 : i32
    %sign3A_1054 = arith.extui %sign3A_1053 : i1 to i32
    %sign3A_1055 = arith.constant 0 : i32
    %sign3A_1056 = arith.cmpi slt, %jit3A_1043, %sign3A_1055 : i32
    %sign3A_1057 = arith.extui %sign3A_1056 : i1 to i32
    %sign3A_1058 = arith.subi %sign3A_1054, %sign3A_1057 : i32
    %ne3A_1059 = arith.cmpi ne, %sign3A_1051, %sign3A_1058 : i32
    %rem3A_1060 = arith.remsi %add3A_1042, %jit3A_1043 : i32
    %ne3A_1061 = arith.constant 0 : i32
    %ne3A_1062 = arith.cmpi ne, %rem3A_1060, %ne3A_1061 : i32
    %and3A_1063 = arith.andi %ne3A_1059, %ne3A_1062 : i1
    %sub3A_1064 = arith.constant 1 : i32
    %sub3A_1065 = arith.subi %div3A_1044, %sub3A_1064 : i32
    %select_n3A_1066 = arith.select %and3A_1063, %sub3A_1065, %div3A_1044 : i32
    %jit3A_1067 = arith.constant 4096 : i32
    %eq3A_1068 = arith.constant 0 : i32
    %eq3A_1069 = arith.cmpi eq, %jit3A_1067, %eq3A_1068 : i32
    %jit3A_1070 = arith.constant 1 : i32
    %select_n3A_1071 = arith.select %eq3A_1069, %jit3A_1070, %jit3A_1067 : i32
    %rem3A_1072 = arith.remsi %add3A_1042, %select_n3A_1071 : i32
    %ne3A_1073 = arith.constant 0 : i32
    %ne3A_1074 = arith.cmpi ne, %rem3A_1072, %ne3A_1073 : i32
    %lt3A_1075 = arith.constant 0 : i32
    %lt3A_1076 = arith.cmpi slt, %rem3A_1072, %lt3A_1075 : i32
    %lt3A_1077 = arith.constant 0 : i32
    %lt3A_1078 = arith.cmpi slt, %select_n3A_1071, %lt3A_1077 : i32
    %ne3A_1079 = arith.xori %lt3A_1076, %lt3A_1078 : i1
    %and3A_1080 = arith.andi %ne3A_1079, %ne3A_1074 : i1
    %add3A_1081 = arith.addi %rem3A_1072, %select_n3A_1071 : i32
    %select_n3A_1082 = arith.select %and3A_1080, %add3A_1081, %rem3A_1072 : i32
    %dma_start3A_1083 = arith.constant 43008 : i32
    %dma_start3A_1084 = tpu.memref_slice %arg5[%dma_start3A_1083] : memref<51200xi32, #tpu.memory_space<vmem>> -> memref<2048xi32, #tpu.memory_space<vmem>>
    %dma_start3A_1085 = tpu.memref_slice %arg3[%select_n3A_1066, %select_n3A_1082] : memref<200x4096xi32, #tpu.memory_space<hbm>> -> memref<1x2048xi32, #tpu.memory_space<hbm>>
    %dma_start3A_1086 = tpu.memref_squeeze %dma_start3A_1085 : memref<1x2048xi32, #tpu.memory_space<hbm>> -> memref<2048xi32, #tpu.memory_space<hbm>>
    %dma_start3A_1087 = arith.constant 43008 : i32
    %dma_start3A_1088 = tpu.memref_slice %arg5[%dma_start3A_1087] : memref<51200xi32, #tpu.memory_space<vmem>> -> memref<2048xi32, #tpu.memory_space<vmem>>
    %dma_start3A_1089 = tpu.memref_slice %arg3[%select_n3A_1066, %select_n3A_1082] : memref<200x4096xi32, #tpu.memory_space<hbm>> -> memref<1x2048xi32, #tpu.memory_space<hbm>>
    %dma_start3A_1090 = tpu.memref_squeeze %dma_start3A_1089 : memref<1x2048xi32, #tpu.memory_space<hbm>> -> memref<2048xi32, #tpu.memory_space<hbm>>
    tpu.enqueue_dma source(%dma_start3A_1090 : memref<2048xi32, #tpu.memory_space<hbm>>) target(%dma_start3A_1088 : memref<2048xi32, #tpu.memory_space<vmem>>) target_semaphore(%arg12 : memref<!tpu.dma_semaphore, #tpu.memory_space<semaphore_mem>>)
    %add3A_1091 = arith.constant 45056 : i32
    %add3A_1092 = arith.addi %mul3A_0, %add3A_1091 : i32
    %jit3A_1093 = arith.constant 4096 : i32
    %div3A_1094 = arith.divsi %add3A_1092, %jit3A_1093 : i32
    %sign3A_1095 = arith.constant 0 : i32
    %sign3A_1096 = arith.cmpi sgt, %add3A_1092, %sign3A_1095 : i32
    %sign3A_1097 = arith.extui %sign3A_1096 : i1 to i32
    %sign3A_1098 = arith.constant 0 : i32
    %sign3A_1099 = arith.cmpi slt, %add3A_1092, %sign3A_1098 : i32
    %sign3A_1100 = arith.extui %sign3A_1099 : i1 to i32
    %sign3A_1101 = arith.subi %sign3A_1097, %sign3A_1100 : i32
    %sign3A_1102 = arith.constant 0 : i32
    %sign3A_1103 = arith.cmpi sgt, %jit3A_1093, %sign3A_1102 : i32
    %sign3A_1104 = arith.extui %sign3A_1103 : i1 to i32
    %sign3A_1105 = arith.constant 0 : i32
    %sign3A_1106 = arith.cmpi slt, %jit3A_1093, %sign3A_1105 : i32
    %sign3A_1107 = arith.extui %sign3A_1106 : i1 to i32
    %sign3A_1108 = arith.subi %sign3A_1104, %sign3A_1107 : i32
    %ne3A_1109 = arith.cmpi ne, %sign3A_1101, %sign3A_1108 : i32
    %rem3A_1110 = arith.remsi %add3A_1092, %jit3A_1093 : i32
    %ne3A_1111 = arith.constant 0 : i32
    %ne3A_1112 = arith.cmpi ne, %rem3A_1110, %ne3A_1111 : i32
    %and3A_1113 = arith.andi %ne3A_1109, %ne3A_1112 : i1
    %sub3A_1114 = arith.constant 1 : i32
    %sub3A_1115 = arith.subi %div3A_1094, %sub3A_1114 : i32
    %select_n3A_1116 = arith.select %and3A_1113, %sub3A_1115, %div3A_1094 : i32
    %jit3A_1117 = arith.constant 4096 : i32
    %eq3A_1118 = arith.constant 0 : i32
    %eq3A_1119 = arith.cmpi eq, %jit3A_1117, %eq3A_1118 : i32
    %jit3A_1120 = arith.constant 1 : i32
    %select_n3A_1121 = arith.select %eq3A_1119, %jit3A_1120, %jit3A_1117 : i32
    %rem3A_1122 = arith.remsi %add3A_1092, %select_n3A_1121 : i32
    %ne3A_1123 = arith.constant 0 : i32
    %ne3A_1124 = arith.cmpi ne, %rem3A_1122, %ne3A_1123 : i32
    %lt3A_1125 = arith.constant 0 : i32
    %lt3A_1126 = arith.cmpi slt, %rem3A_1122, %lt3A_1125 : i32
    %lt3A_1127 = arith.constant 0 : i32
    %lt3A_1128 = arith.cmpi slt, %select_n3A_1121, %lt3A_1127 : i32
    %ne3A_1129 = arith.xori %lt3A_1126, %lt3A_1128 : i1
    %and3A_1130 = arith.andi %ne3A_1129, %ne3A_1124 : i1
    %add3A_1131 = arith.addi %rem3A_1122, %select_n3A_1121 : i32
    %select_n3A_1132 = arith.select %and3A_1130, %add3A_1131, %rem3A_1122 : i32
    %dma_start3A_1133 = arith.constant 45056 : i32
    %dma_start3A_1134 = tpu.memref_slice %arg5[%dma_start3A_1133] : memref<51200xi32, #tpu.memory_space<vmem>> -> memref<2048xi32, #tpu.memory_space<vmem>>
    %dma_start3A_1135 = tpu.memref_slice %arg3[%select_n3A_1116, %select_n3A_1132] : memref<200x4096xi32, #tpu.memory_space<hbm>> -> memref<1x2048xi32, #tpu.memory_space<hbm>>
    %dma_start3A_1136 = tpu.memref_squeeze %dma_start3A_1135 : memref<1x2048xi32, #tpu.memory_space<hbm>> -> memref<2048xi32, #tpu.memory_space<hbm>>
    %dma_start3A_1137 = arith.constant 45056 : i32
    %dma_start3A_1138 = tpu.memref_slice %arg5[%dma_start3A_1137] : memref<51200xi32, #tpu.memory_space<vmem>> -> memref<2048xi32, #tpu.memory_space<vmem>>
    %dma_start3A_1139 = tpu.memref_slice %arg3[%select_n3A_1116, %select_n3A_1132] : memref<200x4096xi32, #tpu.memory_space<hbm>> -> memref<1x2048xi32, #tpu.memory_space<hbm>>
    %dma_start3A_1140 = tpu.memref_squeeze %dma_start3A_1139 : memref<1x2048xi32, #tpu.memory_space<hbm>> -> memref<2048xi32, #tpu.memory_space<hbm>>
    tpu.enqueue_dma source(%dma_start3A_1140 : memref<2048xi32, #tpu.memory_space<hbm>>) target(%dma_start3A_1138 : memref<2048xi32, #tpu.memory_space<vmem>>) target_semaphore(%arg12 : memref<!tpu.dma_semaphore, #tpu.memory_space<semaphore_mem>>)
    %add3A_1141 = arith.constant 47104 : i32
    %add3A_1142 = arith.addi %mul3A_0, %add3A_1141 : i32
    %jit3A_1143 = arith.constant 4096 : i32
    %div3A_1144 = arith.divsi %add3A_1142, %jit3A_1143 : i32
    %sign3A_1145 = arith.constant 0 : i32
    %sign3A_1146 = arith.cmpi sgt, %add3A_1142, %sign3A_1145 : i32
    %sign3A_1147 = arith.extui %sign3A_1146 : i1 to i32
    %sign3A_1148 = arith.constant 0 : i32
    %sign3A_1149 = arith.cmpi slt, %add3A_1142, %sign3A_1148 : i32
    %sign3A_1150 = arith.extui %sign3A_1149 : i1 to i32
    %sign3A_1151 = arith.subi %sign3A_1147, %sign3A_1150 : i32
    %sign3A_1152 = arith.constant 0 : i32
    %sign3A_1153 = arith.cmpi sgt, %jit3A_1143, %sign3A_1152 : i32
    %sign3A_1154 = arith.extui %sign3A_1153 : i1 to i32
    %sign3A_1155 = arith.constant 0 : i32
    %sign3A_1156 = arith.cmpi slt, %jit3A_1143, %sign3A_1155 : i32
    %sign3A_1157 = arith.extui %sign3A_1156 : i1 to i32
    %sign3A_1158 = arith.subi %sign3A_1154, %sign3A_1157 : i32
    %ne3A_1159 = arith.cmpi ne, %sign3A_1151, %sign3A_1158 : i32
    %rem3A_1160 = arith.remsi %add3A_1142, %jit3A_1143 : i32
    %ne3A_1161 = arith.constant 0 : i32
    %ne3A_1162 = arith.cmpi ne, %rem3A_1160, %ne3A_1161 : i32
    %and3A_1163 = arith.andi %ne3A_1159, %ne3A_1162 : i1
    %sub3A_1164 = arith.constant 1 : i32
    %sub3A_1165 = arith.subi %div3A_1144, %sub3A_1164 : i32
    %select_n3A_1166 = arith.select %and3A_1163, %sub3A_1165, %div3A_1144 : i32
    %jit3A_1167 = arith.constant 4096 : i32
    %eq3A_1168 = arith.constant 0 : i32
    %eq3A_1169 = arith.cmpi eq, %jit3A_1167, %eq3A_1168 : i32
    %jit3A_1170 = arith.constant 1 : i32
    %select_n3A_1171 = arith.select %eq3A_1169, %jit3A_1170, %jit3A_1167 : i32
    %rem3A_1172 = arith.remsi %add3A_1142, %select_n3A_1171 : i32
    %ne3A_1173 = arith.constant 0 : i32
    %ne3A_1174 = arith.cmpi ne, %rem3A_1172, %ne3A_1173 : i32
    %lt3A_1175 = arith.constant 0 : i32
    %lt3A_1176 = arith.cmpi slt, %rem3A_1172, %lt3A_1175 : i32
    %lt3A_1177 = arith.constant 0 : i32
    %lt3A_1178 = arith.cmpi slt, %select_n3A_1171, %lt3A_1177 : i32
    %ne3A_1179 = arith.xori %lt3A_1176, %lt3A_1178 : i1
    %and3A_1180 = arith.andi %ne3A_1179, %ne3A_1174 : i1
    %add3A_1181 = arith.addi %rem3A_1172, %select_n3A_1171 : i32
    %select_n3A_1182 = arith.select %and3A_1180, %add3A_1181, %rem3A_1172 : i32
    %dma_start3A_1183 = arith.constant 47104 : i32
    %dma_start3A_1184 = tpu.memref_slice %arg5[%dma_start3A_1183] : memref<51200xi32, #tpu.memory_space<vmem>> -> memref<2048xi32, #tpu.memory_space<vmem>>
    %dma_start3A_1185 = tpu.memref_slice %arg3[%select_n3A_1166, %select_n3A_1182] : memref<200x4096xi32, #tpu.memory_space<hbm>> -> memref<1x2048xi32, #tpu.memory_space<hbm>>
    %dma_start3A_1186 = tpu.memref_squeeze %dma_start3A_1185 : memref<1x2048xi32, #tpu.memory_space<hbm>> -> memref<2048xi32, #tpu.memory_space<hbm>>
    %dma_start3A_1187 = arith.constant 47104 : i32
    %dma_start3A_1188 = tpu.memref_slice %arg5[%dma_start3A_1187] : memref<51200xi32, #tpu.memory_space<vmem>> -> memref<2048xi32, #tpu.memory_space<vmem>>
    %dma_start3A_1189 = tpu.memref_slice %arg3[%select_n3A_1166, %select_n3A_1182] : memref<200x4096xi32, #tpu.memory_space<hbm>> -> memref<1x2048xi32, #tpu.memory_space<hbm>>
    %dma_start3A_1190 = tpu.memref_squeeze %dma_start3A_1189 : memref<1x2048xi32, #tpu.memory_space<hbm>> -> memref<2048xi32, #tpu.memory_space<hbm>>
    tpu.enqueue_dma source(%dma_start3A_1190 : memref<2048xi32, #tpu.memory_space<hbm>>) target(%dma_start3A_1188 : memref<2048xi32, #tpu.memory_space<vmem>>) target_semaphore(%arg12 : memref<!tpu.dma_semaphore, #tpu.memory_space<semaphore_mem>>)
    %add3A_1191 = arith.constant 49152 : i32
    %add3A_1192 = arith.addi %mul3A_0, %add3A_1191 : i32
    %jit3A_1193 = arith.constant 4096 : i32
    %div3A_1194 = arith.divsi %add3A_1192, %jit3A_1193 : i32
    %sign3A_1195 = arith.constant 0 : i32
    %sign3A_1196 = arith.cmpi sgt, %add3A_1192, %sign3A_1195 : i32
    %sign3A_1197 = arith.extui %sign3A_1196 : i1 to i32
    %sign3A_1198 = arith.constant 0 : i32
    %sign3A_1199 = arith.cmpi slt, %add3A_1192, %sign3A_1198 : i32
    %sign3A_1200 = arith.extui %sign3A_1199 : i1 to i32
    %sign3A_1201 = arith.subi %sign3A_1197, %sign3A_1200 : i32
    %sign3A_1202 = arith.constant 0 : i32
    %sign3A_1203 = arith.cmpi sgt, %jit3A_1193, %sign3A_1202 : i32
    %sign3A_1204 = arith.extui %sign3A_1203 : i1 to i32
    %sign3A_1205 = arith.constant 0 : i32
    %sign3A_1206 = arith.cmpi slt, %jit3A_1193, %sign3A_1205 : i32
    %sign3A_1207 = arith.extui %sign3A_1206 : i1 to i32
    %sign3A_1208 = arith.subi %sign3A_1204, %sign3A_1207 : i32
    %ne3A_1209 = arith.cmpi ne, %sign3A_1201, %sign3A_1208 : i32
    %rem3A_1210 = arith.remsi %add3A_1192, %jit3A_1193 : i32
    %ne3A_1211 = arith.constant 0 : i32
    %ne3A_1212 = arith.cmpi ne, %rem3A_1210, %ne3A_1211 : i32
    %and3A_1213 = arith.andi %ne3A_1209, %ne3A_1212 : i1
    %sub3A_1214 = arith.constant 1 : i32
    %sub3A_1215 = arith.subi %div3A_1194, %sub3A_1214 : i32
    %select_n3A_1216 = arith.select %and3A_1213, %sub3A_1215, %div3A_1194 : i32
    %jit3A_1217 = arith.constant 4096 : i32
    %eq3A_1218 = arith.constant 0 : i32
    %eq3A_1219 = arith.cmpi eq, %jit3A_1217, %eq3A_1218 : i32
    %jit3A_1220 = arith.constant 1 : i32
    %select_n3A_1221 = arith.select %eq3A_1219, %jit3A_1220, %jit3A_1217 : i32
    %rem3A_1222 = arith.remsi %add3A_1192, %select_n3A_1221 : i32
    %ne3A_1223 = arith.constant 0 : i32
    %ne3A_1224 = arith.cmpi ne, %rem3A_1222, %ne3A_1223 : i32
    %lt3A_1225 = arith.constant 0 : i32
    %lt3A_1226 = arith.cmpi slt, %rem3A_1222, %lt3A_1225 : i32
    %lt3A_1227 = arith.constant 0 : i32
    %lt3A_1228 = arith.cmpi slt, %select_n3A_1221, %lt3A_1227 : i32
    %ne3A_1229 = arith.xori %lt3A_1226, %lt3A_1228 : i1
    %and3A_1230 = arith.andi %ne3A_1229, %ne3A_1224 : i1
    %add3A_1231 = arith.addi %rem3A_1222, %select_n3A_1221 : i32
    %select_n3A_1232 = arith.select %and3A_1230, %add3A_1231, %rem3A_1222 : i32
    %dma_start3A_1233 = arith.constant 49152 : i32
    %dma_start3A_1234 = tpu.memref_slice %arg5[%dma_start3A_1233] : memref<51200xi32, #tpu.memory_space<vmem>> -> memref<2048xi32, #tpu.memory_space<vmem>>
    %dma_start3A_1235 = tpu.memref_slice %arg3[%select_n3A_1216, %select_n3A_1232] : memref<200x4096xi32, #tpu.memory_space<hbm>> -> memref<1x2048xi32, #tpu.memory_space<hbm>>
    %dma_start3A_1236 = tpu.memref_squeeze %dma_start3A_1235 : memref<1x2048xi32, #tpu.memory_space<hbm>> -> memref<2048xi32, #tpu.memory_space<hbm>>
    %dma_start3A_1237 = arith.constant 49152 : i32
    %dma_start3A_1238 = tpu.memref_slice %arg5[%dma_start3A_1237] : memref<51200xi32, #tpu.memory_space<vmem>> -> memref<2048xi32, #tpu.memory_space<vmem>>
    %dma_start3A_1239 = tpu.memref_slice %arg3[%select_n3A_1216, %select_n3A_1232] : memref<200x4096xi32, #tpu.memory_space<hbm>> -> memref<1x2048xi32, #tpu.memory_space<hbm>>
    %dma_start3A_1240 = tpu.memref_squeeze %dma_start3A_1239 : memref<1x2048xi32, #tpu.memory_space<hbm>> -> memref<2048xi32, #tpu.memory_space<hbm>>
    tpu.enqueue_dma source(%dma_start3A_1240 : memref<2048xi32, #tpu.memory_space<hbm>>) target(%dma_start3A_1238 : memref<2048xi32, #tpu.memory_space<vmem>>) target_semaphore(%arg12 : memref<!tpu.dma_semaphore, #tpu.memory_space<semaphore_mem>>)
    %add3A_1241 = arith.constant 0 : i32
    %add3A_1242 = arith.addi %mul3A_0, %add3A_1241 : i32
    %jit3A_1243 = arith.constant 4096 : i32
    %div3A_1244 = arith.divsi %add3A_1242, %jit3A_1243 : i32
    %sign3A_1245 = arith.constant 0 : i32
    %sign3A_1246 = arith.cmpi sgt, %add3A_1242, %sign3A_1245 : i32
    %sign3A_1247 = arith.extui %sign3A_1246 : i1 to i32
    %sign3A_1248 = arith.constant 0 : i32
    %sign3A_1249 = arith.cmpi slt, %add3A_1242, %sign3A_1248 : i32
    %sign3A_1250 = arith.extui %sign3A_1249 : i1 to i32
    %sign3A_1251 = arith.subi %sign3A_1247, %sign3A_1250 : i32
    %sign3A_1252 = arith.constant 0 : i32
    %sign3A_1253 = arith.cmpi sgt, %jit3A_1243, %sign3A_1252 : i32
    %sign3A_1254 = arith.extui %sign3A_1253 : i1 to i32
    %sign3A_1255 = arith.constant 0 : i32
    %sign3A_1256 = arith.cmpi slt, %jit3A_1243, %sign3A_1255 : i32
    %sign3A_1257 = arith.extui %sign3A_1256 : i1 to i32
    %sign3A_1258 = arith.subi %sign3A_1254, %sign3A_1257 : i32
    %ne3A_1259 = arith.cmpi ne, %sign3A_1251, %sign3A_1258 : i32
    %rem3A_1260 = arith.remsi %add3A_1242, %jit3A_1243 : i32
    %ne3A_1261 = arith.constant 0 : i32
    %ne3A_1262 = arith.cmpi ne, %rem3A_1260, %ne3A_1261 : i32
    %and3A_1263 = arith.andi %ne3A_1259, %ne3A_1262 : i1
    %sub3A_1264 = arith.constant 1 : i32
    %sub3A_1265 = arith.subi %div3A_1244, %sub3A_1264 : i32
    %select_n3A_1266 = arith.select %and3A_1263, %sub3A_1265, %div3A_1244 : i32
    %jit3A_1267 = arith.constant 4096 : i32
    %eq3A_1268 = arith.constant 0 : i32
    %eq3A_1269 = arith.cmpi eq, %jit3A_1267, %eq3A_1268 : i32
    %jit3A_1270 = arith.constant 1 : i32
    %select_n3A_1271 = arith.select %eq3A_1269, %jit3A_1270, %jit3A_1267 : i32
    %rem3A_1272 = arith.remsi %add3A_1242, %select_n3A_1271 : i32
    %ne3A_1273 = arith.constant 0 : i32
    %ne3A_1274 = arith.cmpi ne, %rem3A_1272, %ne3A_1273 : i32
    %lt3A_1275 = arith.constant 0 : i32
    %lt3A_1276 = arith.cmpi slt, %rem3A_1272, %lt3A_1275 : i32
    %lt3A_1277 = arith.constant 0 : i32
    %lt3A_1278 = arith.cmpi slt, %select_n3A_1271, %lt3A_1277 : i32
    %ne3A_1279 = arith.xori %lt3A_1276, %lt3A_1278 : i1
    %and3A_1280 = arith.andi %ne3A_1279, %ne3A_1274 : i1
    %add3A_1281 = arith.addi %rem3A_1272, %select_n3A_1271 : i32
    %select_n3A_1282 = arith.select %and3A_1280, %add3A_1281, %rem3A_1272 : i32
    %dma_wait3A = arith.constant 0 : i32
    %dma_wait3A_1283 = tpu.memref_slice %arg5[%dma_wait3A] : memref<51200xi32, #tpu.memory_space<vmem>> -> memref<2048xi32, #tpu.memory_space<vmem>>
    %dma_wait3A_1284 = tpu.memref_slice %arg3[%select_n3A_1266, %select_n3A_1282] : memref<200x4096xi32, #tpu.memory_space<hbm>> -> memref<1x2048xi32, #tpu.memory_space<hbm>>
    %dma_wait3A_1285 = tpu.memref_squeeze %dma_wait3A_1284 : memref<1x2048xi32, #tpu.memory_space<hbm>> -> memref<2048xi32, #tpu.memory_space<hbm>>
    %dma_wait3A_1286 = arith.constant 0 : i32
    %dma_wait3A_1287 = tpu.memref_slice %arg5[%dma_wait3A_1286] : memref<51200xi32, #tpu.memory_space<vmem>> -> memref<2048xi32, #tpu.memory_space<vmem>>
    %dma_wait3A_1288 = tpu.memref_slice %arg3[%select_n3A_1266, %select_n3A_1282] : memref<200x4096xi32, #tpu.memory_space<hbm>> -> memref<1x2048xi32, #tpu.memory_space<hbm>>
    %dma_wait3A_1289 = tpu.memref_squeeze %dma_wait3A_1288 : memref<1x2048xi32, #tpu.memory_space<hbm>> -> memref<2048xi32, #tpu.memory_space<hbm>>
    tpu.wait_dma2 semaphore(%arg12 : memref<!tpu.dma_semaphore, #tpu.memory_space<semaphore_mem>>) src(%dma_wait3A_1289 : memref<2048xi32, #tpu.memory_space<hbm>>) dst(%dma_wait3A_1287 : memref<2048xi32, #tpu.memory_space<vmem>>)
    %add3A_1290 = arith.constant 2048 : i32
    %add3A_1291 = arith.addi %mul3A_0, %add3A_1290 : i32
    %jit3A_1292 = arith.constant 4096 : i32
    %div3A_1293 = arith.divsi %add3A_1291, %jit3A_1292 : i32
    %sign3A_1294 = arith.constant 0 : i32
    %sign3A_1295 = arith.cmpi sgt, %add3A_1291, %sign3A_1294 : i32
    %sign3A_1296 = arith.extui %sign3A_1295 : i1 to i32
    %sign3A_1297 = arith.constant 0 : i32
    %sign3A_1298 = arith.cmpi slt, %add3A_1291, %sign3A_1297 : i32
    %sign3A_1299 = arith.extui %sign3A_1298 : i1 to i32
    %sign3A_1300 = arith.subi %sign3A_1296, %sign3A_1299 : i32
    %sign3A_1301 = arith.constant 0 : i32
    %sign3A_1302 = arith.cmpi sgt, %jit3A_1292, %sign3A_1301 : i32
    %sign3A_1303 = arith.extui %sign3A_1302 : i1 to i32
    %sign3A_1304 = arith.constant 0 : i32
    %sign3A_1305 = arith.cmpi slt, %jit3A_1292, %sign3A_1304 : i32
    %sign3A_1306 = arith.extui %sign3A_1305 : i1 to i32
    %sign3A_1307 = arith.subi %sign3A_1303, %sign3A_1306 : i32
    %ne3A_1308 = arith.cmpi ne, %sign3A_1300, %sign3A_1307 : i32
    %rem3A_1309 = arith.remsi %add3A_1291, %jit3A_1292 : i32
    %ne3A_1310 = arith.constant 0 : i32
    %ne3A_1311 = arith.cmpi ne, %rem3A_1309, %ne3A_1310 : i32
    %and3A_1312 = arith.andi %ne3A_1308, %ne3A_1311 : i1
    %sub3A_1313 = arith.constant 1 : i32
    %sub3A_1314 = arith.subi %div3A_1293, %sub3A_1313 : i32
    %select_n3A_1315 = arith.select %and3A_1312, %sub3A_1314, %div3A_1293 : i32
    %jit3A_1316 = arith.constant 4096 : i32
    %eq3A_1317 = arith.constant 0 : i32
    %eq3A_1318 = arith.cmpi eq, %jit3A_1316, %eq3A_1317 : i32
    %jit3A_1319 = arith.constant 1 : i32
    %select_n3A_1320 = arith.select %eq3A_1318, %jit3A_1319, %jit3A_1316 : i32
    %rem3A_1321 = arith.remsi %add3A_1291, %select_n3A_1320 : i32
    %ne3A_1322 = arith.constant 0 : i32
    %ne3A_1323 = arith.cmpi ne, %rem3A_1321, %ne3A_1322 : i32
    %lt3A_1324 = arith.constant 0 : i32
    %lt3A_1325 = arith.cmpi slt, %rem3A_1321, %lt3A_1324 : i32
    %lt3A_1326 = arith.constant 0 : i32
    %lt3A_1327 = arith.cmpi slt, %select_n3A_1320, %lt3A_1326 : i32
    %ne3A_1328 = arith.xori %lt3A_1325, %lt3A_1327 : i1
    %and3A_1329 = arith.andi %ne3A_1328, %ne3A_1323 : i1
    %add3A_1330 = arith.addi %rem3A_1321, %select_n3A_1320 : i32
    %select_n3A_1331 = arith.select %and3A_1329, %add3A_1330, %rem3A_1321 : i32
    %dma_wait3A_1332 = arith.constant 2048 : i32
    %dma_wait3A_1333 = tpu.memref_slice %arg5[%dma_wait3A_1332] : memref<51200xi32, #tpu.memory_space<vmem>> -> memref<2048xi32, #tpu.memory_space<vmem>>
    %dma_wait3A_1334 = tpu.memref_slice %arg3[%select_n3A_1315, %select_n3A_1331] : memref<200x4096xi32, #tpu.memory_space<hbm>> -> memref<1x2048xi32, #tpu.memory_space<hbm>>
    %dma_wait3A_1335 = tpu.memref_squeeze %dma_wait3A_1334 : memref<1x2048xi32, #tpu.memory_space<hbm>> -> memref<2048xi32, #tpu.memory_space<hbm>>
    %dma_wait3A_1336 = arith.constant 2048 : i32
    %dma_wait3A_1337 = tpu.memref_slice %arg5[%dma_wait3A_1336] : memref<51200xi32, #tpu.memory_space<vmem>> -> memref<2048xi32, #tpu.memory_space<vmem>>
    %dma_wait3A_1338 = tpu.memref_slice %arg3[%select_n3A_1315, %select_n3A_1331] : memref<200x4096xi32, #tpu.memory_space<hbm>> -> memref<1x2048xi32, #tpu.memory_space<hbm>>
    %dma_wait3A_1339 = tpu.memref_squeeze %dma_wait3A_1338 : memref<1x2048xi32, #tpu.memory_space<hbm>> -> memref<2048xi32, #tpu.memory_space<hbm>>
    tpu.wait_dma2 semaphore(%arg12 : memref<!tpu.dma_semaphore, #tpu.memory_space<semaphore_mem>>) src(%dma_wait3A_1339 : memref<2048xi32, #tpu.memory_space<hbm>>) dst(%dma_wait3A_1337 : memref<2048xi32, #tpu.memory_space<vmem>>)
    %add3A_1340 = arith.constant 4096 : i32
    %add3A_1341 = arith.addi %mul3A_0, %add3A_1340 : i32
    %jit3A_1342 = arith.constant 4096 : i32
    %div3A_1343 = arith.divsi %add3A_1341, %jit3A_1342 : i32
    %sign3A_1344 = arith.constant 0 : i32
    %sign3A_1345 = arith.cmpi sgt, %add3A_1341, %sign3A_1344 : i32
    %sign3A_1346 = arith.extui %sign3A_1345 : i1 to i32
    %sign3A_1347 = arith.constant 0 : i32
    %sign3A_1348 = arith.cmpi slt, %add3A_1341, %sign3A_1347 : i32
    %sign3A_1349 = arith.extui %sign3A_1348 : i1 to i32
    %sign3A_1350 = arith.subi %sign3A_1346, %sign3A_1349 : i32
    %sign3A_1351 = arith.constant 0 : i32
    %sign3A_1352 = arith.cmpi sgt, %jit3A_1342, %sign3A_1351 : i32
    %sign3A_1353 = arith.extui %sign3A_1352 : i1 to i32
    %sign3A_1354 = arith.constant 0 : i32
    %sign3A_1355 = arith.cmpi slt, %jit3A_1342, %sign3A_1354 : i32
    %sign3A_1356 = arith.extui %sign3A_1355 : i1 to i32
    %sign3A_1357 = arith.subi %sign3A_1353, %sign3A_1356 : i32
    %ne3A_1358 = arith.cmpi ne, %sign3A_1350, %sign3A_1357 : i32
    %rem3A_1359 = arith.remsi %add3A_1341, %jit3A_1342 : i32
    %ne3A_1360 = arith.constant 0 : i32
    %ne3A_1361 = arith.cmpi ne, %rem3A_1359, %ne3A_1360 : i32
    %and3A_1362 = arith.andi %ne3A_1358, %ne3A_1361 : i1
    %sub3A_1363 = arith.constant 1 : i32
    %sub3A_1364 = arith.subi %div3A_1343, %sub3A_1363 : i32
    %select_n3A_1365 = arith.select %and3A_1362, %sub3A_1364, %div3A_1343 : i32
    %jit3A_1366 = arith.constant 4096 : i32
    %eq3A_1367 = arith.constant 0 : i32
    %eq3A_1368 = arith.cmpi eq, %jit3A_1366, %eq3A_1367 : i32
    %jit3A_1369 = arith.constant 1 : i32
    %select_n3A_1370 = arith.select %eq3A_1368, %jit3A_1369, %jit3A_1366 : i32
    %rem3A_1371 = arith.remsi %add3A_1341, %select_n3A_1370 : i32
    %ne3A_1372 = arith.constant 0 : i32
    %ne3A_1373 = arith.cmpi ne, %rem3A_1371, %ne3A_1372 : i32
    %lt3A_1374 = arith.constant 0 : i32
    %lt3A_1375 = arith.cmpi slt, %rem3A_1371, %lt3A_1374 : i32
    %lt3A_1376 = arith.constant 0 : i32
    %lt3A_1377 = arith.cmpi slt, %select_n3A_1370, %lt3A_1376 : i32
    %ne3A_1378 = arith.xori %lt3A_1375, %lt3A_1377 : i1
    %and3A_1379 = arith.andi %ne3A_1378, %ne3A_1373 : i1
    %add3A_1380 = arith.addi %rem3A_1371, %select_n3A_1370 : i32
    %select_n3A_1381 = arith.select %and3A_1379, %add3A_1380, %rem3A_1371 : i32
    %dma_wait3A_1382 = arith.constant 4096 : i32
    %dma_wait3A_1383 = tpu.memref_slice %arg5[%dma_wait3A_1382] : memref<51200xi32, #tpu.memory_space<vmem>> -> memref<2048xi32, #tpu.memory_space<vmem>>
    %dma_wait3A_1384 = tpu.memref_slice %arg3[%select_n3A_1365, %select_n3A_1381] : memref<200x4096xi32, #tpu.memory_space<hbm>> -> memref<1x2048xi32, #tpu.memory_space<hbm>>
    %dma_wait3A_1385 = tpu.memref_squeeze %dma_wait3A_1384 : memref<1x2048xi32, #tpu.memory_space<hbm>> -> memref<2048xi32, #tpu.memory_space<hbm>>
    %dma_wait3A_1386 = arith.constant 4096 : i32
    %dma_wait3A_1387 = tpu.memref_slice %arg5[%dma_wait3A_1386] : memref<51200xi32, #tpu.memory_space<vmem>> -> memref<2048xi32, #tpu.memory_space<vmem>>
    %dma_wait3A_1388 = tpu.memref_slice %arg3[%select_n3A_1365, %select_n3A_1381] : memref<200x4096xi32, #tpu.memory_space<hbm>> -> memref<1x2048xi32, #tpu.memory_space<hbm>>
    %dma_wait3A_1389 = tpu.memref_squeeze %dma_wait3A_1388 : memref<1x2048xi32, #tpu.memory_space<hbm>> -> memref<2048xi32, #tpu.memory_space<hbm>>
    tpu.wait_dma2 semaphore(%arg12 : memref<!tpu.dma_semaphore, #tpu.memory_space<semaphore_mem>>) src(%dma_wait3A_1389 : memref<2048xi32, #tpu.memory_space<hbm>>) dst(%dma_wait3A_1387 : memref<2048xi32, #tpu.memory_space<vmem>>)
    %add3A_1390 = arith.constant 6144 : i32
    %add3A_1391 = arith.addi %mul3A_0, %add3A_1390 : i32
    %jit3A_1392 = arith.constant 4096 : i32
    %div3A_1393 = arith.divsi %add3A_1391, %jit3A_1392 : i32
    %sign3A_1394 = arith.constant 0 : i32
    %sign3A_1395 = arith.cmpi sgt, %add3A_1391, %sign3A_1394 : i32
    %sign3A_1396 = arith.extui %sign3A_1395 : i1 to i32
    %sign3A_1397 = arith.constant 0 : i32
    %sign3A_1398 = arith.cmpi slt, %add3A_1391, %sign3A_1397 : i32
    %sign3A_1399 = arith.extui %sign3A_1398 : i1 to i32
    %sign3A_1400 = arith.subi %sign3A_1396, %sign3A_1399 : i32
    %sign3A_1401 = arith.constant 0 : i32
    %sign3A_1402 = arith.cmpi sgt, %jit3A_1392, %sign3A_1401 : i32
    %sign3A_1403 = arith.extui %sign3A_1402 : i1 to i32
    %sign3A_1404 = arith.constant 0 : i32
    %sign3A_1405 = arith.cmpi slt, %jit3A_1392, %sign3A_1404 : i32
    %sign3A_1406 = arith.extui %sign3A_1405 : i1 to i32
    %sign3A_1407 = arith.subi %sign3A_1403, %sign3A_1406 : i32
    %ne3A_1408 = arith.cmpi ne, %sign3A_1400, %sign3A_1407 : i32
    %rem3A_1409 = arith.remsi %add3A_1391, %jit3A_1392 : i32
    %ne3A_1410 = arith.constant 0 : i32
    %ne3A_1411 = arith.cmpi ne, %rem3A_1409, %ne3A_1410 : i32
    %and3A_1412 = arith.andi %ne3A_1408, %ne3A_1411 : i1
    %sub3A_1413 = arith.constant 1 : i32
    %sub3A_1414 = arith.subi %div3A_1393, %sub3A_1413 : i32
    %select_n3A_1415 = arith.select %and3A_1412, %sub3A_1414, %div3A_1393 : i32
    %jit3A_1416 = arith.constant 4096 : i32
    %eq3A_1417 = arith.constant 0 : i32
    %eq3A_1418 = arith.cmpi eq, %jit3A_1416, %eq3A_1417 : i32
    %jit3A_1419 = arith.constant 1 : i32
    %select_n3A_1420 = arith.select %eq3A_1418, %jit3A_1419, %jit3A_1416 : i32
    %rem3A_1421 = arith.remsi %add3A_1391, %select_n3A_1420 : i32
    %ne3A_1422 = arith.constant 0 : i32
    %ne3A_1423 = arith.cmpi ne, %rem3A_1421, %ne3A_1422 : i32
    %lt3A_1424 = arith.constant 0 : i32
    %lt3A_1425 = arith.cmpi slt, %rem3A_1421, %lt3A_1424 : i32
    %lt3A_1426 = arith.constant 0 : i32
    %lt3A_1427 = arith.cmpi slt, %select_n3A_1420, %lt3A_1426 : i32
    %ne3A_1428 = arith.xori %lt3A_1425, %lt3A_1427 : i1
    %and3A_1429 = arith.andi %ne3A_1428, %ne3A_1423 : i1
    %add3A_1430 = arith.addi %rem3A_1421, %select_n3A_1420 : i32
    %select_n3A_1431 = arith.select %and3A_1429, %add3A_1430, %rem3A_1421 : i32
    %dma_wait3A_1432 = arith.constant 6144 : i32
    %dma_wait3A_1433 = tpu.memref_slice %arg5[%dma_wait3A_1432] : memref<51200xi32, #tpu.memory_space<vmem>> -> memref<2048xi32, #tpu.memory_space<vmem>>
    %dma_wait3A_1434 = tpu.memref_slice %arg3[%select_n3A_1415, %select_n3A_1431] : memref<200x4096xi32, #tpu.memory_space<hbm>> -> memref<1x2048xi32, #tpu.memory_space<hbm>>
    %dma_wait3A_1435 = tpu.memref_squeeze %dma_wait3A_1434 : memref<1x2048xi32, #tpu.memory_space<hbm>> -> memref<2048xi32, #tpu.memory_space<hbm>>
    %dma_wait3A_1436 = arith.constant 6144 : i32
    %dma_wait3A_1437 = tpu.memref_slice %arg5[%dma_wait3A_1436] : memref<51200xi32, #tpu.memory_space<vmem>> -> memref<2048xi32, #tpu.memory_space<vmem>>
    %dma_wait3A_1438 = tpu.memref_slice %arg3[%select_n3A_1415, %select_n3A_1431] : memref<200x4096xi32, #tpu.memory_space<hbm>> -> memref<1x2048xi32, #tpu.memory_space<hbm>>
    %dma_wait3A_1439 = tpu.memref_squeeze %dma_wait3A_1438 : memref<1x2048xi32, #tpu.memory_space<hbm>> -> memref<2048xi32, #tpu.memory_space<hbm>>
    tpu.wait_dma2 semaphore(%arg12 : memref<!tpu.dma_semaphore, #tpu.memory_space<semaphore_mem>>) src(%dma_wait3A_1439 : memref<2048xi32, #tpu.memory_space<hbm>>) dst(%dma_wait3A_1437 : memref<2048xi32, #tpu.memory_space<vmem>>)
    %add3A_1440 = arith.constant 8192 : i32
    %add3A_1441 = arith.addi %mul3A_0, %add3A_1440 : i32
    %jit3A_1442 = arith.constant 4096 : i32
    %div3A_1443 = arith.divsi %add3A_1441, %jit3A_1442 : i32
    %sign3A_1444 = arith.constant 0 : i32
    %sign3A_1445 = arith.cmpi sgt, %add3A_1441, %sign3A_1444 : i32
    %sign3A_1446 = arith.extui %sign3A_1445 : i1 to i32
    %sign3A_1447 = arith.constant 0 : i32
    %sign3A_1448 = arith.cmpi slt, %add3A_1441, %sign3A_1447 : i32
    %sign3A_1449 = arith.extui %sign3A_1448 : i1 to i32
    %sign3A_1450 = arith.subi %sign3A_1446, %sign3A_1449 : i32
    %sign3A_1451 = arith.constant 0 : i32
    %sign3A_1452 = arith.cmpi sgt, %jit3A_1442, %sign3A_1451 : i32
    %sign3A_1453 = arith.extui %sign3A_1452 : i1 to i32
    %sign3A_1454 = arith.constant 0 : i32
    %sign3A_1455 = arith.cmpi slt, %jit3A_1442, %sign3A_1454 : i32
    %sign3A_1456 = arith.extui %sign3A_1455 : i1 to i32
    %sign3A_1457 = arith.subi %sign3A_1453, %sign3A_1456 : i32
    %ne3A_1458 = arith.cmpi ne, %sign3A_1450, %sign3A_1457 : i32
    %rem3A_1459 = arith.remsi %add3A_1441, %jit3A_1442 : i32
    %ne3A_1460 = arith.constant 0 : i32
    %ne3A_1461 = arith.cmpi ne, %rem3A_1459, %ne3A_1460 : i32
    %and3A_1462 = arith.andi %ne3A_1458, %ne3A_1461 : i1
    %sub3A_1463 = arith.constant 1 : i32
    %sub3A_1464 = arith.subi %div3A_1443, %sub3A_1463 : i32
    %select_n3A_1465 = arith.select %and3A_1462, %sub3A_1464, %div3A_1443 : i32
    %jit3A_1466 = arith.constant 4096 : i32
    %eq3A_1467 = arith.constant 0 : i32
    %eq3A_1468 = arith.cmpi eq, %jit3A_1466, %eq3A_1467 : i32
    %jit3A_1469 = arith.constant 1 : i32
    %select_n3A_1470 = arith.select %eq3A_1468, %jit3A_1469, %jit3A_1466 : i32
    %rem3A_1471 = arith.remsi %add3A_1441, %select_n3A_1470 : i32
    %ne3A_1472 = arith.constant 0 : i32
    %ne3A_1473 = arith.cmpi ne, %rem3A_1471, %ne3A_1472 : i32
    %lt3A_1474 = arith.constant 0 : i32
    %lt3A_1475 = arith.cmpi slt, %rem3A_1471, %lt3A_1474 : i32
    %lt3A_1476 = arith.constant 0 : i32
    %lt3A_1477 = arith.cmpi slt, %select_n3A_1470, %lt3A_1476 : i32
    %ne3A_1478 = arith.xori %lt3A_1475, %lt3A_1477 : i1
    %and3A_1479 = arith.andi %ne3A_1478, %ne3A_1473 : i1
    %add3A_1480 = arith.addi %rem3A_1471, %select_n3A_1470 : i32
    %select_n3A_1481 = arith.select %and3A_1479, %add3A_1480, %rem3A_1471 : i32
    %dma_wait3A_1482 = arith.constant 8192 : i32
    %dma_wait3A_1483 = tpu.memref_slice %arg5[%dma_wait3A_1482] : memref<51200xi32, #tpu.memory_space<vmem>> -> memref<2048xi32, #tpu.memory_space<vmem>>
    %dma_wait3A_1484 = tpu.memref_slice %arg3[%select_n3A_1465, %select_n3A_1481] : memref<200x4096xi32, #tpu.memory_space<hbm>> -> memref<1x2048xi32, #tpu.memory_space<hbm>>
    %dma_wait3A_1485 = tpu.memref_squeeze %dma_wait3A_1484 : memref<1x2048xi32, #tpu.memory_space<hbm>> -> memref<2048xi32, #tpu.memory_space<hbm>>
    %dma_wait3A_1486 = arith.constant 8192 : i32
    %dma_wait3A_1487 = tpu.memref_slice %arg5[%dma_wait3A_1486] : memref<51200xi32, #tpu.memory_space<vmem>> -> memref<2048xi32, #tpu.memory_space<vmem>>
    %dma_wait3A_1488 = tpu.memref_slice %arg3[%select_n3A_1465, %select_n3A_1481] : memref<200x4096xi32, #tpu.memory_space<hbm>> -> memref<1x2048xi32, #tpu.memory_space<hbm>>
    %dma_wait3A_1489 = tpu.memref_squeeze %dma_wait3A_1488 : memref<1x2048xi32, #tpu.memory_space<hbm>> -> memref<2048xi32, #tpu.memory_space<hbm>>
    tpu.wait_dma2 semaphore(%arg12 : memref<!tpu.dma_semaphore, #tpu.memory_space<semaphore_mem>>) src(%dma_wait3A_1489 : memref<2048xi32, #tpu.memory_space<hbm>>) dst(%dma_wait3A_1487 : memref<2048xi32, #tpu.memory_space<vmem>>)
    %add3A_1490 = arith.constant 10240 : i32
    %add3A_1491 = arith.addi %mul3A_0, %add3A_1490 : i32
    %jit3A_1492 = arith.constant 4096 : i32
    %div3A_1493 = arith.divsi %add3A_1491, %jit3A_1492 : i32
    %sign3A_1494 = arith.constant 0 : i32
    %sign3A_1495 = arith.cmpi sgt, %add3A_1491, %sign3A_1494 : i32
    %sign3A_1496 = arith.extui %sign3A_1495 : i1 to i32
    %sign3A_1497 = arith.constant 0 : i32
    %sign3A_1498 = arith.cmpi slt, %add3A_1491, %sign3A_1497 : i32
    %sign3A_1499 = arith.extui %sign3A_1498 : i1 to i32
    %sign3A_1500 = arith.subi %sign3A_1496, %sign3A_1499 : i32
    %sign3A_1501 = arith.constant 0 : i32
    %sign3A_1502 = arith.cmpi sgt, %jit3A_1492, %sign3A_1501 : i32
    %sign3A_1503 = arith.extui %sign3A_1502 : i1 to i32
    %sign3A_1504 = arith.constant 0 : i32
    %sign3A_1505 = arith.cmpi slt, %jit3A_1492, %sign3A_1504 : i32
    %sign3A_1506 = arith.extui %sign3A_1505 : i1 to i32
    %sign3A_1507 = arith.subi %sign3A_1503, %sign3A_1506 : i32
    %ne3A_1508 = arith.cmpi ne, %sign3A_1500, %sign3A_1507 : i32
    %rem3A_1509 = arith.remsi %add3A_1491, %jit3A_1492 : i32
    %ne3A_1510 = arith.constant 0 : i32
    %ne3A_1511 = arith.cmpi ne, %rem3A_1509, %ne3A_1510 : i32
    %and3A_1512 = arith.andi %ne3A_1508, %ne3A_1511 : i1
    %sub3A_1513 = arith.constant 1 : i32
    %sub3A_1514 = arith.subi %div3A_1493, %sub3A_1513 : i32
    %select_n3A_1515 = arith.select %and3A_1512, %sub3A_1514, %div3A_1493 : i32
    %jit3A_1516 = arith.constant 4096 : i32
    %eq3A_1517 = arith.constant 0 : i32
    %eq3A_1518 = arith.cmpi eq, %jit3A_1516, %eq3A_1517 : i32
    %jit3A_1519 = arith.constant 1 : i32
    %select_n3A_1520 = arith.select %eq3A_1518, %jit3A_1519, %jit3A_1516 : i32
    %rem3A_1521 = arith.remsi %add3A_1491, %select_n3A_1520 : i32
    %ne3A_1522 = arith.constant 0 : i32
    %ne3A_1523 = arith.cmpi ne, %rem3A_1521, %ne3A_1522 : i32
    %lt3A_1524 = arith.constant 0 : i32
    %lt3A_1525 = arith.cmpi slt, %rem3A_1521, %lt3A_1524 : i32
    %lt3A_1526 = arith.constant 0 : i32
    %lt3A_1527 = arith.cmpi slt, %select_n3A_1520, %lt3A_1526 : i32
    %ne3A_1528 = arith.xori %lt3A_1525, %lt3A_1527 : i1
    %and3A_1529 = arith.andi %ne3A_1528, %ne3A_1523 : i1
    %add3A_1530 = arith.addi %rem3A_1521, %select_n3A_1520 : i32
    %select_n3A_1531 = arith.select %and3A_1529, %add3A_1530, %rem3A_1521 : i32
    %dma_wait3A_1532 = arith.constant 10240 : i32
    %dma_wait3A_1533 = tpu.memref_slice %arg5[%dma_wait3A_1532] : memref<51200xi32, #tpu.memory_space<vmem>> -> memref<2048xi32, #tpu.memory_space<vmem>>
    %dma_wait3A_1534 = tpu.memref_slice %arg3[%select_n3A_1515, %select_n3A_1531] : memref<200x4096xi32, #tpu.memory_space<hbm>> -> memref<1x2048xi32, #tpu.memory_space<hbm>>
    %dma_wait3A_1535 = tpu.memref_squeeze %dma_wait3A_1534 : memref<1x2048xi32, #tpu.memory_space<hbm>> -> memref<2048xi32, #tpu.memory_space<hbm>>
    %dma_wait3A_1536 = arith.constant 10240 : i32
    %dma_wait3A_1537 = tpu.memref_slice %arg5[%dma_wait3A_1536] : memref<51200xi32, #tpu.memory_space<vmem>> -> memref<2048xi32, #tpu.memory_space<vmem>>
    %dma_wait3A_1538 = tpu.memref_slice %arg3[%select_n3A_1515, %select_n3A_1531] : memref<200x4096xi32, #tpu.memory_space<hbm>> -> memref<1x2048xi32, #tpu.memory_space<hbm>>
    %dma_wait3A_1539 = tpu.memref_squeeze %dma_wait3A_1538 : memref<1x2048xi32, #tpu.memory_space<hbm>> -> memref<2048xi32, #tpu.memory_space<hbm>>
    tpu.wait_dma2 semaphore(%arg12 : memref<!tpu.dma_semaphore, #tpu.memory_space<semaphore_mem>>) src(%dma_wait3A_1539 : memref<2048xi32, #tpu.memory_space<hbm>>) dst(%dma_wait3A_1537 : memref<2048xi32, #tpu.memory_space<vmem>>)
    %add3A_1540 = arith.constant 12288 : i32
    %add3A_1541 = arith.addi %mul3A_0, %add3A_1540 : i32
    %jit3A_1542 = arith.constant 4096 : i32
    %div3A_1543 = arith.divsi %add3A_1541, %jit3A_1542 : i32
    %sign3A_1544 = arith.constant 0 : i32
    %sign3A_1545 = arith.cmpi sgt, %add3A_1541, %sign3A_1544 : i32
    %sign3A_1546 = arith.extui %sign3A_1545 : i1 to i32
    %sign3A_1547 = arith.constant 0 : i32
    %sign3A_1548 = arith.cmpi slt, %add3A_1541, %sign3A_1547 : i32
    %sign3A_1549 = arith.extui %sign3A_1548 : i1 to i32
    %sign3A_1550 = arith.subi %sign3A_1546, %sign3A_1549 : i32
    %sign3A_1551 = arith.constant 0 : i32
    %sign3A_1552 = arith.cmpi sgt, %jit3A_1542, %sign3A_1551 : i32
    %sign3A_1553 = arith.extui %sign3A_1552 : i1 to i32
    %sign3A_1554 = arith.constant 0 : i32
    %sign3A_1555 = arith.cmpi slt, %jit3A_1542, %sign3A_1554 : i32
    %sign3A_1556 = arith.extui %sign3A_1555 : i1 to i32
    %sign3A_1557 = arith.subi %sign3A_1553, %sign3A_1556 : i32
    %ne3A_1558 = arith.cmpi ne, %sign3A_1550, %sign3A_1557 : i32
    %rem3A_1559 = arith.remsi %add3A_1541, %jit3A_1542 : i32
    %ne3A_1560 = arith.constant 0 : i32
    %ne3A_1561 = arith.cmpi ne, %rem3A_1559, %ne3A_1560 : i32
    %and3A_1562 = arith.andi %ne3A_1558, %ne3A_1561 : i1
    %sub3A_1563 = arith.constant 1 : i32
    %sub3A_1564 = arith.subi %div3A_1543, %sub3A_1563 : i32
    %select_n3A_1565 = arith.select %and3A_1562, %sub3A_1564, %div3A_1543 : i32
    %jit3A_1566 = arith.constant 4096 : i32
    %eq3A_1567 = arith.constant 0 : i32
    %eq3A_1568 = arith.cmpi eq, %jit3A_1566, %eq3A_1567 : i32
    %jit3A_1569 = arith.constant 1 : i32
    %select_n3A_1570 = arith.select %eq3A_1568, %jit3A_1569, %jit3A_1566 : i32
    %rem3A_1571 = arith.remsi %add3A_1541, %select_n3A_1570 : i32
    %ne3A_1572 = arith.constant 0 : i32
    %ne3A_1573 = arith.cmpi ne, %rem3A_1571, %ne3A_1572 : i32
    %lt3A_1574 = arith.constant 0 : i32
    %lt3A_1575 = arith.cmpi slt, %rem3A_1571, %lt3A_1574 : i32
    %lt3A_1576 = arith.constant 0 : i32
    %lt3A_1577 = arith.cmpi slt, %select_n3A_1570, %lt3A_1576 : i32
    %ne3A_1578 = arith.xori %lt3A_1575, %lt3A_1577 : i1
    %and3A_1579 = arith.andi %ne3A_1578, %ne3A_1573 : i1
    %add3A_1580 = arith.addi %rem3A_1571, %select_n3A_1570 : i32
    %select_n3A_1581 = arith.select %and3A_1579, %add3A_1580, %rem3A_1571 : i32
    %dma_wait3A_1582 = arith.constant 12288 : i32
    %dma_wait3A_1583 = tpu.memref_slice %arg5[%dma_wait3A_1582] : memref<51200xi32, #tpu.memory_space<vmem>> -> memref<2048xi32, #tpu.memory_space<vmem>>
    %dma_wait3A_1584 = tpu.memref_slice %arg3[%select_n3A_1565, %select_n3A_1581] : memref<200x4096xi32, #tpu.memory_space<hbm>> -> memref<1x2048xi32, #tpu.memory_space<hbm>>
    %dma_wait3A_1585 = tpu.memref_squeeze %dma_wait3A_1584 : memref<1x2048xi32, #tpu.memory_space<hbm>> -> memref<2048xi32, #tpu.memory_space<hbm>>
    %dma_wait3A_1586 = arith.constant 12288 : i32
    %dma_wait3A_1587 = tpu.memref_slice %arg5[%dma_wait3A_1586] : memref<51200xi32, #tpu.memory_space<vmem>> -> memref<2048xi32, #tpu.memory_space<vmem>>
    %dma_wait3A_1588 = tpu.memref_slice %arg3[%select_n3A_1565, %select_n3A_1581] : memref<200x4096xi32, #tpu.memory_space<hbm>> -> memref<1x2048xi32, #tpu.memory_space<hbm>>
    %dma_wait3A_1589 = tpu.memref_squeeze %dma_wait3A_1588 : memref<1x2048xi32, #tpu.memory_space<hbm>> -> memref<2048xi32, #tpu.memory_space<hbm>>
    tpu.wait_dma2 semaphore(%arg12 : memref<!tpu.dma_semaphore, #tpu.memory_space<semaphore_mem>>) src(%dma_wait3A_1589 : memref<2048xi32, #tpu.memory_space<hbm>>) dst(%dma_wait3A_1587 : memref<2048xi32, #tpu.memory_space<vmem>>)
    %add3A_1590 = arith.constant 14336 : i32
    %add3A_1591 = arith.addi %mul3A_0, %add3A_1590 : i32
    %jit3A_1592 = arith.constant 4096 : i32
    %div3A_1593 = arith.divsi %add3A_1591, %jit3A_1592 : i32
    %sign3A_1594 = arith.constant 0 : i32
    %sign3A_1595 = arith.cmpi sgt, %add3A_1591, %sign3A_1594 : i32
    %sign3A_1596 = arith.extui %sign3A_1595 : i1 to i32
    %sign3A_1597 = arith.constant 0 : i32
    %sign3A_1598 = arith.cmpi slt, %add3A_1591, %sign3A_1597 : i32
    %sign3A_1599 = arith.extui %sign3A_1598 : i1 to i32
    %sign3A_1600 = arith.subi %sign3A_1596, %sign3A_1599 : i32
    %sign3A_1601 = arith.constant 0 : i32
    %sign3A_1602 = arith.cmpi sgt, %jit3A_1592, %sign3A_1601 : i32
    %sign3A_1603 = arith.extui %sign3A_1602 : i1 to i32
    %sign3A_1604 = arith.constant 0 : i32
    %sign3A_1605 = arith.cmpi slt, %jit3A_1592, %sign3A_1604 : i32
    %sign3A_1606 = arith.extui %sign3A_1605 : i1 to i32
    %sign3A_1607 = arith.subi %sign3A_1603, %sign3A_1606 : i32
    %ne3A_1608 = arith.cmpi ne, %sign3A_1600, %sign3A_1607 : i32
    %rem3A_1609 = arith.remsi %add3A_1591, %jit3A_1592 : i32
    %ne3A_1610 = arith.constant 0 : i32
    %ne3A_1611 = arith.cmpi ne, %rem3A_1609, %ne3A_1610 : i32
    %and3A_1612 = arith.andi %ne3A_1608, %ne3A_1611 : i1
    %sub3A_1613 = arith.constant 1 : i32
    %sub3A_1614 = arith.subi %div3A_1593, %sub3A_1613 : i32
    %select_n3A_1615 = arith.select %and3A_1612, %sub3A_1614, %div3A_1593 : i32
    %jit3A_1616 = arith.constant 4096 : i32
    %eq3A_1617 = arith.constant 0 : i32
    %eq3A_1618 = arith.cmpi eq, %jit3A_1616, %eq3A_1617 : i32
    %jit3A_1619 = arith.constant 1 : i32
    %select_n3A_1620 = arith.select %eq3A_1618, %jit3A_1619, %jit3A_1616 : i32
    %rem3A_1621 = arith.remsi %add3A_1591, %select_n3A_1620 : i32
    %ne3A_1622 = arith.constant 0 : i32
    %ne3A_1623 = arith.cmpi ne, %rem3A_1621, %ne3A_1622 : i32
    %lt3A_1624 = arith.constant 0 : i32
    %lt3A_1625 = arith.cmpi slt, %rem3A_1621, %lt3A_1624 : i32
    %lt3A_1626 = arith.constant 0 : i32
    %lt3A_1627 = arith.cmpi slt, %select_n3A_1620, %lt3A_1626 : i32
    %ne3A_1628 = arith.xori %lt3A_1625, %lt3A_1627 : i1
    %and3A_1629 = arith.andi %ne3A_1628, %ne3A_1623 : i1
    %add3A_1630 = arith.addi %rem3A_1621, %select_n3A_1620 : i32
    %select_n3A_1631 = arith.select %and3A_1629, %add3A_1630, %rem3A_1621 : i32
    %dma_wait3A_1632 = arith.constant 14336 : i32
    %dma_wait3A_1633 = tpu.memref_slice %arg5[%dma_wait3A_1632] : memref<51200xi32, #tpu.memory_space<vmem>> -> memref<2048xi32, #tpu.memory_space<vmem>>
    %dma_wait3A_1634 = tpu.memref_slice %arg3[%select_n3A_1615, %select_n3A_1631] : memref<200x4096xi32, #tpu.memory_space<hbm>> -> memref<1x2048xi32, #tpu.memory_space<hbm>>
    %dma_wait3A_1635 = tpu.memref_squeeze %dma_wait3A_1634 : memref<1x2048xi32, #tpu.memory_space<hbm>> -> memref<2048xi32, #tpu.memory_space<hbm>>
    %dma_wait3A_1636 = arith.constant 14336 : i32
    %dma_wait3A_1637 = tpu.memref_slice %arg5[%dma_wait3A_1636] : memref<51200xi32, #tpu.memory_space<vmem>> -> memref<2048xi32, #tpu.memory_space<vmem>>
    %dma_wait3A_1638 = tpu.memref_slice %arg3[%select_n3A_1615, %select_n3A_1631] : memref<200x4096xi32, #tpu.memory_space<hbm>> -> memref<1x2048xi32, #tpu.memory_space<hbm>>
    %dma_wait3A_1639 = tpu.memref_squeeze %dma_wait3A_1638 : memref<1x2048xi32, #tpu.memory_space<hbm>> -> memref<2048xi32, #tpu.memory_space<hbm>>
    tpu.wait_dma2 semaphore(%arg12 : memref<!tpu.dma_semaphore, #tpu.memory_space<semaphore_mem>>) src(%dma_wait3A_1639 : memref<2048xi32, #tpu.memory_space<hbm>>) dst(%dma_wait3A_1637 : memref<2048xi32, #tpu.memory_space<vmem>>)
    %add3A_1640 = arith.constant 16384 : i32
    %add3A_1641 = arith.addi %mul3A_0, %add3A_1640 : i32
    %jit3A_1642 = arith.constant 4096 : i32
    %div3A_1643 = arith.divsi %add3A_1641, %jit3A_1642 : i32
    %sign3A_1644 = arith.constant 0 : i32
    %sign3A_1645 = arith.cmpi sgt, %add3A_1641, %sign3A_1644 : i32
    %sign3A_1646 = arith.extui %sign3A_1645 : i1 to i32
    %sign3A_1647 = arith.constant 0 : i32
    %sign3A_1648 = arith.cmpi slt, %add3A_1641, %sign3A_1647 : i32
    %sign3A_1649 = arith.extui %sign3A_1648 : i1 to i32
    %sign3A_1650 = arith.subi %sign3A_1646, %sign3A_1649 : i32
    %sign3A_1651 = arith.constant 0 : i32
    %sign3A_1652 = arith.cmpi sgt, %jit3A_1642, %sign3A_1651 : i32
    %sign3A_1653 = arith.extui %sign3A_1652 : i1 to i32
    %sign3A_1654 = arith.constant 0 : i32
    %sign3A_1655 = arith.cmpi slt, %jit3A_1642, %sign3A_1654 : i32
    %sign3A_1656 = arith.extui %sign3A_1655 : i1 to i32
    %sign3A_1657 = arith.subi %sign3A_1653, %sign3A_1656 : i32
    %ne3A_1658 = arith.cmpi ne, %sign3A_1650, %sign3A_1657 : i32
    %rem3A_1659 = arith.remsi %add3A_1641, %jit3A_1642 : i32
    %ne3A_1660 = arith.constant 0 : i32
    %ne3A_1661 = arith.cmpi ne, %rem3A_1659, %ne3A_1660 : i32
    %and3A_1662 = arith.andi %ne3A_1658, %ne3A_1661 : i1
    %sub3A_1663 = arith.constant 1 : i32
    %sub3A_1664 = arith.subi %div3A_1643, %sub3A_1663 : i32
    %select_n3A_1665 = arith.select %and3A_1662, %sub3A_1664, %div3A_1643 : i32
    %jit3A_1666 = arith.constant 4096 : i32
    %eq3A_1667 = arith.constant 0 : i32
    %eq3A_1668 = arith.cmpi eq, %jit3A_1666, %eq3A_1667 : i32
    %jit3A_1669 = arith.constant 1 : i32
    %select_n3A_1670 = arith.select %eq3A_1668, %jit3A_1669, %jit3A_1666 : i32
    %rem3A_1671 = arith.remsi %add3A_1641, %select_n3A_1670 : i32
    %ne3A_1672 = arith.constant 0 : i32
    %ne3A_1673 = arith.cmpi ne, %rem3A_1671, %ne3A_1672 : i32
    %lt3A_1674 = arith.constant 0 : i32
    %lt3A_1675 = arith.cmpi slt, %rem3A_1671, %lt3A_1674 : i32
    %lt3A_1676 = arith.constant 0 : i32
    %lt3A_1677 = arith.cmpi slt, %select_n3A_1670, %lt3A_1676 : i32
    %ne3A_1678 = arith.xori %lt3A_1675, %lt3A_1677 : i1
    %and3A_1679 = arith.andi %ne3A_1678, %ne3A_1673 : i1
    %add3A_1680 = arith.addi %rem3A_1671, %select_n3A_1670 : i32
    %select_n3A_1681 = arith.select %and3A_1679, %add3A_1680, %rem3A_1671 : i32
    %dma_wait3A_1682 = arith.constant 16384 : i32
    %dma_wait3A_1683 = tpu.memref_slice %arg5[%dma_wait3A_1682] : memref<51200xi32, #tpu.memory_space<vmem>> -> memref<2048xi32, #tpu.memory_space<vmem>>
    %dma_wait3A_1684 = tpu.memref_slice %arg3[%select_n3A_1665, %select_n3A_1681] : memref<200x4096xi32, #tpu.memory_space<hbm>> -> memref<1x2048xi32, #tpu.memory_space<hbm>>
    %dma_wait3A_1685 = tpu.memref_squeeze %dma_wait3A_1684 : memref<1x2048xi32, #tpu.memory_space<hbm>> -> memref<2048xi32, #tpu.memory_space<hbm>>
    %dma_wait3A_1686 = arith.constant 16384 : i32
    %dma_wait3A_1687 = tpu.memref_slice %arg5[%dma_wait3A_1686] : memref<51200xi32, #tpu.memory_space<vmem>> -> memref<2048xi32, #tpu.memory_space<vmem>>
    %dma_wait3A_1688 = tpu.memref_slice %arg3[%select_n3A_1665, %select_n3A_1681] : memref<200x4096xi32, #tpu.memory_space<hbm>> -> memref<1x2048xi32, #tpu.memory_space<hbm>>
    %dma_wait3A_1689 = tpu.memref_squeeze %dma_wait3A_1688 : memref<1x2048xi32, #tpu.memory_space<hbm>> -> memref<2048xi32, #tpu.memory_space<hbm>>
    tpu.wait_dma2 semaphore(%arg12 : memref<!tpu.dma_semaphore, #tpu.memory_space<semaphore_mem>>) src(%dma_wait3A_1689 : memref<2048xi32, #tpu.memory_space<hbm>>) dst(%dma_wait3A_1687 : memref<2048xi32, #tpu.memory_space<vmem>>)
    %add3A_1690 = arith.constant 18432 : i32
    %add3A_1691 = arith.addi %mul3A_0, %add3A_1690 : i32
    %jit3A_1692 = arith.constant 4096 : i32
    %div3A_1693 = arith.divsi %add3A_1691, %jit3A_1692 : i32
    %sign3A_1694 = arith.constant 0 : i32
    %sign3A_1695 = arith.cmpi sgt, %add3A_1691, %sign3A_1694 : i32
    %sign3A_1696 = arith.extui %sign3A_1695 : i1 to i32
    %sign3A_1697 = arith.constant 0 : i32
    %sign3A_1698 = arith.cmpi slt, %add3A_1691, %sign3A_1697 : i32
    %sign3A_1699 = arith.extui %sign3A_1698 : i1 to i32
    %sign3A_1700 = arith.subi %sign3A_1696, %sign3A_1699 : i32
    %sign3A_1701 = arith.constant 0 : i32
    %sign3A_1702 = arith.cmpi sgt, %jit3A_1692, %sign3A_1701 : i32
    %sign3A_1703 = arith.extui %sign3A_1702 : i1 to i32
    %sign3A_1704 = arith.constant 0 : i32
    %sign3A_1705 = arith.cmpi slt, %jit3A_1692, %sign3A_1704 : i32
    %sign3A_1706 = arith.extui %sign3A_1705 : i1 to i32
    %sign3A_1707 = arith.subi %sign3A_1703, %sign3A_1706 : i32
    %ne3A_1708 = arith.cmpi ne, %sign3A_1700, %sign3A_1707 : i32
    %rem3A_1709 = arith.remsi %add3A_1691, %jit3A_1692 : i32
    %ne3A_1710 = arith.constant 0 : i32
    %ne3A_1711 = arith.cmpi ne, %rem3A_1709, %ne3A_1710 : i32
    %and3A_1712 = arith.andi %ne3A_1708, %ne3A_1711 : i1
    %sub3A_1713 = arith.constant 1 : i32
    %sub3A_1714 = arith.subi %div3A_1693, %sub3A_1713 : i32
    %select_n3A_1715 = arith.select %and3A_1712, %sub3A_1714, %div3A_1693 : i32
    %jit3A_1716 = arith.constant 4096 : i32
    %eq3A_1717 = arith.constant 0 : i32
    %eq3A_1718 = arith.cmpi eq, %jit3A_1716, %eq3A_1717 : i32
    %jit3A_1719 = arith.constant 1 : i32
    %select_n3A_1720 = arith.select %eq3A_1718, %jit3A_1719, %jit3A_1716 : i32
    %rem3A_1721 = arith.remsi %add3A_1691, %select_n3A_1720 : i32
    %ne3A_1722 = arith.constant 0 : i32
    %ne3A_1723 = arith.cmpi ne, %rem3A_1721, %ne3A_1722 : i32
    %lt3A_1724 = arith.constant 0 : i32
    %lt3A_1725 = arith.cmpi slt, %rem3A_1721, %lt3A_1724 : i32
    %lt3A_1726 = arith.constant 0 : i32
    %lt3A_1727 = arith.cmpi slt, %select_n3A_1720, %lt3A_1726 : i32
    %ne3A_1728 = arith.xori %lt3A_1725, %lt3A_1727 : i1
    %and3A_1729 = arith.andi %ne3A_1728, %ne3A_1723 : i1
    %add3A_1730 = arith.addi %rem3A_1721, %select_n3A_1720 : i32
    %select_n3A_1731 = arith.select %and3A_1729, %add3A_1730, %rem3A_1721 : i32
    %dma_wait3A_1732 = arith.constant 18432 : i32
    %dma_wait3A_1733 = tpu.memref_slice %arg5[%dma_wait3A_1732] : memref<51200xi32, #tpu.memory_space<vmem>> -> memref<2048xi32, #tpu.memory_space<vmem>>
    %dma_wait3A_1734 = tpu.memref_slice %arg3[%select_n3A_1715, %select_n3A_1731] : memref<200x4096xi32, #tpu.memory_space<hbm>> -> memref<1x2048xi32, #tpu.memory_space<hbm>>
    %dma_wait3A_1735 = tpu.memref_squeeze %dma_wait3A_1734 : memref<1x2048xi32, #tpu.memory_space<hbm>> -> memref<2048xi32, #tpu.memory_space<hbm>>
    %dma_wait3A_1736 = arith.constant 18432 : i32
    %dma_wait3A_1737 = tpu.memref_slice %arg5[%dma_wait3A_1736] : memref<51200xi32, #tpu.memory_space<vmem>> -> memref<2048xi32, #tpu.memory_space<vmem>>
    %dma_wait3A_1738 = tpu.memref_slice %arg3[%select_n3A_1715, %select_n3A_1731] : memref<200x4096xi32, #tpu.memory_space<hbm>> -> memref<1x2048xi32, #tpu.memory_space<hbm>>
    %dma_wait3A_1739 = tpu.memref_squeeze %dma_wait3A_1738 : memref<1x2048xi32, #tpu.memory_space<hbm>> -> memref<2048xi32, #tpu.memory_space<hbm>>
    tpu.wait_dma2 semaphore(%arg12 : memref<!tpu.dma_semaphore, #tpu.memory_space<semaphore_mem>>) src(%dma_wait3A_1739 : memref<2048xi32, #tpu.memory_space<hbm>>) dst(%dma_wait3A_1737 : memref<2048xi32, #tpu.memory_space<vmem>>)
    %add3A_1740 = arith.constant 20480 : i32
    %add3A_1741 = arith.addi %mul3A_0, %add3A_1740 : i32
    %jit3A_1742 = arith.constant 4096 : i32
    %div3A_1743 = arith.divsi %add3A_1741, %jit3A_1742 : i32
    %sign3A_1744 = arith.constant 0 : i32
    %sign3A_1745 = arith.cmpi sgt, %add3A_1741, %sign3A_1744 : i32
    %sign3A_1746 = arith.extui %sign3A_1745 : i1 to i32
    %sign3A_1747 = arith.constant 0 : i32
    %sign3A_1748 = arith.cmpi slt, %add3A_1741, %sign3A_1747 : i32
    %sign3A_1749 = arith.extui %sign3A_1748 : i1 to i32
    %sign3A_1750 = arith.subi %sign3A_1746, %sign3A_1749 : i32
    %sign3A_1751 = arith.constant 0 : i32
    %sign3A_1752 = arith.cmpi sgt, %jit3A_1742, %sign3A_1751 : i32
    %sign3A_1753 = arith.extui %sign3A_1752 : i1 to i32
    %sign3A_1754 = arith.constant 0 : i32
    %sign3A_1755 = arith.cmpi slt, %jit3A_1742, %sign3A_1754 : i32
    %sign3A_1756 = arith.extui %sign3A_1755 : i1 to i32
    %sign3A_1757 = arith.subi %sign3A_1753, %sign3A_1756 : i32
    %ne3A_1758 = arith.cmpi ne, %sign3A_1750, %sign3A_1757 : i32
    %rem3A_1759 = arith.remsi %add3A_1741, %jit3A_1742 : i32
    %ne3A_1760 = arith.constant 0 : i32
    %ne3A_1761 = arith.cmpi ne, %rem3A_1759, %ne3A_1760 : i32
    %and3A_1762 = arith.andi %ne3A_1758, %ne3A_1761 : i1
    %sub3A_1763 = arith.constant 1 : i32
    %sub3A_1764 = arith.subi %div3A_1743, %sub3A_1763 : i32
    %select_n3A_1765 = arith.select %and3A_1762, %sub3A_1764, %div3A_1743 : i32
    %jit3A_1766 = arith.constant 4096 : i32
    %eq3A_1767 = arith.constant 0 : i32
    %eq3A_1768 = arith.cmpi eq, %jit3A_1766, %eq3A_1767 : i32
    %jit3A_1769 = arith.constant 1 : i32
    %select_n3A_1770 = arith.select %eq3A_1768, %jit3A_1769, %jit3A_1766 : i32
    %rem3A_1771 = arith.remsi %add3A_1741, %select_n3A_1770 : i32
    %ne3A_1772 = arith.constant 0 : i32
    %ne3A_1773 = arith.cmpi ne, %rem3A_1771, %ne3A_1772 : i32
    %lt3A_1774 = arith.constant 0 : i32
    %lt3A_1775 = arith.cmpi slt, %rem3A_1771, %lt3A_1774 : i32
    %lt3A_1776 = arith.constant 0 : i32
    %lt3A_1777 = arith.cmpi slt, %select_n3A_1770, %lt3A_1776 : i32
    %ne3A_1778 = arith.xori %lt3A_1775, %lt3A_1777 : i1
    %and3A_1779 = arith.andi %ne3A_1778, %ne3A_1773 : i1
    %add3A_1780 = arith.addi %rem3A_1771, %select_n3A_1770 : i32
    %select_n3A_1781 = arith.select %and3A_1779, %add3A_1780, %rem3A_1771 : i32
    %dma_wait3A_1782 = arith.constant 20480 : i32
    %dma_wait3A_1783 = tpu.memref_slice %arg5[%dma_wait3A_1782] : memref<51200xi32, #tpu.memory_space<vmem>> -> memref<2048xi32, #tpu.memory_space<vmem>>
    %dma_wait3A_1784 = tpu.memref_slice %arg3[%select_n3A_1765, %select_n3A_1781] : memref<200x4096xi32, #tpu.memory_space<hbm>> -> memref<1x2048xi32, #tpu.memory_space<hbm>>
    %dma_wait3A_1785 = tpu.memref_squeeze %dma_wait3A_1784 : memref<1x2048xi32, #tpu.memory_space<hbm>> -> memref<2048xi32, #tpu.memory_space<hbm>>
    %dma_wait3A_1786 = arith.constant 20480 : i32
    %dma_wait3A_1787 = tpu.memref_slice %arg5[%dma_wait3A_1786] : memref<51200xi32, #tpu.memory_space<vmem>> -> memref<2048xi32, #tpu.memory_space<vmem>>
    %dma_wait3A_1788 = tpu.memref_slice %arg3[%select_n3A_1765, %select_n3A_1781] : memref<200x4096xi32, #tpu.memory_space<hbm>> -> memref<1x2048xi32, #tpu.memory_space<hbm>>
    %dma_wait3A_1789 = tpu.memref_squeeze %dma_wait3A_1788 : memref<1x2048xi32, #tpu.memory_space<hbm>> -> memref<2048xi32, #tpu.memory_space<hbm>>
    tpu.wait_dma2 semaphore(%arg12 : memref<!tpu.dma_semaphore, #tpu.memory_space<semaphore_mem>>) src(%dma_wait3A_1789 : memref<2048xi32, #tpu.memory_space<hbm>>) dst(%dma_wait3A_1787 : memref<2048xi32, #tpu.memory_space<vmem>>)
    %add3A_1790 = arith.constant 22528 : i32
    %add3A_1791 = arith.addi %mul3A_0, %add3A_1790 : i32
    %jit3A_1792 = arith.constant 4096 : i32
    %div3A_1793 = arith.divsi %add3A_1791, %jit3A_1792 : i32
    %sign3A_1794 = arith.constant 0 : i32
    %sign3A_1795 = arith.cmpi sgt, %add3A_1791, %sign3A_1794 : i32
    %sign3A_1796 = arith.extui %sign3A_1795 : i1 to i32
    %sign3A_1797 = arith.constant 0 : i32
    %sign3A_1798 = arith.cmpi slt, %add3A_1791, %sign3A_1797 : i32
    %sign3A_1799 = arith.extui %sign3A_1798 : i1 to i32
    %sign3A_1800 = arith.subi %sign3A_1796, %sign3A_1799 : i32
    %sign3A_1801 = arith.constant 0 : i32
    %sign3A_1802 = arith.cmpi sgt, %jit3A_1792, %sign3A_1801 : i32
    %sign3A_1803 = arith.extui %sign3A_1802 : i1 to i32
    %sign3A_1804 = arith.constant 0 : i32
    %sign3A_1805 = arith.cmpi slt, %jit3A_1792, %sign3A_1804 : i32
    %sign3A_1806 = arith.extui %sign3A_1805 : i1 to i32
    %sign3A_1807 = arith.subi %sign3A_1803, %sign3A_1806 : i32
    %ne3A_1808 = arith.cmpi ne, %sign3A_1800, %sign3A_1807 : i32
    %rem3A_1809 = arith.remsi %add3A_1791, %jit3A_1792 : i32
    %ne3A_1810 = arith.constant 0 : i32
    %ne3A_1811 = arith.cmpi ne, %rem3A_1809, %ne3A_1810 : i32
    %and3A_1812 = arith.andi %ne3A_1808, %ne3A_1811 : i1
    %sub3A_1813 = arith.constant 1 : i32
    %sub3A_1814 = arith.subi %div3A_1793, %sub3A_1813 : i32
    %select_n3A_1815 = arith.select %and3A_1812, %sub3A_1814, %div3A_1793 : i32
    %jit3A_1816 = arith.constant 4096 : i32
    %eq3A_1817 = arith.constant 0 : i32
    %eq3A_1818 = arith.cmpi eq, %jit3A_1816, %eq3A_1817 : i32
    %jit3A_1819 = arith.constant 1 : i32
    %select_n3A_1820 = arith.select %eq3A_1818, %jit3A_1819, %jit3A_1816 : i32
    %rem3A_1821 = arith.remsi %add3A_1791, %select_n3A_1820 : i32
    %ne3A_1822 = arith.constant 0 : i32
    %ne3A_1823 = arith.cmpi ne, %rem3A_1821, %ne3A_1822 : i32
    %lt3A_1824 = arith.constant 0 : i32
    %lt3A_1825 = arith.cmpi slt, %rem3A_1821, %lt3A_1824 : i32
    %lt3A_1826 = arith.constant 0 : i32
    %lt3A_1827 = arith.cmpi slt, %select_n3A_1820, %lt3A_1826 : i32
    %ne3A_1828 = arith.xori %lt3A_1825, %lt3A_1827 : i1
    %and3A_1829 = arith.andi %ne3A_1828, %ne3A_1823 : i1
    %add3A_1830 = arith.addi %rem3A_1821, %select_n3A_1820 : i32
    %select_n3A_1831 = arith.select %and3A_1829, %add3A_1830, %rem3A_1821 : i32
    %dma_wait3A_1832 = arith.constant 22528 : i32
    %dma_wait3A_1833 = tpu.memref_slice %arg5[%dma_wait3A_1832] : memref<51200xi32, #tpu.memory_space<vmem>> -> memref<2048xi32, #tpu.memory_space<vmem>>
    %dma_wait3A_1834 = tpu.memref_slice %arg3[%select_n3A_1815, %select_n3A_1831] : memref<200x4096xi32, #tpu.memory_space<hbm>> -> memref<1x2048xi32, #tpu.memory_space<hbm>>
    %dma_wait3A_1835 = tpu.memref_squeeze %dma_wait3A_1834 : memref<1x2048xi32, #tpu.memory_space<hbm>> -> memref<2048xi32, #tpu.memory_space<hbm>>
    %dma_wait3A_1836 = arith.constant 22528 : i32
    %dma_wait3A_1837 = tpu.memref_slice %arg5[%dma_wait3A_1836] : memref<51200xi32, #tpu.memory_space<vmem>> -> memref<2048xi32, #tpu.memory_space<vmem>>
    %dma_wait3A_1838 = tpu.memref_slice %arg3[%select_n3A_1815, %select_n3A_1831] : memref<200x4096xi32, #tpu.memory_space<hbm>> -> memref<1x2048xi32, #tpu.memory_space<hbm>>
    %dma_wait3A_1839 = tpu.memref_squeeze %dma_wait3A_1838 : memref<1x2048xi32, #tpu.memory_space<hbm>> -> memref<2048xi32, #tpu.memory_space<hbm>>
    tpu.wait_dma2 semaphore(%arg12 : memref<!tpu.dma_semaphore, #tpu.memory_space<semaphore_mem>>) src(%dma_wait3A_1839 : memref<2048xi32, #tpu.memory_space<hbm>>) dst(%dma_wait3A_1837 : memref<2048xi32, #tpu.memory_space<vmem>>)
    %add3A_1840 = arith.constant 24576 : i32
    %add3A_1841 = arith.addi %mul3A_0, %add3A_1840 : i32
    %jit3A_1842 = arith.constant 4096 : i32
    %div3A_1843 = arith.divsi %add3A_1841, %jit3A_1842 : i32
    %sign3A_1844 = arith.constant 0 : i32
    %sign3A_1845 = arith.cmpi sgt, %add3A_1841, %sign3A_1844 : i32
    %sign3A_1846 = arith.extui %sign3A_1845 : i1 to i32
    %sign3A_1847 = arith.constant 0 : i32
    %sign3A_1848 = arith.cmpi slt, %add3A_1841, %sign3A_1847 : i32
    %sign3A_1849 = arith.extui %sign3A_1848 : i1 to i32
    %sign3A_1850 = arith.subi %sign3A_1846, %sign3A_1849 : i32
    %sign3A_1851 = arith.constant 0 : i32
    %sign3A_1852 = arith.cmpi sgt, %jit3A_1842, %sign3A_1851 : i32
    %sign3A_1853 = arith.extui %sign3A_1852 : i1 to i32
    %sign3A_1854 = arith.constant 0 : i32
    %sign3A_1855 = arith.cmpi slt, %jit3A_1842, %sign3A_1854 : i32
    %sign3A_1856 = arith.extui %sign3A_1855 : i1 to i32
    %sign3A_1857 = arith.subi %sign3A_1853, %sign3A_1856 : i32
    %ne3A_1858 = arith.cmpi ne, %sign3A_1850, %sign3A_1857 : i32
    %rem3A_1859 = arith.remsi %add3A_1841, %jit3A_1842 : i32
    %ne3A_1860 = arith.constant 0 : i32
    %ne3A_1861 = arith.cmpi ne, %rem3A_1859, %ne3A_1860 : i32
    %and3A_1862 = arith.andi %ne3A_1858, %ne3A_1861 : i1
    %sub3A_1863 = arith.constant 1 : i32
    %sub3A_1864 = arith.subi %div3A_1843, %sub3A_1863 : i32
    %select_n3A_1865 = arith.select %and3A_1862, %sub3A_1864, %div3A_1843 : i32
    %jit3A_1866 = arith.constant 4096 : i32
    %eq3A_1867 = arith.constant 0 : i32
    %eq3A_1868 = arith.cmpi eq, %jit3A_1866, %eq3A_1867 : i32
    %jit3A_1869 = arith.constant 1 : i32
    %select_n3A_1870 = arith.select %eq3A_1868, %jit3A_1869, %jit3A_1866 : i32
    %rem3A_1871 = arith.remsi %add3A_1841, %select_n3A_1870 : i32
    %ne3A_1872 = arith.constant 0 : i32
    %ne3A_1873 = arith.cmpi ne, %rem3A_1871, %ne3A_1872 : i32
    %lt3A_1874 = arith.constant 0 : i32
    %lt3A_1875 = arith.cmpi slt, %rem3A_1871, %lt3A_1874 : i32
    %lt3A_1876 = arith.constant 0 : i32
    %lt3A_1877 = arith.cmpi slt, %select_n3A_1870, %lt3A_1876 : i32
    %ne3A_1878 = arith.xori %lt3A_1875, %lt3A_1877 : i1
    %and3A_1879 = arith.andi %ne3A_1878, %ne3A_1873 : i1
    %add3A_1880 = arith.addi %rem3A_1871, %select_n3A_1870 : i32
    %select_n3A_1881 = arith.select %and3A_1879, %add3A_1880, %rem3A_1871 : i32
    %dma_wait3A_1882 = arith.constant 24576 : i32
    %dma_wait3A_1883 = tpu.memref_slice %arg5[%dma_wait3A_1882] : memref<51200xi32, #tpu.memory_space<vmem>> -> memref<2048xi32, #tpu.memory_space<vmem>>
    %dma_wait3A_1884 = tpu.memref_slice %arg3[%select_n3A_1865, %select_n3A_1881] : memref<200x4096xi32, #tpu.memory_space<hbm>> -> memref<1x2048xi32, #tpu.memory_space<hbm>>
    %dma_wait3A_1885 = tpu.memref_squeeze %dma_wait3A_1884 : memref<1x2048xi32, #tpu.memory_space<hbm>> -> memref<2048xi32, #tpu.memory_space<hbm>>
    %dma_wait3A_1886 = arith.constant 24576 : i32
    %dma_wait3A_1887 = tpu.memref_slice %arg5[%dma_wait3A_1886] : memref<51200xi32, #tpu.memory_space<vmem>> -> memref<2048xi32, #tpu.memory_space<vmem>>
    %dma_wait3A_1888 = tpu.memref_slice %arg3[%select_n3A_1865, %select_n3A_1881] : memref<200x4096xi32, #tpu.memory_space<hbm>> -> memref<1x2048xi32, #tpu.memory_space<hbm>>
    %dma_wait3A_1889 = tpu.memref_squeeze %dma_wait3A_1888 : memref<1x2048xi32, #tpu.memory_space<hbm>> -> memref<2048xi32, #tpu.memory_space<hbm>>
    tpu.wait_dma2 semaphore(%arg12 : memref<!tpu.dma_semaphore, #tpu.memory_space<semaphore_mem>>) src(%dma_wait3A_1889 : memref<2048xi32, #tpu.memory_space<hbm>>) dst(%dma_wait3A_1887 : memref<2048xi32, #tpu.memory_space<vmem>>)
    %add3A_1890 = arith.constant 26624 : i32
    %add3A_1891 = arith.addi %mul3A_0, %add3A_1890 : i32
    %jit3A_1892 = arith.constant 4096 : i32
    %div3A_1893 = arith.divsi %add3A_1891, %jit3A_1892 : i32
    %sign3A_1894 = arith.constant 0 : i32
    %sign3A_1895 = arith.cmpi sgt, %add3A_1891, %sign3A_1894 : i32
    %sign3A_1896 = arith.extui %sign3A_1895 : i1 to i32
    %sign3A_1897 = arith.constant 0 : i32
    %sign3A_1898 = arith.cmpi slt, %add3A_1891, %sign3A_1897 : i32
    %sign3A_1899 = arith.extui %sign3A_1898 : i1 to i32
    %sign3A_1900 = arith.subi %sign3A_1896, %sign3A_1899 : i32
    %sign3A_1901 = arith.constant 0 : i32
    %sign3A_1902 = arith.cmpi sgt, %jit3A_1892, %sign3A_1901 : i32
    %sign3A_1903 = arith.extui %sign3A_1902 : i1 to i32
    %sign3A_1904 = arith.constant 0 : i32
    %sign3A_1905 = arith.cmpi slt, %jit3A_1892, %sign3A_1904 : i32
    %sign3A_1906 = arith.extui %sign3A_1905 : i1 to i32
    %sign3A_1907 = arith.subi %sign3A_1903, %sign3A_1906 : i32
    %ne3A_1908 = arith.cmpi ne, %sign3A_1900, %sign3A_1907 : i32
    %rem3A_1909 = arith.remsi %add3A_1891, %jit3A_1892 : i32
    %ne3A_1910 = arith.constant 0 : i32
    %ne3A_1911 = arith.cmpi ne, %rem3A_1909, %ne3A_1910 : i32
    %and3A_1912 = arith.andi %ne3A_1908, %ne3A_1911 : i1
    %sub3A_1913 = arith.constant 1 : i32
    %sub3A_1914 = arith.subi %div3A_1893, %sub3A_1913 : i32
    %select_n3A_1915 = arith.select %and3A_1912, %sub3A_1914, %div3A_1893 : i32
    %jit3A_1916 = arith.constant 4096 : i32
    %eq3A_1917 = arith.constant 0 : i32
    %eq3A_1918 = arith.cmpi eq, %jit3A_1916, %eq3A_1917 : i32
    %jit3A_1919 = arith.constant 1 : i32
    %select_n3A_1920 = arith.select %eq3A_1918, %jit3A_1919, %jit3A_1916 : i32
    %rem3A_1921 = arith.remsi %add3A_1891, %select_n3A_1920 : i32
    %ne3A_1922 = arith.constant 0 : i32
    %ne3A_1923 = arith.cmpi ne, %rem3A_1921, %ne3A_1922 : i32
    %lt3A_1924 = arith.constant 0 : i32
    %lt3A_1925 = arith.cmpi slt, %rem3A_1921, %lt3A_1924 : i32
    %lt3A_1926 = arith.constant 0 : i32
    %lt3A_1927 = arith.cmpi slt, %select_n3A_1920, %lt3A_1926 : i32
    %ne3A_1928 = arith.xori %lt3A_1925, %lt3A_1927 : i1
    %and3A_1929 = arith.andi %ne3A_1928, %ne3A_1923 : i1
    %add3A_1930 = arith.addi %rem3A_1921, %select_n3A_1920 : i32
    %select_n3A_1931 = arith.select %and3A_1929, %add3A_1930, %rem3A_1921 : i32
    %dma_wait3A_1932 = arith.constant 26624 : i32
    %dma_wait3A_1933 = tpu.memref_slice %arg5[%dma_wait3A_1932] : memref<51200xi32, #tpu.memory_space<vmem>> -> memref<2048xi32, #tpu.memory_space<vmem>>
    %dma_wait3A_1934 = tpu.memref_slice %arg3[%select_n3A_1915, %select_n3A_1931] : memref<200x4096xi32, #tpu.memory_space<hbm>> -> memref<1x2048xi32, #tpu.memory_space<hbm>>
    %dma_wait3A_1935 = tpu.memref_squeeze %dma_wait3A_1934 : memref<1x2048xi32, #tpu.memory_space<hbm>> -> memref<2048xi32, #tpu.memory_space<hbm>>
    %dma_wait3A_1936 = arith.constant 26624 : i32
    %dma_wait3A_1937 = tpu.memref_slice %arg5[%dma_wait3A_1936] : memref<51200xi32, #tpu.memory_space<vmem>> -> memref<2048xi32, #tpu.memory_space<vmem>>
    %dma_wait3A_1938 = tpu.memref_slice %arg3[%select_n3A_1915, %select_n3A_1931] : memref<200x4096xi32, #tpu.memory_space<hbm>> -> memref<1x2048xi32, #tpu.memory_space<hbm>>
    %dma_wait3A_1939 = tpu.memref_squeeze %dma_wait3A_1938 : memref<1x2048xi32, #tpu.memory_space<hbm>> -> memref<2048xi32, #tpu.memory_space<hbm>>
    tpu.wait_dma2 semaphore(%arg12 : memref<!tpu.dma_semaphore, #tpu.memory_space<semaphore_mem>>) src(%dma_wait3A_1939 : memref<2048xi32, #tpu.memory_space<hbm>>) dst(%dma_wait3A_1937 : memref<2048xi32, #tpu.memory_space<vmem>>)
    %add3A_1940 = arith.constant 28672 : i32
    %add3A_1941 = arith.addi %mul3A_0, %add3A_1940 : i32
    %jit3A_1942 = arith.constant 4096 : i32
    %div3A_1943 = arith.divsi %add3A_1941, %jit3A_1942 : i32
    %sign3A_1944 = arith.constant 0 : i32
    %sign3A_1945 = arith.cmpi sgt, %add3A_1941, %sign3A_1944 : i32
    %sign3A_1946 = arith.extui %sign3A_1945 : i1 to i32
    %sign3A_1947 = arith.constant 0 : i32
    %sign3A_1948 = arith.cmpi slt, %add3A_1941, %sign3A_1947 : i32
    %sign3A_1949 = arith.extui %sign3A_1948 : i1 to i32
    %sign3A_1950 = arith.subi %sign3A_1946, %sign3A_1949 : i32
    %sign3A_1951 = arith.constant 0 : i32
    %sign3A_1952 = arith.cmpi sgt, %jit3A_1942, %sign3A_1951 : i32
    %sign3A_1953 = arith.extui %sign3A_1952 : i1 to i32
    %sign3A_1954 = arith.constant 0 : i32
    %sign3A_1955 = arith.cmpi slt, %jit3A_1942, %sign3A_1954 : i32
    %sign3A_1956 = arith.extui %sign3A_1955 : i1 to i32
    %sign3A_1957 = arith.subi %sign3A_1953, %sign3A_1956 : i32
    %ne3A_1958 = arith.cmpi ne, %sign3A_1950, %sign3A_1957 : i32
    %rem3A_1959 = arith.remsi %add3A_1941, %jit3A_1942 : i32
    %ne3A_1960 = arith.constant 0 : i32
    %ne3A_1961 = arith.cmpi ne, %rem3A_1959, %ne3A_1960 : i32
    %and3A_1962 = arith.andi %ne3A_1958, %ne3A_1961 : i1
    %sub3A_1963 = arith.constant 1 : i32
    %sub3A_1964 = arith.subi %div3A_1943, %sub3A_1963 : i32
    %select_n3A_1965 = arith.select %and3A_1962, %sub3A_1964, %div3A_1943 : i32
    %jit3A_1966 = arith.constant 4096 : i32
    %eq3A_1967 = arith.constant 0 : i32
    %eq3A_1968 = arith.cmpi eq, %jit3A_1966, %eq3A_1967 : i32
    %jit3A_1969 = arith.constant 1 : i32
    %select_n3A_1970 = arith.select %eq3A_1968, %jit3A_1969, %jit3A_1966 : i32
    %rem3A_1971 = arith.remsi %add3A_1941, %select_n3A_1970 : i32
    %ne3A_1972 = arith.constant 0 : i32
    %ne3A_1973 = arith.cmpi ne, %rem3A_1971, %ne3A_1972 : i32
    %lt3A_1974 = arith.constant 0 : i32
    %lt3A_1975 = arith.cmpi slt, %rem3A_1971, %lt3A_1974 : i32
    %lt3A_1976 = arith.constant 0 : i32
    %lt3A_1977 = arith.cmpi slt, %select_n3A_1970, %lt3A_1976 : i32
    %ne3A_1978 = arith.xori %lt3A_1975, %lt3A_1977 : i1
    %and3A_1979 = arith.andi %ne3A_1978, %ne3A_1973 : i1
    %add3A_1980 = arith.addi %rem3A_1971, %select_n3A_1970 : i32
    %select_n3A_1981 = arith.select %and3A_1979, %add3A_1980, %rem3A_1971 : i32
    %dma_wait3A_1982 = arith.constant 28672 : i32
    %dma_wait3A_1983 = tpu.memref_slice %arg5[%dma_wait3A_1982] : memref<51200xi32, #tpu.memory_space<vmem>> -> memref<2048xi32, #tpu.memory_space<vmem>>
    %dma_wait3A_1984 = tpu.memref_slice %arg3[%select_n3A_1965, %select_n3A_1981] : memref<200x4096xi32, #tpu.memory_space<hbm>> -> memref<1x2048xi32, #tpu.memory_space<hbm>>
    %dma_wait3A_1985 = tpu.memref_squeeze %dma_wait3A_1984 : memref<1x2048xi32, #tpu.memory_space<hbm>> -> memref<2048xi32, #tpu.memory_space<hbm>>
    %dma_wait3A_1986 = arith.constant 28672 : i32
    %dma_wait3A_1987 = tpu.memref_slice %arg5[%dma_wait3A_1986] : memref<51200xi32, #tpu.memory_space<vmem>> -> memref<2048xi32, #tpu.memory_space<vmem>>
    %dma_wait3A_1988 = tpu.memref_slice %arg3[%select_n3A_1965, %select_n3A_1981] : memref<200x4096xi32, #tpu.memory_space<hbm>> -> memref<1x2048xi32, #tpu.memory_space<hbm>>
    %dma_wait3A_1989 = tpu.memref_squeeze %dma_wait3A_1988 : memref<1x2048xi32, #tpu.memory_space<hbm>> -> memref<2048xi32, #tpu.memory_space<hbm>>
    tpu.wait_dma2 semaphore(%arg12 : memref<!tpu.dma_semaphore, #tpu.memory_space<semaphore_mem>>) src(%dma_wait3A_1989 : memref<2048xi32, #tpu.memory_space<hbm>>) dst(%dma_wait3A_1987 : memref<2048xi32, #tpu.memory_space<vmem>>)
    %add3A_1990 = arith.constant 30720 : i32
    %add3A_1991 = arith.addi %mul3A_0, %add3A_1990 : i32
    %jit3A_1992 = arith.constant 4096 : i32
    %div3A_1993 = arith.divsi %add3A_1991, %jit3A_1992 : i32
    %sign3A_1994 = arith.constant 0 : i32
    %sign3A_1995 = arith.cmpi sgt, %add3A_1991, %sign3A_1994 : i32
    %sign3A_1996 = arith.extui %sign3A_1995 : i1 to i32
    %sign3A_1997 = arith.constant 0 : i32
    %sign3A_1998 = arith.cmpi slt, %add3A_1991, %sign3A_1997 : i32
    %sign3A_1999 = arith.extui %sign3A_1998 : i1 to i32
    %sign3A_2000 = arith.subi %sign3A_1996, %sign3A_1999 : i32
    %sign3A_2001 = arith.constant 0 : i32
    %sign3A_2002 = arith.cmpi sgt, %jit3A_1992, %sign3A_2001 : i32
    %sign3A_2003 = arith.extui %sign3A_2002 : i1 to i32
    %sign3A_2004 = arith.constant 0 : i32
    %sign3A_2005 = arith.cmpi slt, %jit3A_1992, %sign3A_2004 : i32
    %sign3A_2006 = arith.extui %sign3A_2005 : i1 to i32
    %sign3A_2007 = arith.subi %sign3A_2003, %sign3A_2006 : i32
    %ne3A_2008 = arith.cmpi ne, %sign3A_2000, %sign3A_2007 : i32
    %rem3A_2009 = arith.remsi %add3A_1991, %jit3A_1992 : i32
    %ne3A_2010 = arith.constant 0 : i32
    %ne3A_2011 = arith.cmpi ne, %rem3A_2009, %ne3A_2010 : i32
    %and3A_2012 = arith.andi %ne3A_2008, %ne3A_2011 : i1
    %sub3A_2013 = arith.constant 1 : i32
    %sub3A_2014 = arith.subi %div3A_1993, %sub3A_2013 : i32
    %select_n3A_2015 = arith.select %and3A_2012, %sub3A_2014, %div3A_1993 : i32
    %jit3A_2016 = arith.constant 4096 : i32
    %eq3A_2017 = arith.constant 0 : i32
    %eq3A_2018 = arith.cmpi eq, %jit3A_2016, %eq3A_2017 : i32
    %jit3A_2019 = arith.constant 1 : i32
    %select_n3A_2020 = arith.select %eq3A_2018, %jit3A_2019, %jit3A_2016 : i32
    %rem3A_2021 = arith.remsi %add3A_1991, %select_n3A_2020 : i32
    %ne3A_2022 = arith.constant 0 : i32
    %ne3A_2023 = arith.cmpi ne, %rem3A_2021, %ne3A_2022 : i32
    %lt3A_2024 = arith.constant 0 : i32
    %lt3A_2025 = arith.cmpi slt, %rem3A_2021, %lt3A_2024 : i32
    %lt3A_2026 = arith.constant 0 : i32
    %lt3A_2027 = arith.cmpi slt, %select_n3A_2020, %lt3A_2026 : i32
    %ne3A_2028 = arith.xori %lt3A_2025, %lt3A_2027 : i1
    %and3A_2029 = arith.andi %ne3A_2028, %ne3A_2023 : i1
    %add3A_2030 = arith.addi %rem3A_2021, %select_n3A_2020 : i32
    %select_n3A_2031 = arith.select %and3A_2029, %add3A_2030, %rem3A_2021 : i32
    %dma_wait3A_2032 = arith.constant 30720 : i32
    %dma_wait3A_2033 = tpu.memref_slice %arg5[%dma_wait3A_2032] : memref<51200xi32, #tpu.memory_space<vmem>> -> memref<2048xi32, #tpu.memory_space<vmem>>
    %dma_wait3A_2034 = tpu.memref_slice %arg3[%select_n3A_2015, %select_n3A_2031] : memref<200x4096xi32, #tpu.memory_space<hbm>> -> memref<1x2048xi32, #tpu.memory_space<hbm>>
    %dma_wait3A_2035 = tpu.memref_squeeze %dma_wait3A_2034 : memref<1x2048xi32, #tpu.memory_space<hbm>> -> memref<2048xi32, #tpu.memory_space<hbm>>
    %dma_wait3A_2036 = arith.constant 30720 : i32
    %dma_wait3A_2037 = tpu.memref_slice %arg5[%dma_wait3A_2036] : memref<51200xi32, #tpu.memory_space<vmem>> -> memref<2048xi32, #tpu.memory_space<vmem>>
    %dma_wait3A_2038 = tpu.memref_slice %arg3[%select_n3A_2015, %select_n3A_2031] : memref<200x4096xi32, #tpu.memory_space<hbm>> -> memref<1x2048xi32, #tpu.memory_space<hbm>>
    %dma_wait3A_2039 = tpu.memref_squeeze %dma_wait3A_2038 : memref<1x2048xi32, #tpu.memory_space<hbm>> -> memref<2048xi32, #tpu.memory_space<hbm>>
    tpu.wait_dma2 semaphore(%arg12 : memref<!tpu.dma_semaphore, #tpu.memory_space<semaphore_mem>>) src(%dma_wait3A_2039 : memref<2048xi32, #tpu.memory_space<hbm>>) dst(%dma_wait3A_2037 : memref<2048xi32, #tpu.memory_space<vmem>>)
    %add3A_2040 = arith.constant 32768 : i32
    %add3A_2041 = arith.addi %mul3A_0, %add3A_2040 : i32
    %jit3A_2042 = arith.constant 4096 : i32
    %div3A_2043 = arith.divsi %add3A_2041, %jit3A_2042 : i32
    %sign3A_2044 = arith.constant 0 : i32
    %sign3A_2045 = arith.cmpi sgt, %add3A_2041, %sign3A_2044 : i32
    %sign3A_2046 = arith.extui %sign3A_2045 : i1 to i32
    %sign3A_2047 = arith.constant 0 : i32
    %sign3A_2048 = arith.cmpi slt, %add3A_2041, %sign3A_2047 : i32
    %sign3A_2049 = arith.extui %sign3A_2048 : i1 to i32
    %sign3A_2050 = arith.subi %sign3A_2046, %sign3A_2049 : i32
    %sign3A_2051 = arith.constant 0 : i32
    %sign3A_2052 = arith.cmpi sgt, %jit3A_2042, %sign3A_2051 : i32
    %sign3A_2053 = arith.extui %sign3A_2052 : i1 to i32
    %sign3A_2054 = arith.constant 0 : i32
    %sign3A_2055 = arith.cmpi slt, %jit3A_2042, %sign3A_2054 : i32
    %sign3A_2056 = arith.extui %sign3A_2055 : i1 to i32
    %sign3A_2057 = arith.subi %sign3A_2053, %sign3A_2056 : i32
    %ne3A_2058 = arith.cmpi ne, %sign3A_2050, %sign3A_2057 : i32
    %rem3A_2059 = arith.remsi %add3A_2041, %jit3A_2042 : i32
    %ne3A_2060 = arith.constant 0 : i32
    %ne3A_2061 = arith.cmpi ne, %rem3A_2059, %ne3A_2060 : i32
    %and3A_2062 = arith.andi %ne3A_2058, %ne3A_2061 : i1
    %sub3A_2063 = arith.constant 1 : i32
    %sub3A_2064 = arith.subi %div3A_2043, %sub3A_2063 : i32
    %select_n3A_2065 = arith.select %and3A_2062, %sub3A_2064, %div3A_2043 : i32
    %jit3A_2066 = arith.constant 4096 : i32
    %eq3A_2067 = arith.constant 0 : i32
    %eq3A_2068 = arith.cmpi eq, %jit3A_2066, %eq3A_2067 : i32
    %jit3A_2069 = arith.constant 1 : i32
    %select_n3A_2070 = arith.select %eq3A_2068, %jit3A_2069, %jit3A_2066 : i32
    %rem3A_2071 = arith.remsi %add3A_2041, %select_n3A_2070 : i32
    %ne3A_2072 = arith.constant 0 : i32
    %ne3A_2073 = arith.cmpi ne, %rem3A_2071, %ne3A_2072 : i32
    %lt3A_2074 = arith.constant 0 : i32
    %lt3A_2075 = arith.cmpi slt, %rem3A_2071, %lt3A_2074 : i32
    %lt3A_2076 = arith.constant 0 : i32
    %lt3A_2077 = arith.cmpi slt, %select_n3A_2070, %lt3A_2076 : i32
    %ne3A_2078 = arith.xori %lt3A_2075, %lt3A_2077 : i1
    %and3A_2079 = arith.andi %ne3A_2078, %ne3A_2073 : i1
    %add3A_2080 = arith.addi %rem3A_2071, %select_n3A_2070 : i32
    %select_n3A_2081 = arith.select %and3A_2079, %add3A_2080, %rem3A_2071 : i32
    %dma_wait3A_2082 = arith.constant 32768 : i32
    %dma_wait3A_2083 = tpu.memref_slice %arg5[%dma_wait3A_2082] : memref<51200xi32, #tpu.memory_space<vmem>> -> memref<2048xi32, #tpu.memory_space<vmem>>
    %dma_wait3A_2084 = tpu.memref_slice %arg3[%select_n3A_2065, %select_n3A_2081] : memref<200x4096xi32, #tpu.memory_space<hbm>> -> memref<1x2048xi32, #tpu.memory_space<hbm>>
    %dma_wait3A_2085 = tpu.memref_squeeze %dma_wait3A_2084 : memref<1x2048xi32, #tpu.memory_space<hbm>> -> memref<2048xi32, #tpu.memory_space<hbm>>
    %dma_wait3A_2086 = arith.constant 32768 : i32
    %dma_wait3A_2087 = tpu.memref_slice %arg5[%dma_wait3A_2086] : memref<51200xi32, #tpu.memory_space<vmem>> -> memref<2048xi32, #tpu.memory_space<vmem>>
    %dma_wait3A_2088 = tpu.memref_slice %arg3[%select_n3A_2065, %select_n3A_2081] : memref<200x4096xi32, #tpu.memory_space<hbm>> -> memref<1x2048xi32, #tpu.memory_space<hbm>>
    %dma_wait3A_2089 = tpu.memref_squeeze %dma_wait3A_2088 : memref<1x2048xi32, #tpu.memory_space<hbm>> -> memref<2048xi32, #tpu.memory_space<hbm>>
    tpu.wait_dma2 semaphore(%arg12 : memref<!tpu.dma_semaphore, #tpu.memory_space<semaphore_mem>>) src(%dma_wait3A_2089 : memref<2048xi32, #tpu.memory_space<hbm>>) dst(%dma_wait3A_2087 : memref<2048xi32, #tpu.memory_space<vmem>>)
    %add3A_2090 = arith.constant 34816 : i32
    %add3A_2091 = arith.addi %mul3A_0, %add3A_2090 : i32
    %jit3A_2092 = arith.constant 4096 : i32
    %div3A_2093 = arith.divsi %add3A_2091, %jit3A_2092 : i32
    %sign3A_2094 = arith.constant 0 : i32
    %sign3A_2095 = arith.cmpi sgt, %add3A_2091, %sign3A_2094 : i32
    %sign3A_2096 = arith.extui %sign3A_2095 : i1 to i32
    %sign3A_2097 = arith.constant 0 : i32
    %sign3A_2098 = arith.cmpi slt, %add3A_2091, %sign3A_2097 : i32
    %sign3A_2099 = arith.extui %sign3A_2098 : i1 to i32
    %sign3A_2100 = arith.subi %sign3A_2096, %sign3A_2099 : i32
    %sign3A_2101 = arith.constant 0 : i32
    %sign3A_2102 = arith.cmpi sgt, %jit3A_2092, %sign3A_2101 : i32
    %sign3A_2103 = arith.extui %sign3A_2102 : i1 to i32
    %sign3A_2104 = arith.constant 0 : i32
    %sign3A_2105 = arith.cmpi slt, %jit3A_2092, %sign3A_2104 : i32
    %sign3A_2106 = arith.extui %sign3A_2105 : i1 to i32
    %sign3A_2107 = arith.subi %sign3A_2103, %sign3A_2106 : i32
    %ne3A_2108 = arith.cmpi ne, %sign3A_2100, %sign3A_2107 : i32
    %rem3A_2109 = arith.remsi %add3A_2091, %jit3A_2092 : i32
    %ne3A_2110 = arith.constant 0 : i32
    %ne3A_2111 = arith.cmpi ne, %rem3A_2109, %ne3A_2110 : i32
    %and3A_2112 = arith.andi %ne3A_2108, %ne3A_2111 : i1
    %sub3A_2113 = arith.constant 1 : i32
    %sub3A_2114 = arith.subi %div3A_2093, %sub3A_2113 : i32
    %select_n3A_2115 = arith.select %and3A_2112, %sub3A_2114, %div3A_2093 : i32
    %jit3A_2116 = arith.constant 4096 : i32
    %eq3A_2117 = arith.constant 0 : i32
    %eq3A_2118 = arith.cmpi eq, %jit3A_2116, %eq3A_2117 : i32
    %jit3A_2119 = arith.constant 1 : i32
    %select_n3A_2120 = arith.select %eq3A_2118, %jit3A_2119, %jit3A_2116 : i32
    %rem3A_2121 = arith.remsi %add3A_2091, %select_n3A_2120 : i32
    %ne3A_2122 = arith.constant 0 : i32
    %ne3A_2123 = arith.cmpi ne, %rem3A_2121, %ne3A_2122 : i32
    %lt3A_2124 = arith.constant 0 : i32
    %lt3A_2125 = arith.cmpi slt, %rem3A_2121, %lt3A_2124 : i32
    %lt3A_2126 = arith.constant 0 : i32
    %lt3A_2127 = arith.cmpi slt, %select_n3A_2120, %lt3A_2126 : i32
    %ne3A_2128 = arith.xori %lt3A_2125, %lt3A_2127 : i1
    %and3A_2129 = arith.andi %ne3A_2128, %ne3A_2123 : i1
    %add3A_2130 = arith.addi %rem3A_2121, %select_n3A_2120 : i32
    %select_n3A_2131 = arith.select %and3A_2129, %add3A_2130, %rem3A_2121 : i32
    %dma_wait3A_2132 = arith.constant 34816 : i32
    %dma_wait3A_2133 = tpu.memref_slice %arg5[%dma_wait3A_2132] : memref<51200xi32, #tpu.memory_space<vmem>> -> memref<2048xi32, #tpu.memory_space<vmem>>
    %dma_wait3A_2134 = tpu.memref_slice %arg3[%select_n3A_2115, %select_n3A_2131] : memref<200x4096xi32, #tpu.memory_space<hbm>> -> memref<1x2048xi32, #tpu.memory_space<hbm>>
    %dma_wait3A_2135 = tpu.memref_squeeze %dma_wait3A_2134 : memref<1x2048xi32, #tpu.memory_space<hbm>> -> memref<2048xi32, #tpu.memory_space<hbm>>
    %dma_wait3A_2136 = arith.constant 34816 : i32
    %dma_wait3A_2137 = tpu.memref_slice %arg5[%dma_wait3A_2136] : memref<51200xi32, #tpu.memory_space<vmem>> -> memref<2048xi32, #tpu.memory_space<vmem>>
    %dma_wait3A_2138 = tpu.memref_slice %arg3[%select_n3A_2115, %select_n3A_2131] : memref<200x4096xi32, #tpu.memory_space<hbm>> -> memref<1x2048xi32, #tpu.memory_space<hbm>>
    %dma_wait3A_2139 = tpu.memref_squeeze %dma_wait3A_2138 : memref<1x2048xi32, #tpu.memory_space<hbm>> -> memref<2048xi32, #tpu.memory_space<hbm>>
    tpu.wait_dma2 semaphore(%arg12 : memref<!tpu.dma_semaphore, #tpu.memory_space<semaphore_mem>>) src(%dma_wait3A_2139 : memref<2048xi32, #tpu.memory_space<hbm>>) dst(%dma_wait3A_2137 : memref<2048xi32, #tpu.memory_space<vmem>>)
    %add3A_2140 = arith.constant 36864 : i32
    %add3A_2141 = arith.addi %mul3A_0, %add3A_2140 : i32
    %jit3A_2142 = arith.constant 4096 : i32
    %div3A_2143 = arith.divsi %add3A_2141, %jit3A_2142 : i32
    %sign3A_2144 = arith.constant 0 : i32
    %sign3A_2145 = arith.cmpi sgt, %add3A_2141, %sign3A_2144 : i32
    %sign3A_2146 = arith.extui %sign3A_2145 : i1 to i32
    %sign3A_2147 = arith.constant 0 : i32
    %sign3A_2148 = arith.cmpi slt, %add3A_2141, %sign3A_2147 : i32
    %sign3A_2149 = arith.extui %sign3A_2148 : i1 to i32
    %sign3A_2150 = arith.subi %sign3A_2146, %sign3A_2149 : i32
    %sign3A_2151 = arith.constant 0 : i32
    %sign3A_2152 = arith.cmpi sgt, %jit3A_2142, %sign3A_2151 : i32
    %sign3A_2153 = arith.extui %sign3A_2152 : i1 to i32
    %sign3A_2154 = arith.constant 0 : i32
    %sign3A_2155 = arith.cmpi slt, %jit3A_2142, %sign3A_2154 : i32
    %sign3A_2156 = arith.extui %sign3A_2155 : i1 to i32
    %sign3A_2157 = arith.subi %sign3A_2153, %sign3A_2156 : i32
    %ne3A_2158 = arith.cmpi ne, %sign3A_2150, %sign3A_2157 : i32
    %rem3A_2159 = arith.remsi %add3A_2141, %jit3A_2142 : i32
    %ne3A_2160 = arith.constant 0 : i32
    %ne3A_2161 = arith.cmpi ne, %rem3A_2159, %ne3A_2160 : i32
    %and3A_2162 = arith.andi %ne3A_2158, %ne3A_2161 : i1
    %sub3A_2163 = arith.constant 1 : i32
    %sub3A_2164 = arith.subi %div3A_2143, %sub3A_2163 : i32
    %select_n3A_2165 = arith.select %and3A_2162, %sub3A_2164, %div3A_2143 : i32
    %jit3A_2166 = arith.constant 4096 : i32
    %eq3A_2167 = arith.constant 0 : i32
    %eq3A_2168 = arith.cmpi eq, %jit3A_2166, %eq3A_2167 : i32
    %jit3A_2169 = arith.constant 1 : i32
    %select_n3A_2170 = arith.select %eq3A_2168, %jit3A_2169, %jit3A_2166 : i32
    %rem3A_2171 = arith.remsi %add3A_2141, %select_n3A_2170 : i32
    %ne3A_2172 = arith.constant 0 : i32
    %ne3A_2173 = arith.cmpi ne, %rem3A_2171, %ne3A_2172 : i32
    %lt3A_2174 = arith.constant 0 : i32
    %lt3A_2175 = arith.cmpi slt, %rem3A_2171, %lt3A_2174 : i32
    %lt3A_2176 = arith.constant 0 : i32
    %lt3A_2177 = arith.cmpi slt, %select_n3A_2170, %lt3A_2176 : i32
    %ne3A_2178 = arith.xori %lt3A_2175, %lt3A_2177 : i1
    %and3A_2179 = arith.andi %ne3A_2178, %ne3A_2173 : i1
    %add3A_2180 = arith.addi %rem3A_2171, %select_n3A_2170 : i32
    %select_n3A_2181 = arith.select %and3A_2179, %add3A_2180, %rem3A_2171 : i32
    %dma_wait3A_2182 = arith.constant 36864 : i32
    %dma_wait3A_2183 = tpu.memref_slice %arg5[%dma_wait3A_2182] : memref<51200xi32, #tpu.memory_space<vmem>> -> memref<2048xi32, #tpu.memory_space<vmem>>
    %dma_wait3A_2184 = tpu.memref_slice %arg3[%select_n3A_2165, %select_n3A_2181] : memref<200x4096xi32, #tpu.memory_space<hbm>> -> memref<1x2048xi32, #tpu.memory_space<hbm>>
    %dma_wait3A_2185 = tpu.memref_squeeze %dma_wait3A_2184 : memref<1x2048xi32, #tpu.memory_space<hbm>> -> memref<2048xi32, #tpu.memory_space<hbm>>
    %dma_wait3A_2186 = arith.constant 36864 : i32
    %dma_wait3A_2187 = tpu.memref_slice %arg5[%dma_wait3A_2186] : memref<51200xi32, #tpu.memory_space<vmem>> -> memref<2048xi32, #tpu.memory_space<vmem>>
    %dma_wait3A_2188 = tpu.memref_slice %arg3[%select_n3A_2165, %select_n3A_2181] : memref<200x4096xi32, #tpu.memory_space<hbm>> -> memref<1x2048xi32, #tpu.memory_space<hbm>>
    %dma_wait3A_2189 = tpu.memref_squeeze %dma_wait3A_2188 : memref<1x2048xi32, #tpu.memory_space<hbm>> -> memref<2048xi32, #tpu.memory_space<hbm>>
    tpu.wait_dma2 semaphore(%arg12 : memref<!tpu.dma_semaphore, #tpu.memory_space<semaphore_mem>>) src(%dma_wait3A_2189 : memref<2048xi32, #tpu.memory_space<hbm>>) dst(%dma_wait3A_2187 : memref<2048xi32, #tpu.memory_space<vmem>>)
    %add3A_2190 = arith.constant 38912 : i32
    %add3A_2191 = arith.addi %mul3A_0, %add3A_2190 : i32
    %jit3A_2192 = arith.constant 4096 : i32
    %div3A_2193 = arith.divsi %add3A_2191, %jit3A_2192 : i32
    %sign3A_2194 = arith.constant 0 : i32
    %sign3A_2195 = arith.cmpi sgt, %add3A_2191, %sign3A_2194 : i32
    %sign3A_2196 = arith.extui %sign3A_2195 : i1 to i32
    %sign3A_2197 = arith.constant 0 : i32
    %sign3A_2198 = arith.cmpi slt, %add3A_2191, %sign3A_2197 : i32
    %sign3A_2199 = arith.extui %sign3A_2198 : i1 to i32
    %sign3A_2200 = arith.subi %sign3A_2196, %sign3A_2199 : i32
    %sign3A_2201 = arith.constant 0 : i32
    %sign3A_2202 = arith.cmpi sgt, %jit3A_2192, %sign3A_2201 : i32
    %sign3A_2203 = arith.extui %sign3A_2202 : i1 to i32
    %sign3A_2204 = arith.constant 0 : i32
    %sign3A_2205 = arith.cmpi slt, %jit3A_2192, %sign3A_2204 : i32
    %sign3A_2206 = arith.extui %sign3A_2205 : i1 to i32
    %sign3A_2207 = arith.subi %sign3A_2203, %sign3A_2206 : i32
    %ne3A_2208 = arith.cmpi ne, %sign3A_2200, %sign3A_2207 : i32
    %rem3A_2209 = arith.remsi %add3A_2191, %jit3A_2192 : i32
    %ne3A_2210 = arith.constant 0 : i32
    %ne3A_2211 = arith.cmpi ne, %rem3A_2209, %ne3A_2210 : i32
    %and3A_2212 = arith.andi %ne3A_2208, %ne3A_2211 : i1
    %sub3A_2213 = arith.constant 1 : i32
    %sub3A_2214 = arith.subi %div3A_2193, %sub3A_2213 : i32
    %select_n3A_2215 = arith.select %and3A_2212, %sub3A_2214, %div3A_2193 : i32
    %jit3A_2216 = arith.constant 4096 : i32
    %eq3A_2217 = arith.constant 0 : i32
    %eq3A_2218 = arith.cmpi eq, %jit3A_2216, %eq3A_2217 : i32
    %jit3A_2219 = arith.constant 1 : i32
    %select_n3A_2220 = arith.select %eq3A_2218, %jit3A_2219, %jit3A_2216 : i32
    %rem3A_2221 = arith.remsi %add3A_2191, %select_n3A_2220 : i32
    %ne3A_2222 = arith.constant 0 : i32
    %ne3A_2223 = arith.cmpi ne, %rem3A_2221, %ne3A_2222 : i32
    %lt3A_2224 = arith.constant 0 : i32
    %lt3A_2225 = arith.cmpi slt, %rem3A_2221, %lt3A_2224 : i32
    %lt3A_2226 = arith.constant 0 : i32
    %lt3A_2227 = arith.cmpi slt, %select_n3A_2220, %lt3A_2226 : i32
    %ne3A_2228 = arith.xori %lt3A_2225, %lt3A_2227 : i1
    %and3A_2229 = arith.andi %ne3A_2228, %ne3A_2223 : i1
    %add3A_2230 = arith.addi %rem3A_2221, %select_n3A_2220 : i32
    %select_n3A_2231 = arith.select %and3A_2229, %add3A_2230, %rem3A_2221 : i32
    %dma_wait3A_2232 = arith.constant 38912 : i32
    %dma_wait3A_2233 = tpu.memref_slice %arg5[%dma_wait3A_2232] : memref<51200xi32, #tpu.memory_space<vmem>> -> memref<2048xi32, #tpu.memory_space<vmem>>
    %dma_wait3A_2234 = tpu.memref_slice %arg3[%select_n3A_2215, %select_n3A_2231] : memref<200x4096xi32, #tpu.memory_space<hbm>> -> memref<1x2048xi32, #tpu.memory_space<hbm>>
    %dma_wait3A_2235 = tpu.memref_squeeze %dma_wait3A_2234 : memref<1x2048xi32, #tpu.memory_space<hbm>> -> memref<2048xi32, #tpu.memory_space<hbm>>
    %dma_wait3A_2236 = arith.constant 38912 : i32
    %dma_wait3A_2237 = tpu.memref_slice %arg5[%dma_wait3A_2236] : memref<51200xi32, #tpu.memory_space<vmem>> -> memref<2048xi32, #tpu.memory_space<vmem>>
    %dma_wait3A_2238 = tpu.memref_slice %arg3[%select_n3A_2215, %select_n3A_2231] : memref<200x4096xi32, #tpu.memory_space<hbm>> -> memref<1x2048xi32, #tpu.memory_space<hbm>>
    %dma_wait3A_2239 = tpu.memref_squeeze %dma_wait3A_2238 : memref<1x2048xi32, #tpu.memory_space<hbm>> -> memref<2048xi32, #tpu.memory_space<hbm>>
    tpu.wait_dma2 semaphore(%arg12 : memref<!tpu.dma_semaphore, #tpu.memory_space<semaphore_mem>>) src(%dma_wait3A_2239 : memref<2048xi32, #tpu.memory_space<hbm>>) dst(%dma_wait3A_2237 : memref<2048xi32, #tpu.memory_space<vmem>>)
    %add3A_2240 = arith.constant 40960 : i32
    %add3A_2241 = arith.addi %mul3A_0, %add3A_2240 : i32
    %jit3A_2242 = arith.constant 4096 : i32
    %div3A_2243 = arith.divsi %add3A_2241, %jit3A_2242 : i32
    %sign3A_2244 = arith.constant 0 : i32
    %sign3A_2245 = arith.cmpi sgt, %add3A_2241, %sign3A_2244 : i32
    %sign3A_2246 = arith.extui %sign3A_2245 : i1 to i32
    %sign3A_2247 = arith.constant 0 : i32
    %sign3A_2248 = arith.cmpi slt, %add3A_2241, %sign3A_2247 : i32
    %sign3A_2249 = arith.extui %sign3A_2248 : i1 to i32
    %sign3A_2250 = arith.subi %sign3A_2246, %sign3A_2249 : i32
    %sign3A_2251 = arith.constant 0 : i32
    %sign3A_2252 = arith.cmpi sgt, %jit3A_2242, %sign3A_2251 : i32
    %sign3A_2253 = arith.extui %sign3A_2252 : i1 to i32
    %sign3A_2254 = arith.constant 0 : i32
    %sign3A_2255 = arith.cmpi slt, %jit3A_2242, %sign3A_2254 : i32
    %sign3A_2256 = arith.extui %sign3A_2255 : i1 to i32
    %sign3A_2257 = arith.subi %sign3A_2253, %sign3A_2256 : i32
    %ne3A_2258 = arith.cmpi ne, %sign3A_2250, %sign3A_2257 : i32
    %rem3A_2259 = arith.remsi %add3A_2241, %jit3A_2242 : i32
    %ne3A_2260 = arith.constant 0 : i32
    %ne3A_2261 = arith.cmpi ne, %rem3A_2259, %ne3A_2260 : i32
    %and3A_2262 = arith.andi %ne3A_2258, %ne3A_2261 : i1
    %sub3A_2263 = arith.constant 1 : i32
    %sub3A_2264 = arith.subi %div3A_2243, %sub3A_2263 : i32
    %select_n3A_2265 = arith.select %and3A_2262, %sub3A_2264, %div3A_2243 : i32
    %jit3A_2266 = arith.constant 4096 : i32
    %eq3A_2267 = arith.constant 0 : i32
    %eq3A_2268 = arith.cmpi eq, %jit3A_2266, %eq3A_2267 : i32
    %jit3A_2269 = arith.constant 1 : i32
    %select_n3A_2270 = arith.select %eq3A_2268, %jit3A_2269, %jit3A_2266 : i32
    %rem3A_2271 = arith.remsi %add3A_2241, %select_n3A_2270 : i32
    %ne3A_2272 = arith.constant 0 : i32
    %ne3A_2273 = arith.cmpi ne, %rem3A_2271, %ne3A_2272 : i32
    %lt3A_2274 = arith.constant 0 : i32
    %lt3A_2275 = arith.cmpi slt, %rem3A_2271, %lt3A_2274 : i32
    %lt3A_2276 = arith.constant 0 : i32
    %lt3A_2277 = arith.cmpi slt, %select_n3A_2270, %lt3A_2276 : i32
    %ne3A_2278 = arith.xori %lt3A_2275, %lt3A_2277 : i1
    %and3A_2279 = arith.andi %ne3A_2278, %ne3A_2273 : i1
    %add3A_2280 = arith.addi %rem3A_2271, %select_n3A_2270 : i32
    %select_n3A_2281 = arith.select %and3A_2279, %add3A_2280, %rem3A_2271 : i32
    %dma_wait3A_2282 = arith.constant 40960 : i32
    %dma_wait3A_2283 = tpu.memref_slice %arg5[%dma_wait3A_2282] : memref<51200xi32, #tpu.memory_space<vmem>> -> memref<2048xi32, #tpu.memory_space<vmem>>
    %dma_wait3A_2284 = tpu.memref_slice %arg3[%select_n3A_2265, %select_n3A_2281] : memref<200x4096xi32, #tpu.memory_space<hbm>> -> memref<1x2048xi32, #tpu.memory_space<hbm>>
    %dma_wait3A_2285 = tpu.memref_squeeze %dma_wait3A_2284 : memref<1x2048xi32, #tpu.memory_space<hbm>> -> memref<2048xi32, #tpu.memory_space<hbm>>
    %dma_wait3A_2286 = arith.constant 40960 : i32
    %dma_wait3A_2287 = tpu.memref_slice %arg5[%dma_wait3A_2286] : memref<51200xi32, #tpu.memory_space<vmem>> -> memref<2048xi32, #tpu.memory_space<vmem>>
    %dma_wait3A_2288 = tpu.memref_slice %arg3[%select_n3A_2265, %select_n3A_2281] : memref<200x4096xi32, #tpu.memory_space<hbm>> -> memref<1x2048xi32, #tpu.memory_space<hbm>>
    %dma_wait3A_2289 = tpu.memref_squeeze %dma_wait3A_2288 : memref<1x2048xi32, #tpu.memory_space<hbm>> -> memref<2048xi32, #tpu.memory_space<hbm>>
    tpu.wait_dma2 semaphore(%arg12 : memref<!tpu.dma_semaphore, #tpu.memory_space<semaphore_mem>>) src(%dma_wait3A_2289 : memref<2048xi32, #tpu.memory_space<hbm>>) dst(%dma_wait3A_2287 : memref<2048xi32, #tpu.memory_space<vmem>>)
    %add3A_2290 = arith.constant 43008 : i32
    %add3A_2291 = arith.addi %mul3A_0, %add3A_2290 : i32
    %jit3A_2292 = arith.constant 4096 : i32
    %div3A_2293 = arith.divsi %add3A_2291, %jit3A_2292 : i32
    %sign3A_2294 = arith.constant 0 : i32
    %sign3A_2295 = arith.cmpi sgt, %add3A_2291, %sign3A_2294 : i32
    %sign3A_2296 = arith.extui %sign3A_2295 : i1 to i32
    %sign3A_2297 = arith.constant 0 : i32
    %sign3A_2298 = arith.cmpi slt, %add3A_2291, %sign3A_2297 : i32
    %sign3A_2299 = arith.extui %sign3A_2298 : i1 to i32
    %sign3A_2300 = arith.subi %sign3A_2296, %sign3A_2299 : i32
    %sign3A_2301 = arith.constant 0 : i32
    %sign3A_2302 = arith.cmpi sgt, %jit3A_2292, %sign3A_2301 : i32
    %sign3A_2303 = arith.extui %sign3A_2302 : i1 to i32
    %sign3A_2304 = arith.constant 0 : i32
    %sign3A_2305 = arith.cmpi slt, %jit3A_2292, %sign3A_2304 : i32
    %sign3A_2306 = arith.extui %sign3A_2305 : i1 to i32
    %sign3A_2307 = arith.subi %sign3A_2303, %sign3A_2306 : i32
    %ne3A_2308 = arith.cmpi ne, %sign3A_2300, %sign3A_2307 : i32
    %rem3A_2309 = arith.remsi %add3A_2291, %jit3A_2292 : i32
    %ne3A_2310 = arith.constant 0 : i32
    %ne3A_2311 = arith.cmpi ne, %rem3A_2309, %ne3A_2310 : i32
    %and3A_2312 = arith.andi %ne3A_2308, %ne3A_2311 : i1
    %sub3A_2313 = arith.constant 1 : i32
    %sub3A_2314 = arith.subi %div3A_2293, %sub3A_2313 : i32
    %select_n3A_2315 = arith.select %and3A_2312, %sub3A_2314, %div3A_2293 : i32
    %jit3A_2316 = arith.constant 4096 : i32
    %eq3A_2317 = arith.constant 0 : i32
    %eq3A_2318 = arith.cmpi eq, %jit3A_2316, %eq3A_2317 : i32
    %jit3A_2319 = arith.constant 1 : i32
    %select_n3A_2320 = arith.select %eq3A_2318, %jit3A_2319, %jit3A_2316 : i32
    %rem3A_2321 = arith.remsi %add3A_2291, %select_n3A_2320 : i32
    %ne3A_2322 = arith.constant 0 : i32
    %ne3A_2323 = arith.cmpi ne, %rem3A_2321, %ne3A_2322 : i32
    %lt3A_2324 = arith.constant 0 : i32
    %lt3A_2325 = arith.cmpi slt, %rem3A_2321, %lt3A_2324 : i32
    %lt3A_2326 = arith.constant 0 : i32
    %lt3A_2327 = arith.cmpi slt, %select_n3A_2320, %lt3A_2326 : i32
    %ne3A_2328 = arith.xori %lt3A_2325, %lt3A_2327 : i1
    %and3A_2329 = arith.andi %ne3A_2328, %ne3A_2323 : i1
    %add3A_2330 = arith.addi %rem3A_2321, %select_n3A_2320 : i32
    %select_n3A_2331 = arith.select %and3A_2329, %add3A_2330, %rem3A_2321 : i32
    %dma_wait3A_2332 = arith.constant 43008 : i32
    %dma_wait3A_2333 = tpu.memref_slice %arg5[%dma_wait3A_2332] : memref<51200xi32, #tpu.memory_space<vmem>> -> memref<2048xi32, #tpu.memory_space<vmem>>
    %dma_wait3A_2334 = tpu.memref_slice %arg3[%select_n3A_2315, %select_n3A_2331] : memref<200x4096xi32, #tpu.memory_space<hbm>> -> memref<1x2048xi32, #tpu.memory_space<hbm>>
    %dma_wait3A_2335 = tpu.memref_squeeze %dma_wait3A_2334 : memref<1x2048xi32, #tpu.memory_space<hbm>> -> memref<2048xi32, #tpu.memory_space<hbm>>
    %dma_wait3A_2336 = arith.constant 43008 : i32
    %dma_wait3A_2337 = tpu.memref_slice %arg5[%dma_wait3A_2336] : memref<51200xi32, #tpu.memory_space<vmem>> -> memref<2048xi32, #tpu.memory_space<vmem>>
    %dma_wait3A_2338 = tpu.memref_slice %arg3[%select_n3A_2315, %select_n3A_2331] : memref<200x4096xi32, #tpu.memory_space<hbm>> -> memref<1x2048xi32, #tpu.memory_space<hbm>>
    %dma_wait3A_2339 = tpu.memref_squeeze %dma_wait3A_2338 : memref<1x2048xi32, #tpu.memory_space<hbm>> -> memref<2048xi32, #tpu.memory_space<hbm>>
    tpu.wait_dma2 semaphore(%arg12 : memref<!tpu.dma_semaphore, #tpu.memory_space<semaphore_mem>>) src(%dma_wait3A_2339 : memref<2048xi32, #tpu.memory_space<hbm>>) dst(%dma_wait3A_2337 : memref<2048xi32, #tpu.memory_space<vmem>>)
    %add3A_2340 = arith.constant 45056 : i32
    %add3A_2341 = arith.addi %mul3A_0, %add3A_2340 : i32
    %jit3A_2342 = arith.constant 4096 : i32
    %div3A_2343 = arith.divsi %add3A_2341, %jit3A_2342 : i32
    %sign3A_2344 = arith.constant 0 : i32
    %sign3A_2345 = arith.cmpi sgt, %add3A_2341, %sign3A_2344 : i32
    %sign3A_2346 = arith.extui %sign3A_2345 : i1 to i32
    %sign3A_2347 = arith.constant 0 : i32
    %sign3A_2348 = arith.cmpi slt, %add3A_2341, %sign3A_2347 : i32
    %sign3A_2349 = arith.extui %sign3A_2348 : i1 to i32
    %sign3A_2350 = arith.subi %sign3A_2346, %sign3A_2349 : i32
    %sign3A_2351 = arith.constant 0 : i32
    %sign3A_2352 = arith.cmpi sgt, %jit3A_2342, %sign3A_2351 : i32
    %sign3A_2353 = arith.extui %sign3A_2352 : i1 to i32
    %sign3A_2354 = arith.constant 0 : i32
    %sign3A_2355 = arith.cmpi slt, %jit3A_2342, %sign3A_2354 : i32
    %sign3A_2356 = arith.extui %sign3A_2355 : i1 to i32
    %sign3A_2357 = arith.subi %sign3A_2353, %sign3A_2356 : i32
    %ne3A_2358 = arith.cmpi ne, %sign3A_2350, %sign3A_2357 : i32
    %rem3A_2359 = arith.remsi %add3A_2341, %jit3A_2342 : i32
    %ne3A_2360 = arith.constant 0 : i32
    %ne3A_2361 = arith.cmpi ne, %rem3A_2359, %ne3A_2360 : i32
    %and3A_2362 = arith.andi %ne3A_2358, %ne3A_2361 : i1
    %sub3A_2363 = arith.constant 1 : i32
    %sub3A_2364 = arith.subi %div3A_2343, %sub3A_2363 : i32
    %select_n3A_2365 = arith.select %and3A_2362, %sub3A_2364, %div3A_2343 : i32
    %jit3A_2366 = arith.constant 4096 : i32
    %eq3A_2367 = arith.constant 0 : i32
    %eq3A_2368 = arith.cmpi eq, %jit3A_2366, %eq3A_2367 : i32
    %jit3A_2369 = arith.constant 1 : i32
    %select_n3A_2370 = arith.select %eq3A_2368, %jit3A_2369, %jit3A_2366 : i32
    %rem3A_2371 = arith.remsi %add3A_2341, %select_n3A_2370 : i32
    %ne3A_2372 = arith.constant 0 : i32
    %ne3A_2373 = arith.cmpi ne, %rem3A_2371, %ne3A_2372 : i32
    %lt3A_2374 = arith.constant 0 : i32
    %lt3A_2375 = arith.cmpi slt, %rem3A_2371, %lt3A_2374 : i32
    %lt3A_2376 = arith.constant 0 : i32
    %lt3A_2377 = arith.cmpi slt, %select_n3A_2370, %lt3A_2376 : i32
    %ne3A_2378 = arith.xori %lt3A_2375, %lt3A_2377 : i1
    %and3A_2379 = arith.andi %ne3A_2378, %ne3A_2373 : i1
    %add3A_2380 = arith.addi %rem3A_2371, %select_n3A_2370 : i32
    %select_n3A_2381 = arith.select %and3A_2379, %add3A_2380, %rem3A_2371 : i32
    %dma_wait3A_2382 = arith.constant 45056 : i32
    %dma_wait3A_2383 = tpu.memref_slice %arg5[%dma_wait3A_2382] : memref<51200xi32, #tpu.memory_space<vmem>> -> memref<2048xi32, #tpu.memory_space<vmem>>
    %dma_wait3A_2384 = tpu.memref_slice %arg3[%select_n3A_2365, %select_n3A_2381] : memref<200x4096xi32, #tpu.memory_space<hbm>> -> memref<1x2048xi32, #tpu.memory_space<hbm>>
    %dma_wait3A_2385 = tpu.memref_squeeze %dma_wait3A_2384 : memref<1x2048xi32, #tpu.memory_space<hbm>> -> memref<2048xi32, #tpu.memory_space<hbm>>
    %dma_wait3A_2386 = arith.constant 45056 : i32
    %dma_wait3A_2387 = tpu.memref_slice %arg5[%dma_wait3A_2386] : memref<51200xi32, #tpu.memory_space<vmem>> -> memref<2048xi32, #tpu.memory_space<vmem>>
    %dma_wait3A_2388 = tpu.memref_slice %arg3[%select_n3A_2365, %select_n3A_2381] : memref<200x4096xi32, #tpu.memory_space<hbm>> -> memref<1x2048xi32, #tpu.memory_space<hbm>>
    %dma_wait3A_2389 = tpu.memref_squeeze %dma_wait3A_2388 : memref<1x2048xi32, #tpu.memory_space<hbm>> -> memref<2048xi32, #tpu.memory_space<hbm>>
    tpu.wait_dma2 semaphore(%arg12 : memref<!tpu.dma_semaphore, #tpu.memory_space<semaphore_mem>>) src(%dma_wait3A_2389 : memref<2048xi32, #tpu.memory_space<hbm>>) dst(%dma_wait3A_2387 : memref<2048xi32, #tpu.memory_space<vmem>>)
    %add3A_2390 = arith.constant 47104 : i32
    %add3A_2391 = arith.addi %mul3A_0, %add3A_2390 : i32
    %jit3A_2392 = arith.constant 4096 : i32
    %div3A_2393 = arith.divsi %add3A_2391, %jit3A_2392 : i32
    %sign3A_2394 = arith.constant 0 : i32
    %sign3A_2395 = arith.cmpi sgt, %add3A_2391, %sign3A_2394 : i32
    %sign3A_2396 = arith.extui %sign3A_2395 : i1 to i32
    %sign3A_2397 = arith.constant 0 : i32
    %sign3A_2398 = arith.cmpi slt, %add3A_2391, %sign3A_2397 : i32
    %sign3A_2399 = arith.extui %sign3A_2398 : i1 to i32
    %sign3A_2400 = arith.subi %sign3A_2396, %sign3A_2399 : i32
    %sign3A_2401 = arith.constant 0 : i32
    %sign3A_2402 = arith.cmpi sgt, %jit3A_2392, %sign3A_2401 : i32
    %sign3A_2403 = arith.extui %sign3A_2402 : i1 to i32
    %sign3A_2404 = arith.constant 0 : i32
    %sign3A_2405 = arith.cmpi slt, %jit3A_2392, %sign3A_2404 : i32
    %sign3A_2406 = arith.extui %sign3A_2405 : i1 to i32
    %sign3A_2407 = arith.subi %sign3A_2403, %sign3A_2406 : i32
    %ne3A_2408 = arith.cmpi ne, %sign3A_2400, %sign3A_2407 : i32
    %rem3A_2409 = arith.remsi %add3A_2391, %jit3A_2392 : i32
    %ne3A_2410 = arith.constant 0 : i32
    %ne3A_2411 = arith.cmpi ne, %rem3A_2409, %ne3A_2410 : i32
    %and3A_2412 = arith.andi %ne3A_2408, %ne3A_2411 : i1
    %sub3A_2413 = arith.constant 1 : i32
    %sub3A_2414 = arith.subi %div3A_2393, %sub3A_2413 : i32
    %select_n3A_2415 = arith.select %and3A_2412, %sub3A_2414, %div3A_2393 : i32
    %jit3A_2416 = arith.constant 4096 : i32
    %eq3A_2417 = arith.constant 0 : i32
    %eq3A_2418 = arith.cmpi eq, %jit3A_2416, %eq3A_2417 : i32
    %jit3A_2419 = arith.constant 1 : i32
    %select_n3A_2420 = arith.select %eq3A_2418, %jit3A_2419, %jit3A_2416 : i32
    %rem3A_2421 = arith.remsi %add3A_2391, %select_n3A_2420 : i32
    %ne3A_2422 = arith.constant 0 : i32
    %ne3A_2423 = arith.cmpi ne, %rem3A_2421, %ne3A_2422 : i32
    %lt3A_2424 = arith.constant 0 : i32
    %lt3A_2425 = arith.cmpi slt, %rem3A_2421, %lt3A_2424 : i32
    %lt3A_2426 = arith.constant 0 : i32
    %lt3A_2427 = arith.cmpi slt, %select_n3A_2420, %lt3A_2426 : i32
    %ne3A_2428 = arith.xori %lt3A_2425, %lt3A_2427 : i1
    %and3A_2429 = arith.andi %ne3A_2428, %ne3A_2423 : i1
    %add3A_2430 = arith.addi %rem3A_2421, %select_n3A_2420 : i32
    %select_n3A_2431 = arith.select %and3A_2429, %add3A_2430, %rem3A_2421 : i32
    %dma_wait3A_2432 = arith.constant 47104 : i32
    %dma_wait3A_2433 = tpu.memref_slice %arg5[%dma_wait3A_2432] : memref<51200xi32, #tpu.memory_space<vmem>> -> memref<2048xi32, #tpu.memory_space<vmem>>
    %dma_wait3A_2434 = tpu.memref_slice %arg3[%select_n3A_2415, %select_n3A_2431] : memref<200x4096xi32, #tpu.memory_space<hbm>> -> memref<1x2048xi32, #tpu.memory_space<hbm>>
    %dma_wait3A_2435 = tpu.memref_squeeze %dma_wait3A_2434 : memref<1x2048xi32, #tpu.memory_space<hbm>> -> memref<2048xi32, #tpu.memory_space<hbm>>
    %dma_wait3A_2436 = arith.constant 47104 : i32
    %dma_wait3A_2437 = tpu.memref_slice %arg5[%dma_wait3A_2436] : memref<51200xi32, #tpu.memory_space<vmem>> -> memref<2048xi32, #tpu.memory_space<vmem>>
    %dma_wait3A_2438 = tpu.memref_slice %arg3[%select_n3A_2415, %select_n3A_2431] : memref<200x4096xi32, #tpu.memory_space<hbm>> -> memref<1x2048xi32, #tpu.memory_space<hbm>>
    %dma_wait3A_2439 = tpu.memref_squeeze %dma_wait3A_2438 : memref<1x2048xi32, #tpu.memory_space<hbm>> -> memref<2048xi32, #tpu.memory_space<hbm>>
    tpu.wait_dma2 semaphore(%arg12 : memref<!tpu.dma_semaphore, #tpu.memory_space<semaphore_mem>>) src(%dma_wait3A_2439 : memref<2048xi32, #tpu.memory_space<hbm>>) dst(%dma_wait3A_2437 : memref<2048xi32, #tpu.memory_space<vmem>>)
    %add3A_2440 = arith.constant 49152 : i32
    %add3A_2441 = arith.addi %mul3A_0, %add3A_2440 : i32
    %jit3A_2442 = arith.constant 4096 : i32
    %div3A_2443 = arith.divsi %add3A_2441, %jit3A_2442 : i32
    %sign3A_2444 = arith.constant 0 : i32
    %sign3A_2445 = arith.cmpi sgt, %add3A_2441, %sign3A_2444 : i32
    %sign3A_2446 = arith.extui %sign3A_2445 : i1 to i32
    %sign3A_2447 = arith.constant 0 : i32
    %sign3A_2448 = arith.cmpi slt, %add3A_2441, %sign3A_2447 : i32
    %sign3A_2449 = arith.extui %sign3A_2448 : i1 to i32
    %sign3A_2450 = arith.subi %sign3A_2446, %sign3A_2449 : i32
    %sign3A_2451 = arith.constant 0 : i32
    %sign3A_2452 = arith.cmpi sgt, %jit3A_2442, %sign3A_2451 : i32
    %sign3A_2453 = arith.extui %sign3A_2452 : i1 to i32
    %sign3A_2454 = arith.constant 0 : i32
    %sign3A_2455 = arith.cmpi slt, %jit3A_2442, %sign3A_2454 : i32
    %sign3A_2456 = arith.extui %sign3A_2455 : i1 to i32
    %sign3A_2457 = arith.subi %sign3A_2453, %sign3A_2456 : i32
    %ne3A_2458 = arith.cmpi ne, %sign3A_2450, %sign3A_2457 : i32
    %rem3A_2459 = arith.remsi %add3A_2441, %jit3A_2442 : i32
    %ne3A_2460 = arith.constant 0 : i32
    %ne3A_2461 = arith.cmpi ne, %rem3A_2459, %ne3A_2460 : i32
    %and3A_2462 = arith.andi %ne3A_2458, %ne3A_2461 : i1
    %sub3A_2463 = arith.constant 1 : i32
    %sub3A_2464 = arith.subi %div3A_2443, %sub3A_2463 : i32
    %select_n3A_2465 = arith.select %and3A_2462, %sub3A_2464, %div3A_2443 : i32
    %jit3A_2466 = arith.constant 4096 : i32
    %eq3A_2467 = arith.constant 0 : i32
    %eq3A_2468 = arith.cmpi eq, %jit3A_2466, %eq3A_2467 : i32
    %jit3A_2469 = arith.constant 1 : i32
    %select_n3A_2470 = arith.select %eq3A_2468, %jit3A_2469, %jit3A_2466 : i32
    %rem3A_2471 = arith.remsi %add3A_2441, %select_n3A_2470 : i32
    %ne3A_2472 = arith.constant 0 : i32
    %ne3A_2473 = arith.cmpi ne, %rem3A_2471, %ne3A_2472 : i32
    %lt3A_2474 = arith.constant 0 : i32
    %lt3A_2475 = arith.cmpi slt, %rem3A_2471, %lt3A_2474 : i32
    %lt3A_2476 = arith.constant 0 : i32
    %lt3A_2477 = arith.cmpi slt, %select_n3A_2470, %lt3A_2476 : i32
    %ne3A_2478 = arith.xori %lt3A_2475, %lt3A_2477 : i1
    %and3A_2479 = arith.andi %ne3A_2478, %ne3A_2473 : i1
    %add3A_2480 = arith.addi %rem3A_2471, %select_n3A_2470 : i32
    %select_n3A_2481 = arith.select %and3A_2479, %add3A_2480, %rem3A_2471 : i32
    %dma_wait3A_2482 = arith.constant 49152 : i32
    %dma_wait3A_2483 = tpu.memref_slice %arg5[%dma_wait3A_2482] : memref<51200xi32, #tpu.memory_space<vmem>> -> memref<2048xi32, #tpu.memory_space<vmem>>
    %dma_wait3A_2484 = tpu.memref_slice %arg3[%select_n3A_2465, %select_n3A_2481] : memref<200x4096xi32, #tpu.memory_space<hbm>> -> memref<1x2048xi32, #tpu.memory_space<hbm>>
    %dma_wait3A_2485 = tpu.memref_squeeze %dma_wait3A_2484 : memref<1x2048xi32, #tpu.memory_space<hbm>> -> memref<2048xi32, #tpu.memory_space<hbm>>
    %dma_wait3A_2486 = arith.constant 49152 : i32
    %dma_wait3A_2487 = tpu.memref_slice %arg5[%dma_wait3A_2486] : memref<51200xi32, #tpu.memory_space<vmem>> -> memref<2048xi32, #tpu.memory_space<vmem>>
    %dma_wait3A_2488 = tpu.memref_slice %arg3[%select_n3A_2465, %select_n3A_2481] : memref<200x4096xi32, #tpu.memory_space<hbm>> -> memref<1x2048xi32, #tpu.memory_space<hbm>>
    %dma_wait3A_2489 = tpu.memref_squeeze %dma_wait3A_2488 : memref<1x2048xi32, #tpu.memory_space<hbm>> -> memref<2048xi32, #tpu.memory_space<hbm>>
    tpu.wait_dma2 semaphore(%arg12 : memref<!tpu.dma_semaphore, #tpu.memory_space<semaphore_mem>>) src(%dma_wait3A_2489 : memref<2048xi32, #tpu.memory_space<hbm>>) dst(%dma_wait3A_2487 : memref<2048xi32, #tpu.memory_space<vmem>>)
    %eq3A_2490 = arith.constant 0 : i32
    %eq3A_2491 = arith.cmpi eq, %arg1, %eq3A_2490 : i32
    %convert_element_type3A = arith.extui %eq3A_2491 : i1 to i32
    %cond3A = arith.constant 0 : i32
    %cond3A_2492 = arith.cmpi ne, %convert_element_type3A, %cond3A : i32
    scf.if %cond3A_2492 {
      %dma_start3A_2497 = arith.constant 0 : i32
      %dma_start3A_2498 = tpu.memref_slice %arg2[%mul3A_2, %dma_start3A_2497] : memref<64x1000000xf32, #tpu.memory_space<hbm>> -> memref<1x1000000xf32, #tpu.memory_space<hbm>>
      %dma_start3A_2499 = tpu.memref_squeeze %dma_start3A_2498 : memref<1x1000000xf32, #tpu.memory_space<hbm>> -> memref<1000000xf32, #tpu.memory_space<hbm>>
      tpu.enqueue_dma source(%dma_start3A_2499 : memref<1000000xf32, #tpu.memory_space<hbm>>) target(%arg10 : memref<1000000xf32, #tpu.memory_space<vmem_shared>>) target_semaphore(%arg11 : memref<!tpu.dma_semaphore, #tpu.memory_space<semaphore_mem>>)
    } else {
    }
    %scan3A = arith.constant 0 : i32
    %scan3A_2493 = arith.constant 32 : i32
    %scan3A_2494 = arith.addi %scan3A, %scan3A_2493 : i32
    %scan3A_2495 = arith.constant 1 : i32
    scf.for %scan3A_2497 = %scan3A to %scan3A_2494 step %scan3A_2495  : i32 {
      %mul3A_2498 = arith.constant 1 : i32
      %mul3A_2499 = arith.muli %scan3A_2497, %mul3A_2498 : i32
      %add3A_2500 = arith.constant 0 : i32
      %add3A_2501 = arith.addi %add3A_2500, %mul3A_2499 : i32
      %add3A_2502 = arith.addi %mul3A_2, %add3A_2501 : i32
      %eq3A_2503 = arith.constant 0 : i32
      %eq3A_2504 = arith.cmpi eq, %arg1, %eq3A_2503 : i32
      %convert_element_type3A_2505 = arith.extui %eq3A_2504 : i1 to i32
      %cond3A_2506 = arith.constant 0 : i32
      %cond3A_2507 = arith.cmpi ne, %convert_element_type3A_2505, %cond3A_2506 : i32
      scf.if %cond3A_2507 {
        %dma_wait3A_5219 = arith.constant 0 : i32
        %dma_wait3A_5220 = tpu.memref_slice %arg2[%add3A_2502, %dma_wait3A_5219] : memref<64x1000000xf32, #tpu.memory_space<hbm>> -> memref<1x1000000xf32, #tpu.memory_space<hbm>>
        %dma_wait3A_5221 = tpu.memref_squeeze %dma_wait3A_5220 : memref<1x1000000xf32, #tpu.memory_space<hbm>> -> memref<1000000xf32, #tpu.memory_space<hbm>>
        tpu.wait_dma2 semaphore(%arg11 : memref<!tpu.dma_semaphore, #tpu.memory_space<semaphore_mem>>) src(%dma_wait3A_5221 : memref<1000000xf32, #tpu.memory_space<hbm>>) dst(%arg10 : memref<1000000xf32, #tpu.memory_space<vmem_shared>>)
      } else {
      }
      %barrier3A = arith.constant 0 : index
      tpu.barrier barrier_id(%barrier3A)
      %dma_start3A_2508 = arith.constant 0 : i32
      %dma_start3A_2509 = tpu.memref_slice %arg5[%dma_start3A_2508] : memref<51200xi32, #tpu.memory_space<vmem>> -> memref<2048xi32, #tpu.memory_space<vmem>>
      %dma_start3A_2510 = arith.constant 0 : i32
      %dma_start3A_2511 = tpu.memref_slice %arg10[%dma_start3A_2510] : memref<1000000xf32, #tpu.memory_space<vmem_shared>> -> memref<1000000xf32, #tpu.memory_space<vmem_shared>>
      tpu.enqueue_indirect_dma source(%dma_start3A_2511 : memref<1000000xf32, #tpu.memory_space<vmem_shared>>) target(%arg6 : memref<2048xf32, #tpu.memory_space<vmem>>) offsets(%dma_start3A_2509 : memref<2048xi32, #tpu.memory_space<vmem>>) semaphore(%arg12 : memref<!tpu.dma_semaphore, #tpu.memory_space<semaphore_mem>>)
      %dma_start3A_2512 = arith.constant 2048 : i32
      %dma_start3A_2513 = tpu.memref_slice %arg5[%dma_start3A_2512] : memref<51200xi32, #tpu.memory_space<vmem>> -> memref<2048xi32, #tpu.memory_space<vmem>>
      %dma_start3A_2514 = arith.constant 0 : i32
      %dma_start3A_2515 = tpu.memref_slice %arg10[%dma_start3A_2514] : memref<1000000xf32, #tpu.memory_space<vmem_shared>> -> memref<1000000xf32, #tpu.memory_space<vmem_shared>>
      tpu.enqueue_indirect_dma source(%dma_start3A_2515 : memref<1000000xf32, #tpu.memory_space<vmem_shared>>) target(%arg7 : memref<2048xf32, #tpu.memory_space<vmem>>) offsets(%dma_start3A_2513 : memref<2048xi32, #tpu.memory_space<vmem>>) semaphore(%arg13 : memref<!tpu.dma_semaphore, #tpu.memory_space<semaphore_mem>>)
      %dma_start3A_2516 = arith.constant 4096 : i32
      %dma_start3A_2517 = tpu.memref_slice %arg5[%dma_start3A_2516] : memref<51200xi32, #tpu.memory_space<vmem>> -> memref<2048xi32, #tpu.memory_space<vmem>>
      %dma_start3A_2518 = arith.constant 0 : i32
      %dma_start3A_2519 = tpu.memref_slice %arg10[%dma_start3A_2518] : memref<1000000xf32, #tpu.memory_space<vmem_shared>> -> memref<1000000xf32, #tpu.memory_space<vmem_shared>>
      tpu.enqueue_indirect_dma source(%dma_start3A_2519 : memref<1000000xf32, #tpu.memory_space<vmem_shared>>) target(%arg8 : memref<2048xf32, #tpu.memory_space<vmem>>) offsets(%dma_start3A_2517 : memref<2048xi32, #tpu.memory_space<vmem>>) semaphore(%arg14 : memref<!tpu.dma_semaphore, #tpu.memory_space<semaphore_mem>>)
      %dma_start3A_2520 = arith.constant 6144 : i32
      %dma_start3A_2521 = tpu.memref_slice %arg5[%dma_start3A_2520] : memref<51200xi32, #tpu.memory_space<vmem>> -> memref<2048xi32, #tpu.memory_space<vmem>>
      %dma_start3A_2522 = arith.constant 0 : i32
      %dma_start3A_2523 = tpu.memref_slice %arg10[%dma_start3A_2522] : memref<1000000xf32, #tpu.memory_space<vmem_shared>> -> memref<1000000xf32, #tpu.memory_space<vmem_shared>>
      tpu.enqueue_indirect_dma source(%dma_start3A_2523 : memref<1000000xf32, #tpu.memory_space<vmem_shared>>) target(%arg9 : memref<2048xf32, #tpu.memory_space<vmem>>) offsets(%dma_start3A_2521 : memref<2048xi32, #tpu.memory_space<vmem>>) semaphore(%arg15 : memref<!tpu.dma_semaphore, #tpu.memory_space<semaphore_mem>>)
      %dma_wait3A_2524 = arith.constant 0 : i32
      %dma_wait3A_2525 = tpu.memref_slice %arg5[%dma_wait3A_2524] : memref<51200xi32, #tpu.memory_space<vmem>> -> memref<2048xi32, #tpu.memory_space<vmem>>
      %dma_wait3A_2526 = arith.constant 0 : i32
      %dma_wait3A_2527 = tpu.memref_slice %arg10[%dma_wait3A_2526] : memref<1000000xf32, #tpu.memory_space<vmem_shared>> -> memref<1000000xf32, #tpu.memory_space<vmem_shared>>
      tpu.wait_indirect_dma semaphore(%arg12 : memref<!tpu.dma_semaphore, #tpu.memory_space<semaphore_mem>>) src(%dma_wait3A_2527 : memref<1000000xf32, #tpu.memory_space<vmem_shared>>) dst(%arg6 : memref<2048xf32, #tpu.memory_space<vmem>>)
      %add3A_2528 = arith.constant 0 : i32
      %add3A_2529 = arith.addi %mul3A_0, %add3A_2528 : i32
      %jit3A_2530 = arith.constant 4096 : i32
      %div3A_2531 = arith.divsi %add3A_2529, %jit3A_2530 : i32
      %sign3A_2532 = arith.constant 0 : i32
      %sign3A_2533 = arith.cmpi sgt, %add3A_2529, %sign3A_2532 : i32
      %sign3A_2534 = arith.extui %sign3A_2533 : i1 to i32
      %sign3A_2535 = arith.constant 0 : i32
      %sign3A_2536 = arith.cmpi slt, %add3A_2529, %sign3A_2535 : i32
      %sign3A_2537 = arith.extui %sign3A_2536 : i1 to i32
      %sign3A_2538 = arith.subi %sign3A_2534, %sign3A_2537 : i32
      %sign3A_2539 = arith.constant 0 : i32
      %sign3A_2540 = arith.cmpi sgt, %jit3A_2530, %sign3A_2539 : i32
      %sign3A_2541 = arith.extui %sign3A_2540 : i1 to i32
      %sign3A_2542 = arith.constant 0 : i32
      %sign3A_2543 = arith.cmpi slt, %jit3A_2530, %sign3A_2542 : i32
      %sign3A_2544 = arith.extui %sign3A_2543 : i1 to i32
      %sign3A_2545 = arith.subi %sign3A_2541, %sign3A_2544 : i32
      %ne3A_2546 = arith.cmpi ne, %sign3A_2538, %sign3A_2545 : i32
      %rem3A_2547 = arith.remsi %add3A_2529, %jit3A_2530 : i32
      %ne3A_2548 = arith.constant 0 : i32
      %ne3A_2549 = arith.cmpi ne, %rem3A_2547, %ne3A_2548 : i32
      %and3A_2550 = arith.andi %ne3A_2546, %ne3A_2549 : i1
      %sub3A_2551 = arith.constant 1 : i32
      %sub3A_2552 = arith.subi %div3A_2531, %sub3A_2551 : i32
      %select_n3A_2553 = arith.select %and3A_2550, %sub3A_2552, %div3A_2531 : i32
      %mul3A_2554 = arith.constant 64 : i32
      %mul3A_2555 = arith.muli %select_n3A_2553, %mul3A_2554 : i32
      %add3A_2556 = arith.addi %mul3A_2555, %add3A_2502 : i32
      %mul3A_2557 = arith.constant 4096 : i32
      %mul3A_2558 = arith.muli %add3A_2556, %mul3A_2557 : i32
      %jit3A_2559 = arith.constant 4096 : i32
      %eq3A_2560 = arith.constant 0 : i32
      %eq3A_2561 = arith.cmpi eq, %jit3A_2559, %eq3A_2560 : i32
      %jit3A_2562 = arith.constant 1 : i32
      %select_n3A_2563 = arith.select %eq3A_2561, %jit3A_2562, %jit3A_2559 : i32
      %rem3A_2564 = arith.remsi %add3A_2529, %select_n3A_2563 : i32
      %ne3A_2565 = arith.constant 0 : i32
      %ne3A_2566 = arith.cmpi ne, %rem3A_2564, %ne3A_2565 : i32
      %lt3A_2567 = arith.constant 0 : i32
      %lt3A_2568 = arith.cmpi slt, %rem3A_2564, %lt3A_2567 : i32
      %lt3A_2569 = arith.constant 0 : i32
      %lt3A_2570 = arith.cmpi slt, %select_n3A_2563, %lt3A_2569 : i32
      %ne3A_2571 = arith.xori %lt3A_2568, %lt3A_2570 : i1
      %and3A_2572 = arith.andi %ne3A_2571, %ne3A_2566 : i1
      %add3A_2573 = arith.addi %rem3A_2564, %select_n3A_2563 : i32
      %select_n3A_2574 = arith.select %and3A_2572, %add3A_2573, %rem3A_2564 : i32
      %add3A_2575 = arith.addi %mul3A_2558, %select_n3A_2574 : i32
      %dma_start3A_2576 = tpu.memref_slice %arg4[%add3A_2575] : memref<52428800xf32, #tpu.memory_space<hbm>> -> memref<2048xf32, #tpu.memory_space<hbm>>
      %dma_start3A_2577 = tpu.memref_slice %arg4[%add3A_2575] : memref<52428800xf32, #tpu.memory_space<hbm>> -> memref<2048xf32, #tpu.memory_space<hbm>>
      tpu.enqueue_dma source(%arg6 : memref<2048xf32, #tpu.memory_space<vmem>>) target(%dma_start3A_2577 : memref<2048xf32, #tpu.memory_space<hbm>>) target_semaphore(%arg16 : memref<!tpu.dma_semaphore, #tpu.memory_space<semaphore_mem>>)
      %add3A_2578 = arith.constant 0 : i32
      %add3A_2579 = arith.addi %mul3A_0, %add3A_2578 : i32
      %jit3A_2580 = arith.constant 4096 : i32
      %div3A_2581 = arith.divsi %add3A_2579, %jit3A_2580 : i32
      %sign3A_2582 = arith.constant 0 : i32
      %sign3A_2583 = arith.cmpi sgt, %add3A_2579, %sign3A_2582 : i32
      %sign3A_2584 = arith.extui %sign3A_2583 : i1 to i32
      %sign3A_2585 = arith.constant 0 : i32
      %sign3A_2586 = arith.cmpi slt, %add3A_2579, %sign3A_2585 : i32
      %sign3A_2587 = arith.extui %sign3A_2586 : i1 to i32
      %sign3A_2588 = arith.subi %sign3A_2584, %sign3A_2587 : i32
      %sign3A_2589 = arith.constant 0 : i32
      %sign3A_2590 = arith.cmpi sgt, %jit3A_2580, %sign3A_2589 : i32
      %sign3A_2591 = arith.extui %sign3A_2590 : i1 to i32
      %sign3A_2592 = arith.constant 0 : i32
      %sign3A_2593 = arith.cmpi slt, %jit3A_2580, %sign3A_2592 : i32
      %sign3A_2594 = arith.extui %sign3A_2593 : i1 to i32
      %sign3A_2595 = arith.subi %sign3A_2591, %sign3A_2594 : i32
      %ne3A_2596 = arith.cmpi ne, %sign3A_2588, %sign3A_2595 : i32
      %rem3A_2597 = arith.remsi %add3A_2579, %jit3A_2580 : i32
      %ne3A_2598 = arith.constant 0 : i32
      %ne3A_2599 = arith.cmpi ne, %rem3A_2597, %ne3A_2598 : i32
      %and3A_2600 = arith.andi %ne3A_2596, %ne3A_2599 : i1
      %sub3A_2601 = arith.constant 1 : i32
      %sub3A_2602 = arith.subi %div3A_2581, %sub3A_2601 : i32
      %select_n3A_2603 = arith.select %and3A_2600, %sub3A_2602, %div3A_2581 : i32
      %mul3A_2604 = arith.constant 64 : i32
      %mul3A_2605 = arith.muli %select_n3A_2603, %mul3A_2604 : i32
      %add3A_2606 = arith.addi %mul3A_2605, %add3A_2502 : i32
      %mul3A_2607 = arith.constant 4096 : i32
      %mul3A_2608 = arith.muli %add3A_2606, %mul3A_2607 : i32
      %jit3A_2609 = arith.constant 4096 : i32
      %eq3A_2610 = arith.constant 0 : i32
      %eq3A_2611 = arith.cmpi eq, %jit3A_2609, %eq3A_2610 : i32
      %jit3A_2612 = arith.constant 1 : i32
      %select_n3A_2613 = arith.select %eq3A_2611, %jit3A_2612, %jit3A_2609 : i32
      %rem3A_2614 = arith.remsi %add3A_2579, %select_n3A_2613 : i32
      %ne3A_2615 = arith.constant 0 : i32
      %ne3A_2616 = arith.cmpi ne, %rem3A_2614, %ne3A_2615 : i32
      %lt3A_2617 = arith.constant 0 : i32
      %lt3A_2618 = arith.cmpi slt, %rem3A_2614, %lt3A_2617 : i32
      %lt3A_2619 = arith.constant 0 : i32
      %lt3A_2620 = arith.cmpi slt, %select_n3A_2613, %lt3A_2619 : i32
      %ne3A_2621 = arith.xori %lt3A_2618, %lt3A_2620 : i1
      %and3A_2622 = arith.andi %ne3A_2621, %ne3A_2616 : i1
      %add3A_2623 = arith.addi %rem3A_2614, %select_n3A_2613 : i32
      %select_n3A_2624 = arith.select %and3A_2622, %add3A_2623, %rem3A_2614 : i32
      %add3A_2625 = arith.addi %mul3A_2608, %select_n3A_2624 : i32
      %dma_wait3A_2626 = tpu.memref_slice %arg4[%add3A_2625] : memref<52428800xf32, #tpu.memory_space<hbm>> -> memref<2048xf32, #tpu.memory_space<hbm>>
      %dma_wait3A_2627 = tpu.memref_slice %arg4[%add3A_2625] : memref<52428800xf32, #tpu.memory_space<hbm>> -> memref<2048xf32, #tpu.memory_space<hbm>>
      tpu.wait_dma2 semaphore(%arg16 : memref<!tpu.dma_semaphore, #tpu.memory_space<semaphore_mem>>) src(%arg6 : memref<2048xf32, #tpu.memory_space<vmem>>) dst(%dma_wait3A_2627 : memref<2048xf32, #tpu.memory_space<hbm>>)
      %dma_start3A_2628 = arith.constant 8192 : i32
      %dma_start3A_2629 = tpu.memref_slice %arg5[%dma_start3A_2628] : memref<51200xi32, #tpu.memory_space<vmem>> -> memref<2048xi32, #tpu.memory_space<vmem>>
      %dma_start3A_2630 = arith.constant 0 : i32
      %dma_start3A_2631 = tpu.memref_slice %arg10[%dma_start3A_2630] : memref<1000000xf32, #tpu.memory_space<vmem_shared>> -> memref<1000000xf32, #tpu.memory_space<vmem_shared>>
      tpu.enqueue_indirect_dma source(%dma_start3A_2631 : memref<1000000xf32, #tpu.memory_space<vmem_shared>>) target(%arg6 : memref<2048xf32, #tpu.memory_space<vmem>>) offsets(%dma_start3A_2629 : memref<2048xi32, #tpu.memory_space<vmem>>) semaphore(%arg12 : memref<!tpu.dma_semaphore, #tpu.memory_space<semaphore_mem>>)
      %dma_wait3A_2632 = arith.constant 2048 : i32
      %dma_wait3A_2633 = tpu.memref_slice %arg5[%dma_wait3A_2632] : memref<51200xi32, #tpu.memory_space<vmem>> -> memref<2048xi32, #tpu.memory_space<vmem>>
      %dma_wait3A_2634 = arith.constant 0 : i32
      %dma_wait3A_2635 = tpu.memref_slice %arg10[%dma_wait3A_2634] : memref<1000000xf32, #tpu.memory_space<vmem_shared>> -> memref<1000000xf32, #tpu.memory_space<vmem_shared>>
      tpu.wait_indirect_dma semaphore(%arg13 : memref<!tpu.dma_semaphore, #tpu.memory_space<semaphore_mem>>) src(%dma_wait3A_2635 : memref<1000000xf32, #tpu.memory_space<vmem_shared>>) dst(%arg7 : memref<2048xf32, #tpu.memory_space<vmem>>)
      %add3A_2636 = arith.constant 2048 : i32
      %add3A_2637 = arith.addi %mul3A_0, %add3A_2636 : i32
      %jit3A_2638 = arith.constant 4096 : i32
      %div3A_2639 = arith.divsi %add3A_2637, %jit3A_2638 : i32
      %sign3A_2640 = arith.constant 0 : i32
      %sign3A_2641 = arith.cmpi sgt, %add3A_2637, %sign3A_2640 : i32
      %sign3A_2642 = arith.extui %sign3A_2641 : i1 to i32
      %sign3A_2643 = arith.constant 0 : i32
      %sign3A_2644 = arith.cmpi slt, %add3A_2637, %sign3A_2643 : i32
      %sign3A_2645 = arith.extui %sign3A_2644 : i1 to i32
      %sign3A_2646 = arith.subi %sign3A_2642, %sign3A_2645 : i32
      %sign3A_2647 = arith.constant 0 : i32
      %sign3A_2648 = arith.cmpi sgt, %jit3A_2638, %sign3A_2647 : i32
      %sign3A_2649 = arith.extui %sign3A_2648 : i1 to i32
      %sign3A_2650 = arith.constant 0 : i32
      %sign3A_2651 = arith.cmpi slt, %jit3A_2638, %sign3A_2650 : i32
      %sign3A_2652 = arith.extui %sign3A_2651 : i1 to i32
      %sign3A_2653 = arith.subi %sign3A_2649, %sign3A_2652 : i32
      %ne3A_2654 = arith.cmpi ne, %sign3A_2646, %sign3A_2653 : i32
      %rem3A_2655 = arith.remsi %add3A_2637, %jit3A_2638 : i32
      %ne3A_2656 = arith.constant 0 : i32
      %ne3A_2657 = arith.cmpi ne, %rem3A_2655, %ne3A_2656 : i32
      %and3A_2658 = arith.andi %ne3A_2654, %ne3A_2657 : i1
      %sub3A_2659 = arith.constant 1 : i32
      %sub3A_2660 = arith.subi %div3A_2639, %sub3A_2659 : i32
      %select_n3A_2661 = arith.select %and3A_2658, %sub3A_2660, %div3A_2639 : i32
      %mul3A_2662 = arith.constant 64 : i32
      %mul3A_2663 = arith.muli %select_n3A_2661, %mul3A_2662 : i32
      %add3A_2664 = arith.addi %mul3A_2663, %add3A_2502 : i32
      %mul3A_2665 = arith.constant 4096 : i32
      %mul3A_2666 = arith.muli %add3A_2664, %mul3A_2665 : i32
      %jit3A_2667 = arith.constant 4096 : i32
      %eq3A_2668 = arith.constant 0 : i32
      %eq3A_2669 = arith.cmpi eq, %jit3A_2667, %eq3A_2668 : i32
      %jit3A_2670 = arith.constant 1 : i32
      %select_n3A_2671 = arith.select %eq3A_2669, %jit3A_2670, %jit3A_2667 : i32
      %rem3A_2672 = arith.remsi %add3A_2637, %select_n3A_2671 : i32
      %ne3A_2673 = arith.constant 0 : i32
      %ne3A_2674 = arith.cmpi ne, %rem3A_2672, %ne3A_2673 : i32
      %lt3A_2675 = arith.constant 0 : i32
      %lt3A_2676 = arith.cmpi slt, %rem3A_2672, %lt3A_2675 : i32
      %lt3A_2677 = arith.constant 0 : i32
      %lt3A_2678 = arith.cmpi slt, %select_n3A_2671, %lt3A_2677 : i32
      %ne3A_2679 = arith.xori %lt3A_2676, %lt3A_2678 : i1
      %and3A_2680 = arith.andi %ne3A_2679, %ne3A_2674 : i1
      %add3A_2681 = arith.addi %rem3A_2672, %select_n3A_2671 : i32
      %select_n3A_2682 = arith.select %and3A_2680, %add3A_2681, %rem3A_2672 : i32
      %add3A_2683 = arith.addi %mul3A_2666, %select_n3A_2682 : i32
      %dma_start3A_2684 = tpu.memref_slice %arg4[%add3A_2683] : memref<52428800xf32, #tpu.memory_space<hbm>> -> memref<2048xf32, #tpu.memory_space<hbm>>
      %dma_start3A_2685 = tpu.memref_slice %arg4[%add3A_2683] : memref<52428800xf32, #tpu.memory_space<hbm>> -> memref<2048xf32, #tpu.memory_space<hbm>>
      tpu.enqueue_dma source(%arg7 : memref<2048xf32, #tpu.memory_space<vmem>>) target(%dma_start3A_2685 : memref<2048xf32, #tpu.memory_space<hbm>>) target_semaphore(%arg17 : memref<!tpu.dma_semaphore, #tpu.memory_space<semaphore_mem>>)
      %add3A_2686 = arith.constant 2048 : i32
      %add3A_2687 = arith.addi %mul3A_0, %add3A_2686 : i32
      %jit3A_2688 = arith.constant 4096 : i32
      %div3A_2689 = arith.divsi %add3A_2687, %jit3A_2688 : i32
      %sign3A_2690 = arith.constant 0 : i32
      %sign3A_2691 = arith.cmpi sgt, %add3A_2687, %sign3A_2690 : i32
      %sign3A_2692 = arith.extui %sign3A_2691 : i1 to i32
      %sign3A_2693 = arith.constant 0 : i32
      %sign3A_2694 = arith.cmpi slt, %add3A_2687, %sign3A_2693 : i32
      %sign3A_2695 = arith.extui %sign3A_2694 : i1 to i32
      %sign3A_2696 = arith.subi %sign3A_2692, %sign3A_2695 : i32
      %sign3A_2697 = arith.constant 0 : i32
      %sign3A_2698 = arith.cmpi sgt, %jit3A_2688, %sign3A_2697 : i32
      %sign3A_2699 = arith.extui %sign3A_2698 : i1 to i32
      %sign3A_2700 = arith.constant 0 : i32
      %sign3A_2701 = arith.cmpi slt, %jit3A_2688, %sign3A_2700 : i32
      %sign3A_2702 = arith.extui %sign3A_2701 : i1 to i32
      %sign3A_2703 = arith.subi %sign3A_2699, %sign3A_2702 : i32
      %ne3A_2704 = arith.cmpi ne, %sign3A_2696, %sign3A_2703 : i32
      %rem3A_2705 = arith.remsi %add3A_2687, %jit3A_2688 : i32
      %ne3A_2706 = arith.constant 0 : i32
      %ne3A_2707 = arith.cmpi ne, %rem3A_2705, %ne3A_2706 : i32
      %and3A_2708 = arith.andi %ne3A_2704, %ne3A_2707 : i1
      %sub3A_2709 = arith.constant 1 : i32
      %sub3A_2710 = arith.subi %div3A_2689, %sub3A_2709 : i32
      %select_n3A_2711 = arith.select %and3A_2708, %sub3A_2710, %div3A_2689 : i32
      %mul3A_2712 = arith.constant 64 : i32
      %mul3A_2713 = arith.muli %select_n3A_2711, %mul3A_2712 : i32
      %add3A_2714 = arith.addi %mul3A_2713, %add3A_2502 : i32
      %mul3A_2715 = arith.constant 4096 : i32
      %mul3A_2716 = arith.muli %add3A_2714, %mul3A_2715 : i32
      %jit3A_2717 = arith.constant 4096 : i32
      %eq3A_2718 = arith.constant 0 : i32
      %eq3A_2719 = arith.cmpi eq, %jit3A_2717, %eq3A_2718 : i32
      %jit3A_2720 = arith.constant 1 : i32
      %select_n3A_2721 = arith.select %eq3A_2719, %jit3A_2720, %jit3A_2717 : i32
      %rem3A_2722 = arith.remsi %add3A_2687, %select_n3A_2721 : i32
      %ne3A_2723 = arith.constant 0 : i32
      %ne3A_2724 = arith.cmpi ne, %rem3A_2722, %ne3A_2723 : i32
      %lt3A_2725 = arith.constant 0 : i32
      %lt3A_2726 = arith.cmpi slt, %rem3A_2722, %lt3A_2725 : i32
      %lt3A_2727 = arith.constant 0 : i32
      %lt3A_2728 = arith.cmpi slt, %select_n3A_2721, %lt3A_2727 : i32
      %ne3A_2729 = arith.xori %lt3A_2726, %lt3A_2728 : i1
      %and3A_2730 = arith.andi %ne3A_2729, %ne3A_2724 : i1
      %add3A_2731 = arith.addi %rem3A_2722, %select_n3A_2721 : i32
      %select_n3A_2732 = arith.select %and3A_2730, %add3A_2731, %rem3A_2722 : i32
      %add3A_2733 = arith.addi %mul3A_2716, %select_n3A_2732 : i32
      %dma_wait3A_2734 = tpu.memref_slice %arg4[%add3A_2733] : memref<52428800xf32, #tpu.memory_space<hbm>> -> memref<2048xf32, #tpu.memory_space<hbm>>
      %dma_wait3A_2735 = tpu.memref_slice %arg4[%add3A_2733] : memref<52428800xf32, #tpu.memory_space<hbm>> -> memref<2048xf32, #tpu.memory_space<hbm>>
      tpu.wait_dma2 semaphore(%arg17 : memref<!tpu.dma_semaphore, #tpu.memory_space<semaphore_mem>>) src(%arg7 : memref<2048xf32, #tpu.memory_space<vmem>>) dst(%dma_wait3A_2735 : memref<2048xf32, #tpu.memory_space<hbm>>)
      %dma_start3A_2736 = arith.constant 10240 : i32
      %dma_start3A_2737 = tpu.memref_slice %arg5[%dma_start3A_2736] : memref<51200xi32, #tpu.memory_space<vmem>> -> memref<2048xi32, #tpu.memory_space<vmem>>
      %dma_start3A_2738 = arith.constant 0 : i32
      %dma_start3A_2739 = tpu.memref_slice %arg10[%dma_start3A_2738] : memref<1000000xf32, #tpu.memory_space<vmem_shared>> -> memref<1000000xf32, #tpu.memory_space<vmem_shared>>
      tpu.enqueue_indirect_dma source(%dma_start3A_2739 : memref<1000000xf32, #tpu.memory_space<vmem_shared>>) target(%arg7 : memref<2048xf32, #tpu.memory_space<vmem>>) offsets(%dma_start3A_2737 : memref<2048xi32, #tpu.memory_space<vmem>>) semaphore(%arg13 : memref<!tpu.dma_semaphore, #tpu.memory_space<semaphore_mem>>)
      %dma_wait3A_2740 = arith.constant 4096 : i32
      %dma_wait3A_2741 = tpu.memref_slice %arg5[%dma_wait3A_2740] : memref<51200xi32, #tpu.memory_space<vmem>> -> memref<2048xi32, #tpu.memory_space<vmem>>
      %dma_wait3A_2742 = arith.constant 0 : i32
      %dma_wait3A_2743 = tpu.memref_slice %arg10[%dma_wait3A_2742] : memref<1000000xf32, #tpu.memory_space<vmem_shared>> -> memref<1000000xf32, #tpu.memory_space<vmem_shared>>
      tpu.wait_indirect_dma semaphore(%arg14 : memref<!tpu.dma_semaphore, #tpu.memory_space<semaphore_mem>>) src(%dma_wait3A_2743 : memref<1000000xf32, #tpu.memory_space<vmem_shared>>) dst(%arg8 : memref<2048xf32, #tpu.memory_space<vmem>>)
      %add3A_2744 = arith.constant 4096 : i32
      %add3A_2745 = arith.addi %mul3A_0, %add3A_2744 : i32
      %jit3A_2746 = arith.constant 4096 : i32
      %div3A_2747 = arith.divsi %add3A_2745, %jit3A_2746 : i32
      %sign3A_2748 = arith.constant 0 : i32
      %sign3A_2749 = arith.cmpi sgt, %add3A_2745, %sign3A_2748 : i32
      %sign3A_2750 = arith.extui %sign3A_2749 : i1 to i32
      %sign3A_2751 = arith.constant 0 : i32
      %sign3A_2752 = arith.cmpi slt, %add3A_2745, %sign3A_2751 : i32
      %sign3A_2753 = arith.extui %sign3A_2752 : i1 to i32
      %sign3A_2754 = arith.subi %sign3A_2750, %sign3A_2753 : i32
      %sign3A_2755 = arith.constant 0 : i32
      %sign3A_2756 = arith.cmpi sgt, %jit3A_2746, %sign3A_2755 : i32
      %sign3A_2757 = arith.extui %sign3A_2756 : i1 to i32
      %sign3A_2758 = arith.constant 0 : i32
      %sign3A_2759 = arith.cmpi slt, %jit3A_2746, %sign3A_2758 : i32
      %sign3A_2760 = arith.extui %sign3A_2759 : i1 to i32
      %sign3A_2761 = arith.subi %sign3A_2757, %sign3A_2760 : i32
      %ne3A_2762 = arith.cmpi ne, %sign3A_2754, %sign3A_2761 : i32
      %rem3A_2763 = arith.remsi %add3A_2745, %jit3A_2746 : i32
      %ne3A_2764 = arith.constant 0 : i32
      %ne3A_2765 = arith.cmpi ne, %rem3A_2763, %ne3A_2764 : i32
      %and3A_2766 = arith.andi %ne3A_2762, %ne3A_2765 : i1
      %sub3A_2767 = arith.constant 1 : i32
      %sub3A_2768 = arith.subi %div3A_2747, %sub3A_2767 : i32
      %select_n3A_2769 = arith.select %and3A_2766, %sub3A_2768, %div3A_2747 : i32
      %mul3A_2770 = arith.constant 64 : i32
      %mul3A_2771 = arith.muli %select_n3A_2769, %mul3A_2770 : i32
      %add3A_2772 = arith.addi %mul3A_2771, %add3A_2502 : i32
      %mul3A_2773 = arith.constant 4096 : i32
      %mul3A_2774 = arith.muli %add3A_2772, %mul3A_2773 : i32
      %jit3A_2775 = arith.constant 4096 : i32
      %eq3A_2776 = arith.constant 0 : i32
      %eq3A_2777 = arith.cmpi eq, %jit3A_2775, %eq3A_2776 : i32
      %jit3A_2778 = arith.constant 1 : i32
      %select_n3A_2779 = arith.select %eq3A_2777, %jit3A_2778, %jit3A_2775 : i32
      %rem3A_2780 = arith.remsi %add3A_2745, %select_n3A_2779 : i32
      %ne3A_2781 = arith.constant 0 : i32
      %ne3A_2782 = arith.cmpi ne, %rem3A_2780, %ne3A_2781 : i32
      %lt3A_2783 = arith.constant 0 : i32
      %lt3A_2784 = arith.cmpi slt, %rem3A_2780, %lt3A_2783 : i32
      %lt3A_2785 = arith.constant 0 : i32
      %lt3A_2786 = arith.cmpi slt, %select_n3A_2779, %lt3A_2785 : i32
      %ne3A_2787 = arith.xori %lt3A_2784, %lt3A_2786 : i1
      %and3A_2788 = arith.andi %ne3A_2787, %ne3A_2782 : i1
      %add3A_2789 = arith.addi %rem3A_2780, %select_n3A_2779 : i32
      %select_n3A_2790 = arith.select %and3A_2788, %add3A_2789, %rem3A_2780 : i32
      %add3A_2791 = arith.addi %mul3A_2774, %select_n3A_2790 : i32
      %dma_start3A_2792 = tpu.memref_slice %arg4[%add3A_2791] : memref<52428800xf32, #tpu.memory_space<hbm>> -> memref<2048xf32, #tpu.memory_space<hbm>>
      %dma_start3A_2793 = tpu.memref_slice %arg4[%add3A_2791] : memref<52428800xf32, #tpu.memory_space<hbm>> -> memref<2048xf32, #tpu.memory_space<hbm>>
      tpu.enqueue_dma source(%arg8 : memref<2048xf32, #tpu.memory_space<vmem>>) target(%dma_start3A_2793 : memref<2048xf32, #tpu.memory_space<hbm>>) target_semaphore(%arg18 : memref<!tpu.dma_semaphore, #tpu.memory_space<semaphore_mem>>)
      %add3A_2794 = arith.constant 4096 : i32
      %add3A_2795 = arith.addi %mul3A_0, %add3A_2794 : i32
      %jit3A_2796 = arith.constant 4096 : i32
      %div3A_2797 = arith.divsi %add3A_2795, %jit3A_2796 : i32
      %sign3A_2798 = arith.constant 0 : i32
      %sign3A_2799 = arith.cmpi sgt, %add3A_2795, %sign3A_2798 : i32
      %sign3A_2800 = arith.extui %sign3A_2799 : i1 to i32
      %sign3A_2801 = arith.constant 0 : i32
      %sign3A_2802 = arith.cmpi slt, %add3A_2795, %sign3A_2801 : i32
      %sign3A_2803 = arith.extui %sign3A_2802 : i1 to i32
      %sign3A_2804 = arith.subi %sign3A_2800, %sign3A_2803 : i32
      %sign3A_2805 = arith.constant 0 : i32
      %sign3A_2806 = arith.cmpi sgt, %jit3A_2796, %sign3A_2805 : i32
      %sign3A_2807 = arith.extui %sign3A_2806 : i1 to i32
      %sign3A_2808 = arith.constant 0 : i32
      %sign3A_2809 = arith.cmpi slt, %jit3A_2796, %sign3A_2808 : i32
      %sign3A_2810 = arith.extui %sign3A_2809 : i1 to i32
      %sign3A_2811 = arith.subi %sign3A_2807, %sign3A_2810 : i32
      %ne3A_2812 = arith.cmpi ne, %sign3A_2804, %sign3A_2811 : i32
      %rem3A_2813 = arith.remsi %add3A_2795, %jit3A_2796 : i32
      %ne3A_2814 = arith.constant 0 : i32
      %ne3A_2815 = arith.cmpi ne, %rem3A_2813, %ne3A_2814 : i32
      %and3A_2816 = arith.andi %ne3A_2812, %ne3A_2815 : i1
      %sub3A_2817 = arith.constant 1 : i32
      %sub3A_2818 = arith.subi %div3A_2797, %sub3A_2817 : i32
      %select_n3A_2819 = arith.select %and3A_2816, %sub3A_2818, %div3A_2797 : i32
      %mul3A_2820 = arith.constant 64 : i32
      %mul3A_2821 = arith.muli %select_n3A_2819, %mul3A_2820 : i32
      %add3A_2822 = arith.addi %mul3A_2821, %add3A_2502 : i32
      %mul3A_2823 = arith.constant 4096 : i32
      %mul3A_2824 = arith.muli %add3A_2822, %mul3A_2823 : i32
      %jit3A_2825 = arith.constant 4096 : i32
      %eq3A_2826 = arith.constant 0 : i32
      %eq3A_2827 = arith.cmpi eq, %jit3A_2825, %eq3A_2826 : i32
      %jit3A_2828 = arith.constant 1 : i32
      %select_n3A_2829 = arith.select %eq3A_2827, %jit3A_2828, %jit3A_2825 : i32
      %rem3A_2830 = arith.remsi %add3A_2795, %select_n3A_2829 : i32
      %ne3A_2831 = arith.constant 0 : i32
      %ne3A_2832 = arith.cmpi ne, %rem3A_2830, %ne3A_2831 : i32
      %lt3A_2833 = arith.constant 0 : i32
      %lt3A_2834 = arith.cmpi slt, %rem3A_2830, %lt3A_2833 : i32
      %lt3A_2835 = arith.constant 0 : i32
      %lt3A_2836 = arith.cmpi slt, %select_n3A_2829, %lt3A_2835 : i32
      %ne3A_2837 = arith.xori %lt3A_2834, %lt3A_2836 : i1
      %and3A_2838 = arith.andi %ne3A_2837, %ne3A_2832 : i1
      %add3A_2839 = arith.addi %rem3A_2830, %select_n3A_2829 : i32
      %select_n3A_2840 = arith.select %and3A_2838, %add3A_2839, %rem3A_2830 : i32
      %add3A_2841 = arith.addi %mul3A_2824, %select_n3A_2840 : i32
      %dma_wait3A_2842 = tpu.memref_slice %arg4[%add3A_2841] : memref<52428800xf32, #tpu.memory_space<hbm>> -> memref<2048xf32, #tpu.memory_space<hbm>>
      %dma_wait3A_2843 = tpu.memref_slice %arg4[%add3A_2841] : memref<52428800xf32, #tpu.memory_space<hbm>> -> memref<2048xf32, #tpu.memory_space<hbm>>
      tpu.wait_dma2 semaphore(%arg18 : memref<!tpu.dma_semaphore, #tpu.memory_space<semaphore_mem>>) src(%arg8 : memref<2048xf32, #tpu.memory_space<vmem>>) dst(%dma_wait3A_2843 : memref<2048xf32, #tpu.memory_space<hbm>>)
      %dma_start3A_2844 = arith.constant 12288 : i32
      %dma_start3A_2845 = tpu.memref_slice %arg5[%dma_start3A_2844] : memref<51200xi32, #tpu.memory_space<vmem>> -> memref<2048xi32, #tpu.memory_space<vmem>>
      %dma_start3A_2846 = arith.constant 0 : i32
      %dma_start3A_2847 = tpu.memref_slice %arg10[%dma_start3A_2846] : memref<1000000xf32, #tpu.memory_space<vmem_shared>> -> memref<1000000xf32, #tpu.memory_space<vmem_shared>>
      tpu.enqueue_indirect_dma source(%dma_start3A_2847 : memref<1000000xf32, #tpu.memory_space<vmem_shared>>) target(%arg8 : memref<2048xf32, #tpu.memory_space<vmem>>) offsets(%dma_start3A_2845 : memref<2048xi32, #tpu.memory_space<vmem>>) semaphore(%arg14 : memref<!tpu.dma_semaphore, #tpu.memory_space<semaphore_mem>>)
      %dma_wait3A_2848 = arith.constant 6144 : i32
      %dma_wait3A_2849 = tpu.memref_slice %arg5[%dma_wait3A_2848] : memref<51200xi32, #tpu.memory_space<vmem>> -> memref<2048xi32, #tpu.memory_space<vmem>>
      %dma_wait3A_2850 = arith.constant 0 : i32
      %dma_wait3A_2851 = tpu.memref_slice %arg10[%dma_wait3A_2850] : memref<1000000xf32, #tpu.memory_space<vmem_shared>> -> memref<1000000xf32, #tpu.memory_space<vmem_shared>>
      tpu.wait_indirect_dma semaphore(%arg15 : memref<!tpu.dma_semaphore, #tpu.memory_space<semaphore_mem>>) src(%dma_wait3A_2851 : memref<1000000xf32, #tpu.memory_space<vmem_shared>>) dst(%arg9 : memref<2048xf32, #tpu.memory_space<vmem>>)
      %add3A_2852 = arith.constant 6144 : i32
      %add3A_2853 = arith.addi %mul3A_0, %add3A_2852 : i32
      %jit3A_2854 = arith.constant 4096 : i32
      %div3A_2855 = arith.divsi %add3A_2853, %jit3A_2854 : i32
      %sign3A_2856 = arith.constant 0 : i32
      %sign3A_2857 = arith.cmpi sgt, %add3A_2853, %sign3A_2856 : i32
      %sign3A_2858 = arith.extui %sign3A_2857 : i1 to i32
      %sign3A_2859 = arith.constant 0 : i32
      %sign3A_2860 = arith.cmpi slt, %add3A_2853, %sign3A_2859 : i32
      %sign3A_2861 = arith.extui %sign3A_2860 : i1 to i32
      %sign3A_2862 = arith.subi %sign3A_2858, %sign3A_2861 : i32
      %sign3A_2863 = arith.constant 0 : i32
      %sign3A_2864 = arith.cmpi sgt, %jit3A_2854, %sign3A_2863 : i32
      %sign3A_2865 = arith.extui %sign3A_2864 : i1 to i32
      %sign3A_2866 = arith.constant 0 : i32
      %sign3A_2867 = arith.cmpi slt, %jit3A_2854, %sign3A_2866 : i32
      %sign3A_2868 = arith.extui %sign3A_2867 : i1 to i32
      %sign3A_2869 = arith.subi %sign3A_2865, %sign3A_2868 : i32
      %ne3A_2870 = arith.cmpi ne, %sign3A_2862, %sign3A_2869 : i32
      %rem3A_2871 = arith.remsi %add3A_2853, %jit3A_2854 : i32
      %ne3A_2872 = arith.constant 0 : i32
      %ne3A_2873 = arith.cmpi ne, %rem3A_2871, %ne3A_2872 : i32
      %and3A_2874 = arith.andi %ne3A_2870, %ne3A_2873 : i1
      %sub3A_2875 = arith.constant 1 : i32
      %sub3A_2876 = arith.subi %div3A_2855, %sub3A_2875 : i32
      %select_n3A_2877 = arith.select %and3A_2874, %sub3A_2876, %div3A_2855 : i32
      %mul3A_2878 = arith.constant 64 : i32
      %mul3A_2879 = arith.muli %select_n3A_2877, %mul3A_2878 : i32
      %add3A_2880 = arith.addi %mul3A_2879, %add3A_2502 : i32
      %mul3A_2881 = arith.constant 4096 : i32
      %mul3A_2882 = arith.muli %add3A_2880, %mul3A_2881 : i32
      %jit3A_2883 = arith.constant 4096 : i32
      %eq3A_2884 = arith.constant 0 : i32
      %eq3A_2885 = arith.cmpi eq, %jit3A_2883, %eq3A_2884 : i32
      %jit3A_2886 = arith.constant 1 : i32
      %select_n3A_2887 = arith.select %eq3A_2885, %jit3A_2886, %jit3A_2883 : i32
      %rem3A_2888 = arith.remsi %add3A_2853, %select_n3A_2887 : i32
      %ne3A_2889 = arith.constant 0 : i32
      %ne3A_2890 = arith.cmpi ne, %rem3A_2888, %ne3A_2889 : i32
      %lt3A_2891 = arith.constant 0 : i32
      %lt3A_2892 = arith.cmpi slt, %rem3A_2888, %lt3A_2891 : i32
      %lt3A_2893 = arith.constant 0 : i32
      %lt3A_2894 = arith.cmpi slt, %select_n3A_2887, %lt3A_2893 : i32
      %ne3A_2895 = arith.xori %lt3A_2892, %lt3A_2894 : i1
      %and3A_2896 = arith.andi %ne3A_2895, %ne3A_2890 : i1
      %add3A_2897 = arith.addi %rem3A_2888, %select_n3A_2887 : i32
      %select_n3A_2898 = arith.select %and3A_2896, %add3A_2897, %rem3A_2888 : i32
      %add3A_2899 = arith.addi %mul3A_2882, %select_n3A_2898 : i32
      %dma_start3A_2900 = tpu.memref_slice %arg4[%add3A_2899] : memref<52428800xf32, #tpu.memory_space<hbm>> -> memref<2048xf32, #tpu.memory_space<hbm>>
      %dma_start3A_2901 = tpu.memref_slice %arg4[%add3A_2899] : memref<52428800xf32, #tpu.memory_space<hbm>> -> memref<2048xf32, #tpu.memory_space<hbm>>
      tpu.enqueue_dma source(%arg9 : memref<2048xf32, #tpu.memory_space<vmem>>) target(%dma_start3A_2901 : memref<2048xf32, #tpu.memory_space<hbm>>) target_semaphore(%arg19 : memref<!tpu.dma_semaphore, #tpu.memory_space<semaphore_mem>>)
      %add3A_2902 = arith.constant 6144 : i32
      %add3A_2903 = arith.addi %mul3A_0, %add3A_2902 : i32
      %jit3A_2904 = arith.constant 4096 : i32
      %div3A_2905 = arith.divsi %add3A_2903, %jit3A_2904 : i32
      %sign3A_2906 = arith.constant 0 : i32
      %sign3A_2907 = arith.cmpi sgt, %add3A_2903, %sign3A_2906 : i32
      %sign3A_2908 = arith.extui %sign3A_2907 : i1 to i32
      %sign3A_2909 = arith.constant 0 : i32
      %sign3A_2910 = arith.cmpi slt, %add3A_2903, %sign3A_2909 : i32
      %sign3A_2911 = arith.extui %sign3A_2910 : i1 to i32
      %sign3A_2912 = arith.subi %sign3A_2908, %sign3A_2911 : i32
      %sign3A_2913 = arith.constant 0 : i32
      %sign3A_2914 = arith.cmpi sgt, %jit3A_2904, %sign3A_2913 : i32
      %sign3A_2915 = arith.extui %sign3A_2914 : i1 to i32
      %sign3A_2916 = arith.constant 0 : i32
      %sign3A_2917 = arith.cmpi slt, %jit3A_2904, %sign3A_2916 : i32
      %sign3A_2918 = arith.extui %sign3A_2917 : i1 to i32
      %sign3A_2919 = arith.subi %sign3A_2915, %sign3A_2918 : i32
      %ne3A_2920 = arith.cmpi ne, %sign3A_2912, %sign3A_2919 : i32
      %rem3A_2921 = arith.remsi %add3A_2903, %jit3A_2904 : i32
      %ne3A_2922 = arith.constant 0 : i32
      %ne3A_2923 = arith.cmpi ne, %rem3A_2921, %ne3A_2922 : i32
      %and3A_2924 = arith.andi %ne3A_2920, %ne3A_2923 : i1
      %sub3A_2925 = arith.constant 1 : i32
      %sub3A_2926 = arith.subi %div3A_2905, %sub3A_2925 : i32
      %select_n3A_2927 = arith.select %and3A_2924, %sub3A_2926, %div3A_2905 : i32
      %mul3A_2928 = arith.constant 64 : i32
      %mul3A_2929 = arith.muli %select_n3A_2927, %mul3A_2928 : i32
      %add3A_2930 = arith.addi %mul3A_2929, %add3A_2502 : i32
      %mul3A_2931 = arith.constant 4096 : i32
      %mul3A_2932 = arith.muli %add3A_2930, %mul3A_2931 : i32
      %jit3A_2933 = arith.constant 4096 : i32
      %eq3A_2934 = arith.constant 0 : i32
      %eq3A_2935 = arith.cmpi eq, %jit3A_2933, %eq3A_2934 : i32
      %jit3A_2936 = arith.constant 1 : i32
      %select_n3A_2937 = arith.select %eq3A_2935, %jit3A_2936, %jit3A_2933 : i32
      %rem3A_2938 = arith.remsi %add3A_2903, %select_n3A_2937 : i32
      %ne3A_2939 = arith.constant 0 : i32
      %ne3A_2940 = arith.cmpi ne, %rem3A_2938, %ne3A_2939 : i32
      %lt3A_2941 = arith.constant 0 : i32
      %lt3A_2942 = arith.cmpi slt, %rem3A_2938, %lt3A_2941 : i32
      %lt3A_2943 = arith.constant 0 : i32
      %lt3A_2944 = arith.cmpi slt, %select_n3A_2937, %lt3A_2943 : i32
      %ne3A_2945 = arith.xori %lt3A_2942, %lt3A_2944 : i1
      %and3A_2946 = arith.andi %ne3A_2945, %ne3A_2940 : i1
      %add3A_2947 = arith.addi %rem3A_2938, %select_n3A_2937 : i32
      %select_n3A_2948 = arith.select %and3A_2946, %add3A_2947, %rem3A_2938 : i32
      %add3A_2949 = arith.addi %mul3A_2932, %select_n3A_2948 : i32
      %dma_wait3A_2950 = tpu.memref_slice %arg4[%add3A_2949] : memref<52428800xf32, #tpu.memory_space<hbm>> -> memref<2048xf32, #tpu.memory_space<hbm>>
      %dma_wait3A_2951 = tpu.memref_slice %arg4[%add3A_2949] : memref<52428800xf32, #tpu.memory_space<hbm>> -> memref<2048xf32, #tpu.memory_space<hbm>>
      tpu.wait_dma2 semaphore(%arg19 : memref<!tpu.dma_semaphore, #tpu.memory_space<semaphore_mem>>) src(%arg9 : memref<2048xf32, #tpu.memory_space<vmem>>) dst(%dma_wait3A_2951 : memref<2048xf32, #tpu.memory_space<hbm>>)
      %dma_start3A_2952 = arith.constant 14336 : i32
      %dma_start3A_2953 = tpu.memref_slice %arg5[%dma_start3A_2952] : memref<51200xi32, #tpu.memory_space<vmem>> -> memref<2048xi32, #tpu.memory_space<vmem>>
      %dma_start3A_2954 = arith.constant 0 : i32
      %dma_start3A_2955 = tpu.memref_slice %arg10[%dma_start3A_2954] : memref<1000000xf32, #tpu.memory_space<vmem_shared>> -> memref<1000000xf32, #tpu.memory_space<vmem_shared>>
      tpu.enqueue_indirect_dma source(%dma_start3A_2955 : memref<1000000xf32, #tpu.memory_space<vmem_shared>>) target(%arg9 : memref<2048xf32, #tpu.memory_space<vmem>>) offsets(%dma_start3A_2953 : memref<2048xi32, #tpu.memory_space<vmem>>) semaphore(%arg15 : memref<!tpu.dma_semaphore, #tpu.memory_space<semaphore_mem>>)
      %dma_wait3A_2956 = arith.constant 8192 : i32
      %dma_wait3A_2957 = tpu.memref_slice %arg5[%dma_wait3A_2956] : memref<51200xi32, #tpu.memory_space<vmem>> -> memref<2048xi32, #tpu.memory_space<vmem>>
      %dma_wait3A_2958 = arith.constant 0 : i32
      %dma_wait3A_2959 = tpu.memref_slice %arg10[%dma_wait3A_2958] : memref<1000000xf32, #tpu.memory_space<vmem_shared>> -> memref<1000000xf32, #tpu.memory_space<vmem_shared>>
      tpu.wait_indirect_dma semaphore(%arg12 : memref<!tpu.dma_semaphore, #tpu.memory_space<semaphore_mem>>) src(%dma_wait3A_2959 : memref<1000000xf32, #tpu.memory_space<vmem_shared>>) dst(%arg6 : memref<2048xf32, #tpu.memory_space<vmem>>)
      %add3A_2960 = arith.constant 8192 : i32
      %add3A_2961 = arith.addi %mul3A_0, %add3A_2960 : i32
      %jit3A_2962 = arith.constant 4096 : i32
      %div3A_2963 = arith.divsi %add3A_2961, %jit3A_2962 : i32
      %sign3A_2964 = arith.constant 0 : i32
      %sign3A_2965 = arith.cmpi sgt, %add3A_2961, %sign3A_2964 : i32
      %sign3A_2966 = arith.extui %sign3A_2965 : i1 to i32
      %sign3A_2967 = arith.constant 0 : i32
      %sign3A_2968 = arith.cmpi slt, %add3A_2961, %sign3A_2967 : i32
      %sign3A_2969 = arith.extui %sign3A_2968 : i1 to i32
      %sign3A_2970 = arith.subi %sign3A_2966, %sign3A_2969 : i32
      %sign3A_2971 = arith.constant 0 : i32
      %sign3A_2972 = arith.cmpi sgt, %jit3A_2962, %sign3A_2971 : i32
      %sign3A_2973 = arith.extui %sign3A_2972 : i1 to i32
      %sign3A_2974 = arith.constant 0 : i32
      %sign3A_2975 = arith.cmpi slt, %jit3A_2962, %sign3A_2974 : i32
      %sign3A_2976 = arith.extui %sign3A_2975 : i1 to i32
      %sign3A_2977 = arith.subi %sign3A_2973, %sign3A_2976 : i32
      %ne3A_2978 = arith.cmpi ne, %sign3A_2970, %sign3A_2977 : i32
      %rem3A_2979 = arith.remsi %add3A_2961, %jit3A_2962 : i32
      %ne3A_2980 = arith.constant 0 : i32
      %ne3A_2981 = arith.cmpi ne, %rem3A_2979, %ne3A_2980 : i32
      %and3A_2982 = arith.andi %ne3A_2978, %ne3A_2981 : i1
      %sub3A_2983 = arith.constant 1 : i32
      %sub3A_2984 = arith.subi %div3A_2963, %sub3A_2983 : i32
      %select_n3A_2985 = arith.select %and3A_2982, %sub3A_2984, %div3A_2963 : i32
      %mul3A_2986 = arith.constant 64 : i32
      %mul3A_2987 = arith.muli %select_n3A_2985, %mul3A_2986 : i32
      %add3A_2988 = arith.addi %mul3A_2987, %add3A_2502 : i32
      %mul3A_2989 = arith.constant 4096 : i32
      %mul3A_2990 = arith.muli %add3A_2988, %mul3A_2989 : i32
      %jit3A_2991 = arith.constant 4096 : i32
      %eq3A_2992 = arith.constant 0 : i32
      %eq3A_2993 = arith.cmpi eq, %jit3A_2991, %eq3A_2992 : i32
      %jit3A_2994 = arith.constant 1 : i32
      %select_n3A_2995 = arith.select %eq3A_2993, %jit3A_2994, %jit3A_2991 : i32
      %rem3A_2996 = arith.remsi %add3A_2961, %select_n3A_2995 : i32
      %ne3A_2997 = arith.constant 0 : i32
      %ne3A_2998 = arith.cmpi ne, %rem3A_2996, %ne3A_2997 : i32
      %lt3A_2999 = arith.constant 0 : i32
      %lt3A_3000 = arith.cmpi slt, %rem3A_2996, %lt3A_2999 : i32
      %lt3A_3001 = arith.constant 0 : i32
      %lt3A_3002 = arith.cmpi slt, %select_n3A_2995, %lt3A_3001 : i32
      %ne3A_3003 = arith.xori %lt3A_3000, %lt3A_3002 : i1
      %and3A_3004 = arith.andi %ne3A_3003, %ne3A_2998 : i1
      %add3A_3005 = arith.addi %rem3A_2996, %select_n3A_2995 : i32
      %select_n3A_3006 = arith.select %and3A_3004, %add3A_3005, %rem3A_2996 : i32
      %add3A_3007 = arith.addi %mul3A_2990, %select_n3A_3006 : i32
      %dma_start3A_3008 = tpu.memref_slice %arg4[%add3A_3007] : memref<52428800xf32, #tpu.memory_space<hbm>> -> memref<2048xf32, #tpu.memory_space<hbm>>
      %dma_start3A_3009 = tpu.memref_slice %arg4[%add3A_3007] : memref<52428800xf32, #tpu.memory_space<hbm>> -> memref<2048xf32, #tpu.memory_space<hbm>>
      tpu.enqueue_dma source(%arg6 : memref<2048xf32, #tpu.memory_space<vmem>>) target(%dma_start3A_3009 : memref<2048xf32, #tpu.memory_space<hbm>>) target_semaphore(%arg16 : memref<!tpu.dma_semaphore, #tpu.memory_space<semaphore_mem>>)
      %add3A_3010 = arith.constant 8192 : i32
      %add3A_3011 = arith.addi %mul3A_0, %add3A_3010 : i32
      %jit3A_3012 = arith.constant 4096 : i32
      %div3A_3013 = arith.divsi %add3A_3011, %jit3A_3012 : i32
      %sign3A_3014 = arith.constant 0 : i32
      %sign3A_3015 = arith.cmpi sgt, %add3A_3011, %sign3A_3014 : i32
      %sign3A_3016 = arith.extui %sign3A_3015 : i1 to i32
      %sign3A_3017 = arith.constant 0 : i32
      %sign3A_3018 = arith.cmpi slt, %add3A_3011, %sign3A_3017 : i32
      %sign3A_3019 = arith.extui %sign3A_3018 : i1 to i32
      %sign3A_3020 = arith.subi %sign3A_3016, %sign3A_3019 : i32
      %sign3A_3021 = arith.constant 0 : i32
      %sign3A_3022 = arith.cmpi sgt, %jit3A_3012, %sign3A_3021 : i32
      %sign3A_3023 = arith.extui %sign3A_3022 : i1 to i32
      %sign3A_3024 = arith.constant 0 : i32
      %sign3A_3025 = arith.cmpi slt, %jit3A_3012, %sign3A_3024 : i32
      %sign3A_3026 = arith.extui %sign3A_3025 : i1 to i32
      %sign3A_3027 = arith.subi %sign3A_3023, %sign3A_3026 : i32
      %ne3A_3028 = arith.cmpi ne, %sign3A_3020, %sign3A_3027 : i32
      %rem3A_3029 = arith.remsi %add3A_3011, %jit3A_3012 : i32
      %ne3A_3030 = arith.constant 0 : i32
      %ne3A_3031 = arith.cmpi ne, %rem3A_3029, %ne3A_3030 : i32
      %and3A_3032 = arith.andi %ne3A_3028, %ne3A_3031 : i1
      %sub3A_3033 = arith.constant 1 : i32
      %sub3A_3034 = arith.subi %div3A_3013, %sub3A_3033 : i32
      %select_n3A_3035 = arith.select %and3A_3032, %sub3A_3034, %div3A_3013 : i32
      %mul3A_3036 = arith.constant 64 : i32
      %mul3A_3037 = arith.muli %select_n3A_3035, %mul3A_3036 : i32
      %add3A_3038 = arith.addi %mul3A_3037, %add3A_2502 : i32
      %mul3A_3039 = arith.constant 4096 : i32
      %mul3A_3040 = arith.muli %add3A_3038, %mul3A_3039 : i32
      %jit3A_3041 = arith.constant 4096 : i32
      %eq3A_3042 = arith.constant 0 : i32
      %eq3A_3043 = arith.cmpi eq, %jit3A_3041, %eq3A_3042 : i32
      %jit3A_3044 = arith.constant 1 : i32
      %select_n3A_3045 = arith.select %eq3A_3043, %jit3A_3044, %jit3A_3041 : i32
      %rem3A_3046 = arith.remsi %add3A_3011, %select_n3A_3045 : i32
      %ne3A_3047 = arith.constant 0 : i32
      %ne3A_3048 = arith.cmpi ne, %rem3A_3046, %ne3A_3047 : i32
      %lt3A_3049 = arith.constant 0 : i32
      %lt3A_3050 = arith.cmpi slt, %rem3A_3046, %lt3A_3049 : i32
      %lt3A_3051 = arith.constant 0 : i32
      %lt3A_3052 = arith.cmpi slt, %select_n3A_3045, %lt3A_3051 : i32
      %ne3A_3053 = arith.xori %lt3A_3050, %lt3A_3052 : i1
      %and3A_3054 = arith.andi %ne3A_3053, %ne3A_3048 : i1
      %add3A_3055 = arith.addi %rem3A_3046, %select_n3A_3045 : i32
      %select_n3A_3056 = arith.select %and3A_3054, %add3A_3055, %rem3A_3046 : i32
      %add3A_3057 = arith.addi %mul3A_3040, %select_n3A_3056 : i32
      %dma_wait3A_3058 = tpu.memref_slice %arg4[%add3A_3057] : memref<52428800xf32, #tpu.memory_space<hbm>> -> memref<2048xf32, #tpu.memory_space<hbm>>
      %dma_wait3A_3059 = tpu.memref_slice %arg4[%add3A_3057] : memref<52428800xf32, #tpu.memory_space<hbm>> -> memref<2048xf32, #tpu.memory_space<hbm>>
      tpu.wait_dma2 semaphore(%arg16 : memref<!tpu.dma_semaphore, #tpu.memory_space<semaphore_mem>>) src(%arg6 : memref<2048xf32, #tpu.memory_space<vmem>>) dst(%dma_wait3A_3059 : memref<2048xf32, #tpu.memory_space<hbm>>)
      %dma_start3A_3060 = arith.constant 16384 : i32
      %dma_start3A_3061 = tpu.memref_slice %arg5[%dma_start3A_3060] : memref<51200xi32, #tpu.memory_space<vmem>> -> memref<2048xi32, #tpu.memory_space<vmem>>
      %dma_start3A_3062 = arith.constant 0 : i32
      %dma_start3A_3063 = tpu.memref_slice %arg10[%dma_start3A_3062] : memref<1000000xf32, #tpu.memory_space<vmem_shared>> -> memref<1000000xf32, #tpu.memory_space<vmem_shared>>
      tpu.enqueue_indirect_dma source(%dma_start3A_3063 : memref<1000000xf32, #tpu.memory_space<vmem_shared>>) target(%arg6 : memref<2048xf32, #tpu.memory_space<vmem>>) offsets(%dma_start3A_3061 : memref<2048xi32, #tpu.memory_space<vmem>>) semaphore(%arg12 : memref<!tpu.dma_semaphore, #tpu.memory_space<semaphore_mem>>)
      %dma_wait3A_3064 = arith.constant 10240 : i32
      %dma_wait3A_3065 = tpu.memref_slice %arg5[%dma_wait3A_3064] : memref<51200xi32, #tpu.memory_space<vmem>> -> memref<2048xi32, #tpu.memory_space<vmem>>
      %dma_wait3A_3066 = arith.constant 0 : i32
      %dma_wait3A_3067 = tpu.memref_slice %arg10[%dma_wait3A_3066] : memref<1000000xf32, #tpu.memory_space<vmem_shared>> -> memref<1000000xf32, #tpu.memory_space<vmem_shared>>
      tpu.wait_indirect_dma semaphore(%arg13 : memref<!tpu.dma_semaphore, #tpu.memory_space<semaphore_mem>>) src(%dma_wait3A_3067 : memref<1000000xf32, #tpu.memory_space<vmem_shared>>) dst(%arg7 : memref<2048xf32, #tpu.memory_space<vmem>>)
      %add3A_3068 = arith.constant 10240 : i32
      %add3A_3069 = arith.addi %mul3A_0, %add3A_3068 : i32
      %jit3A_3070 = arith.constant 4096 : i32
      %div3A_3071 = arith.divsi %add3A_3069, %jit3A_3070 : i32
      %sign3A_3072 = arith.constant 0 : i32
      %sign3A_3073 = arith.cmpi sgt, %add3A_3069, %sign3A_3072 : i32
      %sign3A_3074 = arith.extui %sign3A_3073 : i1 to i32
      %sign3A_3075 = arith.constant 0 : i32
      %sign3A_3076 = arith.cmpi slt, %add3A_3069, %sign3A_3075 : i32
      %sign3A_3077 = arith.extui %sign3A_3076 : i1 to i32
      %sign3A_3078 = arith.subi %sign3A_3074, %sign3A_3077 : i32
      %sign3A_3079 = arith.constant 0 : i32
      %sign3A_3080 = arith.cmpi sgt, %jit3A_3070, %sign3A_3079 : i32
      %sign3A_3081 = arith.extui %sign3A_3080 : i1 to i32
      %sign3A_3082 = arith.constant 0 : i32
      %sign3A_3083 = arith.cmpi slt, %jit3A_3070, %sign3A_3082 : i32
      %sign3A_3084 = arith.extui %sign3A_3083 : i1 to i32
      %sign3A_3085 = arith.subi %sign3A_3081, %sign3A_3084 : i32
      %ne3A_3086 = arith.cmpi ne, %sign3A_3078, %sign3A_3085 : i32
      %rem3A_3087 = arith.remsi %add3A_3069, %jit3A_3070 : i32
      %ne3A_3088 = arith.constant 0 : i32
      %ne3A_3089 = arith.cmpi ne, %rem3A_3087, %ne3A_3088 : i32
      %and3A_3090 = arith.andi %ne3A_3086, %ne3A_3089 : i1
      %sub3A_3091 = arith.constant 1 : i32
      %sub3A_3092 = arith.subi %div3A_3071, %sub3A_3091 : i32
      %select_n3A_3093 = arith.select %and3A_3090, %sub3A_3092, %div3A_3071 : i32
      %mul3A_3094 = arith.constant 64 : i32
      %mul3A_3095 = arith.muli %select_n3A_3093, %mul3A_3094 : i32
      %add3A_3096 = arith.addi %mul3A_3095, %add3A_2502 : i32
      %mul3A_3097 = arith.constant 4096 : i32
      %mul3A_3098 = arith.muli %add3A_3096, %mul3A_3097 : i32
      %jit3A_3099 = arith.constant 4096 : i32
      %eq3A_3100 = arith.constant 0 : i32
      %eq3A_3101 = arith.cmpi eq, %jit3A_3099, %eq3A_3100 : i32
      %jit3A_3102 = arith.constant 1 : i32
      %select_n3A_3103 = arith.select %eq3A_3101, %jit3A_3102, %jit3A_3099 : i32
      %rem3A_3104 = arith.remsi %add3A_3069, %select_n3A_3103 : i32
      %ne3A_3105 = arith.constant 0 : i32
      %ne3A_3106 = arith.cmpi ne, %rem3A_3104, %ne3A_3105 : i32
      %lt3A_3107 = arith.constant 0 : i32
      %lt3A_3108 = arith.cmpi slt, %rem3A_3104, %lt3A_3107 : i32
      %lt3A_3109 = arith.constant 0 : i32
      %lt3A_3110 = arith.cmpi slt, %select_n3A_3103, %lt3A_3109 : i32
      %ne3A_3111 = arith.xori %lt3A_3108, %lt3A_3110 : i1
      %and3A_3112 = arith.andi %ne3A_3111, %ne3A_3106 : i1
      %add3A_3113 = arith.addi %rem3A_3104, %select_n3A_3103 : i32
      %select_n3A_3114 = arith.select %and3A_3112, %add3A_3113, %rem3A_3104 : i32
      %add3A_3115 = arith.addi %mul3A_3098, %select_n3A_3114 : i32
      %dma_start3A_3116 = tpu.memref_slice %arg4[%add3A_3115] : memref<52428800xf32, #tpu.memory_space<hbm>> -> memref<2048xf32, #tpu.memory_space<hbm>>
      %dma_start3A_3117 = tpu.memref_slice %arg4[%add3A_3115] : memref<52428800xf32, #tpu.memory_space<hbm>> -> memref<2048xf32, #tpu.memory_space<hbm>>
      tpu.enqueue_dma source(%arg7 : memref<2048xf32, #tpu.memory_space<vmem>>) target(%dma_start3A_3117 : memref<2048xf32, #tpu.memory_space<hbm>>) target_semaphore(%arg17 : memref<!tpu.dma_semaphore, #tpu.memory_space<semaphore_mem>>)
      %add3A_3118 = arith.constant 10240 : i32
      %add3A_3119 = arith.addi %mul3A_0, %add3A_3118 : i32
      %jit3A_3120 = arith.constant 4096 : i32
      %div3A_3121 = arith.divsi %add3A_3119, %jit3A_3120 : i32
      %sign3A_3122 = arith.constant 0 : i32
      %sign3A_3123 = arith.cmpi sgt, %add3A_3119, %sign3A_3122 : i32
      %sign3A_3124 = arith.extui %sign3A_3123 : i1 to i32
      %sign3A_3125 = arith.constant 0 : i32
      %sign3A_3126 = arith.cmpi slt, %add3A_3119, %sign3A_3125 : i32
      %sign3A_3127 = arith.extui %sign3A_3126 : i1 to i32
      %sign3A_3128 = arith.subi %sign3A_3124, %sign3A_3127 : i32
      %sign3A_3129 = arith.constant 0 : i32
      %sign3A_3130 = arith.cmpi sgt, %jit3A_3120, %sign3A_3129 : i32
      %sign3A_3131 = arith.extui %sign3A_3130 : i1 to i32
      %sign3A_3132 = arith.constant 0 : i32
      %sign3A_3133 = arith.cmpi slt, %jit3A_3120, %sign3A_3132 : i32
      %sign3A_3134 = arith.extui %sign3A_3133 : i1 to i32
      %sign3A_3135 = arith.subi %sign3A_3131, %sign3A_3134 : i32
      %ne3A_3136 = arith.cmpi ne, %sign3A_3128, %sign3A_3135 : i32
      %rem3A_3137 = arith.remsi %add3A_3119, %jit3A_3120 : i32
      %ne3A_3138 = arith.constant 0 : i32
      %ne3A_3139 = arith.cmpi ne, %rem3A_3137, %ne3A_3138 : i32
      %and3A_3140 = arith.andi %ne3A_3136, %ne3A_3139 : i1
      %sub3A_3141 = arith.constant 1 : i32
      %sub3A_3142 = arith.subi %div3A_3121, %sub3A_3141 : i32
      %select_n3A_3143 = arith.select %and3A_3140, %sub3A_3142, %div3A_3121 : i32
      %mul3A_3144 = arith.constant 64 : i32
      %mul3A_3145 = arith.muli %select_n3A_3143, %mul3A_3144 : i32
      %add3A_3146 = arith.addi %mul3A_3145, %add3A_2502 : i32
      %mul3A_3147 = arith.constant 4096 : i32
      %mul3A_3148 = arith.muli %add3A_3146, %mul3A_3147 : i32
      %jit3A_3149 = arith.constant 4096 : i32
      %eq3A_3150 = arith.constant 0 : i32
      %eq3A_3151 = arith.cmpi eq, %jit3A_3149, %eq3A_3150 : i32
      %jit3A_3152 = arith.constant 1 : i32
      %select_n3A_3153 = arith.select %eq3A_3151, %jit3A_3152, %jit3A_3149 : i32
      %rem3A_3154 = arith.remsi %add3A_3119, %select_n3A_3153 : i32
      %ne3A_3155 = arith.constant 0 : i32
      %ne3A_3156 = arith.cmpi ne, %rem3A_3154, %ne3A_3155 : i32
      %lt3A_3157 = arith.constant 0 : i32
      %lt3A_3158 = arith.cmpi slt, %rem3A_3154, %lt3A_3157 : i32
      %lt3A_3159 = arith.constant 0 : i32
      %lt3A_3160 = arith.cmpi slt, %select_n3A_3153, %lt3A_3159 : i32
      %ne3A_3161 = arith.xori %lt3A_3158, %lt3A_3160 : i1
      %and3A_3162 = arith.andi %ne3A_3161, %ne3A_3156 : i1
      %add3A_3163 = arith.addi %rem3A_3154, %select_n3A_3153 : i32
      %select_n3A_3164 = arith.select %and3A_3162, %add3A_3163, %rem3A_3154 : i32
      %add3A_3165 = arith.addi %mul3A_3148, %select_n3A_3164 : i32
      %dma_wait3A_3166 = tpu.memref_slice %arg4[%add3A_3165] : memref<52428800xf32, #tpu.memory_space<hbm>> -> memref<2048xf32, #tpu.memory_space<hbm>>
      %dma_wait3A_3167 = tpu.memref_slice %arg4[%add3A_3165] : memref<52428800xf32, #tpu.memory_space<hbm>> -> memref<2048xf32, #tpu.memory_space<hbm>>
      tpu.wait_dma2 semaphore(%arg17 : memref<!tpu.dma_semaphore, #tpu.memory_space<semaphore_mem>>) src(%arg7 : memref<2048xf32, #tpu.memory_space<vmem>>) dst(%dma_wait3A_3167 : memref<2048xf32, #tpu.memory_space<hbm>>)
      %dma_start3A_3168 = arith.constant 18432 : i32
      %dma_start3A_3169 = tpu.memref_slice %arg5[%dma_start3A_3168] : memref<51200xi32, #tpu.memory_space<vmem>> -> memref<2048xi32, #tpu.memory_space<vmem>>
      %dma_start3A_3170 = arith.constant 0 : i32
      %dma_start3A_3171 = tpu.memref_slice %arg10[%dma_start3A_3170] : memref<1000000xf32, #tpu.memory_space<vmem_shared>> -> memref<1000000xf32, #tpu.memory_space<vmem_shared>>
      tpu.enqueue_indirect_dma source(%dma_start3A_3171 : memref<1000000xf32, #tpu.memory_space<vmem_shared>>) target(%arg7 : memref<2048xf32, #tpu.memory_space<vmem>>) offsets(%dma_start3A_3169 : memref<2048xi32, #tpu.memory_space<vmem>>) semaphore(%arg13 : memref<!tpu.dma_semaphore, #tpu.memory_space<semaphore_mem>>)
      %dma_wait3A_3172 = arith.constant 12288 : i32
      %dma_wait3A_3173 = tpu.memref_slice %arg5[%dma_wait3A_3172] : memref<51200xi32, #tpu.memory_space<vmem>> -> memref<2048xi32, #tpu.memory_space<vmem>>
      %dma_wait3A_3174 = arith.constant 0 : i32
      %dma_wait3A_3175 = tpu.memref_slice %arg10[%dma_wait3A_3174] : memref<1000000xf32, #tpu.memory_space<vmem_shared>> -> memref<1000000xf32, #tpu.memory_space<vmem_shared>>
      tpu.wait_indirect_dma semaphore(%arg14 : memref<!tpu.dma_semaphore, #tpu.memory_space<semaphore_mem>>) src(%dma_wait3A_3175 : memref<1000000xf32, #tpu.memory_space<vmem_shared>>) dst(%arg8 : memref<2048xf32, #tpu.memory_space<vmem>>)
      %add3A_3176 = arith.constant 12288 : i32
      %add3A_3177 = arith.addi %mul3A_0, %add3A_3176 : i32
      %jit3A_3178 = arith.constant 4096 : i32
      %div3A_3179 = arith.divsi %add3A_3177, %jit3A_3178 : i32
      %sign3A_3180 = arith.constant 0 : i32
      %sign3A_3181 = arith.cmpi sgt, %add3A_3177, %sign3A_3180 : i32
      %sign3A_3182 = arith.extui %sign3A_3181 : i1 to i32
      %sign3A_3183 = arith.constant 0 : i32
      %sign3A_3184 = arith.cmpi slt, %add3A_3177, %sign3A_3183 : i32
      %sign3A_3185 = arith.extui %sign3A_3184 : i1 to i32
      %sign3A_3186 = arith.subi %sign3A_3182, %sign3A_3185 : i32
      %sign3A_3187 = arith.constant 0 : i32
      %sign3A_3188 = arith.cmpi sgt, %jit3A_3178, %sign3A_3187 : i32
      %sign3A_3189 = arith.extui %sign3A_3188 : i1 to i32
      %sign3A_3190 = arith.constant 0 : i32
      %sign3A_3191 = arith.cmpi slt, %jit3A_3178, %sign3A_3190 : i32
      %sign3A_3192 = arith.extui %sign3A_3191 : i1 to i32
      %sign3A_3193 = arith.subi %sign3A_3189, %sign3A_3192 : i32
      %ne3A_3194 = arith.cmpi ne, %sign3A_3186, %sign3A_3193 : i32
      %rem3A_3195 = arith.remsi %add3A_3177, %jit3A_3178 : i32
      %ne3A_3196 = arith.constant 0 : i32
      %ne3A_3197 = arith.cmpi ne, %rem3A_3195, %ne3A_3196 : i32
      %and3A_3198 = arith.andi %ne3A_3194, %ne3A_3197 : i1
      %sub3A_3199 = arith.constant 1 : i32
      %sub3A_3200 = arith.subi %div3A_3179, %sub3A_3199 : i32
      %select_n3A_3201 = arith.select %and3A_3198, %sub3A_3200, %div3A_3179 : i32
      %mul3A_3202 = arith.constant 64 : i32
      %mul3A_3203 = arith.muli %select_n3A_3201, %mul3A_3202 : i32
      %add3A_3204 = arith.addi %mul3A_3203, %add3A_2502 : i32
      %mul3A_3205 = arith.constant 4096 : i32
      %mul3A_3206 = arith.muli %add3A_3204, %mul3A_3205 : i32
      %jit3A_3207 = arith.constant 4096 : i32
      %eq3A_3208 = arith.constant 0 : i32
      %eq3A_3209 = arith.cmpi eq, %jit3A_3207, %eq3A_3208 : i32
      %jit3A_3210 = arith.constant 1 : i32
      %select_n3A_3211 = arith.select %eq3A_3209, %jit3A_3210, %jit3A_3207 : i32
      %rem3A_3212 = arith.remsi %add3A_3177, %select_n3A_3211 : i32
      %ne3A_3213 = arith.constant 0 : i32
      %ne3A_3214 = arith.cmpi ne, %rem3A_3212, %ne3A_3213 : i32
      %lt3A_3215 = arith.constant 0 : i32
      %lt3A_3216 = arith.cmpi slt, %rem3A_3212, %lt3A_3215 : i32
      %lt3A_3217 = arith.constant 0 : i32
      %lt3A_3218 = arith.cmpi slt, %select_n3A_3211, %lt3A_3217 : i32
      %ne3A_3219 = arith.xori %lt3A_3216, %lt3A_3218 : i1
      %and3A_3220 = arith.andi %ne3A_3219, %ne3A_3214 : i1
      %add3A_3221 = arith.addi %rem3A_3212, %select_n3A_3211 : i32
      %select_n3A_3222 = arith.select %and3A_3220, %add3A_3221, %rem3A_3212 : i32
      %add3A_3223 = arith.addi %mul3A_3206, %select_n3A_3222 : i32
      %dma_start3A_3224 = tpu.memref_slice %arg4[%add3A_3223] : memref<52428800xf32, #tpu.memory_space<hbm>> -> memref<2048xf32, #tpu.memory_space<hbm>>
      %dma_start3A_3225 = tpu.memref_slice %arg4[%add3A_3223] : memref<52428800xf32, #tpu.memory_space<hbm>> -> memref<2048xf32, #tpu.memory_space<hbm>>
      tpu.enqueue_dma source(%arg8 : memref<2048xf32, #tpu.memory_space<vmem>>) target(%dma_start3A_3225 : memref<2048xf32, #tpu.memory_space<hbm>>) target_semaphore(%arg18 : memref<!tpu.dma_semaphore, #tpu.memory_space<semaphore_mem>>)
      %add3A_3226 = arith.constant 12288 : i32
      %add3A_3227 = arith.addi %mul3A_0, %add3A_3226 : i32
      %jit3A_3228 = arith.constant 4096 : i32
      %div3A_3229 = arith.divsi %add3A_3227, %jit3A_3228 : i32
      %sign3A_3230 = arith.constant 0 : i32
      %sign3A_3231 = arith.cmpi sgt, %add3A_3227, %sign3A_3230 : i32
      %sign3A_3232 = arith.extui %sign3A_3231 : i1 to i32
      %sign3A_3233 = arith.constant 0 : i32
      %sign3A_3234 = arith.cmpi slt, %add3A_3227, %sign3A_3233 : i32
      %sign3A_3235 = arith.extui %sign3A_3234 : i1 to i32
      %sign3A_3236 = arith.subi %sign3A_3232, %sign3A_3235 : i32
      %sign3A_3237 = arith.constant 0 : i32
      %sign3A_3238 = arith.cmpi sgt, %jit3A_3228, %sign3A_3237 : i32
      %sign3A_3239 = arith.extui %sign3A_3238 : i1 to i32
      %sign3A_3240 = arith.constant 0 : i32
      %sign3A_3241 = arith.cmpi slt, %jit3A_3228, %sign3A_3240 : i32
      %sign3A_3242 = arith.extui %sign3A_3241 : i1 to i32
      %sign3A_3243 = arith.subi %sign3A_3239, %sign3A_3242 : i32
      %ne3A_3244 = arith.cmpi ne, %sign3A_3236, %sign3A_3243 : i32
      %rem3A_3245 = arith.remsi %add3A_3227, %jit3A_3228 : i32
      %ne3A_3246 = arith.constant 0 : i32
      %ne3A_3247 = arith.cmpi ne, %rem3A_3245, %ne3A_3246 : i32
      %and3A_3248 = arith.andi %ne3A_3244, %ne3A_3247 : i1
      %sub3A_3249 = arith.constant 1 : i32
      %sub3A_3250 = arith.subi %div3A_3229, %sub3A_3249 : i32
      %select_n3A_3251 = arith.select %and3A_3248, %sub3A_3250, %div3A_3229 : i32
      %mul3A_3252 = arith.constant 64 : i32
      %mul3A_3253 = arith.muli %select_n3A_3251, %mul3A_3252 : i32
      %add3A_3254 = arith.addi %mul3A_3253, %add3A_2502 : i32
      %mul3A_3255 = arith.constant 4096 : i32
      %mul3A_3256 = arith.muli %add3A_3254, %mul3A_3255 : i32
      %jit3A_3257 = arith.constant 4096 : i32
      %eq3A_3258 = arith.constant 0 : i32
      %eq3A_3259 = arith.cmpi eq, %jit3A_3257, %eq3A_3258 : i32
      %jit3A_3260 = arith.constant 1 : i32
      %select_n3A_3261 = arith.select %eq3A_3259, %jit3A_3260, %jit3A_3257 : i32
      %rem3A_3262 = arith.remsi %add3A_3227, %select_n3A_3261 : i32
      %ne3A_3263 = arith.constant 0 : i32
      %ne3A_3264 = arith.cmpi ne, %rem3A_3262, %ne3A_3263 : i32
      %lt3A_3265 = arith.constant 0 : i32
      %lt3A_3266 = arith.cmpi slt, %rem3A_3262, %lt3A_3265 : i32
      %lt3A_3267 = arith.constant 0 : i32
      %lt3A_3268 = arith.cmpi slt, %select_n3A_3261, %lt3A_3267 : i32
      %ne3A_3269 = arith.xori %lt3A_3266, %lt3A_3268 : i1
      %and3A_3270 = arith.andi %ne3A_3269, %ne3A_3264 : i1
      %add3A_3271 = arith.addi %rem3A_3262, %select_n3A_3261 : i32
      %select_n3A_3272 = arith.select %and3A_3270, %add3A_3271, %rem3A_3262 : i32
      %add3A_3273 = arith.addi %mul3A_3256, %select_n3A_3272 : i32
      %dma_wait3A_3274 = tpu.memref_slice %arg4[%add3A_3273] : memref<52428800xf32, #tpu.memory_space<hbm>> -> memref<2048xf32, #tpu.memory_space<hbm>>
      %dma_wait3A_3275 = tpu.memref_slice %arg4[%add3A_3273] : memref<52428800xf32, #tpu.memory_space<hbm>> -> memref<2048xf32, #tpu.memory_space<hbm>>
      tpu.wait_dma2 semaphore(%arg18 : memref<!tpu.dma_semaphore, #tpu.memory_space<semaphore_mem>>) src(%arg8 : memref<2048xf32, #tpu.memory_space<vmem>>) dst(%dma_wait3A_3275 : memref<2048xf32, #tpu.memory_space<hbm>>)
      %dma_start3A_3276 = arith.constant 20480 : i32
      %dma_start3A_3277 = tpu.memref_slice %arg5[%dma_start3A_3276] : memref<51200xi32, #tpu.memory_space<vmem>> -> memref<2048xi32, #tpu.memory_space<vmem>>
      %dma_start3A_3278 = arith.constant 0 : i32
      %dma_start3A_3279 = tpu.memref_slice %arg10[%dma_start3A_3278] : memref<1000000xf32, #tpu.memory_space<vmem_shared>> -> memref<1000000xf32, #tpu.memory_space<vmem_shared>>
      tpu.enqueue_indirect_dma source(%dma_start3A_3279 : memref<1000000xf32, #tpu.memory_space<vmem_shared>>) target(%arg8 : memref<2048xf32, #tpu.memory_space<vmem>>) offsets(%dma_start3A_3277 : memref<2048xi32, #tpu.memory_space<vmem>>) semaphore(%arg14 : memref<!tpu.dma_semaphore, #tpu.memory_space<semaphore_mem>>)
      %dma_wait3A_3280 = arith.constant 14336 : i32
      %dma_wait3A_3281 = tpu.memref_slice %arg5[%dma_wait3A_3280] : memref<51200xi32, #tpu.memory_space<vmem>> -> memref<2048xi32, #tpu.memory_space<vmem>>
      %dma_wait3A_3282 = arith.constant 0 : i32
      %dma_wait3A_3283 = tpu.memref_slice %arg10[%dma_wait3A_3282] : memref<1000000xf32, #tpu.memory_space<vmem_shared>> -> memref<1000000xf32, #tpu.memory_space<vmem_shared>>
      tpu.wait_indirect_dma semaphore(%arg15 : memref<!tpu.dma_semaphore, #tpu.memory_space<semaphore_mem>>) src(%dma_wait3A_3283 : memref<1000000xf32, #tpu.memory_space<vmem_shared>>) dst(%arg9 : memref<2048xf32, #tpu.memory_space<vmem>>)
      %add3A_3284 = arith.constant 14336 : i32
      %add3A_3285 = arith.addi %mul3A_0, %add3A_3284 : i32
      %jit3A_3286 = arith.constant 4096 : i32
      %div3A_3287 = arith.divsi %add3A_3285, %jit3A_3286 : i32
      %sign3A_3288 = arith.constant 0 : i32
      %sign3A_3289 = arith.cmpi sgt, %add3A_3285, %sign3A_3288 : i32
      %sign3A_3290 = arith.extui %sign3A_3289 : i1 to i32
      %sign3A_3291 = arith.constant 0 : i32
      %sign3A_3292 = arith.cmpi slt, %add3A_3285, %sign3A_3291 : i32
      %sign3A_3293 = arith.extui %sign3A_3292 : i1 to i32
      %sign3A_3294 = arith.subi %sign3A_3290, %sign3A_3293 : i32
      %sign3A_3295 = arith.constant 0 : i32
      %sign3A_3296 = arith.cmpi sgt, %jit3A_3286, %sign3A_3295 : i32
      %sign3A_3297 = arith.extui %sign3A_3296 : i1 to i32
      %sign3A_3298 = arith.constant 0 : i32
      %sign3A_3299 = arith.cmpi slt, %jit3A_3286, %sign3A_3298 : i32
      %sign3A_3300 = arith.extui %sign3A_3299 : i1 to i32
      %sign3A_3301 = arith.subi %sign3A_3297, %sign3A_3300 : i32
      %ne3A_3302 = arith.cmpi ne, %sign3A_3294, %sign3A_3301 : i32
      %rem3A_3303 = arith.remsi %add3A_3285, %jit3A_3286 : i32
      %ne3A_3304 = arith.constant 0 : i32
      %ne3A_3305 = arith.cmpi ne, %rem3A_3303, %ne3A_3304 : i32
      %and3A_3306 = arith.andi %ne3A_3302, %ne3A_3305 : i1
      %sub3A_3307 = arith.constant 1 : i32
      %sub3A_3308 = arith.subi %div3A_3287, %sub3A_3307 : i32
      %select_n3A_3309 = arith.select %and3A_3306, %sub3A_3308, %div3A_3287 : i32
      %mul3A_3310 = arith.constant 64 : i32
      %mul3A_3311 = arith.muli %select_n3A_3309, %mul3A_3310 : i32
      %add3A_3312 = arith.addi %mul3A_3311, %add3A_2502 : i32
      %mul3A_3313 = arith.constant 4096 : i32
      %mul3A_3314 = arith.muli %add3A_3312, %mul3A_3313 : i32
      %jit3A_3315 = arith.constant 4096 : i32
      %eq3A_3316 = arith.constant 0 : i32
      %eq3A_3317 = arith.cmpi eq, %jit3A_3315, %eq3A_3316 : i32
      %jit3A_3318 = arith.constant 1 : i32
      %select_n3A_3319 = arith.select %eq3A_3317, %jit3A_3318, %jit3A_3315 : i32
      %rem3A_3320 = arith.remsi %add3A_3285, %select_n3A_3319 : i32
      %ne3A_3321 = arith.constant 0 : i32
      %ne3A_3322 = arith.cmpi ne, %rem3A_3320, %ne3A_3321 : i32
      %lt3A_3323 = arith.constant 0 : i32
      %lt3A_3324 = arith.cmpi slt, %rem3A_3320, %lt3A_3323 : i32
      %lt3A_3325 = arith.constant 0 : i32
      %lt3A_3326 = arith.cmpi slt, %select_n3A_3319, %lt3A_3325 : i32
      %ne3A_3327 = arith.xori %lt3A_3324, %lt3A_3326 : i1
      %and3A_3328 = arith.andi %ne3A_3327, %ne3A_3322 : i1
      %add3A_3329 = arith.addi %rem3A_3320, %select_n3A_3319 : i32
      %select_n3A_3330 = arith.select %and3A_3328, %add3A_3329, %rem3A_3320 : i32
      %add3A_3331 = arith.addi %mul3A_3314, %select_n3A_3330 : i32
      %dma_start3A_3332 = tpu.memref_slice %arg4[%add3A_3331] : memref<52428800xf32, #tpu.memory_space<hbm>> -> memref<2048xf32, #tpu.memory_space<hbm>>
      %dma_start3A_3333 = tpu.memref_slice %arg4[%add3A_3331] : memref<52428800xf32, #tpu.memory_space<hbm>> -> memref<2048xf32, #tpu.memory_space<hbm>>
      tpu.enqueue_dma source(%arg9 : memref<2048xf32, #tpu.memory_space<vmem>>) target(%dma_start3A_3333 : memref<2048xf32, #tpu.memory_space<hbm>>) target_semaphore(%arg19 : memref<!tpu.dma_semaphore, #tpu.memory_space<semaphore_mem>>)
      %add3A_3334 = arith.constant 14336 : i32
      %add3A_3335 = arith.addi %mul3A_0, %add3A_3334 : i32
      %jit3A_3336 = arith.constant 4096 : i32
      %div3A_3337 = arith.divsi %add3A_3335, %jit3A_3336 : i32
      %sign3A_3338 = arith.constant 0 : i32
      %sign3A_3339 = arith.cmpi sgt, %add3A_3335, %sign3A_3338 : i32
      %sign3A_3340 = arith.extui %sign3A_3339 : i1 to i32
      %sign3A_3341 = arith.constant 0 : i32
      %sign3A_3342 = arith.cmpi slt, %add3A_3335, %sign3A_3341 : i32
      %sign3A_3343 = arith.extui %sign3A_3342 : i1 to i32
      %sign3A_3344 = arith.subi %sign3A_3340, %sign3A_3343 : i32
      %sign3A_3345 = arith.constant 0 : i32
      %sign3A_3346 = arith.cmpi sgt, %jit3A_3336, %sign3A_3345 : i32
      %sign3A_3347 = arith.extui %sign3A_3346 : i1 to i32
      %sign3A_3348 = arith.constant 0 : i32
      %sign3A_3349 = arith.cmpi slt, %jit3A_3336, %sign3A_3348 : i32
      %sign3A_3350 = arith.extui %sign3A_3349 : i1 to i32
      %sign3A_3351 = arith.subi %sign3A_3347, %sign3A_3350 : i32
      %ne3A_3352 = arith.cmpi ne, %sign3A_3344, %sign3A_3351 : i32
      %rem3A_3353 = arith.remsi %add3A_3335, %jit3A_3336 : i32
      %ne3A_3354 = arith.constant 0 : i32
      %ne3A_3355 = arith.cmpi ne, %rem3A_3353, %ne3A_3354 : i32
      %and3A_3356 = arith.andi %ne3A_3352, %ne3A_3355 : i1
      %sub3A_3357 = arith.constant 1 : i32
      %sub3A_3358 = arith.subi %div3A_3337, %sub3A_3357 : i32
      %select_n3A_3359 = arith.select %and3A_3356, %sub3A_3358, %div3A_3337 : i32
      %mul3A_3360 = arith.constant 64 : i32
      %mul3A_3361 = arith.muli %select_n3A_3359, %mul3A_3360 : i32
      %add3A_3362 = arith.addi %mul3A_3361, %add3A_2502 : i32
      %mul3A_3363 = arith.constant 4096 : i32
      %mul3A_3364 = arith.muli %add3A_3362, %mul3A_3363 : i32
      %jit3A_3365 = arith.constant 4096 : i32
      %eq3A_3366 = arith.constant 0 : i32
      %eq3A_3367 = arith.cmpi eq, %jit3A_3365, %eq3A_3366 : i32
      %jit3A_3368 = arith.constant 1 : i32
      %select_n3A_3369 = arith.select %eq3A_3367, %jit3A_3368, %jit3A_3365 : i32
      %rem3A_3370 = arith.remsi %add3A_3335, %select_n3A_3369 : i32
      %ne3A_3371 = arith.constant 0 : i32
      %ne3A_3372 = arith.cmpi ne, %rem3A_3370, %ne3A_3371 : i32
      %lt3A_3373 = arith.constant 0 : i32
      %lt3A_3374 = arith.cmpi slt, %rem3A_3370, %lt3A_3373 : i32
      %lt3A_3375 = arith.constant 0 : i32
      %lt3A_3376 = arith.cmpi slt, %select_n3A_3369, %lt3A_3375 : i32
      %ne3A_3377 = arith.xori %lt3A_3374, %lt3A_3376 : i1
      %and3A_3378 = arith.andi %ne3A_3377, %ne3A_3372 : i1
      %add3A_3379 = arith.addi %rem3A_3370, %select_n3A_3369 : i32
      %select_n3A_3380 = arith.select %and3A_3378, %add3A_3379, %rem3A_3370 : i32
      %add3A_3381 = arith.addi %mul3A_3364, %select_n3A_3380 : i32
      %dma_wait3A_3382 = tpu.memref_slice %arg4[%add3A_3381] : memref<52428800xf32, #tpu.memory_space<hbm>> -> memref<2048xf32, #tpu.memory_space<hbm>>
      %dma_wait3A_3383 = tpu.memref_slice %arg4[%add3A_3381] : memref<52428800xf32, #tpu.memory_space<hbm>> -> memref<2048xf32, #tpu.memory_space<hbm>>
      tpu.wait_dma2 semaphore(%arg19 : memref<!tpu.dma_semaphore, #tpu.memory_space<semaphore_mem>>) src(%arg9 : memref<2048xf32, #tpu.memory_space<vmem>>) dst(%dma_wait3A_3383 : memref<2048xf32, #tpu.memory_space<hbm>>)
      %dma_start3A_3384 = arith.constant 22528 : i32
      %dma_start3A_3385 = tpu.memref_slice %arg5[%dma_start3A_3384] : memref<51200xi32, #tpu.memory_space<vmem>> -> memref<2048xi32, #tpu.memory_space<vmem>>
      %dma_start3A_3386 = arith.constant 0 : i32
      %dma_start3A_3387 = tpu.memref_slice %arg10[%dma_start3A_3386] : memref<1000000xf32, #tpu.memory_space<vmem_shared>> -> memref<1000000xf32, #tpu.memory_space<vmem_shared>>
      tpu.enqueue_indirect_dma source(%dma_start3A_3387 : memref<1000000xf32, #tpu.memory_space<vmem_shared>>) target(%arg9 : memref<2048xf32, #tpu.memory_space<vmem>>) offsets(%dma_start3A_3385 : memref<2048xi32, #tpu.memory_space<vmem>>) semaphore(%arg15 : memref<!tpu.dma_semaphore, #tpu.memory_space<semaphore_mem>>)
      %dma_wait3A_3388 = arith.constant 16384 : i32
      %dma_wait3A_3389 = tpu.memref_slice %arg5[%dma_wait3A_3388] : memref<51200xi32, #tpu.memory_space<vmem>> -> memref<2048xi32, #tpu.memory_space<vmem>>
      %dma_wait3A_3390 = arith.constant 0 : i32
      %dma_wait3A_3391 = tpu.memref_slice %arg10[%dma_wait3A_3390] : memref<1000000xf32, #tpu.memory_space<vmem_shared>> -> memref<1000000xf32, #tpu.memory_space<vmem_shared>>
      tpu.wait_indirect_dma semaphore(%arg12 : memref<!tpu.dma_semaphore, #tpu.memory_space<semaphore_mem>>) src(%dma_wait3A_3391 : memref<1000000xf32, #tpu.memory_space<vmem_shared>>) dst(%arg6 : memref<2048xf32, #tpu.memory_space<vmem>>)
      %add3A_3392 = arith.constant 16384 : i32
      %add3A_3393 = arith.addi %mul3A_0, %add3A_3392 : i32
      %jit3A_3394 = arith.constant 4096 : i32
      %div3A_3395 = arith.divsi %add3A_3393, %jit3A_3394 : i32
      %sign3A_3396 = arith.constant 0 : i32
      %sign3A_3397 = arith.cmpi sgt, %add3A_3393, %sign3A_3396 : i32
      %sign3A_3398 = arith.extui %sign3A_3397 : i1 to i32
      %sign3A_3399 = arith.constant 0 : i32
      %sign3A_3400 = arith.cmpi slt, %add3A_3393, %sign3A_3399 : i32
      %sign3A_3401 = arith.extui %sign3A_3400 : i1 to i32
      %sign3A_3402 = arith.subi %sign3A_3398, %sign3A_3401 : i32
      %sign3A_3403 = arith.constant 0 : i32
      %sign3A_3404 = arith.cmpi sgt, %jit3A_3394, %sign3A_3403 : i32
      %sign3A_3405 = arith.extui %sign3A_3404 : i1 to i32
      %sign3A_3406 = arith.constant 0 : i32
      %sign3A_3407 = arith.cmpi slt, %jit3A_3394, %sign3A_3406 : i32
      %sign3A_3408 = arith.extui %sign3A_3407 : i1 to i32
      %sign3A_3409 = arith.subi %sign3A_3405, %sign3A_3408 : i32
      %ne3A_3410 = arith.cmpi ne, %sign3A_3402, %sign3A_3409 : i32
      %rem3A_3411 = arith.remsi %add3A_3393, %jit3A_3394 : i32
      %ne3A_3412 = arith.constant 0 : i32
      %ne3A_3413 = arith.cmpi ne, %rem3A_3411, %ne3A_3412 : i32
      %and3A_3414 = arith.andi %ne3A_3410, %ne3A_3413 : i1
      %sub3A_3415 = arith.constant 1 : i32
      %sub3A_3416 = arith.subi %div3A_3395, %sub3A_3415 : i32
      %select_n3A_3417 = arith.select %and3A_3414, %sub3A_3416, %div3A_3395 : i32
      %mul3A_3418 = arith.constant 64 : i32
      %mul3A_3419 = arith.muli %select_n3A_3417, %mul3A_3418 : i32
      %add3A_3420 = arith.addi %mul3A_3419, %add3A_2502 : i32
      %mul3A_3421 = arith.constant 4096 : i32
      %mul3A_3422 = arith.muli %add3A_3420, %mul3A_3421 : i32
      %jit3A_3423 = arith.constant 4096 : i32
      %eq3A_3424 = arith.constant 0 : i32
      %eq3A_3425 = arith.cmpi eq, %jit3A_3423, %eq3A_3424 : i32
      %jit3A_3426 = arith.constant 1 : i32
      %select_n3A_3427 = arith.select %eq3A_3425, %jit3A_3426, %jit3A_3423 : i32
      %rem3A_3428 = arith.remsi %add3A_3393, %select_n3A_3427 : i32
      %ne3A_3429 = arith.constant 0 : i32
      %ne3A_3430 = arith.cmpi ne, %rem3A_3428, %ne3A_3429 : i32
      %lt3A_3431 = arith.constant 0 : i32
      %lt3A_3432 = arith.cmpi slt, %rem3A_3428, %lt3A_3431 : i32
      %lt3A_3433 = arith.constant 0 : i32
      %lt3A_3434 = arith.cmpi slt, %select_n3A_3427, %lt3A_3433 : i32
      %ne3A_3435 = arith.xori %lt3A_3432, %lt3A_3434 : i1
      %and3A_3436 = arith.andi %ne3A_3435, %ne3A_3430 : i1
      %add3A_3437 = arith.addi %rem3A_3428, %select_n3A_3427 : i32
      %select_n3A_3438 = arith.select %and3A_3436, %add3A_3437, %rem3A_3428 : i32
      %add3A_3439 = arith.addi %mul3A_3422, %select_n3A_3438 : i32
      %dma_start3A_3440 = tpu.memref_slice %arg4[%add3A_3439] : memref<52428800xf32, #tpu.memory_space<hbm>> -> memref<2048xf32, #tpu.memory_space<hbm>>
      %dma_start3A_3441 = tpu.memref_slice %arg4[%add3A_3439] : memref<52428800xf32, #tpu.memory_space<hbm>> -> memref<2048xf32, #tpu.memory_space<hbm>>
      tpu.enqueue_dma source(%arg6 : memref<2048xf32, #tpu.memory_space<vmem>>) target(%dma_start3A_3441 : memref<2048xf32, #tpu.memory_space<hbm>>) target_semaphore(%arg16 : memref<!tpu.dma_semaphore, #tpu.memory_space<semaphore_mem>>)
      %add3A_3442 = arith.constant 16384 : i32
      %add3A_3443 = arith.addi %mul3A_0, %add3A_3442 : i32
      %jit3A_3444 = arith.constant 4096 : i32
      %div3A_3445 = arith.divsi %add3A_3443, %jit3A_3444 : i32
      %sign3A_3446 = arith.constant 0 : i32
      %sign3A_3447 = arith.cmpi sgt, %add3A_3443, %sign3A_3446 : i32
      %sign3A_3448 = arith.extui %sign3A_3447 : i1 to i32
      %sign3A_3449 = arith.constant 0 : i32
      %sign3A_3450 = arith.cmpi slt, %add3A_3443, %sign3A_3449 : i32
      %sign3A_3451 = arith.extui %sign3A_3450 : i1 to i32
      %sign3A_3452 = arith.subi %sign3A_3448, %sign3A_3451 : i32
      %sign3A_3453 = arith.constant 0 : i32
      %sign3A_3454 = arith.cmpi sgt, %jit3A_3444, %sign3A_3453 : i32
      %sign3A_3455 = arith.extui %sign3A_3454 : i1 to i32
      %sign3A_3456 = arith.constant 0 : i32
      %sign3A_3457 = arith.cmpi slt, %jit3A_3444, %sign3A_3456 : i32
      %sign3A_3458 = arith.extui %sign3A_3457 : i1 to i32
      %sign3A_3459 = arith.subi %sign3A_3455, %sign3A_3458 : i32
      %ne3A_3460 = arith.cmpi ne, %sign3A_3452, %sign3A_3459 : i32
      %rem3A_3461 = arith.remsi %add3A_3443, %jit3A_3444 : i32
      %ne3A_3462 = arith.constant 0 : i32
      %ne3A_3463 = arith.cmpi ne, %rem3A_3461, %ne3A_3462 : i32
      %and3A_3464 = arith.andi %ne3A_3460, %ne3A_3463 : i1
      %sub3A_3465 = arith.constant 1 : i32
      %sub3A_3466 = arith.subi %div3A_3445, %sub3A_3465 : i32
      %select_n3A_3467 = arith.select %and3A_3464, %sub3A_3466, %div3A_3445 : i32
      %mul3A_3468 = arith.constant 64 : i32
      %mul3A_3469 = arith.muli %select_n3A_3467, %mul3A_3468 : i32
      %add3A_3470 = arith.addi %mul3A_3469, %add3A_2502 : i32
      %mul3A_3471 = arith.constant 4096 : i32
      %mul3A_3472 = arith.muli %add3A_3470, %mul3A_3471 : i32
      %jit3A_3473 = arith.constant 4096 : i32
      %eq3A_3474 = arith.constant 0 : i32
      %eq3A_3475 = arith.cmpi eq, %jit3A_3473, %eq3A_3474 : i32
      %jit3A_3476 = arith.constant 1 : i32
      %select_n3A_3477 = arith.select %eq3A_3475, %jit3A_3476, %jit3A_3473 : i32
      %rem3A_3478 = arith.remsi %add3A_3443, %select_n3A_3477 : i32
      %ne3A_3479 = arith.constant 0 : i32
      %ne3A_3480 = arith.cmpi ne, %rem3A_3478, %ne3A_3479 : i32
      %lt3A_3481 = arith.constant 0 : i32
      %lt3A_3482 = arith.cmpi slt, %rem3A_3478, %lt3A_3481 : i32
      %lt3A_3483 = arith.constant 0 : i32
      %lt3A_3484 = arith.cmpi slt, %select_n3A_3477, %lt3A_3483 : i32
      %ne3A_3485 = arith.xori %lt3A_3482, %lt3A_3484 : i1
      %and3A_3486 = arith.andi %ne3A_3485, %ne3A_3480 : i1
      %add3A_3487 = arith.addi %rem3A_3478, %select_n3A_3477 : i32
      %select_n3A_3488 = arith.select %and3A_3486, %add3A_3487, %rem3A_3478 : i32
      %add3A_3489 = arith.addi %mul3A_3472, %select_n3A_3488 : i32
      %dma_wait3A_3490 = tpu.memref_slice %arg4[%add3A_3489] : memref<52428800xf32, #tpu.memory_space<hbm>> -> memref<2048xf32, #tpu.memory_space<hbm>>
      %dma_wait3A_3491 = tpu.memref_slice %arg4[%add3A_3489] : memref<52428800xf32, #tpu.memory_space<hbm>> -> memref<2048xf32, #tpu.memory_space<hbm>>
      tpu.wait_dma2 semaphore(%arg16 : memref<!tpu.dma_semaphore, #tpu.memory_space<semaphore_mem>>) src(%arg6 : memref<2048xf32, #tpu.memory_space<vmem>>) dst(%dma_wait3A_3491 : memref<2048xf32, #tpu.memory_space<hbm>>)
      %dma_start3A_3492 = arith.constant 24576 : i32
      %dma_start3A_3493 = tpu.memref_slice %arg5[%dma_start3A_3492] : memref<51200xi32, #tpu.memory_space<vmem>> -> memref<2048xi32, #tpu.memory_space<vmem>>
      %dma_start3A_3494 = arith.constant 0 : i32
      %dma_start3A_3495 = tpu.memref_slice %arg10[%dma_start3A_3494] : memref<1000000xf32, #tpu.memory_space<vmem_shared>> -> memref<1000000xf32, #tpu.memory_space<vmem_shared>>
      tpu.enqueue_indirect_dma source(%dma_start3A_3495 : memref<1000000xf32, #tpu.memory_space<vmem_shared>>) target(%arg6 : memref<2048xf32, #tpu.memory_space<vmem>>) offsets(%dma_start3A_3493 : memref<2048xi32, #tpu.memory_space<vmem>>) semaphore(%arg12 : memref<!tpu.dma_semaphore, #tpu.memory_space<semaphore_mem>>)
      %dma_wait3A_3496 = arith.constant 18432 : i32
      %dma_wait3A_3497 = tpu.memref_slice %arg5[%dma_wait3A_3496] : memref<51200xi32, #tpu.memory_space<vmem>> -> memref<2048xi32, #tpu.memory_space<vmem>>
      %dma_wait3A_3498 = arith.constant 0 : i32
      %dma_wait3A_3499 = tpu.memref_slice %arg10[%dma_wait3A_3498] : memref<1000000xf32, #tpu.memory_space<vmem_shared>> -> memref<1000000xf32, #tpu.memory_space<vmem_shared>>
      tpu.wait_indirect_dma semaphore(%arg13 : memref<!tpu.dma_semaphore, #tpu.memory_space<semaphore_mem>>) src(%dma_wait3A_3499 : memref<1000000xf32, #tpu.memory_space<vmem_shared>>) dst(%arg7 : memref<2048xf32, #tpu.memory_space<vmem>>)
      %add3A_3500 = arith.constant 18432 : i32
      %add3A_3501 = arith.addi %mul3A_0, %add3A_3500 : i32
      %jit3A_3502 = arith.constant 4096 : i32
      %div3A_3503 = arith.divsi %add3A_3501, %jit3A_3502 : i32
      %sign3A_3504 = arith.constant 0 : i32
      %sign3A_3505 = arith.cmpi sgt, %add3A_3501, %sign3A_3504 : i32
      %sign3A_3506 = arith.extui %sign3A_3505 : i1 to i32
      %sign3A_3507 = arith.constant 0 : i32
      %sign3A_3508 = arith.cmpi slt, %add3A_3501, %sign3A_3507 : i32
      %sign3A_3509 = arith.extui %sign3A_3508 : i1 to i32
      %sign3A_3510 = arith.subi %sign3A_3506, %sign3A_3509 : i32
      %sign3A_3511 = arith.constant 0 : i32
      %sign3A_3512 = arith.cmpi sgt, %jit3A_3502, %sign3A_3511 : i32
      %sign3A_3513 = arith.extui %sign3A_3512 : i1 to i32
      %sign3A_3514 = arith.constant 0 : i32
      %sign3A_3515 = arith.cmpi slt, %jit3A_3502, %sign3A_3514 : i32
      %sign3A_3516 = arith.extui %sign3A_3515 : i1 to i32
      %sign3A_3517 = arith.subi %sign3A_3513, %sign3A_3516 : i32
      %ne3A_3518 = arith.cmpi ne, %sign3A_3510, %sign3A_3517 : i32
      %rem3A_3519 = arith.remsi %add3A_3501, %jit3A_3502 : i32
      %ne3A_3520 = arith.constant 0 : i32
      %ne3A_3521 = arith.cmpi ne, %rem3A_3519, %ne3A_3520 : i32
      %and3A_3522 = arith.andi %ne3A_3518, %ne3A_3521 : i1
      %sub3A_3523 = arith.constant 1 : i32
      %sub3A_3524 = arith.subi %div3A_3503, %sub3A_3523 : i32
      %select_n3A_3525 = arith.select %and3A_3522, %sub3A_3524, %div3A_3503 : i32
      %mul3A_3526 = arith.constant 64 : i32
      %mul3A_3527 = arith.muli %select_n3A_3525, %mul3A_3526 : i32
      %add3A_3528 = arith.addi %mul3A_3527, %add3A_2502 : i32
      %mul3A_3529 = arith.constant 4096 : i32
      %mul3A_3530 = arith.muli %add3A_3528, %mul3A_3529 : i32
      %jit3A_3531 = arith.constant 4096 : i32
      %eq3A_3532 = arith.constant 0 : i32
      %eq3A_3533 = arith.cmpi eq, %jit3A_3531, %eq3A_3532 : i32
      %jit3A_3534 = arith.constant 1 : i32
      %select_n3A_3535 = arith.select %eq3A_3533, %jit3A_3534, %jit3A_3531 : i32
      %rem3A_3536 = arith.remsi %add3A_3501, %select_n3A_3535 : i32
      %ne3A_3537 = arith.constant 0 : i32
      %ne3A_3538 = arith.cmpi ne, %rem3A_3536, %ne3A_3537 : i32
      %lt3A_3539 = arith.constant 0 : i32
      %lt3A_3540 = arith.cmpi slt, %rem3A_3536, %lt3A_3539 : i32
      %lt3A_3541 = arith.constant 0 : i32
      %lt3A_3542 = arith.cmpi slt, %select_n3A_3535, %lt3A_3541 : i32
      %ne3A_3543 = arith.xori %lt3A_3540, %lt3A_3542 : i1
      %and3A_3544 = arith.andi %ne3A_3543, %ne3A_3538 : i1
      %add3A_3545 = arith.addi %rem3A_3536, %select_n3A_3535 : i32
      %select_n3A_3546 = arith.select %and3A_3544, %add3A_3545, %rem3A_3536 : i32
      %add3A_3547 = arith.addi %mul3A_3530, %select_n3A_3546 : i32
      %dma_start3A_3548 = tpu.memref_slice %arg4[%add3A_3547] : memref<52428800xf32, #tpu.memory_space<hbm>> -> memref<2048xf32, #tpu.memory_space<hbm>>
      %dma_start3A_3549 = tpu.memref_slice %arg4[%add3A_3547] : memref<52428800xf32, #tpu.memory_space<hbm>> -> memref<2048xf32, #tpu.memory_space<hbm>>
      tpu.enqueue_dma source(%arg7 : memref<2048xf32, #tpu.memory_space<vmem>>) target(%dma_start3A_3549 : memref<2048xf32, #tpu.memory_space<hbm>>) target_semaphore(%arg17 : memref<!tpu.dma_semaphore, #tpu.memory_space<semaphore_mem>>)
      %add3A_3550 = arith.constant 18432 : i32
      %add3A_3551 = arith.addi %mul3A_0, %add3A_3550 : i32
      %jit3A_3552 = arith.constant 4096 : i32
      %div3A_3553 = arith.divsi %add3A_3551, %jit3A_3552 : i32
      %sign3A_3554 = arith.constant 0 : i32
      %sign3A_3555 = arith.cmpi sgt, %add3A_3551, %sign3A_3554 : i32
      %sign3A_3556 = arith.extui %sign3A_3555 : i1 to i32
      %sign3A_3557 = arith.constant 0 : i32
      %sign3A_3558 = arith.cmpi slt, %add3A_3551, %sign3A_3557 : i32
      %sign3A_3559 = arith.extui %sign3A_3558 : i1 to i32
      %sign3A_3560 = arith.subi %sign3A_3556, %sign3A_3559 : i32
      %sign3A_3561 = arith.constant 0 : i32
      %sign3A_3562 = arith.cmpi sgt, %jit3A_3552, %sign3A_3561 : i32
      %sign3A_3563 = arith.extui %sign3A_3562 : i1 to i32
      %sign3A_3564 = arith.constant 0 : i32
      %sign3A_3565 = arith.cmpi slt, %jit3A_3552, %sign3A_3564 : i32
      %sign3A_3566 = arith.extui %sign3A_3565 : i1 to i32
      %sign3A_3567 = arith.subi %sign3A_3563, %sign3A_3566 : i32
      %ne3A_3568 = arith.cmpi ne, %sign3A_3560, %sign3A_3567 : i32
      %rem3A_3569 = arith.remsi %add3A_3551, %jit3A_3552 : i32
      %ne3A_3570 = arith.constant 0 : i32
      %ne3A_3571 = arith.cmpi ne, %rem3A_3569, %ne3A_3570 : i32
      %and3A_3572 = arith.andi %ne3A_3568, %ne3A_3571 : i1
      %sub3A_3573 = arith.constant 1 : i32
      %sub3A_3574 = arith.subi %div3A_3553, %sub3A_3573 : i32
      %select_n3A_3575 = arith.select %and3A_3572, %sub3A_3574, %div3A_3553 : i32
      %mul3A_3576 = arith.constant 64 : i32
      %mul3A_3577 = arith.muli %select_n3A_3575, %mul3A_3576 : i32
      %add3A_3578 = arith.addi %mul3A_3577, %add3A_2502 : i32
      %mul3A_3579 = arith.constant 4096 : i32
      %mul3A_3580 = arith.muli %add3A_3578, %mul3A_3579 : i32
      %jit3A_3581 = arith.constant 4096 : i32
      %eq3A_3582 = arith.constant 0 : i32
      %eq3A_3583 = arith.cmpi eq, %jit3A_3581, %eq3A_3582 : i32
      %jit3A_3584 = arith.constant 1 : i32
      %select_n3A_3585 = arith.select %eq3A_3583, %jit3A_3584, %jit3A_3581 : i32
      %rem3A_3586 = arith.remsi %add3A_3551, %select_n3A_3585 : i32
      %ne3A_3587 = arith.constant 0 : i32
      %ne3A_3588 = arith.cmpi ne, %rem3A_3586, %ne3A_3587 : i32
      %lt3A_3589 = arith.constant 0 : i32
      %lt3A_3590 = arith.cmpi slt, %rem3A_3586, %lt3A_3589 : i32
      %lt3A_3591 = arith.constant 0 : i32
      %lt3A_3592 = arith.cmpi slt, %select_n3A_3585, %lt3A_3591 : i32
      %ne3A_3593 = arith.xori %lt3A_3590, %lt3A_3592 : i1
      %and3A_3594 = arith.andi %ne3A_3593, %ne3A_3588 : i1
      %add3A_3595 = arith.addi %rem3A_3586, %select_n3A_3585 : i32
      %select_n3A_3596 = arith.select %and3A_3594, %add3A_3595, %rem3A_3586 : i32
      %add3A_3597 = arith.addi %mul3A_3580, %select_n3A_3596 : i32
      %dma_wait3A_3598 = tpu.memref_slice %arg4[%add3A_3597] : memref<52428800xf32, #tpu.memory_space<hbm>> -> memref<2048xf32, #tpu.memory_space<hbm>>
      %dma_wait3A_3599 = tpu.memref_slice %arg4[%add3A_3597] : memref<52428800xf32, #tpu.memory_space<hbm>> -> memref<2048xf32, #tpu.memory_space<hbm>>
      tpu.wait_dma2 semaphore(%arg17 : memref<!tpu.dma_semaphore, #tpu.memory_space<semaphore_mem>>) src(%arg7 : memref<2048xf32, #tpu.memory_space<vmem>>) dst(%dma_wait3A_3599 : memref<2048xf32, #tpu.memory_space<hbm>>)
      %dma_start3A_3600 = arith.constant 26624 : i32
      %dma_start3A_3601 = tpu.memref_slice %arg5[%dma_start3A_3600] : memref<51200xi32, #tpu.memory_space<vmem>> -> memref<2048xi32, #tpu.memory_space<vmem>>
      %dma_start3A_3602 = arith.constant 0 : i32
      %dma_start3A_3603 = tpu.memref_slice %arg10[%dma_start3A_3602] : memref<1000000xf32, #tpu.memory_space<vmem_shared>> -> memref<1000000xf32, #tpu.memory_space<vmem_shared>>
      tpu.enqueue_indirect_dma source(%dma_start3A_3603 : memref<1000000xf32, #tpu.memory_space<vmem_shared>>) target(%arg7 : memref<2048xf32, #tpu.memory_space<vmem>>) offsets(%dma_start3A_3601 : memref<2048xi32, #tpu.memory_space<vmem>>) semaphore(%arg13 : memref<!tpu.dma_semaphore, #tpu.memory_space<semaphore_mem>>)
      %dma_wait3A_3604 = arith.constant 20480 : i32
      %dma_wait3A_3605 = tpu.memref_slice %arg5[%dma_wait3A_3604] : memref<51200xi32, #tpu.memory_space<vmem>> -> memref<2048xi32, #tpu.memory_space<vmem>>
      %dma_wait3A_3606 = arith.constant 0 : i32
      %dma_wait3A_3607 = tpu.memref_slice %arg10[%dma_wait3A_3606] : memref<1000000xf32, #tpu.memory_space<vmem_shared>> -> memref<1000000xf32, #tpu.memory_space<vmem_shared>>
      tpu.wait_indirect_dma semaphore(%arg14 : memref<!tpu.dma_semaphore, #tpu.memory_space<semaphore_mem>>) src(%dma_wait3A_3607 : memref<1000000xf32, #tpu.memory_space<vmem_shared>>) dst(%arg8 : memref<2048xf32, #tpu.memory_space<vmem>>)
      %add3A_3608 = arith.constant 20480 : i32
      %add3A_3609 = arith.addi %mul3A_0, %add3A_3608 : i32
      %jit3A_3610 = arith.constant 4096 : i32
      %div3A_3611 = arith.divsi %add3A_3609, %jit3A_3610 : i32
      %sign3A_3612 = arith.constant 0 : i32
      %sign3A_3613 = arith.cmpi sgt, %add3A_3609, %sign3A_3612 : i32
      %sign3A_3614 = arith.extui %sign3A_3613 : i1 to i32
      %sign3A_3615 = arith.constant 0 : i32
      %sign3A_3616 = arith.cmpi slt, %add3A_3609, %sign3A_3615 : i32
      %sign3A_3617 = arith.extui %sign3A_3616 : i1 to i32
      %sign3A_3618 = arith.subi %sign3A_3614, %sign3A_3617 : i32
      %sign3A_3619 = arith.constant 0 : i32
      %sign3A_3620 = arith.cmpi sgt, %jit3A_3610, %sign3A_3619 : i32
      %sign3A_3621 = arith.extui %sign3A_3620 : i1 to i32
      %sign3A_3622 = arith.constant 0 : i32
      %sign3A_3623 = arith.cmpi slt, %jit3A_3610, %sign3A_3622 : i32
      %sign3A_3624 = arith.extui %sign3A_3623 : i1 to i32
      %sign3A_3625 = arith.subi %sign3A_3621, %sign3A_3624 : i32
      %ne3A_3626 = arith.cmpi ne, %sign3A_3618, %sign3A_3625 : i32
      %rem3A_3627 = arith.remsi %add3A_3609, %jit3A_3610 : i32
      %ne3A_3628 = arith.constant 0 : i32
      %ne3A_3629 = arith.cmpi ne, %rem3A_3627, %ne3A_3628 : i32
      %and3A_3630 = arith.andi %ne3A_3626, %ne3A_3629 : i1
      %sub3A_3631 = arith.constant 1 : i32
      %sub3A_3632 = arith.subi %div3A_3611, %sub3A_3631 : i32
      %select_n3A_3633 = arith.select %and3A_3630, %sub3A_3632, %div3A_3611 : i32
      %mul3A_3634 = arith.constant 64 : i32
      %mul3A_3635 = arith.muli %select_n3A_3633, %mul3A_3634 : i32
      %add3A_3636 = arith.addi %mul3A_3635, %add3A_2502 : i32
      %mul3A_3637 = arith.constant 4096 : i32
      %mul3A_3638 = arith.muli %add3A_3636, %mul3A_3637 : i32
      %jit3A_3639 = arith.constant 4096 : i32
      %eq3A_3640 = arith.constant 0 : i32
      %eq3A_3641 = arith.cmpi eq, %jit3A_3639, %eq3A_3640 : i32
      %jit3A_3642 = arith.constant 1 : i32
      %select_n3A_3643 = arith.select %eq3A_3641, %jit3A_3642, %jit3A_3639 : i32
      %rem3A_3644 = arith.remsi %add3A_3609, %select_n3A_3643 : i32
      %ne3A_3645 = arith.constant 0 : i32
      %ne3A_3646 = arith.cmpi ne, %rem3A_3644, %ne3A_3645 : i32
      %lt3A_3647 = arith.constant 0 : i32
      %lt3A_3648 = arith.cmpi slt, %rem3A_3644, %lt3A_3647 : i32
      %lt3A_3649 = arith.constant 0 : i32
      %lt3A_3650 = arith.cmpi slt, %select_n3A_3643, %lt3A_3649 : i32
      %ne3A_3651 = arith.xori %lt3A_3648, %lt3A_3650 : i1
      %and3A_3652 = arith.andi %ne3A_3651, %ne3A_3646 : i1
      %add3A_3653 = arith.addi %rem3A_3644, %select_n3A_3643 : i32
      %select_n3A_3654 = arith.select %and3A_3652, %add3A_3653, %rem3A_3644 : i32
      %add3A_3655 = arith.addi %mul3A_3638, %select_n3A_3654 : i32
      %dma_start3A_3656 = tpu.memref_slice %arg4[%add3A_3655] : memref<52428800xf32, #tpu.memory_space<hbm>> -> memref<2048xf32, #tpu.memory_space<hbm>>
      %dma_start3A_3657 = tpu.memref_slice %arg4[%add3A_3655] : memref<52428800xf32, #tpu.memory_space<hbm>> -> memref<2048xf32, #tpu.memory_space<hbm>>
      tpu.enqueue_dma source(%arg8 : memref<2048xf32, #tpu.memory_space<vmem>>) target(%dma_start3A_3657 : memref<2048xf32, #tpu.memory_space<hbm>>) target_semaphore(%arg18 : memref<!tpu.dma_semaphore, #tpu.memory_space<semaphore_mem>>)
      %add3A_3658 = arith.constant 20480 : i32
      %add3A_3659 = arith.addi %mul3A_0, %add3A_3658 : i32
      %jit3A_3660 = arith.constant 4096 : i32
      %div3A_3661 = arith.divsi %add3A_3659, %jit3A_3660 : i32
      %sign3A_3662 = arith.constant 0 : i32
      %sign3A_3663 = arith.cmpi sgt, %add3A_3659, %sign3A_3662 : i32
      %sign3A_3664 = arith.extui %sign3A_3663 : i1 to i32
      %sign3A_3665 = arith.constant 0 : i32
      %sign3A_3666 = arith.cmpi slt, %add3A_3659, %sign3A_3665 : i32
      %sign3A_3667 = arith.extui %sign3A_3666 : i1 to i32
      %sign3A_3668 = arith.subi %sign3A_3664, %sign3A_3667 : i32
      %sign3A_3669 = arith.constant 0 : i32
      %sign3A_3670 = arith.cmpi sgt, %jit3A_3660, %sign3A_3669 : i32
      %sign3A_3671 = arith.extui %sign3A_3670 : i1 to i32
      %sign3A_3672 = arith.constant 0 : i32
      %sign3A_3673 = arith.cmpi slt, %jit3A_3660, %sign3A_3672 : i32
      %sign3A_3674 = arith.extui %sign3A_3673 : i1 to i32
      %sign3A_3675 = arith.subi %sign3A_3671, %sign3A_3674 : i32
      %ne3A_3676 = arith.cmpi ne, %sign3A_3668, %sign3A_3675 : i32
      %rem3A_3677 = arith.remsi %add3A_3659, %jit3A_3660 : i32
      %ne3A_3678 = arith.constant 0 : i32
      %ne3A_3679 = arith.cmpi ne, %rem3A_3677, %ne3A_3678 : i32
      %and3A_3680 = arith.andi %ne3A_3676, %ne3A_3679 : i1
      %sub3A_3681 = arith.constant 1 : i32
      %sub3A_3682 = arith.subi %div3A_3661, %sub3A_3681 : i32
      %select_n3A_3683 = arith.select %and3A_3680, %sub3A_3682, %div3A_3661 : i32
      %mul3A_3684 = arith.constant 64 : i32
      %mul3A_3685 = arith.muli %select_n3A_3683, %mul3A_3684 : i32
      %add3A_3686 = arith.addi %mul3A_3685, %add3A_2502 : i32
      %mul3A_3687 = arith.constant 4096 : i32
      %mul3A_3688 = arith.muli %add3A_3686, %mul3A_3687 : i32
      %jit3A_3689 = arith.constant 4096 : i32
      %eq3A_3690 = arith.constant 0 : i32
      %eq3A_3691 = arith.cmpi eq, %jit3A_3689, %eq3A_3690 : i32
      %jit3A_3692 = arith.constant 1 : i32
      %select_n3A_3693 = arith.select %eq3A_3691, %jit3A_3692, %jit3A_3689 : i32
      %rem3A_3694 = arith.remsi %add3A_3659, %select_n3A_3693 : i32
      %ne3A_3695 = arith.constant 0 : i32
      %ne3A_3696 = arith.cmpi ne, %rem3A_3694, %ne3A_3695 : i32
      %lt3A_3697 = arith.constant 0 : i32
      %lt3A_3698 = arith.cmpi slt, %rem3A_3694, %lt3A_3697 : i32
      %lt3A_3699 = arith.constant 0 : i32
      %lt3A_3700 = arith.cmpi slt, %select_n3A_3693, %lt3A_3699 : i32
      %ne3A_3701 = arith.xori %lt3A_3698, %lt3A_3700 : i1
      %and3A_3702 = arith.andi %ne3A_3701, %ne3A_3696 : i1
      %add3A_3703 = arith.addi %rem3A_3694, %select_n3A_3693 : i32
      %select_n3A_3704 = arith.select %and3A_3702, %add3A_3703, %rem3A_3694 : i32
      %add3A_3705 = arith.addi %mul3A_3688, %select_n3A_3704 : i32
      %dma_wait3A_3706 = tpu.memref_slice %arg4[%add3A_3705] : memref<52428800xf32, #tpu.memory_space<hbm>> -> memref<2048xf32, #tpu.memory_space<hbm>>
      %dma_wait3A_3707 = tpu.memref_slice %arg4[%add3A_3705] : memref<52428800xf32, #tpu.memory_space<hbm>> -> memref<2048xf32, #tpu.memory_space<hbm>>
      tpu.wait_dma2 semaphore(%arg18 : memref<!tpu.dma_semaphore, #tpu.memory_space<semaphore_mem>>) src(%arg8 : memref<2048xf32, #tpu.memory_space<vmem>>) dst(%dma_wait3A_3707 : memref<2048xf32, #tpu.memory_space<hbm>>)
      %dma_start3A_3708 = arith.constant 28672 : i32
      %dma_start3A_3709 = tpu.memref_slice %arg5[%dma_start3A_3708] : memref<51200xi32, #tpu.memory_space<vmem>> -> memref<2048xi32, #tpu.memory_space<vmem>>
      %dma_start3A_3710 = arith.constant 0 : i32
      %dma_start3A_3711 = tpu.memref_slice %arg10[%dma_start3A_3710] : memref<1000000xf32, #tpu.memory_space<vmem_shared>> -> memref<1000000xf32, #tpu.memory_space<vmem_shared>>
      tpu.enqueue_indirect_dma source(%dma_start3A_3711 : memref<1000000xf32, #tpu.memory_space<vmem_shared>>) target(%arg8 : memref<2048xf32, #tpu.memory_space<vmem>>) offsets(%dma_start3A_3709 : memref<2048xi32, #tpu.memory_space<vmem>>) semaphore(%arg14 : memref<!tpu.dma_semaphore, #tpu.memory_space<semaphore_mem>>)
      %dma_wait3A_3712 = arith.constant 22528 : i32
      %dma_wait3A_3713 = tpu.memref_slice %arg5[%dma_wait3A_3712] : memref<51200xi32, #tpu.memory_space<vmem>> -> memref<2048xi32, #tpu.memory_space<vmem>>
      %dma_wait3A_3714 = arith.constant 0 : i32
      %dma_wait3A_3715 = tpu.memref_slice %arg10[%dma_wait3A_3714] : memref<1000000xf32, #tpu.memory_space<vmem_shared>> -> memref<1000000xf32, #tpu.memory_space<vmem_shared>>
      tpu.wait_indirect_dma semaphore(%arg15 : memref<!tpu.dma_semaphore, #tpu.memory_space<semaphore_mem>>) src(%dma_wait3A_3715 : memref<1000000xf32, #tpu.memory_space<vmem_shared>>) dst(%arg9 : memref<2048xf32, #tpu.memory_space<vmem>>)
      %add3A_3716 = arith.constant 22528 : i32
      %add3A_3717 = arith.addi %mul3A_0, %add3A_3716 : i32
      %jit3A_3718 = arith.constant 4096 : i32
      %div3A_3719 = arith.divsi %add3A_3717, %jit3A_3718 : i32
      %sign3A_3720 = arith.constant 0 : i32
      %sign3A_3721 = arith.cmpi sgt, %add3A_3717, %sign3A_3720 : i32
      %sign3A_3722 = arith.extui %sign3A_3721 : i1 to i32
      %sign3A_3723 = arith.constant 0 : i32
      %sign3A_3724 = arith.cmpi slt, %add3A_3717, %sign3A_3723 : i32
      %sign3A_3725 = arith.extui %sign3A_3724 : i1 to i32
      %sign3A_3726 = arith.subi %sign3A_3722, %sign3A_3725 : i32
      %sign3A_3727 = arith.constant 0 : i32
      %sign3A_3728 = arith.cmpi sgt, %jit3A_3718, %sign3A_3727 : i32
      %sign3A_3729 = arith.extui %sign3A_3728 : i1 to i32
      %sign3A_3730 = arith.constant 0 : i32
      %sign3A_3731 = arith.cmpi slt, %jit3A_3718, %sign3A_3730 : i32
      %sign3A_3732 = arith.extui %sign3A_3731 : i1 to i32
      %sign3A_3733 = arith.subi %sign3A_3729, %sign3A_3732 : i32
      %ne3A_3734 = arith.cmpi ne, %sign3A_3726, %sign3A_3733 : i32
      %rem3A_3735 = arith.remsi %add3A_3717, %jit3A_3718 : i32
      %ne3A_3736 = arith.constant 0 : i32
      %ne3A_3737 = arith.cmpi ne, %rem3A_3735, %ne3A_3736 : i32
      %and3A_3738 = arith.andi %ne3A_3734, %ne3A_3737 : i1
      %sub3A_3739 = arith.constant 1 : i32
      %sub3A_3740 = arith.subi %div3A_3719, %sub3A_3739 : i32
      %select_n3A_3741 = arith.select %and3A_3738, %sub3A_3740, %div3A_3719 : i32
      %mul3A_3742 = arith.constant 64 : i32
      %mul3A_3743 = arith.muli %select_n3A_3741, %mul3A_3742 : i32
      %add3A_3744 = arith.addi %mul3A_3743, %add3A_2502 : i32
      %mul3A_3745 = arith.constant 4096 : i32
      %mul3A_3746 = arith.muli %add3A_3744, %mul3A_3745 : i32
      %jit3A_3747 = arith.constant 4096 : i32
      %eq3A_3748 = arith.constant 0 : i32
      %eq3A_3749 = arith.cmpi eq, %jit3A_3747, %eq3A_3748 : i32
      %jit3A_3750 = arith.constant 1 : i32
      %select_n3A_3751 = arith.select %eq3A_3749, %jit3A_3750, %jit3A_3747 : i32
      %rem3A_3752 = arith.remsi %add3A_3717, %select_n3A_3751 : i32
      %ne3A_3753 = arith.constant 0 : i32
      %ne3A_3754 = arith.cmpi ne, %rem3A_3752, %ne3A_3753 : i32
      %lt3A_3755 = arith.constant 0 : i32
      %lt3A_3756 = arith.cmpi slt, %rem3A_3752, %lt3A_3755 : i32
      %lt3A_3757 = arith.constant 0 : i32
      %lt3A_3758 = arith.cmpi slt, %select_n3A_3751, %lt3A_3757 : i32
      %ne3A_3759 = arith.xori %lt3A_3756, %lt3A_3758 : i1
      %and3A_3760 = arith.andi %ne3A_3759, %ne3A_3754 : i1
      %add3A_3761 = arith.addi %rem3A_3752, %select_n3A_3751 : i32
      %select_n3A_3762 = arith.select %and3A_3760, %add3A_3761, %rem3A_3752 : i32
      %add3A_3763 = arith.addi %mul3A_3746, %select_n3A_3762 : i32
      %dma_start3A_3764 = tpu.memref_slice %arg4[%add3A_3763] : memref<52428800xf32, #tpu.memory_space<hbm>> -> memref<2048xf32, #tpu.memory_space<hbm>>
      %dma_start3A_3765 = tpu.memref_slice %arg4[%add3A_3763] : memref<52428800xf32, #tpu.memory_space<hbm>> -> memref<2048xf32, #tpu.memory_space<hbm>>
      tpu.enqueue_dma source(%arg9 : memref<2048xf32, #tpu.memory_space<vmem>>) target(%dma_start3A_3765 : memref<2048xf32, #tpu.memory_space<hbm>>) target_semaphore(%arg19 : memref<!tpu.dma_semaphore, #tpu.memory_space<semaphore_mem>>)
      %add3A_3766 = arith.constant 22528 : i32
      %add3A_3767 = arith.addi %mul3A_0, %add3A_3766 : i32
      %jit3A_3768 = arith.constant 4096 : i32
      %div3A_3769 = arith.divsi %add3A_3767, %jit3A_3768 : i32
      %sign3A_3770 = arith.constant 0 : i32
      %sign3A_3771 = arith.cmpi sgt, %add3A_3767, %sign3A_3770 : i32
      %sign3A_3772 = arith.extui %sign3A_3771 : i1 to i32
      %sign3A_3773 = arith.constant 0 : i32
      %sign3A_3774 = arith.cmpi slt, %add3A_3767, %sign3A_3773 : i32
      %sign3A_3775 = arith.extui %sign3A_3774 : i1 to i32
      %sign3A_3776 = arith.subi %sign3A_3772, %sign3A_3775 : i32
      %sign3A_3777 = arith.constant 0 : i32
      %sign3A_3778 = arith.cmpi sgt, %jit3A_3768, %sign3A_3777 : i32
      %sign3A_3779 = arith.extui %sign3A_3778 : i1 to i32
      %sign3A_3780 = arith.constant 0 : i32
      %sign3A_3781 = arith.cmpi slt, %jit3A_3768, %sign3A_3780 : i32
      %sign3A_3782 = arith.extui %sign3A_3781 : i1 to i32
      %sign3A_3783 = arith.subi %sign3A_3779, %sign3A_3782 : i32
      %ne3A_3784 = arith.cmpi ne, %sign3A_3776, %sign3A_3783 : i32
      %rem3A_3785 = arith.remsi %add3A_3767, %jit3A_3768 : i32
      %ne3A_3786 = arith.constant 0 : i32
      %ne3A_3787 = arith.cmpi ne, %rem3A_3785, %ne3A_3786 : i32
      %and3A_3788 = arith.andi %ne3A_3784, %ne3A_3787 : i1
      %sub3A_3789 = arith.constant 1 : i32
      %sub3A_3790 = arith.subi %div3A_3769, %sub3A_3789 : i32
      %select_n3A_3791 = arith.select %and3A_3788, %sub3A_3790, %div3A_3769 : i32
      %mul3A_3792 = arith.constant 64 : i32
      %mul3A_3793 = arith.muli %select_n3A_3791, %mul3A_3792 : i32
      %add3A_3794 = arith.addi %mul3A_3793, %add3A_2502 : i32
      %mul3A_3795 = arith.constant 4096 : i32
      %mul3A_3796 = arith.muli %add3A_3794, %mul3A_3795 : i32
      %jit3A_3797 = arith.constant 4096 : i32
      %eq3A_3798 = arith.constant 0 : i32
      %eq3A_3799 = arith.cmpi eq, %jit3A_3797, %eq3A_3798 : i32
      %jit3A_3800 = arith.constant 1 : i32
      %select_n3A_3801 = arith.select %eq3A_3799, %jit3A_3800, %jit3A_3797 : i32
      %rem3A_3802 = arith.remsi %add3A_3767, %select_n3A_3801 : i32
      %ne3A_3803 = arith.constant 0 : i32
      %ne3A_3804 = arith.cmpi ne, %rem3A_3802, %ne3A_3803 : i32
      %lt3A_3805 = arith.constant 0 : i32
      %lt3A_3806 = arith.cmpi slt, %rem3A_3802, %lt3A_3805 : i32
      %lt3A_3807 = arith.constant 0 : i32
      %lt3A_3808 = arith.cmpi slt, %select_n3A_3801, %lt3A_3807 : i32
      %ne3A_3809 = arith.xori %lt3A_3806, %lt3A_3808 : i1
      %and3A_3810 = arith.andi %ne3A_3809, %ne3A_3804 : i1
      %add3A_3811 = arith.addi %rem3A_3802, %select_n3A_3801 : i32
      %select_n3A_3812 = arith.select %and3A_3810, %add3A_3811, %rem3A_3802 : i32
      %add3A_3813 = arith.addi %mul3A_3796, %select_n3A_3812 : i32
      %dma_wait3A_3814 = tpu.memref_slice %arg4[%add3A_3813] : memref<52428800xf32, #tpu.memory_space<hbm>> -> memref<2048xf32, #tpu.memory_space<hbm>>
      %dma_wait3A_3815 = tpu.memref_slice %arg4[%add3A_3813] : memref<52428800xf32, #tpu.memory_space<hbm>> -> memref<2048xf32, #tpu.memory_space<hbm>>
      tpu.wait_dma2 semaphore(%arg19 : memref<!tpu.dma_semaphore, #tpu.memory_space<semaphore_mem>>) src(%arg9 : memref<2048xf32, #tpu.memory_space<vmem>>) dst(%dma_wait3A_3815 : memref<2048xf32, #tpu.memory_space<hbm>>)
      %dma_start3A_3816 = arith.constant 30720 : i32
      %dma_start3A_3817 = tpu.memref_slice %arg5[%dma_start3A_3816] : memref<51200xi32, #tpu.memory_space<vmem>> -> memref<2048xi32, #tpu.memory_space<vmem>>
      %dma_start3A_3818 = arith.constant 0 : i32
      %dma_start3A_3819 = tpu.memref_slice %arg10[%dma_start3A_3818] : memref<1000000xf32, #tpu.memory_space<vmem_shared>> -> memref<1000000xf32, #tpu.memory_space<vmem_shared>>
      tpu.enqueue_indirect_dma source(%dma_start3A_3819 : memref<1000000xf32, #tpu.memory_space<vmem_shared>>) target(%arg9 : memref<2048xf32, #tpu.memory_space<vmem>>) offsets(%dma_start3A_3817 : memref<2048xi32, #tpu.memory_space<vmem>>) semaphore(%arg15 : memref<!tpu.dma_semaphore, #tpu.memory_space<semaphore_mem>>)
      %dma_wait3A_3820 = arith.constant 24576 : i32
      %dma_wait3A_3821 = tpu.memref_slice %arg5[%dma_wait3A_3820] : memref<51200xi32, #tpu.memory_space<vmem>> -> memref<2048xi32, #tpu.memory_space<vmem>>
      %dma_wait3A_3822 = arith.constant 0 : i32
      %dma_wait3A_3823 = tpu.memref_slice %arg10[%dma_wait3A_3822] : memref<1000000xf32, #tpu.memory_space<vmem_shared>> -> memref<1000000xf32, #tpu.memory_space<vmem_shared>>
      tpu.wait_indirect_dma semaphore(%arg12 : memref<!tpu.dma_semaphore, #tpu.memory_space<semaphore_mem>>) src(%dma_wait3A_3823 : memref<1000000xf32, #tpu.memory_space<vmem_shared>>) dst(%arg6 : memref<2048xf32, #tpu.memory_space<vmem>>)
      %add3A_3824 = arith.constant 24576 : i32
      %add3A_3825 = arith.addi %mul3A_0, %add3A_3824 : i32
      %jit3A_3826 = arith.constant 4096 : i32
      %div3A_3827 = arith.divsi %add3A_3825, %jit3A_3826 : i32
      %sign3A_3828 = arith.constant 0 : i32
      %sign3A_3829 = arith.cmpi sgt, %add3A_3825, %sign3A_3828 : i32
      %sign3A_3830 = arith.extui %sign3A_3829 : i1 to i32
      %sign3A_3831 = arith.constant 0 : i32
      %sign3A_3832 = arith.cmpi slt, %add3A_3825, %sign3A_3831 : i32
      %sign3A_3833 = arith.extui %sign3A_3832 : i1 to i32
      %sign3A_3834 = arith.subi %sign3A_3830, %sign3A_3833 : i32
      %sign3A_3835 = arith.constant 0 : i32
      %sign3A_3836 = arith.cmpi sgt, %jit3A_3826, %sign3A_3835 : i32
      %sign3A_3837 = arith.extui %sign3A_3836 : i1 to i32
      %sign3A_3838 = arith.constant 0 : i32
      %sign3A_3839 = arith.cmpi slt, %jit3A_3826, %sign3A_3838 : i32
      %sign3A_3840 = arith.extui %sign3A_3839 : i1 to i32
      %sign3A_3841 = arith.subi %sign3A_3837, %sign3A_3840 : i32
      %ne3A_3842 = arith.cmpi ne, %sign3A_3834, %sign3A_3841 : i32
      %rem3A_3843 = arith.remsi %add3A_3825, %jit3A_3826 : i32
      %ne3A_3844 = arith.constant 0 : i32
      %ne3A_3845 = arith.cmpi ne, %rem3A_3843, %ne3A_3844 : i32
      %and3A_3846 = arith.andi %ne3A_3842, %ne3A_3845 : i1
      %sub3A_3847 = arith.constant 1 : i32
      %sub3A_3848 = arith.subi %div3A_3827, %sub3A_3847 : i32
      %select_n3A_3849 = arith.select %and3A_3846, %sub3A_3848, %div3A_3827 : i32
      %mul3A_3850 = arith.constant 64 : i32
      %mul3A_3851 = arith.muli %select_n3A_3849, %mul3A_3850 : i32
      %add3A_3852 = arith.addi %mul3A_3851, %add3A_2502 : i32
      %mul3A_3853 = arith.constant 4096 : i32
      %mul3A_3854 = arith.muli %add3A_3852, %mul3A_3853 : i32
      %jit3A_3855 = arith.constant 4096 : i32
      %eq3A_3856 = arith.constant 0 : i32
      %eq3A_3857 = arith.cmpi eq, %jit3A_3855, %eq3A_3856 : i32
      %jit3A_3858 = arith.constant 1 : i32
      %select_n3A_3859 = arith.select %eq3A_3857, %jit3A_3858, %jit3A_3855 : i32
      %rem3A_3860 = arith.remsi %add3A_3825, %select_n3A_3859 : i32
      %ne3A_3861 = arith.constant 0 : i32
      %ne3A_3862 = arith.cmpi ne, %rem3A_3860, %ne3A_3861 : i32
      %lt3A_3863 = arith.constant 0 : i32
      %lt3A_3864 = arith.cmpi slt, %rem3A_3860, %lt3A_3863 : i32
      %lt3A_3865 = arith.constant 0 : i32
      %lt3A_3866 = arith.cmpi slt, %select_n3A_3859, %lt3A_3865 : i32
      %ne3A_3867 = arith.xori %lt3A_3864, %lt3A_3866 : i1
      %and3A_3868 = arith.andi %ne3A_3867, %ne3A_3862 : i1
      %add3A_3869 = arith.addi %rem3A_3860, %select_n3A_3859 : i32
      %select_n3A_3870 = arith.select %and3A_3868, %add3A_3869, %rem3A_3860 : i32
      %add3A_3871 = arith.addi %mul3A_3854, %select_n3A_3870 : i32
      %dma_start3A_3872 = tpu.memref_slice %arg4[%add3A_3871] : memref<52428800xf32, #tpu.memory_space<hbm>> -> memref<2048xf32, #tpu.memory_space<hbm>>
      %dma_start3A_3873 = tpu.memref_slice %arg4[%add3A_3871] : memref<52428800xf32, #tpu.memory_space<hbm>> -> memref<2048xf32, #tpu.memory_space<hbm>>
      tpu.enqueue_dma source(%arg6 : memref<2048xf32, #tpu.memory_space<vmem>>) target(%dma_start3A_3873 : memref<2048xf32, #tpu.memory_space<hbm>>) target_semaphore(%arg16 : memref<!tpu.dma_semaphore, #tpu.memory_space<semaphore_mem>>)
      %add3A_3874 = arith.constant 24576 : i32
      %add3A_3875 = arith.addi %mul3A_0, %add3A_3874 : i32
      %jit3A_3876 = arith.constant 4096 : i32
      %div3A_3877 = arith.divsi %add3A_3875, %jit3A_3876 : i32
      %sign3A_3878 = arith.constant 0 : i32
      %sign3A_3879 = arith.cmpi sgt, %add3A_3875, %sign3A_3878 : i32
      %sign3A_3880 = arith.extui %sign3A_3879 : i1 to i32
      %sign3A_3881 = arith.constant 0 : i32
      %sign3A_3882 = arith.cmpi slt, %add3A_3875, %sign3A_3881 : i32
      %sign3A_3883 = arith.extui %sign3A_3882 : i1 to i32
      %sign3A_3884 = arith.subi %sign3A_3880, %sign3A_3883 : i32
      %sign3A_3885 = arith.constant 0 : i32
      %sign3A_3886 = arith.cmpi sgt, %jit3A_3876, %sign3A_3885 : i32
      %sign3A_3887 = arith.extui %sign3A_3886 : i1 to i32
      %sign3A_3888 = arith.constant 0 : i32
      %sign3A_3889 = arith.cmpi slt, %jit3A_3876, %sign3A_3888 : i32
      %sign3A_3890 = arith.extui %sign3A_3889 : i1 to i32
      %sign3A_3891 = arith.subi %sign3A_3887, %sign3A_3890 : i32
      %ne3A_3892 = arith.cmpi ne, %sign3A_3884, %sign3A_3891 : i32
      %rem3A_3893 = arith.remsi %add3A_3875, %jit3A_3876 : i32
      %ne3A_3894 = arith.constant 0 : i32
      %ne3A_3895 = arith.cmpi ne, %rem3A_3893, %ne3A_3894 : i32
      %and3A_3896 = arith.andi %ne3A_3892, %ne3A_3895 : i1
      %sub3A_3897 = arith.constant 1 : i32
      %sub3A_3898 = arith.subi %div3A_3877, %sub3A_3897 : i32
      %select_n3A_3899 = arith.select %and3A_3896, %sub3A_3898, %div3A_3877 : i32
      %mul3A_3900 = arith.constant 64 : i32
      %mul3A_3901 = arith.muli %select_n3A_3899, %mul3A_3900 : i32
      %add3A_3902 = arith.addi %mul3A_3901, %add3A_2502 : i32
      %mul3A_3903 = arith.constant 4096 : i32
      %mul3A_3904 = arith.muli %add3A_3902, %mul3A_3903 : i32
      %jit3A_3905 = arith.constant 4096 : i32
      %eq3A_3906 = arith.constant 0 : i32
      %eq3A_3907 = arith.cmpi eq, %jit3A_3905, %eq3A_3906 : i32
      %jit3A_3908 = arith.constant 1 : i32
      %select_n3A_3909 = arith.select %eq3A_3907, %jit3A_3908, %jit3A_3905 : i32
      %rem3A_3910 = arith.remsi %add3A_3875, %select_n3A_3909 : i32
      %ne3A_3911 = arith.constant 0 : i32
      %ne3A_3912 = arith.cmpi ne, %rem3A_3910, %ne3A_3911 : i32
      %lt3A_3913 = arith.constant 0 : i32
      %lt3A_3914 = arith.cmpi slt, %rem3A_3910, %lt3A_3913 : i32
      %lt3A_3915 = arith.constant 0 : i32
      %lt3A_3916 = arith.cmpi slt, %select_n3A_3909, %lt3A_3915 : i32
      %ne3A_3917 = arith.xori %lt3A_3914, %lt3A_3916 : i1
      %and3A_3918 = arith.andi %ne3A_3917, %ne3A_3912 : i1
      %add3A_3919 = arith.addi %rem3A_3910, %select_n3A_3909 : i32
      %select_n3A_3920 = arith.select %and3A_3918, %add3A_3919, %rem3A_3910 : i32
      %add3A_3921 = arith.addi %mul3A_3904, %select_n3A_3920 : i32
      %dma_wait3A_3922 = tpu.memref_slice %arg4[%add3A_3921] : memref<52428800xf32, #tpu.memory_space<hbm>> -> memref<2048xf32, #tpu.memory_space<hbm>>
      %dma_wait3A_3923 = tpu.memref_slice %arg4[%add3A_3921] : memref<52428800xf32, #tpu.memory_space<hbm>> -> memref<2048xf32, #tpu.memory_space<hbm>>
      tpu.wait_dma2 semaphore(%arg16 : memref<!tpu.dma_semaphore, #tpu.memory_space<semaphore_mem>>) src(%arg6 : memref<2048xf32, #tpu.memory_space<vmem>>) dst(%dma_wait3A_3923 : memref<2048xf32, #tpu.memory_space<hbm>>)
      %dma_start3A_3924 = arith.constant 32768 : i32
      %dma_start3A_3925 = tpu.memref_slice %arg5[%dma_start3A_3924] : memref<51200xi32, #tpu.memory_space<vmem>> -> memref<2048xi32, #tpu.memory_space<vmem>>
      %dma_start3A_3926 = arith.constant 0 : i32
      %dma_start3A_3927 = tpu.memref_slice %arg10[%dma_start3A_3926] : memref<1000000xf32, #tpu.memory_space<vmem_shared>> -> memref<1000000xf32, #tpu.memory_space<vmem_shared>>
      tpu.enqueue_indirect_dma source(%dma_start3A_3927 : memref<1000000xf32, #tpu.memory_space<vmem_shared>>) target(%arg6 : memref<2048xf32, #tpu.memory_space<vmem>>) offsets(%dma_start3A_3925 : memref<2048xi32, #tpu.memory_space<vmem>>) semaphore(%arg12 : memref<!tpu.dma_semaphore, #tpu.memory_space<semaphore_mem>>)
      %dma_wait3A_3928 = arith.constant 26624 : i32
      %dma_wait3A_3929 = tpu.memref_slice %arg5[%dma_wait3A_3928] : memref<51200xi32, #tpu.memory_space<vmem>> -> memref<2048xi32, #tpu.memory_space<vmem>>
      %dma_wait3A_3930 = arith.constant 0 : i32
      %dma_wait3A_3931 = tpu.memref_slice %arg10[%dma_wait3A_3930] : memref<1000000xf32, #tpu.memory_space<vmem_shared>> -> memref<1000000xf32, #tpu.memory_space<vmem_shared>>
      tpu.wait_indirect_dma semaphore(%arg13 : memref<!tpu.dma_semaphore, #tpu.memory_space<semaphore_mem>>) src(%dma_wait3A_3931 : memref<1000000xf32, #tpu.memory_space<vmem_shared>>) dst(%arg7 : memref<2048xf32, #tpu.memory_space<vmem>>)
      %add3A_3932 = arith.constant 26624 : i32
      %add3A_3933 = arith.addi %mul3A_0, %add3A_3932 : i32
      %jit3A_3934 = arith.constant 4096 : i32
      %div3A_3935 = arith.divsi %add3A_3933, %jit3A_3934 : i32
      %sign3A_3936 = arith.constant 0 : i32
      %sign3A_3937 = arith.cmpi sgt, %add3A_3933, %sign3A_3936 : i32
      %sign3A_3938 = arith.extui %sign3A_3937 : i1 to i32
      %sign3A_3939 = arith.constant 0 : i32
      %sign3A_3940 = arith.cmpi slt, %add3A_3933, %sign3A_3939 : i32
      %sign3A_3941 = arith.extui %sign3A_3940 : i1 to i32
      %sign3A_3942 = arith.subi %sign3A_3938, %sign3A_3941 : i32
      %sign3A_3943 = arith.constant 0 : i32
      %sign3A_3944 = arith.cmpi sgt, %jit3A_3934, %sign3A_3943 : i32
      %sign3A_3945 = arith.extui %sign3A_3944 : i1 to i32
      %sign3A_3946 = arith.constant 0 : i32
      %sign3A_3947 = arith.cmpi slt, %jit3A_3934, %sign3A_3946 : i32
      %sign3A_3948 = arith.extui %sign3A_3947 : i1 to i32
      %sign3A_3949 = arith.subi %sign3A_3945, %sign3A_3948 : i32
      %ne3A_3950 = arith.cmpi ne, %sign3A_3942, %sign3A_3949 : i32
      %rem3A_3951 = arith.remsi %add3A_3933, %jit3A_3934 : i32
      %ne3A_3952 = arith.constant 0 : i32
      %ne3A_3953 = arith.cmpi ne, %rem3A_3951, %ne3A_3952 : i32
      %and3A_3954 = arith.andi %ne3A_3950, %ne3A_3953 : i1
      %sub3A_3955 = arith.constant 1 : i32
      %sub3A_3956 = arith.subi %div3A_3935, %sub3A_3955 : i32
      %select_n3A_3957 = arith.select %and3A_3954, %sub3A_3956, %div3A_3935 : i32
      %mul3A_3958 = arith.constant 64 : i32
      %mul3A_3959 = arith.muli %select_n3A_3957, %mul3A_3958 : i32
      %add3A_3960 = arith.addi %mul3A_3959, %add3A_2502 : i32
      %mul3A_3961 = arith.constant 4096 : i32
      %mul3A_3962 = arith.muli %add3A_3960, %mul3A_3961 : i32
      %jit3A_3963 = arith.constant 4096 : i32
      %eq3A_3964 = arith.constant 0 : i32
      %eq3A_3965 = arith.cmpi eq, %jit3A_3963, %eq3A_3964 : i32
      %jit3A_3966 = arith.constant 1 : i32
      %select_n3A_3967 = arith.select %eq3A_3965, %jit3A_3966, %jit3A_3963 : i32
      %rem3A_3968 = arith.remsi %add3A_3933, %select_n3A_3967 : i32
      %ne3A_3969 = arith.constant 0 : i32
      %ne3A_3970 = arith.cmpi ne, %rem3A_3968, %ne3A_3969 : i32
      %lt3A_3971 = arith.constant 0 : i32
      %lt3A_3972 = arith.cmpi slt, %rem3A_3968, %lt3A_3971 : i32
      %lt3A_3973 = arith.constant 0 : i32
      %lt3A_3974 = arith.cmpi slt, %select_n3A_3967, %lt3A_3973 : i32
      %ne3A_3975 = arith.xori %lt3A_3972, %lt3A_3974 : i1
      %and3A_3976 = arith.andi %ne3A_3975, %ne3A_3970 : i1
      %add3A_3977 = arith.addi %rem3A_3968, %select_n3A_3967 : i32
      %select_n3A_3978 = arith.select %and3A_3976, %add3A_3977, %rem3A_3968 : i32
      %add3A_3979 = arith.addi %mul3A_3962, %select_n3A_3978 : i32
      %dma_start3A_3980 = tpu.memref_slice %arg4[%add3A_3979] : memref<52428800xf32, #tpu.memory_space<hbm>> -> memref<2048xf32, #tpu.memory_space<hbm>>
      %dma_start3A_3981 = tpu.memref_slice %arg4[%add3A_3979] : memref<52428800xf32, #tpu.memory_space<hbm>> -> memref<2048xf32, #tpu.memory_space<hbm>>
      tpu.enqueue_dma source(%arg7 : memref<2048xf32, #tpu.memory_space<vmem>>) target(%dma_start3A_3981 : memref<2048xf32, #tpu.memory_space<hbm>>) target_semaphore(%arg17 : memref<!tpu.dma_semaphore, #tpu.memory_space<semaphore_mem>>)
      %add3A_3982 = arith.constant 26624 : i32
      %add3A_3983 = arith.addi %mul3A_0, %add3A_3982 : i32
      %jit3A_3984 = arith.constant 4096 : i32
      %div3A_3985 = arith.divsi %add3A_3983, %jit3A_3984 : i32
      %sign3A_3986 = arith.constant 0 : i32
      %sign3A_3987 = arith.cmpi sgt, %add3A_3983, %sign3A_3986 : i32
      %sign3A_3988 = arith.extui %sign3A_3987 : i1 to i32
      %sign3A_3989 = arith.constant 0 : i32
      %sign3A_3990 = arith.cmpi slt, %add3A_3983, %sign3A_3989 : i32
      %sign3A_3991 = arith.extui %sign3A_3990 : i1 to i32
      %sign3A_3992 = arith.subi %sign3A_3988, %sign3A_3991 : i32
      %sign3A_3993 = arith.constant 0 : i32
      %sign3A_3994 = arith.cmpi sgt, %jit3A_3984, %sign3A_3993 : i32
      %sign3A_3995 = arith.extui %sign3A_3994 : i1 to i32
      %sign3A_3996 = arith.constant 0 : i32
      %sign3A_3997 = arith.cmpi slt, %jit3A_3984, %sign3A_3996 : i32
      %sign3A_3998 = arith.extui %sign3A_3997 : i1 to i32
      %sign3A_3999 = arith.subi %sign3A_3995, %sign3A_3998 : i32
      %ne3A_4000 = arith.cmpi ne, %sign3A_3992, %sign3A_3999 : i32
      %rem3A_4001 = arith.remsi %add3A_3983, %jit3A_3984 : i32
      %ne3A_4002 = arith.constant 0 : i32
      %ne3A_4003 = arith.cmpi ne, %rem3A_4001, %ne3A_4002 : i32
      %and3A_4004 = arith.andi %ne3A_4000, %ne3A_4003 : i1
      %sub3A_4005 = arith.constant 1 : i32
      %sub3A_4006 = arith.subi %div3A_3985, %sub3A_4005 : i32
      %select_n3A_4007 = arith.select %and3A_4004, %sub3A_4006, %div3A_3985 : i32
      %mul3A_4008 = arith.constant 64 : i32
      %mul3A_4009 = arith.muli %select_n3A_4007, %mul3A_4008 : i32
      %add3A_4010 = arith.addi %mul3A_4009, %add3A_2502 : i32
      %mul3A_4011 = arith.constant 4096 : i32
      %mul3A_4012 = arith.muli %add3A_4010, %mul3A_4011 : i32
      %jit3A_4013 = arith.constant 4096 : i32
      %eq3A_4014 = arith.constant 0 : i32
      %eq3A_4015 = arith.cmpi eq, %jit3A_4013, %eq3A_4014 : i32
      %jit3A_4016 = arith.constant 1 : i32
      %select_n3A_4017 = arith.select %eq3A_4015, %jit3A_4016, %jit3A_4013 : i32
      %rem3A_4018 = arith.remsi %add3A_3983, %select_n3A_4017 : i32
      %ne3A_4019 = arith.constant 0 : i32
      %ne3A_4020 = arith.cmpi ne, %rem3A_4018, %ne3A_4019 : i32
      %lt3A_4021 = arith.constant 0 : i32
      %lt3A_4022 = arith.cmpi slt, %rem3A_4018, %lt3A_4021 : i32
      %lt3A_4023 = arith.constant 0 : i32
      %lt3A_4024 = arith.cmpi slt, %select_n3A_4017, %lt3A_4023 : i32
      %ne3A_4025 = arith.xori %lt3A_4022, %lt3A_4024 : i1
      %and3A_4026 = arith.andi %ne3A_4025, %ne3A_4020 : i1
      %add3A_4027 = arith.addi %rem3A_4018, %select_n3A_4017 : i32
      %select_n3A_4028 = arith.select %and3A_4026, %add3A_4027, %rem3A_4018 : i32
      %add3A_4029 = arith.addi %mul3A_4012, %select_n3A_4028 : i32
      %dma_wait3A_4030 = tpu.memref_slice %arg4[%add3A_4029] : memref<52428800xf32, #tpu.memory_space<hbm>> -> memref<2048xf32, #tpu.memory_space<hbm>>
      %dma_wait3A_4031 = tpu.memref_slice %arg4[%add3A_4029] : memref<52428800xf32, #tpu.memory_space<hbm>> -> memref<2048xf32, #tpu.memory_space<hbm>>
      tpu.wait_dma2 semaphore(%arg17 : memref<!tpu.dma_semaphore, #tpu.memory_space<semaphore_mem>>) src(%arg7 : memref<2048xf32, #tpu.memory_space<vmem>>) dst(%dma_wait3A_4031 : memref<2048xf32, #tpu.memory_space<hbm>>)
      %dma_start3A_4032 = arith.constant 34816 : i32
      %dma_start3A_4033 = tpu.memref_slice %arg5[%dma_start3A_4032] : memref<51200xi32, #tpu.memory_space<vmem>> -> memref<2048xi32, #tpu.memory_space<vmem>>
      %dma_start3A_4034 = arith.constant 0 : i32
      %dma_start3A_4035 = tpu.memref_slice %arg10[%dma_start3A_4034] : memref<1000000xf32, #tpu.memory_space<vmem_shared>> -> memref<1000000xf32, #tpu.memory_space<vmem_shared>>
      tpu.enqueue_indirect_dma source(%dma_start3A_4035 : memref<1000000xf32, #tpu.memory_space<vmem_shared>>) target(%arg7 : memref<2048xf32, #tpu.memory_space<vmem>>) offsets(%dma_start3A_4033 : memref<2048xi32, #tpu.memory_space<vmem>>) semaphore(%arg13 : memref<!tpu.dma_semaphore, #tpu.memory_space<semaphore_mem>>)
      %dma_wait3A_4036 = arith.constant 28672 : i32
      %dma_wait3A_4037 = tpu.memref_slice %arg5[%dma_wait3A_4036] : memref<51200xi32, #tpu.memory_space<vmem>> -> memref<2048xi32, #tpu.memory_space<vmem>>
      %dma_wait3A_4038 = arith.constant 0 : i32
      %dma_wait3A_4039 = tpu.memref_slice %arg10[%dma_wait3A_4038] : memref<1000000xf32, #tpu.memory_space<vmem_shared>> -> memref<1000000xf32, #tpu.memory_space<vmem_shared>>
      tpu.wait_indirect_dma semaphore(%arg14 : memref<!tpu.dma_semaphore, #tpu.memory_space<semaphore_mem>>) src(%dma_wait3A_4039 : memref<1000000xf32, #tpu.memory_space<vmem_shared>>) dst(%arg8 : memref<2048xf32, #tpu.memory_space<vmem>>)
      %add3A_4040 = arith.constant 28672 : i32
      %add3A_4041 = arith.addi %mul3A_0, %add3A_4040 : i32
      %jit3A_4042 = arith.constant 4096 : i32
      %div3A_4043 = arith.divsi %add3A_4041, %jit3A_4042 : i32
      %sign3A_4044 = arith.constant 0 : i32
      %sign3A_4045 = arith.cmpi sgt, %add3A_4041, %sign3A_4044 : i32
      %sign3A_4046 = arith.extui %sign3A_4045 : i1 to i32
      %sign3A_4047 = arith.constant 0 : i32
      %sign3A_4048 = arith.cmpi slt, %add3A_4041, %sign3A_4047 : i32
      %sign3A_4049 = arith.extui %sign3A_4048 : i1 to i32
      %sign3A_4050 = arith.subi %sign3A_4046, %sign3A_4049 : i32
      %sign3A_4051 = arith.constant 0 : i32
      %sign3A_4052 = arith.cmpi sgt, %jit3A_4042, %sign3A_4051 : i32
      %sign3A_4053 = arith.extui %sign3A_4052 : i1 to i32
      %sign3A_4054 = arith.constant 0 : i32
      %sign3A_4055 = arith.cmpi slt, %jit3A_4042, %sign3A_4054 : i32
      %sign3A_4056 = arith.extui %sign3A_4055 : i1 to i32
      %sign3A_4057 = arith.subi %sign3A_4053, %sign3A_4056 : i32
      %ne3A_4058 = arith.cmpi ne, %sign3A_4050, %sign3A_4057 : i32
      %rem3A_4059 = arith.remsi %add3A_4041, %jit3A_4042 : i32
      %ne3A_4060 = arith.constant 0 : i32
      %ne3A_4061 = arith.cmpi ne, %rem3A_4059, %ne3A_4060 : i32
      %and3A_4062 = arith.andi %ne3A_4058, %ne3A_4061 : i1
      %sub3A_4063 = arith.constant 1 : i32
      %sub3A_4064 = arith.subi %div3A_4043, %sub3A_4063 : i32
      %select_n3A_4065 = arith.select %and3A_4062, %sub3A_4064, %div3A_4043 : i32
      %mul3A_4066 = arith.constant 64 : i32
      %mul3A_4067 = arith.muli %select_n3A_4065, %mul3A_4066 : i32
      %add3A_4068 = arith.addi %mul3A_4067, %add3A_2502 : i32
      %mul3A_4069 = arith.constant 4096 : i32
      %mul3A_4070 = arith.muli %add3A_4068, %mul3A_4069 : i32
      %jit3A_4071 = arith.constant 4096 : i32
      %eq3A_4072 = arith.constant 0 : i32
      %eq3A_4073 = arith.cmpi eq, %jit3A_4071, %eq3A_4072 : i32
      %jit3A_4074 = arith.constant 1 : i32
      %select_n3A_4075 = arith.select %eq3A_4073, %jit3A_4074, %jit3A_4071 : i32
      %rem3A_4076 = arith.remsi %add3A_4041, %select_n3A_4075 : i32
      %ne3A_4077 = arith.constant 0 : i32
      %ne3A_4078 = arith.cmpi ne, %rem3A_4076, %ne3A_4077 : i32
      %lt3A_4079 = arith.constant 0 : i32
      %lt3A_4080 = arith.cmpi slt, %rem3A_4076, %lt3A_4079 : i32
      %lt3A_4081 = arith.constant 0 : i32
      %lt3A_4082 = arith.cmpi slt, %select_n3A_4075, %lt3A_4081 : i32
      %ne3A_4083 = arith.xori %lt3A_4080, %lt3A_4082 : i1
      %and3A_4084 = arith.andi %ne3A_4083, %ne3A_4078 : i1
      %add3A_4085 = arith.addi %rem3A_4076, %select_n3A_4075 : i32
      %select_n3A_4086 = arith.select %and3A_4084, %add3A_4085, %rem3A_4076 : i32
      %add3A_4087 = arith.addi %mul3A_4070, %select_n3A_4086 : i32
      %dma_start3A_4088 = tpu.memref_slice %arg4[%add3A_4087] : memref<52428800xf32, #tpu.memory_space<hbm>> -> memref<2048xf32, #tpu.memory_space<hbm>>
      %dma_start3A_4089 = tpu.memref_slice %arg4[%add3A_4087] : memref<52428800xf32, #tpu.memory_space<hbm>> -> memref<2048xf32, #tpu.memory_space<hbm>>
      tpu.enqueue_dma source(%arg8 : memref<2048xf32, #tpu.memory_space<vmem>>) target(%dma_start3A_4089 : memref<2048xf32, #tpu.memory_space<hbm>>) target_semaphore(%arg18 : memref<!tpu.dma_semaphore, #tpu.memory_space<semaphore_mem>>)
      %add3A_4090 = arith.constant 28672 : i32
      %add3A_4091 = arith.addi %mul3A_0, %add3A_4090 : i32
      %jit3A_4092 = arith.constant 4096 : i32
      %div3A_4093 = arith.divsi %add3A_4091, %jit3A_4092 : i32
      %sign3A_4094 = arith.constant 0 : i32
      %sign3A_4095 = arith.cmpi sgt, %add3A_4091, %sign3A_4094 : i32
      %sign3A_4096 = arith.extui %sign3A_4095 : i1 to i32
      %sign3A_4097 = arith.constant 0 : i32
      %sign3A_4098 = arith.cmpi slt, %add3A_4091, %sign3A_4097 : i32
      %sign3A_4099 = arith.extui %sign3A_4098 : i1 to i32
      %sign3A_4100 = arith.subi %sign3A_4096, %sign3A_4099 : i32
      %sign3A_4101 = arith.constant 0 : i32
      %sign3A_4102 = arith.cmpi sgt, %jit3A_4092, %sign3A_4101 : i32
      %sign3A_4103 = arith.extui %sign3A_4102 : i1 to i32
      %sign3A_4104 = arith.constant 0 : i32
      %sign3A_4105 = arith.cmpi slt, %jit3A_4092, %sign3A_4104 : i32
      %sign3A_4106 = arith.extui %sign3A_4105 : i1 to i32
      %sign3A_4107 = arith.subi %sign3A_4103, %sign3A_4106 : i32
      %ne3A_4108 = arith.cmpi ne, %sign3A_4100, %sign3A_4107 : i32
      %rem3A_4109 = arith.remsi %add3A_4091, %jit3A_4092 : i32
      %ne3A_4110 = arith.constant 0 : i32
      %ne3A_4111 = arith.cmpi ne, %rem3A_4109, %ne3A_4110 : i32
      %and3A_4112 = arith.andi %ne3A_4108, %ne3A_4111 : i1
      %sub3A_4113 = arith.constant 1 : i32
      %sub3A_4114 = arith.subi %div3A_4093, %sub3A_4113 : i32
      %select_n3A_4115 = arith.select %and3A_4112, %sub3A_4114, %div3A_4093 : i32
      %mul3A_4116 = arith.constant 64 : i32
      %mul3A_4117 = arith.muli %select_n3A_4115, %mul3A_4116 : i32
      %add3A_4118 = arith.addi %mul3A_4117, %add3A_2502 : i32
      %mul3A_4119 = arith.constant 4096 : i32
      %mul3A_4120 = arith.muli %add3A_4118, %mul3A_4119 : i32
      %jit3A_4121 = arith.constant 4096 : i32
      %eq3A_4122 = arith.constant 0 : i32
      %eq3A_4123 = arith.cmpi eq, %jit3A_4121, %eq3A_4122 : i32
      %jit3A_4124 = arith.constant 1 : i32
      %select_n3A_4125 = arith.select %eq3A_4123, %jit3A_4124, %jit3A_4121 : i32
      %rem3A_4126 = arith.remsi %add3A_4091, %select_n3A_4125 : i32
      %ne3A_4127 = arith.constant 0 : i32
      %ne3A_4128 = arith.cmpi ne, %rem3A_4126, %ne3A_4127 : i32
      %lt3A_4129 = arith.constant 0 : i32
      %lt3A_4130 = arith.cmpi slt, %rem3A_4126, %lt3A_4129 : i32
      %lt3A_4131 = arith.constant 0 : i32
      %lt3A_4132 = arith.cmpi slt, %select_n3A_4125, %lt3A_4131 : i32
      %ne3A_4133 = arith.xori %lt3A_4130, %lt3A_4132 : i1
      %and3A_4134 = arith.andi %ne3A_4133, %ne3A_4128 : i1
      %add3A_4135 = arith.addi %rem3A_4126, %select_n3A_4125 : i32
      %select_n3A_4136 = arith.select %and3A_4134, %add3A_4135, %rem3A_4126 : i32
      %add3A_4137 = arith.addi %mul3A_4120, %select_n3A_4136 : i32
      %dma_wait3A_4138 = tpu.memref_slice %arg4[%add3A_4137] : memref<52428800xf32, #tpu.memory_space<hbm>> -> memref<2048xf32, #tpu.memory_space<hbm>>
      %dma_wait3A_4139 = tpu.memref_slice %arg4[%add3A_4137] : memref<52428800xf32, #tpu.memory_space<hbm>> -> memref<2048xf32, #tpu.memory_space<hbm>>
      tpu.wait_dma2 semaphore(%arg18 : memref<!tpu.dma_semaphore, #tpu.memory_space<semaphore_mem>>) src(%arg8 : memref<2048xf32, #tpu.memory_space<vmem>>) dst(%dma_wait3A_4139 : memref<2048xf32, #tpu.memory_space<hbm>>)
      %dma_start3A_4140 = arith.constant 36864 : i32
      %dma_start3A_4141 = tpu.memref_slice %arg5[%dma_start3A_4140] : memref<51200xi32, #tpu.memory_space<vmem>> -> memref<2048xi32, #tpu.memory_space<vmem>>
      %dma_start3A_4142 = arith.constant 0 : i32
      %dma_start3A_4143 = tpu.memref_slice %arg10[%dma_start3A_4142] : memref<1000000xf32, #tpu.memory_space<vmem_shared>> -> memref<1000000xf32, #tpu.memory_space<vmem_shared>>
      tpu.enqueue_indirect_dma source(%dma_start3A_4143 : memref<1000000xf32, #tpu.memory_space<vmem_shared>>) target(%arg8 : memref<2048xf32, #tpu.memory_space<vmem>>) offsets(%dma_start3A_4141 : memref<2048xi32, #tpu.memory_space<vmem>>) semaphore(%arg14 : memref<!tpu.dma_semaphore, #tpu.memory_space<semaphore_mem>>)
      %dma_wait3A_4144 = arith.constant 30720 : i32
      %dma_wait3A_4145 = tpu.memref_slice %arg5[%dma_wait3A_4144] : memref<51200xi32, #tpu.memory_space<vmem>> -> memref<2048xi32, #tpu.memory_space<vmem>>
      %dma_wait3A_4146 = arith.constant 0 : i32
      %dma_wait3A_4147 = tpu.memref_slice %arg10[%dma_wait3A_4146] : memref<1000000xf32, #tpu.memory_space<vmem_shared>> -> memref<1000000xf32, #tpu.memory_space<vmem_shared>>
      tpu.wait_indirect_dma semaphore(%arg15 : memref<!tpu.dma_semaphore, #tpu.memory_space<semaphore_mem>>) src(%dma_wait3A_4147 : memref<1000000xf32, #tpu.memory_space<vmem_shared>>) dst(%arg9 : memref<2048xf32, #tpu.memory_space<vmem>>)
      %add3A_4148 = arith.constant 30720 : i32
      %add3A_4149 = arith.addi %mul3A_0, %add3A_4148 : i32
      %jit3A_4150 = arith.constant 4096 : i32
      %div3A_4151 = arith.divsi %add3A_4149, %jit3A_4150 : i32
      %sign3A_4152 = arith.constant 0 : i32
      %sign3A_4153 = arith.cmpi sgt, %add3A_4149, %sign3A_4152 : i32
      %sign3A_4154 = arith.extui %sign3A_4153 : i1 to i32
      %sign3A_4155 = arith.constant 0 : i32
      %sign3A_4156 = arith.cmpi slt, %add3A_4149, %sign3A_4155 : i32
      %sign3A_4157 = arith.extui %sign3A_4156 : i1 to i32
      %sign3A_4158 = arith.subi %sign3A_4154, %sign3A_4157 : i32
      %sign3A_4159 = arith.constant 0 : i32
      %sign3A_4160 = arith.cmpi sgt, %jit3A_4150, %sign3A_4159 : i32
      %sign3A_4161 = arith.extui %sign3A_4160 : i1 to i32
      %sign3A_4162 = arith.constant 0 : i32
      %sign3A_4163 = arith.cmpi slt, %jit3A_4150, %sign3A_4162 : i32
      %sign3A_4164 = arith.extui %sign3A_4163 : i1 to i32
      %sign3A_4165 = arith.subi %sign3A_4161, %sign3A_4164 : i32
      %ne3A_4166 = arith.cmpi ne, %sign3A_4158, %sign3A_4165 : i32
      %rem3A_4167 = arith.remsi %add3A_4149, %jit3A_4150 : i32
      %ne3A_4168 = arith.constant 0 : i32
      %ne3A_4169 = arith.cmpi ne, %rem3A_4167, %ne3A_4168 : i32
      %and3A_4170 = arith.andi %ne3A_4166, %ne3A_4169 : i1
      %sub3A_4171 = arith.constant 1 : i32
      %sub3A_4172 = arith.subi %div3A_4151, %sub3A_4171 : i32
      %select_n3A_4173 = arith.select %and3A_4170, %sub3A_4172, %div3A_4151 : i32
      %mul3A_4174 = arith.constant 64 : i32
      %mul3A_4175 = arith.muli %select_n3A_4173, %mul3A_4174 : i32
      %add3A_4176 = arith.addi %mul3A_4175, %add3A_2502 : i32
      %mul3A_4177 = arith.constant 4096 : i32
      %mul3A_4178 = arith.muli %add3A_4176, %mul3A_4177 : i32
      %jit3A_4179 = arith.constant 4096 : i32
      %eq3A_4180 = arith.constant 0 : i32
      %eq3A_4181 = arith.cmpi eq, %jit3A_4179, %eq3A_4180 : i32
      %jit3A_4182 = arith.constant 1 : i32
      %select_n3A_4183 = arith.select %eq3A_4181, %jit3A_4182, %jit3A_4179 : i32
      %rem3A_4184 = arith.remsi %add3A_4149, %select_n3A_4183 : i32
      %ne3A_4185 = arith.constant 0 : i32
      %ne3A_4186 = arith.cmpi ne, %rem3A_4184, %ne3A_4185 : i32
      %lt3A_4187 = arith.constant 0 : i32
      %lt3A_4188 = arith.cmpi slt, %rem3A_4184, %lt3A_4187 : i32
      %lt3A_4189 = arith.constant 0 : i32
      %lt3A_4190 = arith.cmpi slt, %select_n3A_4183, %lt3A_4189 : i32
      %ne3A_4191 = arith.xori %lt3A_4188, %lt3A_4190 : i1
      %and3A_4192 = arith.andi %ne3A_4191, %ne3A_4186 : i1
      %add3A_4193 = arith.addi %rem3A_4184, %select_n3A_4183 : i32
      %select_n3A_4194 = arith.select %and3A_4192, %add3A_4193, %rem3A_4184 : i32
      %add3A_4195 = arith.addi %mul3A_4178, %select_n3A_4194 : i32
      %dma_start3A_4196 = tpu.memref_slice %arg4[%add3A_4195] : memref<52428800xf32, #tpu.memory_space<hbm>> -> memref<2048xf32, #tpu.memory_space<hbm>>
      %dma_start3A_4197 = tpu.memref_slice %arg4[%add3A_4195] : memref<52428800xf32, #tpu.memory_space<hbm>> -> memref<2048xf32, #tpu.memory_space<hbm>>
      tpu.enqueue_dma source(%arg9 : memref<2048xf32, #tpu.memory_space<vmem>>) target(%dma_start3A_4197 : memref<2048xf32, #tpu.memory_space<hbm>>) target_semaphore(%arg19 : memref<!tpu.dma_semaphore, #tpu.memory_space<semaphore_mem>>)
      %add3A_4198 = arith.constant 30720 : i32
      %add3A_4199 = arith.addi %mul3A_0, %add3A_4198 : i32
      %jit3A_4200 = arith.constant 4096 : i32
      %div3A_4201 = arith.divsi %add3A_4199, %jit3A_4200 : i32
      %sign3A_4202 = arith.constant 0 : i32
      %sign3A_4203 = arith.cmpi sgt, %add3A_4199, %sign3A_4202 : i32
      %sign3A_4204 = arith.extui %sign3A_4203 : i1 to i32
      %sign3A_4205 = arith.constant 0 : i32
      %sign3A_4206 = arith.cmpi slt, %add3A_4199, %sign3A_4205 : i32
      %sign3A_4207 = arith.extui %sign3A_4206 : i1 to i32
      %sign3A_4208 = arith.subi %sign3A_4204, %sign3A_4207 : i32
      %sign3A_4209 = arith.constant 0 : i32
      %sign3A_4210 = arith.cmpi sgt, %jit3A_4200, %sign3A_4209 : i32
      %sign3A_4211 = arith.extui %sign3A_4210 : i1 to i32
      %sign3A_4212 = arith.constant 0 : i32
      %sign3A_4213 = arith.cmpi slt, %jit3A_4200, %sign3A_4212 : i32
      %sign3A_4214 = arith.extui %sign3A_4213 : i1 to i32
      %sign3A_4215 = arith.subi %sign3A_4211, %sign3A_4214 : i32
      %ne3A_4216 = arith.cmpi ne, %sign3A_4208, %sign3A_4215 : i32
      %rem3A_4217 = arith.remsi %add3A_4199, %jit3A_4200 : i32
      %ne3A_4218 = arith.constant 0 : i32
      %ne3A_4219 = arith.cmpi ne, %rem3A_4217, %ne3A_4218 : i32
      %and3A_4220 = arith.andi %ne3A_4216, %ne3A_4219 : i1
      %sub3A_4221 = arith.constant 1 : i32
      %sub3A_4222 = arith.subi %div3A_4201, %sub3A_4221 : i32
      %select_n3A_4223 = arith.select %and3A_4220, %sub3A_4222, %div3A_4201 : i32
      %mul3A_4224 = arith.constant 64 : i32
      %mul3A_4225 = arith.muli %select_n3A_4223, %mul3A_4224 : i32
      %add3A_4226 = arith.addi %mul3A_4225, %add3A_2502 : i32
      %mul3A_4227 = arith.constant 4096 : i32
      %mul3A_4228 = arith.muli %add3A_4226, %mul3A_4227 : i32
      %jit3A_4229 = arith.constant 4096 : i32
      %eq3A_4230 = arith.constant 0 : i32
      %eq3A_4231 = arith.cmpi eq, %jit3A_4229, %eq3A_4230 : i32
      %jit3A_4232 = arith.constant 1 : i32
      %select_n3A_4233 = arith.select %eq3A_4231, %jit3A_4232, %jit3A_4229 : i32
      %rem3A_4234 = arith.remsi %add3A_4199, %select_n3A_4233 : i32
      %ne3A_4235 = arith.constant 0 : i32
      %ne3A_4236 = arith.cmpi ne, %rem3A_4234, %ne3A_4235 : i32
      %lt3A_4237 = arith.constant 0 : i32
      %lt3A_4238 = arith.cmpi slt, %rem3A_4234, %lt3A_4237 : i32
      %lt3A_4239 = arith.constant 0 : i32
      %lt3A_4240 = arith.cmpi slt, %select_n3A_4233, %lt3A_4239 : i32
      %ne3A_4241 = arith.xori %lt3A_4238, %lt3A_4240 : i1
      %and3A_4242 = arith.andi %ne3A_4241, %ne3A_4236 : i1
      %add3A_4243 = arith.addi %rem3A_4234, %select_n3A_4233 : i32
      %select_n3A_4244 = arith.select %and3A_4242, %add3A_4243, %rem3A_4234 : i32
      %add3A_4245 = arith.addi %mul3A_4228, %select_n3A_4244 : i32
      %dma_wait3A_4246 = tpu.memref_slice %arg4[%add3A_4245] : memref<52428800xf32, #tpu.memory_space<hbm>> -> memref<2048xf32, #tpu.memory_space<hbm>>
      %dma_wait3A_4247 = tpu.memref_slice %arg4[%add3A_4245] : memref<52428800xf32, #tpu.memory_space<hbm>> -> memref<2048xf32, #tpu.memory_space<hbm>>
      tpu.wait_dma2 semaphore(%arg19 : memref<!tpu.dma_semaphore, #tpu.memory_space<semaphore_mem>>) src(%arg9 : memref<2048xf32, #tpu.memory_space<vmem>>) dst(%dma_wait3A_4247 : memref<2048xf32, #tpu.memory_space<hbm>>)
      %dma_start3A_4248 = arith.constant 38912 : i32
      %dma_start3A_4249 = tpu.memref_slice %arg5[%dma_start3A_4248] : memref<51200xi32, #tpu.memory_space<vmem>> -> memref<2048xi32, #tpu.memory_space<vmem>>
      %dma_start3A_4250 = arith.constant 0 : i32
      %dma_start3A_4251 = tpu.memref_slice %arg10[%dma_start3A_4250] : memref<1000000xf32, #tpu.memory_space<vmem_shared>> -> memref<1000000xf32, #tpu.memory_space<vmem_shared>>
      tpu.enqueue_indirect_dma source(%dma_start3A_4251 : memref<1000000xf32, #tpu.memory_space<vmem_shared>>) target(%arg9 : memref<2048xf32, #tpu.memory_space<vmem>>) offsets(%dma_start3A_4249 : memref<2048xi32, #tpu.memory_space<vmem>>) semaphore(%arg15 : memref<!tpu.dma_semaphore, #tpu.memory_space<semaphore_mem>>)
      %dma_wait3A_4252 = arith.constant 32768 : i32
      %dma_wait3A_4253 = tpu.memref_slice %arg5[%dma_wait3A_4252] : memref<51200xi32, #tpu.memory_space<vmem>> -> memref<2048xi32, #tpu.memory_space<vmem>>
      %dma_wait3A_4254 = arith.constant 0 : i32
      %dma_wait3A_4255 = tpu.memref_slice %arg10[%dma_wait3A_4254] : memref<1000000xf32, #tpu.memory_space<vmem_shared>> -> memref<1000000xf32, #tpu.memory_space<vmem_shared>>
      tpu.wait_indirect_dma semaphore(%arg12 : memref<!tpu.dma_semaphore, #tpu.memory_space<semaphore_mem>>) src(%dma_wait3A_4255 : memref<1000000xf32, #tpu.memory_space<vmem_shared>>) dst(%arg6 : memref<2048xf32, #tpu.memory_space<vmem>>)
      %add3A_4256 = arith.constant 32768 : i32
      %add3A_4257 = arith.addi %mul3A_0, %add3A_4256 : i32
      %jit3A_4258 = arith.constant 4096 : i32
      %div3A_4259 = arith.divsi %add3A_4257, %jit3A_4258 : i32
      %sign3A_4260 = arith.constant 0 : i32
      %sign3A_4261 = arith.cmpi sgt, %add3A_4257, %sign3A_4260 : i32
      %sign3A_4262 = arith.extui %sign3A_4261 : i1 to i32
      %sign3A_4263 = arith.constant 0 : i32
      %sign3A_4264 = arith.cmpi slt, %add3A_4257, %sign3A_4263 : i32
      %sign3A_4265 = arith.extui %sign3A_4264 : i1 to i32
      %sign3A_4266 = arith.subi %sign3A_4262, %sign3A_4265 : i32
      %sign3A_4267 = arith.constant 0 : i32
      %sign3A_4268 = arith.cmpi sgt, %jit3A_4258, %sign3A_4267 : i32
      %sign3A_4269 = arith.extui %sign3A_4268 : i1 to i32
      %sign3A_4270 = arith.constant 0 : i32
      %sign3A_4271 = arith.cmpi slt, %jit3A_4258, %sign3A_4270 : i32
      %sign3A_4272 = arith.extui %sign3A_4271 : i1 to i32
      %sign3A_4273 = arith.subi %sign3A_4269, %sign3A_4272 : i32
      %ne3A_4274 = arith.cmpi ne, %sign3A_4266, %sign3A_4273 : i32
      %rem3A_4275 = arith.remsi %add3A_4257, %jit3A_4258 : i32
      %ne3A_4276 = arith.constant 0 : i32
      %ne3A_4277 = arith.cmpi ne, %rem3A_4275, %ne3A_4276 : i32
      %and3A_4278 = arith.andi %ne3A_4274, %ne3A_4277 : i1
      %sub3A_4279 = arith.constant 1 : i32
      %sub3A_4280 = arith.subi %div3A_4259, %sub3A_4279 : i32
      %select_n3A_4281 = arith.select %and3A_4278, %sub3A_4280, %div3A_4259 : i32
      %mul3A_4282 = arith.constant 64 : i32
      %mul3A_4283 = arith.muli %select_n3A_4281, %mul3A_4282 : i32
      %add3A_4284 = arith.addi %mul3A_4283, %add3A_2502 : i32
      %mul3A_4285 = arith.constant 4096 : i32
      %mul3A_4286 = arith.muli %add3A_4284, %mul3A_4285 : i32
      %jit3A_4287 = arith.constant 4096 : i32
      %eq3A_4288 = arith.constant 0 : i32
      %eq3A_4289 = arith.cmpi eq, %jit3A_4287, %eq3A_4288 : i32
      %jit3A_4290 = arith.constant 1 : i32
      %select_n3A_4291 = arith.select %eq3A_4289, %jit3A_4290, %jit3A_4287 : i32
      %rem3A_4292 = arith.remsi %add3A_4257, %select_n3A_4291 : i32
      %ne3A_4293 = arith.constant 0 : i32
      %ne3A_4294 = arith.cmpi ne, %rem3A_4292, %ne3A_4293 : i32
      %lt3A_4295 = arith.constant 0 : i32
      %lt3A_4296 = arith.cmpi slt, %rem3A_4292, %lt3A_4295 : i32
      %lt3A_4297 = arith.constant 0 : i32
      %lt3A_4298 = arith.cmpi slt, %select_n3A_4291, %lt3A_4297 : i32
      %ne3A_4299 = arith.xori %lt3A_4296, %lt3A_4298 : i1
      %and3A_4300 = arith.andi %ne3A_4299, %ne3A_4294 : i1
      %add3A_4301 = arith.addi %rem3A_4292, %select_n3A_4291 : i32
      %select_n3A_4302 = arith.select %and3A_4300, %add3A_4301, %rem3A_4292 : i32
      %add3A_4303 = arith.addi %mul3A_4286, %select_n3A_4302 : i32
      %dma_start3A_4304 = tpu.memref_slice %arg4[%add3A_4303] : memref<52428800xf32, #tpu.memory_space<hbm>> -> memref<2048xf32, #tpu.memory_space<hbm>>
      %dma_start3A_4305 = tpu.memref_slice %arg4[%add3A_4303] : memref<52428800xf32, #tpu.memory_space<hbm>> -> memref<2048xf32, #tpu.memory_space<hbm>>
      tpu.enqueue_dma source(%arg6 : memref<2048xf32, #tpu.memory_space<vmem>>) target(%dma_start3A_4305 : memref<2048xf32, #tpu.memory_space<hbm>>) target_semaphore(%arg16 : memref<!tpu.dma_semaphore, #tpu.memory_space<semaphore_mem>>)
      %add3A_4306 = arith.constant 32768 : i32
      %add3A_4307 = arith.addi %mul3A_0, %add3A_4306 : i32
      %jit3A_4308 = arith.constant 4096 : i32
      %div3A_4309 = arith.divsi %add3A_4307, %jit3A_4308 : i32
      %sign3A_4310 = arith.constant 0 : i32
      %sign3A_4311 = arith.cmpi sgt, %add3A_4307, %sign3A_4310 : i32
      %sign3A_4312 = arith.extui %sign3A_4311 : i1 to i32
      %sign3A_4313 = arith.constant 0 : i32
      %sign3A_4314 = arith.cmpi slt, %add3A_4307, %sign3A_4313 : i32
      %sign3A_4315 = arith.extui %sign3A_4314 : i1 to i32
      %sign3A_4316 = arith.subi %sign3A_4312, %sign3A_4315 : i32
      %sign3A_4317 = arith.constant 0 : i32
      %sign3A_4318 = arith.cmpi sgt, %jit3A_4308, %sign3A_4317 : i32
      %sign3A_4319 = arith.extui %sign3A_4318 : i1 to i32
      %sign3A_4320 = arith.constant 0 : i32
      %sign3A_4321 = arith.cmpi slt, %jit3A_4308, %sign3A_4320 : i32
      %sign3A_4322 = arith.extui %sign3A_4321 : i1 to i32
      %sign3A_4323 = arith.subi %sign3A_4319, %sign3A_4322 : i32
      %ne3A_4324 = arith.cmpi ne, %sign3A_4316, %sign3A_4323 : i32
      %rem3A_4325 = arith.remsi %add3A_4307, %jit3A_4308 : i32
      %ne3A_4326 = arith.constant 0 : i32
      %ne3A_4327 = arith.cmpi ne, %rem3A_4325, %ne3A_4326 : i32
      %and3A_4328 = arith.andi %ne3A_4324, %ne3A_4327 : i1
      %sub3A_4329 = arith.constant 1 : i32
      %sub3A_4330 = arith.subi %div3A_4309, %sub3A_4329 : i32
      %select_n3A_4331 = arith.select %and3A_4328, %sub3A_4330, %div3A_4309 : i32
      %mul3A_4332 = arith.constant 64 : i32
      %mul3A_4333 = arith.muli %select_n3A_4331, %mul3A_4332 : i32
      %add3A_4334 = arith.addi %mul3A_4333, %add3A_2502 : i32
      %mul3A_4335 = arith.constant 4096 : i32
      %mul3A_4336 = arith.muli %add3A_4334, %mul3A_4335 : i32
      %jit3A_4337 = arith.constant 4096 : i32
      %eq3A_4338 = arith.constant 0 : i32
      %eq3A_4339 = arith.cmpi eq, %jit3A_4337, %eq3A_4338 : i32
      %jit3A_4340 = arith.constant 1 : i32
      %select_n3A_4341 = arith.select %eq3A_4339, %jit3A_4340, %jit3A_4337 : i32
      %rem3A_4342 = arith.remsi %add3A_4307, %select_n3A_4341 : i32
      %ne3A_4343 = arith.constant 0 : i32
      %ne3A_4344 = arith.cmpi ne, %rem3A_4342, %ne3A_4343 : i32
      %lt3A_4345 = arith.constant 0 : i32
      %lt3A_4346 = arith.cmpi slt, %rem3A_4342, %lt3A_4345 : i32
      %lt3A_4347 = arith.constant 0 : i32
      %lt3A_4348 = arith.cmpi slt, %select_n3A_4341, %lt3A_4347 : i32
      %ne3A_4349 = arith.xori %lt3A_4346, %lt3A_4348 : i1
      %and3A_4350 = arith.andi %ne3A_4349, %ne3A_4344 : i1
      %add3A_4351 = arith.addi %rem3A_4342, %select_n3A_4341 : i32
      %select_n3A_4352 = arith.select %and3A_4350, %add3A_4351, %rem3A_4342 : i32
      %add3A_4353 = arith.addi %mul3A_4336, %select_n3A_4352 : i32
      %dma_wait3A_4354 = tpu.memref_slice %arg4[%add3A_4353] : memref<52428800xf32, #tpu.memory_space<hbm>> -> memref<2048xf32, #tpu.memory_space<hbm>>
      %dma_wait3A_4355 = tpu.memref_slice %arg4[%add3A_4353] : memref<52428800xf32, #tpu.memory_space<hbm>> -> memref<2048xf32, #tpu.memory_space<hbm>>
      tpu.wait_dma2 semaphore(%arg16 : memref<!tpu.dma_semaphore, #tpu.memory_space<semaphore_mem>>) src(%arg6 : memref<2048xf32, #tpu.memory_space<vmem>>) dst(%dma_wait3A_4355 : memref<2048xf32, #tpu.memory_space<hbm>>)
      %dma_start3A_4356 = arith.constant 40960 : i32
      %dma_start3A_4357 = tpu.memref_slice %arg5[%dma_start3A_4356] : memref<51200xi32, #tpu.memory_space<vmem>> -> memref<2048xi32, #tpu.memory_space<vmem>>
      %dma_start3A_4358 = arith.constant 0 : i32
      %dma_start3A_4359 = tpu.memref_slice %arg10[%dma_start3A_4358] : memref<1000000xf32, #tpu.memory_space<vmem_shared>> -> memref<1000000xf32, #tpu.memory_space<vmem_shared>>
      tpu.enqueue_indirect_dma source(%dma_start3A_4359 : memref<1000000xf32, #tpu.memory_space<vmem_shared>>) target(%arg6 : memref<2048xf32, #tpu.memory_space<vmem>>) offsets(%dma_start3A_4357 : memref<2048xi32, #tpu.memory_space<vmem>>) semaphore(%arg12 : memref<!tpu.dma_semaphore, #tpu.memory_space<semaphore_mem>>)
      %dma_wait3A_4360 = arith.constant 34816 : i32
      %dma_wait3A_4361 = tpu.memref_slice %arg5[%dma_wait3A_4360] : memref<51200xi32, #tpu.memory_space<vmem>> -> memref<2048xi32, #tpu.memory_space<vmem>>
      %dma_wait3A_4362 = arith.constant 0 : i32
      %dma_wait3A_4363 = tpu.memref_slice %arg10[%dma_wait3A_4362] : memref<1000000xf32, #tpu.memory_space<vmem_shared>> -> memref<1000000xf32, #tpu.memory_space<vmem_shared>>
      tpu.wait_indirect_dma semaphore(%arg13 : memref<!tpu.dma_semaphore, #tpu.memory_space<semaphore_mem>>) src(%dma_wait3A_4363 : memref<1000000xf32, #tpu.memory_space<vmem_shared>>) dst(%arg7 : memref<2048xf32, #tpu.memory_space<vmem>>)
      %add3A_4364 = arith.constant 34816 : i32
      %add3A_4365 = arith.addi %mul3A_0, %add3A_4364 : i32
      %jit3A_4366 = arith.constant 4096 : i32
      %div3A_4367 = arith.divsi %add3A_4365, %jit3A_4366 : i32
      %sign3A_4368 = arith.constant 0 : i32
      %sign3A_4369 = arith.cmpi sgt, %add3A_4365, %sign3A_4368 : i32
      %sign3A_4370 = arith.extui %sign3A_4369 : i1 to i32
      %sign3A_4371 = arith.constant 0 : i32
      %sign3A_4372 = arith.cmpi slt, %add3A_4365, %sign3A_4371 : i32
      %sign3A_4373 = arith.extui %sign3A_4372 : i1 to i32
      %sign3A_4374 = arith.subi %sign3A_4370, %sign3A_4373 : i32
      %sign3A_4375 = arith.constant 0 : i32
      %sign3A_4376 = arith.cmpi sgt, %jit3A_4366, %sign3A_4375 : i32
      %sign3A_4377 = arith.extui %sign3A_4376 : i1 to i32
      %sign3A_4378 = arith.constant 0 : i32
      %sign3A_4379 = arith.cmpi slt, %jit3A_4366, %sign3A_4378 : i32
      %sign3A_4380 = arith.extui %sign3A_4379 : i1 to i32
      %sign3A_4381 = arith.subi %sign3A_4377, %sign3A_4380 : i32
      %ne3A_4382 = arith.cmpi ne, %sign3A_4374, %sign3A_4381 : i32
      %rem3A_4383 = arith.remsi %add3A_4365, %jit3A_4366 : i32
      %ne3A_4384 = arith.constant 0 : i32
      %ne3A_4385 = arith.cmpi ne, %rem3A_4383, %ne3A_4384 : i32
      %and3A_4386 = arith.andi %ne3A_4382, %ne3A_4385 : i1
      %sub3A_4387 = arith.constant 1 : i32
      %sub3A_4388 = arith.subi %div3A_4367, %sub3A_4387 : i32
      %select_n3A_4389 = arith.select %and3A_4386, %sub3A_4388, %div3A_4367 : i32
      %mul3A_4390 = arith.constant 64 : i32
      %mul3A_4391 = arith.muli %select_n3A_4389, %mul3A_4390 : i32
      %add3A_4392 = arith.addi %mul3A_4391, %add3A_2502 : i32
      %mul3A_4393 = arith.constant 4096 : i32
      %mul3A_4394 = arith.muli %add3A_4392, %mul3A_4393 : i32
      %jit3A_4395 = arith.constant 4096 : i32
      %eq3A_4396 = arith.constant 0 : i32
      %eq3A_4397 = arith.cmpi eq, %jit3A_4395, %eq3A_4396 : i32
      %jit3A_4398 = arith.constant 1 : i32
      %select_n3A_4399 = arith.select %eq3A_4397, %jit3A_4398, %jit3A_4395 : i32
      %rem3A_4400 = arith.remsi %add3A_4365, %select_n3A_4399 : i32
      %ne3A_4401 = arith.constant 0 : i32
      %ne3A_4402 = arith.cmpi ne, %rem3A_4400, %ne3A_4401 : i32
      %lt3A_4403 = arith.constant 0 : i32
      %lt3A_4404 = arith.cmpi slt, %rem3A_4400, %lt3A_4403 : i32
      %lt3A_4405 = arith.constant 0 : i32
      %lt3A_4406 = arith.cmpi slt, %select_n3A_4399, %lt3A_4405 : i32
      %ne3A_4407 = arith.xori %lt3A_4404, %lt3A_4406 : i1
      %and3A_4408 = arith.andi %ne3A_4407, %ne3A_4402 : i1
      %add3A_4409 = arith.addi %rem3A_4400, %select_n3A_4399 : i32
      %select_n3A_4410 = arith.select %and3A_4408, %add3A_4409, %rem3A_4400 : i32
      %add3A_4411 = arith.addi %mul3A_4394, %select_n3A_4410 : i32
      %dma_start3A_4412 = tpu.memref_slice %arg4[%add3A_4411] : memref<52428800xf32, #tpu.memory_space<hbm>> -> memref<2048xf32, #tpu.memory_space<hbm>>
      %dma_start3A_4413 = tpu.memref_slice %arg4[%add3A_4411] : memref<52428800xf32, #tpu.memory_space<hbm>> -> memref<2048xf32, #tpu.memory_space<hbm>>
      tpu.enqueue_dma source(%arg7 : memref<2048xf32, #tpu.memory_space<vmem>>) target(%dma_start3A_4413 : memref<2048xf32, #tpu.memory_space<hbm>>) target_semaphore(%arg17 : memref<!tpu.dma_semaphore, #tpu.memory_space<semaphore_mem>>)
      %add3A_4414 = arith.constant 34816 : i32
      %add3A_4415 = arith.addi %mul3A_0, %add3A_4414 : i32
      %jit3A_4416 = arith.constant 4096 : i32
      %div3A_4417 = arith.divsi %add3A_4415, %jit3A_4416 : i32
      %sign3A_4418 = arith.constant 0 : i32
      %sign3A_4419 = arith.cmpi sgt, %add3A_4415, %sign3A_4418 : i32
      %sign3A_4420 = arith.extui %sign3A_4419 : i1 to i32
      %sign3A_4421 = arith.constant 0 : i32
      %sign3A_4422 = arith.cmpi slt, %add3A_4415, %sign3A_4421 : i32
      %sign3A_4423 = arith.extui %sign3A_4422 : i1 to i32
      %sign3A_4424 = arith.subi %sign3A_4420, %sign3A_4423 : i32
      %sign3A_4425 = arith.constant 0 : i32
      %sign3A_4426 = arith.cmpi sgt, %jit3A_4416, %sign3A_4425 : i32
      %sign3A_4427 = arith.extui %sign3A_4426 : i1 to i32
      %sign3A_4428 = arith.constant 0 : i32
      %sign3A_4429 = arith.cmpi slt, %jit3A_4416, %sign3A_4428 : i32
      %sign3A_4430 = arith.extui %sign3A_4429 : i1 to i32
      %sign3A_4431 = arith.subi %sign3A_4427, %sign3A_4430 : i32
      %ne3A_4432 = arith.cmpi ne, %sign3A_4424, %sign3A_4431 : i32
      %rem3A_4433 = arith.remsi %add3A_4415, %jit3A_4416 : i32
      %ne3A_4434 = arith.constant 0 : i32
      %ne3A_4435 = arith.cmpi ne, %rem3A_4433, %ne3A_4434 : i32
      %and3A_4436 = arith.andi %ne3A_4432, %ne3A_4435 : i1
      %sub3A_4437 = arith.constant 1 : i32
      %sub3A_4438 = arith.subi %div3A_4417, %sub3A_4437 : i32
      %select_n3A_4439 = arith.select %and3A_4436, %sub3A_4438, %div3A_4417 : i32
      %mul3A_4440 = arith.constant 64 : i32
      %mul3A_4441 = arith.muli %select_n3A_4439, %mul3A_4440 : i32
      %add3A_4442 = arith.addi %mul3A_4441, %add3A_2502 : i32
      %mul3A_4443 = arith.constant 4096 : i32
      %mul3A_4444 = arith.muli %add3A_4442, %mul3A_4443 : i32
      %jit3A_4445 = arith.constant 4096 : i32
      %eq3A_4446 = arith.constant 0 : i32
      %eq3A_4447 = arith.cmpi eq, %jit3A_4445, %eq3A_4446 : i32
      %jit3A_4448 = arith.constant 1 : i32
      %select_n3A_4449 = arith.select %eq3A_4447, %jit3A_4448, %jit3A_4445 : i32
      %rem3A_4450 = arith.remsi %add3A_4415, %select_n3A_4449 : i32
      %ne3A_4451 = arith.constant 0 : i32
      %ne3A_4452 = arith.cmpi ne, %rem3A_4450, %ne3A_4451 : i32
      %lt3A_4453 = arith.constant 0 : i32
      %lt3A_4454 = arith.cmpi slt, %rem3A_4450, %lt3A_4453 : i32
      %lt3A_4455 = arith.constant 0 : i32
      %lt3A_4456 = arith.cmpi slt, %select_n3A_4449, %lt3A_4455 : i32
      %ne3A_4457 = arith.xori %lt3A_4454, %lt3A_4456 : i1
      %and3A_4458 = arith.andi %ne3A_4457, %ne3A_4452 : i1
      %add3A_4459 = arith.addi %rem3A_4450, %select_n3A_4449 : i32
      %select_n3A_4460 = arith.select %and3A_4458, %add3A_4459, %rem3A_4450 : i32
      %add3A_4461 = arith.addi %mul3A_4444, %select_n3A_4460 : i32
      %dma_wait3A_4462 = tpu.memref_slice %arg4[%add3A_4461] : memref<52428800xf32, #tpu.memory_space<hbm>> -> memref<2048xf32, #tpu.memory_space<hbm>>
      %dma_wait3A_4463 = tpu.memref_slice %arg4[%add3A_4461] : memref<52428800xf32, #tpu.memory_space<hbm>> -> memref<2048xf32, #tpu.memory_space<hbm>>
      tpu.wait_dma2 semaphore(%arg17 : memref<!tpu.dma_semaphore, #tpu.memory_space<semaphore_mem>>) src(%arg7 : memref<2048xf32, #tpu.memory_space<vmem>>) dst(%dma_wait3A_4463 : memref<2048xf32, #tpu.memory_space<hbm>>)
      %dma_start3A_4464 = arith.constant 43008 : i32
      %dma_start3A_4465 = tpu.memref_slice %arg5[%dma_start3A_4464] : memref<51200xi32, #tpu.memory_space<vmem>> -> memref<2048xi32, #tpu.memory_space<vmem>>
      %dma_start3A_4466 = arith.constant 0 : i32
      %dma_start3A_4467 = tpu.memref_slice %arg10[%dma_start3A_4466] : memref<1000000xf32, #tpu.memory_space<vmem_shared>> -> memref<1000000xf32, #tpu.memory_space<vmem_shared>>
      tpu.enqueue_indirect_dma source(%dma_start3A_4467 : memref<1000000xf32, #tpu.memory_space<vmem_shared>>) target(%arg7 : memref<2048xf32, #tpu.memory_space<vmem>>) offsets(%dma_start3A_4465 : memref<2048xi32, #tpu.memory_space<vmem>>) semaphore(%arg13 : memref<!tpu.dma_semaphore, #tpu.memory_space<semaphore_mem>>)
      %dma_wait3A_4468 = arith.constant 36864 : i32
      %dma_wait3A_4469 = tpu.memref_slice %arg5[%dma_wait3A_4468] : memref<51200xi32, #tpu.memory_space<vmem>> -> memref<2048xi32, #tpu.memory_space<vmem>>
      %dma_wait3A_4470 = arith.constant 0 : i32
      %dma_wait3A_4471 = tpu.memref_slice %arg10[%dma_wait3A_4470] : memref<1000000xf32, #tpu.memory_space<vmem_shared>> -> memref<1000000xf32, #tpu.memory_space<vmem_shared>>
      tpu.wait_indirect_dma semaphore(%arg14 : memref<!tpu.dma_semaphore, #tpu.memory_space<semaphore_mem>>) src(%dma_wait3A_4471 : memref<1000000xf32, #tpu.memory_space<vmem_shared>>) dst(%arg8 : memref<2048xf32, #tpu.memory_space<vmem>>)
      %add3A_4472 = arith.constant 36864 : i32
      %add3A_4473 = arith.addi %mul3A_0, %add3A_4472 : i32
      %jit3A_4474 = arith.constant 4096 : i32
      %div3A_4475 = arith.divsi %add3A_4473, %jit3A_4474 : i32
      %sign3A_4476 = arith.constant 0 : i32
      %sign3A_4477 = arith.cmpi sgt, %add3A_4473, %sign3A_4476 : i32
      %sign3A_4478 = arith.extui %sign3A_4477 : i1 to i32
      %sign3A_4479 = arith.constant 0 : i32
      %sign3A_4480 = arith.cmpi slt, %add3A_4473, %sign3A_4479 : i32
      %sign3A_4481 = arith.extui %sign3A_4480 : i1 to i32
      %sign3A_4482 = arith.subi %sign3A_4478, %sign3A_4481 : i32
      %sign3A_4483 = arith.constant 0 : i32
      %sign3A_4484 = arith.cmpi sgt, %jit3A_4474, %sign3A_4483 : i32
      %sign3A_4485 = arith.extui %sign3A_4484 : i1 to i32
      %sign3A_4486 = arith.constant 0 : i32
      %sign3A_4487 = arith.cmpi slt, %jit3A_4474, %sign3A_4486 : i32
      %sign3A_4488 = arith.extui %sign3A_4487 : i1 to i32
      %sign3A_4489 = arith.subi %sign3A_4485, %sign3A_4488 : i32
      %ne3A_4490 = arith.cmpi ne, %sign3A_4482, %sign3A_4489 : i32
      %rem3A_4491 = arith.remsi %add3A_4473, %jit3A_4474 : i32
      %ne3A_4492 = arith.constant 0 : i32
      %ne3A_4493 = arith.cmpi ne, %rem3A_4491, %ne3A_4492 : i32
      %and3A_4494 = arith.andi %ne3A_4490, %ne3A_4493 : i1
      %sub3A_4495 = arith.constant 1 : i32
      %sub3A_4496 = arith.subi %div3A_4475, %sub3A_4495 : i32
      %select_n3A_4497 = arith.select %and3A_4494, %sub3A_4496, %div3A_4475 : i32
      %mul3A_4498 = arith.constant 64 : i32
      %mul3A_4499 = arith.muli %select_n3A_4497, %mul3A_4498 : i32
      %add3A_4500 = arith.addi %mul3A_4499, %add3A_2502 : i32
      %mul3A_4501 = arith.constant 4096 : i32
      %mul3A_4502 = arith.muli %add3A_4500, %mul3A_4501 : i32
      %jit3A_4503 = arith.constant 4096 : i32
      %eq3A_4504 = arith.constant 0 : i32
      %eq3A_4505 = arith.cmpi eq, %jit3A_4503, %eq3A_4504 : i32
      %jit3A_4506 = arith.constant 1 : i32
      %select_n3A_4507 = arith.select %eq3A_4505, %jit3A_4506, %jit3A_4503 : i32
      %rem3A_4508 = arith.remsi %add3A_4473, %select_n3A_4507 : i32
      %ne3A_4509 = arith.constant 0 : i32
      %ne3A_4510 = arith.cmpi ne, %rem3A_4508, %ne3A_4509 : i32
      %lt3A_4511 = arith.constant 0 : i32
      %lt3A_4512 = arith.cmpi slt, %rem3A_4508, %lt3A_4511 : i32
      %lt3A_4513 = arith.constant 0 : i32
      %lt3A_4514 = arith.cmpi slt, %select_n3A_4507, %lt3A_4513 : i32
      %ne3A_4515 = arith.xori %lt3A_4512, %lt3A_4514 : i1
      %and3A_4516 = arith.andi %ne3A_4515, %ne3A_4510 : i1
      %add3A_4517 = arith.addi %rem3A_4508, %select_n3A_4507 : i32
      %select_n3A_4518 = arith.select %and3A_4516, %add3A_4517, %rem3A_4508 : i32
      %add3A_4519 = arith.addi %mul3A_4502, %select_n3A_4518 : i32
      %dma_start3A_4520 = tpu.memref_slice %arg4[%add3A_4519] : memref<52428800xf32, #tpu.memory_space<hbm>> -> memref<2048xf32, #tpu.memory_space<hbm>>
      %dma_start3A_4521 = tpu.memref_slice %arg4[%add3A_4519] : memref<52428800xf32, #tpu.memory_space<hbm>> -> memref<2048xf32, #tpu.memory_space<hbm>>
      tpu.enqueue_dma source(%arg8 : memref<2048xf32, #tpu.memory_space<vmem>>) target(%dma_start3A_4521 : memref<2048xf32, #tpu.memory_space<hbm>>) target_semaphore(%arg18 : memref<!tpu.dma_semaphore, #tpu.memory_space<semaphore_mem>>)
      %add3A_4522 = arith.constant 36864 : i32
      %add3A_4523 = arith.addi %mul3A_0, %add3A_4522 : i32
      %jit3A_4524 = arith.constant 4096 : i32
      %div3A_4525 = arith.divsi %add3A_4523, %jit3A_4524 : i32
      %sign3A_4526 = arith.constant 0 : i32
      %sign3A_4527 = arith.cmpi sgt, %add3A_4523, %sign3A_4526 : i32
      %sign3A_4528 = arith.extui %sign3A_4527 : i1 to i32
      %sign3A_4529 = arith.constant 0 : i32
      %sign3A_4530 = arith.cmpi slt, %add3A_4523, %sign3A_4529 : i32
      %sign3A_4531 = arith.extui %sign3A_4530 : i1 to i32
      %sign3A_4532 = arith.subi %sign3A_4528, %sign3A_4531 : i32
      %sign3A_4533 = arith.constant 0 : i32
      %sign3A_4534 = arith.cmpi sgt, %jit3A_4524, %sign3A_4533 : i32
      %sign3A_4535 = arith.extui %sign3A_4534 : i1 to i32
      %sign3A_4536 = arith.constant 0 : i32
      %sign3A_4537 = arith.cmpi slt, %jit3A_4524, %sign3A_4536 : i32
      %sign3A_4538 = arith.extui %sign3A_4537 : i1 to i32
      %sign3A_4539 = arith.subi %sign3A_4535, %sign3A_4538 : i32
      %ne3A_4540 = arith.cmpi ne, %sign3A_4532, %sign3A_4539 : i32
      %rem3A_4541 = arith.remsi %add3A_4523, %jit3A_4524 : i32
      %ne3A_4542 = arith.constant 0 : i32
      %ne3A_4543 = arith.cmpi ne, %rem3A_4541, %ne3A_4542 : i32
      %and3A_4544 = arith.andi %ne3A_4540, %ne3A_4543 : i1
      %sub3A_4545 = arith.constant 1 : i32
      %sub3A_4546 = arith.subi %div3A_4525, %sub3A_4545 : i32
      %select_n3A_4547 = arith.select %and3A_4544, %sub3A_4546, %div3A_4525 : i32
      %mul3A_4548 = arith.constant 64 : i32
      %mul3A_4549 = arith.muli %select_n3A_4547, %mul3A_4548 : i32
      %add3A_4550 = arith.addi %mul3A_4549, %add3A_2502 : i32
      %mul3A_4551 = arith.constant 4096 : i32
      %mul3A_4552 = arith.muli %add3A_4550, %mul3A_4551 : i32
      %jit3A_4553 = arith.constant 4096 : i32
      %eq3A_4554 = arith.constant 0 : i32
      %eq3A_4555 = arith.cmpi eq, %jit3A_4553, %eq3A_4554 : i32
      %jit3A_4556 = arith.constant 1 : i32
      %select_n3A_4557 = arith.select %eq3A_4555, %jit3A_4556, %jit3A_4553 : i32
      %rem3A_4558 = arith.remsi %add3A_4523, %select_n3A_4557 : i32
      %ne3A_4559 = arith.constant 0 : i32
      %ne3A_4560 = arith.cmpi ne, %rem3A_4558, %ne3A_4559 : i32
      %lt3A_4561 = arith.constant 0 : i32
      %lt3A_4562 = arith.cmpi slt, %rem3A_4558, %lt3A_4561 : i32
      %lt3A_4563 = arith.constant 0 : i32
      %lt3A_4564 = arith.cmpi slt, %select_n3A_4557, %lt3A_4563 : i32
      %ne3A_4565 = arith.xori %lt3A_4562, %lt3A_4564 : i1
      %and3A_4566 = arith.andi %ne3A_4565, %ne3A_4560 : i1
      %add3A_4567 = arith.addi %rem3A_4558, %select_n3A_4557 : i32
      %select_n3A_4568 = arith.select %and3A_4566, %add3A_4567, %rem3A_4558 : i32
      %add3A_4569 = arith.addi %mul3A_4552, %select_n3A_4568 : i32
      %dma_wait3A_4570 = tpu.memref_slice %arg4[%add3A_4569] : memref<52428800xf32, #tpu.memory_space<hbm>> -> memref<2048xf32, #tpu.memory_space<hbm>>
      %dma_wait3A_4571 = tpu.memref_slice %arg4[%add3A_4569] : memref<52428800xf32, #tpu.memory_space<hbm>> -> memref<2048xf32, #tpu.memory_space<hbm>>
      tpu.wait_dma2 semaphore(%arg18 : memref<!tpu.dma_semaphore, #tpu.memory_space<semaphore_mem>>) src(%arg8 : memref<2048xf32, #tpu.memory_space<vmem>>) dst(%dma_wait3A_4571 : memref<2048xf32, #tpu.memory_space<hbm>>)
      %dma_start3A_4572 = arith.constant 45056 : i32
      %dma_start3A_4573 = tpu.memref_slice %arg5[%dma_start3A_4572] : memref<51200xi32, #tpu.memory_space<vmem>> -> memref<2048xi32, #tpu.memory_space<vmem>>
      %dma_start3A_4574 = arith.constant 0 : i32
      %dma_start3A_4575 = tpu.memref_slice %arg10[%dma_start3A_4574] : memref<1000000xf32, #tpu.memory_space<vmem_shared>> -> memref<1000000xf32, #tpu.memory_space<vmem_shared>>
      tpu.enqueue_indirect_dma source(%dma_start3A_4575 : memref<1000000xf32, #tpu.memory_space<vmem_shared>>) target(%arg8 : memref<2048xf32, #tpu.memory_space<vmem>>) offsets(%dma_start3A_4573 : memref<2048xi32, #tpu.memory_space<vmem>>) semaphore(%arg14 : memref<!tpu.dma_semaphore, #tpu.memory_space<semaphore_mem>>)
      %dma_wait3A_4576 = arith.constant 38912 : i32
      %dma_wait3A_4577 = tpu.memref_slice %arg5[%dma_wait3A_4576] : memref<51200xi32, #tpu.memory_space<vmem>> -> memref<2048xi32, #tpu.memory_space<vmem>>
      %dma_wait3A_4578 = arith.constant 0 : i32
      %dma_wait3A_4579 = tpu.memref_slice %arg10[%dma_wait3A_4578] : memref<1000000xf32, #tpu.memory_space<vmem_shared>> -> memref<1000000xf32, #tpu.memory_space<vmem_shared>>
      tpu.wait_indirect_dma semaphore(%arg15 : memref<!tpu.dma_semaphore, #tpu.memory_space<semaphore_mem>>) src(%dma_wait3A_4579 : memref<1000000xf32, #tpu.memory_space<vmem_shared>>) dst(%arg9 : memref<2048xf32, #tpu.memory_space<vmem>>)
      %add3A_4580 = arith.constant 38912 : i32
      %add3A_4581 = arith.addi %mul3A_0, %add3A_4580 : i32
      %jit3A_4582 = arith.constant 4096 : i32
      %div3A_4583 = arith.divsi %add3A_4581, %jit3A_4582 : i32
      %sign3A_4584 = arith.constant 0 : i32
      %sign3A_4585 = arith.cmpi sgt, %add3A_4581, %sign3A_4584 : i32
      %sign3A_4586 = arith.extui %sign3A_4585 : i1 to i32
      %sign3A_4587 = arith.constant 0 : i32
      %sign3A_4588 = arith.cmpi slt, %add3A_4581, %sign3A_4587 : i32
      %sign3A_4589 = arith.extui %sign3A_4588 : i1 to i32
      %sign3A_4590 = arith.subi %sign3A_4586, %sign3A_4589 : i32
      %sign3A_4591 = arith.constant 0 : i32
      %sign3A_4592 = arith.cmpi sgt, %jit3A_4582, %sign3A_4591 : i32
      %sign3A_4593 = arith.extui %sign3A_4592 : i1 to i32
      %sign3A_4594 = arith.constant 0 : i32
      %sign3A_4595 = arith.cmpi slt, %jit3A_4582, %sign3A_4594 : i32
      %sign3A_4596 = arith.extui %sign3A_4595 : i1 to i32
      %sign3A_4597 = arith.subi %sign3A_4593, %sign3A_4596 : i32
      %ne3A_4598 = arith.cmpi ne, %sign3A_4590, %sign3A_4597 : i32
      %rem3A_4599 = arith.remsi %add3A_4581, %jit3A_4582 : i32
      %ne3A_4600 = arith.constant 0 : i32
      %ne3A_4601 = arith.cmpi ne, %rem3A_4599, %ne3A_4600 : i32
      %and3A_4602 = arith.andi %ne3A_4598, %ne3A_4601 : i1
      %sub3A_4603 = arith.constant 1 : i32
      %sub3A_4604 = arith.subi %div3A_4583, %sub3A_4603 : i32
      %select_n3A_4605 = arith.select %and3A_4602, %sub3A_4604, %div3A_4583 : i32
      %mul3A_4606 = arith.constant 64 : i32
      %mul3A_4607 = arith.muli %select_n3A_4605, %mul3A_4606 : i32
      %add3A_4608 = arith.addi %mul3A_4607, %add3A_2502 : i32
      %mul3A_4609 = arith.constant 4096 : i32
      %mul3A_4610 = arith.muli %add3A_4608, %mul3A_4609 : i32
      %jit3A_4611 = arith.constant 4096 : i32
      %eq3A_4612 = arith.constant 0 : i32
      %eq3A_4613 = arith.cmpi eq, %jit3A_4611, %eq3A_4612 : i32
      %jit3A_4614 = arith.constant 1 : i32
      %select_n3A_4615 = arith.select %eq3A_4613, %jit3A_4614, %jit3A_4611 : i32
      %rem3A_4616 = arith.remsi %add3A_4581, %select_n3A_4615 : i32
      %ne3A_4617 = arith.constant 0 : i32
      %ne3A_4618 = arith.cmpi ne, %rem3A_4616, %ne3A_4617 : i32
      %lt3A_4619 = arith.constant 0 : i32
      %lt3A_4620 = arith.cmpi slt, %rem3A_4616, %lt3A_4619 : i32
      %lt3A_4621 = arith.constant 0 : i32
      %lt3A_4622 = arith.cmpi slt, %select_n3A_4615, %lt3A_4621 : i32
      %ne3A_4623 = arith.xori %lt3A_4620, %lt3A_4622 : i1
      %and3A_4624 = arith.andi %ne3A_4623, %ne3A_4618 : i1
      %add3A_4625 = arith.addi %rem3A_4616, %select_n3A_4615 : i32
      %select_n3A_4626 = arith.select %and3A_4624, %add3A_4625, %rem3A_4616 : i32
      %add3A_4627 = arith.addi %mul3A_4610, %select_n3A_4626 : i32
      %dma_start3A_4628 = tpu.memref_slice %arg4[%add3A_4627] : memref<52428800xf32, #tpu.memory_space<hbm>> -> memref<2048xf32, #tpu.memory_space<hbm>>
      %dma_start3A_4629 = tpu.memref_slice %arg4[%add3A_4627] : memref<52428800xf32, #tpu.memory_space<hbm>> -> memref<2048xf32, #tpu.memory_space<hbm>>
      tpu.enqueue_dma source(%arg9 : memref<2048xf32, #tpu.memory_space<vmem>>) target(%dma_start3A_4629 : memref<2048xf32, #tpu.memory_space<hbm>>) target_semaphore(%arg19 : memref<!tpu.dma_semaphore, #tpu.memory_space<semaphore_mem>>)
      %add3A_4630 = arith.constant 38912 : i32
      %add3A_4631 = arith.addi %mul3A_0, %add3A_4630 : i32
      %jit3A_4632 = arith.constant 4096 : i32
      %div3A_4633 = arith.divsi %add3A_4631, %jit3A_4632 : i32
      %sign3A_4634 = arith.constant 0 : i32
      %sign3A_4635 = arith.cmpi sgt, %add3A_4631, %sign3A_4634 : i32
      %sign3A_4636 = arith.extui %sign3A_4635 : i1 to i32
      %sign3A_4637 = arith.constant 0 : i32
      %sign3A_4638 = arith.cmpi slt, %add3A_4631, %sign3A_4637 : i32
      %sign3A_4639 = arith.extui %sign3A_4638 : i1 to i32
      %sign3A_4640 = arith.subi %sign3A_4636, %sign3A_4639 : i32
      %sign3A_4641 = arith.constant 0 : i32
      %sign3A_4642 = arith.cmpi sgt, %jit3A_4632, %sign3A_4641 : i32
      %sign3A_4643 = arith.extui %sign3A_4642 : i1 to i32
      %sign3A_4644 = arith.constant 0 : i32
      %sign3A_4645 = arith.cmpi slt, %jit3A_4632, %sign3A_4644 : i32
      %sign3A_4646 = arith.extui %sign3A_4645 : i1 to i32
      %sign3A_4647 = arith.subi %sign3A_4643, %sign3A_4646 : i32
      %ne3A_4648 = arith.cmpi ne, %sign3A_4640, %sign3A_4647 : i32
      %rem3A_4649 = arith.remsi %add3A_4631, %jit3A_4632 : i32
      %ne3A_4650 = arith.constant 0 : i32
      %ne3A_4651 = arith.cmpi ne, %rem3A_4649, %ne3A_4650 : i32
      %and3A_4652 = arith.andi %ne3A_4648, %ne3A_4651 : i1
      %sub3A_4653 = arith.constant 1 : i32
      %sub3A_4654 = arith.subi %div3A_4633, %sub3A_4653 : i32
      %select_n3A_4655 = arith.select %and3A_4652, %sub3A_4654, %div3A_4633 : i32
      %mul3A_4656 = arith.constant 64 : i32
      %mul3A_4657 = arith.muli %select_n3A_4655, %mul3A_4656 : i32
      %add3A_4658 = arith.addi %mul3A_4657, %add3A_2502 : i32
      %mul3A_4659 = arith.constant 4096 : i32
      %mul3A_4660 = arith.muli %add3A_4658, %mul3A_4659 : i32
      %jit3A_4661 = arith.constant 4096 : i32
      %eq3A_4662 = arith.constant 0 : i32
      %eq3A_4663 = arith.cmpi eq, %jit3A_4661, %eq3A_4662 : i32
      %jit3A_4664 = arith.constant 1 : i32
      %select_n3A_4665 = arith.select %eq3A_4663, %jit3A_4664, %jit3A_4661 : i32
      %rem3A_4666 = arith.remsi %add3A_4631, %select_n3A_4665 : i32
      %ne3A_4667 = arith.constant 0 : i32
      %ne3A_4668 = arith.cmpi ne, %rem3A_4666, %ne3A_4667 : i32
      %lt3A_4669 = arith.constant 0 : i32
      %lt3A_4670 = arith.cmpi slt, %rem3A_4666, %lt3A_4669 : i32
      %lt3A_4671 = arith.constant 0 : i32
      %lt3A_4672 = arith.cmpi slt, %select_n3A_4665, %lt3A_4671 : i32
      %ne3A_4673 = arith.xori %lt3A_4670, %lt3A_4672 : i1
      %and3A_4674 = arith.andi %ne3A_4673, %ne3A_4668 : i1
      %add3A_4675 = arith.addi %rem3A_4666, %select_n3A_4665 : i32
      %select_n3A_4676 = arith.select %and3A_4674, %add3A_4675, %rem3A_4666 : i32
      %add3A_4677 = arith.addi %mul3A_4660, %select_n3A_4676 : i32
      %dma_wait3A_4678 = tpu.memref_slice %arg4[%add3A_4677] : memref<52428800xf32, #tpu.memory_space<hbm>> -> memref<2048xf32, #tpu.memory_space<hbm>>
      %dma_wait3A_4679 = tpu.memref_slice %arg4[%add3A_4677] : memref<52428800xf32, #tpu.memory_space<hbm>> -> memref<2048xf32, #tpu.memory_space<hbm>>
      tpu.wait_dma2 semaphore(%arg19 : memref<!tpu.dma_semaphore, #tpu.memory_space<semaphore_mem>>) src(%arg9 : memref<2048xf32, #tpu.memory_space<vmem>>) dst(%dma_wait3A_4679 : memref<2048xf32, #tpu.memory_space<hbm>>)
      %dma_start3A_4680 = arith.constant 47104 : i32
      %dma_start3A_4681 = tpu.memref_slice %arg5[%dma_start3A_4680] : memref<51200xi32, #tpu.memory_space<vmem>> -> memref<2048xi32, #tpu.memory_space<vmem>>
      %dma_start3A_4682 = arith.constant 0 : i32
      %dma_start3A_4683 = tpu.memref_slice %arg10[%dma_start3A_4682] : memref<1000000xf32, #tpu.memory_space<vmem_shared>> -> memref<1000000xf32, #tpu.memory_space<vmem_shared>>
      tpu.enqueue_indirect_dma source(%dma_start3A_4683 : memref<1000000xf32, #tpu.memory_space<vmem_shared>>) target(%arg9 : memref<2048xf32, #tpu.memory_space<vmem>>) offsets(%dma_start3A_4681 : memref<2048xi32, #tpu.memory_space<vmem>>) semaphore(%arg15 : memref<!tpu.dma_semaphore, #tpu.memory_space<semaphore_mem>>)
      %dma_wait3A_4684 = arith.constant 40960 : i32
      %dma_wait3A_4685 = tpu.memref_slice %arg5[%dma_wait3A_4684] : memref<51200xi32, #tpu.memory_space<vmem>> -> memref<2048xi32, #tpu.memory_space<vmem>>
      %dma_wait3A_4686 = arith.constant 0 : i32
      %dma_wait3A_4687 = tpu.memref_slice %arg10[%dma_wait3A_4686] : memref<1000000xf32, #tpu.memory_space<vmem_shared>> -> memref<1000000xf32, #tpu.memory_space<vmem_shared>>
      tpu.wait_indirect_dma semaphore(%arg12 : memref<!tpu.dma_semaphore, #tpu.memory_space<semaphore_mem>>) src(%dma_wait3A_4687 : memref<1000000xf32, #tpu.memory_space<vmem_shared>>) dst(%arg6 : memref<2048xf32, #tpu.memory_space<vmem>>)
      %add3A_4688 = arith.constant 40960 : i32
      %add3A_4689 = arith.addi %mul3A_0, %add3A_4688 : i32
      %jit3A_4690 = arith.constant 4096 : i32
      %div3A_4691 = arith.divsi %add3A_4689, %jit3A_4690 : i32
      %sign3A_4692 = arith.constant 0 : i32
      %sign3A_4693 = arith.cmpi sgt, %add3A_4689, %sign3A_4692 : i32
      %sign3A_4694 = arith.extui %sign3A_4693 : i1 to i32
      %sign3A_4695 = arith.constant 0 : i32
      %sign3A_4696 = arith.cmpi slt, %add3A_4689, %sign3A_4695 : i32
      %sign3A_4697 = arith.extui %sign3A_4696 : i1 to i32
      %sign3A_4698 = arith.subi %sign3A_4694, %sign3A_4697 : i32
      %sign3A_4699 = arith.constant 0 : i32
      %sign3A_4700 = arith.cmpi sgt, %jit3A_4690, %sign3A_4699 : i32
      %sign3A_4701 = arith.extui %sign3A_4700 : i1 to i32
      %sign3A_4702 = arith.constant 0 : i32
      %sign3A_4703 = arith.cmpi slt, %jit3A_4690, %sign3A_4702 : i32
      %sign3A_4704 = arith.extui %sign3A_4703 : i1 to i32
      %sign3A_4705 = arith.subi %sign3A_4701, %sign3A_4704 : i32
      %ne3A_4706 = arith.cmpi ne, %sign3A_4698, %sign3A_4705 : i32
      %rem3A_4707 = arith.remsi %add3A_4689, %jit3A_4690 : i32
      %ne3A_4708 = arith.constant 0 : i32
      %ne3A_4709 = arith.cmpi ne, %rem3A_4707, %ne3A_4708 : i32
      %and3A_4710 = arith.andi %ne3A_4706, %ne3A_4709 : i1
      %sub3A_4711 = arith.constant 1 : i32
      %sub3A_4712 = arith.subi %div3A_4691, %sub3A_4711 : i32
      %select_n3A_4713 = arith.select %and3A_4710, %sub3A_4712, %div3A_4691 : i32
      %mul3A_4714 = arith.constant 64 : i32
      %mul3A_4715 = arith.muli %select_n3A_4713, %mul3A_4714 : i32
      %add3A_4716 = arith.addi %mul3A_4715, %add3A_2502 : i32
      %mul3A_4717 = arith.constant 4096 : i32
      %mul3A_4718 = arith.muli %add3A_4716, %mul3A_4717 : i32
      %jit3A_4719 = arith.constant 4096 : i32
      %eq3A_4720 = arith.constant 0 : i32
      %eq3A_4721 = arith.cmpi eq, %jit3A_4719, %eq3A_4720 : i32
      %jit3A_4722 = arith.constant 1 : i32
      %select_n3A_4723 = arith.select %eq3A_4721, %jit3A_4722, %jit3A_4719 : i32
      %rem3A_4724 = arith.remsi %add3A_4689, %select_n3A_4723 : i32
      %ne3A_4725 = arith.constant 0 : i32
      %ne3A_4726 = arith.cmpi ne, %rem3A_4724, %ne3A_4725 : i32
      %lt3A_4727 = arith.constant 0 : i32
      %lt3A_4728 = arith.cmpi slt, %rem3A_4724, %lt3A_4727 : i32
      %lt3A_4729 = arith.constant 0 : i32
      %lt3A_4730 = arith.cmpi slt, %select_n3A_4723, %lt3A_4729 : i32
      %ne3A_4731 = arith.xori %lt3A_4728, %lt3A_4730 : i1
      %and3A_4732 = arith.andi %ne3A_4731, %ne3A_4726 : i1
      %add3A_4733 = arith.addi %rem3A_4724, %select_n3A_4723 : i32
      %select_n3A_4734 = arith.select %and3A_4732, %add3A_4733, %rem3A_4724 : i32
      %add3A_4735 = arith.addi %mul3A_4718, %select_n3A_4734 : i32
      %dma_start3A_4736 = tpu.memref_slice %arg4[%add3A_4735] : memref<52428800xf32, #tpu.memory_space<hbm>> -> memref<2048xf32, #tpu.memory_space<hbm>>
      %dma_start3A_4737 = tpu.memref_slice %arg4[%add3A_4735] : memref<52428800xf32, #tpu.memory_space<hbm>> -> memref<2048xf32, #tpu.memory_space<hbm>>
      tpu.enqueue_dma source(%arg6 : memref<2048xf32, #tpu.memory_space<vmem>>) target(%dma_start3A_4737 : memref<2048xf32, #tpu.memory_space<hbm>>) target_semaphore(%arg16 : memref<!tpu.dma_semaphore, #tpu.memory_space<semaphore_mem>>)
      %add3A_4738 = arith.constant 40960 : i32
      %add3A_4739 = arith.addi %mul3A_0, %add3A_4738 : i32
      %jit3A_4740 = arith.constant 4096 : i32
      %div3A_4741 = arith.divsi %add3A_4739, %jit3A_4740 : i32
      %sign3A_4742 = arith.constant 0 : i32
      %sign3A_4743 = arith.cmpi sgt, %add3A_4739, %sign3A_4742 : i32
      %sign3A_4744 = arith.extui %sign3A_4743 : i1 to i32
      %sign3A_4745 = arith.constant 0 : i32
      %sign3A_4746 = arith.cmpi slt, %add3A_4739, %sign3A_4745 : i32
      %sign3A_4747 = arith.extui %sign3A_4746 : i1 to i32
      %sign3A_4748 = arith.subi %sign3A_4744, %sign3A_4747 : i32
      %sign3A_4749 = arith.constant 0 : i32
      %sign3A_4750 = arith.cmpi sgt, %jit3A_4740, %sign3A_4749 : i32
      %sign3A_4751 = arith.extui %sign3A_4750 : i1 to i32
      %sign3A_4752 = arith.constant 0 : i32
      %sign3A_4753 = arith.cmpi slt, %jit3A_4740, %sign3A_4752 : i32
      %sign3A_4754 = arith.extui %sign3A_4753 : i1 to i32
      %sign3A_4755 = arith.subi %sign3A_4751, %sign3A_4754 : i32
      %ne3A_4756 = arith.cmpi ne, %sign3A_4748, %sign3A_4755 : i32
      %rem3A_4757 = arith.remsi %add3A_4739, %jit3A_4740 : i32
      %ne3A_4758 = arith.constant 0 : i32
      %ne3A_4759 = arith.cmpi ne, %rem3A_4757, %ne3A_4758 : i32
      %and3A_4760 = arith.andi %ne3A_4756, %ne3A_4759 : i1
      %sub3A_4761 = arith.constant 1 : i32
      %sub3A_4762 = arith.subi %div3A_4741, %sub3A_4761 : i32
      %select_n3A_4763 = arith.select %and3A_4760, %sub3A_4762, %div3A_4741 : i32
      %mul3A_4764 = arith.constant 64 : i32
      %mul3A_4765 = arith.muli %select_n3A_4763, %mul3A_4764 : i32
      %add3A_4766 = arith.addi %mul3A_4765, %add3A_2502 : i32
      %mul3A_4767 = arith.constant 4096 : i32
      %mul3A_4768 = arith.muli %add3A_4766, %mul3A_4767 : i32
      %jit3A_4769 = arith.constant 4096 : i32
      %eq3A_4770 = arith.constant 0 : i32
      %eq3A_4771 = arith.cmpi eq, %jit3A_4769, %eq3A_4770 : i32
      %jit3A_4772 = arith.constant 1 : i32
      %select_n3A_4773 = arith.select %eq3A_4771, %jit3A_4772, %jit3A_4769 : i32
      %rem3A_4774 = arith.remsi %add3A_4739, %select_n3A_4773 : i32
      %ne3A_4775 = arith.constant 0 : i32
      %ne3A_4776 = arith.cmpi ne, %rem3A_4774, %ne3A_4775 : i32
      %lt3A_4777 = arith.constant 0 : i32
      %lt3A_4778 = arith.cmpi slt, %rem3A_4774, %lt3A_4777 : i32
      %lt3A_4779 = arith.constant 0 : i32
      %lt3A_4780 = arith.cmpi slt, %select_n3A_4773, %lt3A_4779 : i32
      %ne3A_4781 = arith.xori %lt3A_4778, %lt3A_4780 : i1
      %and3A_4782 = arith.andi %ne3A_4781, %ne3A_4776 : i1
      %add3A_4783 = arith.addi %rem3A_4774, %select_n3A_4773 : i32
      %select_n3A_4784 = arith.select %and3A_4782, %add3A_4783, %rem3A_4774 : i32
      %add3A_4785 = arith.addi %mul3A_4768, %select_n3A_4784 : i32
      %dma_wait3A_4786 = tpu.memref_slice %arg4[%add3A_4785] : memref<52428800xf32, #tpu.memory_space<hbm>> -> memref<2048xf32, #tpu.memory_space<hbm>>
      %dma_wait3A_4787 = tpu.memref_slice %arg4[%add3A_4785] : memref<52428800xf32, #tpu.memory_space<hbm>> -> memref<2048xf32, #tpu.memory_space<hbm>>
      tpu.wait_dma2 semaphore(%arg16 : memref<!tpu.dma_semaphore, #tpu.memory_space<semaphore_mem>>) src(%arg6 : memref<2048xf32, #tpu.memory_space<vmem>>) dst(%dma_wait3A_4787 : memref<2048xf32, #tpu.memory_space<hbm>>)
      %dma_start3A_4788 = arith.constant 49152 : i32
      %dma_start3A_4789 = tpu.memref_slice %arg5[%dma_start3A_4788] : memref<51200xi32, #tpu.memory_space<vmem>> -> memref<2048xi32, #tpu.memory_space<vmem>>
      %dma_start3A_4790 = arith.constant 0 : i32
      %dma_start3A_4791 = tpu.memref_slice %arg10[%dma_start3A_4790] : memref<1000000xf32, #tpu.memory_space<vmem_shared>> -> memref<1000000xf32, #tpu.memory_space<vmem_shared>>
      tpu.enqueue_indirect_dma source(%dma_start3A_4791 : memref<1000000xf32, #tpu.memory_space<vmem_shared>>) target(%arg6 : memref<2048xf32, #tpu.memory_space<vmem>>) offsets(%dma_start3A_4789 : memref<2048xi32, #tpu.memory_space<vmem>>) semaphore(%arg12 : memref<!tpu.dma_semaphore, #tpu.memory_space<semaphore_mem>>)
      %dma_wait3A_4792 = arith.constant 43008 : i32
      %dma_wait3A_4793 = tpu.memref_slice %arg5[%dma_wait3A_4792] : memref<51200xi32, #tpu.memory_space<vmem>> -> memref<2048xi32, #tpu.memory_space<vmem>>
      %dma_wait3A_4794 = arith.constant 0 : i32
      %dma_wait3A_4795 = tpu.memref_slice %arg10[%dma_wait3A_4794] : memref<1000000xf32, #tpu.memory_space<vmem_shared>> -> memref<1000000xf32, #tpu.memory_space<vmem_shared>>
      tpu.wait_indirect_dma semaphore(%arg13 : memref<!tpu.dma_semaphore, #tpu.memory_space<semaphore_mem>>) src(%dma_wait3A_4795 : memref<1000000xf32, #tpu.memory_space<vmem_shared>>) dst(%arg7 : memref<2048xf32, #tpu.memory_space<vmem>>)
      %add3A_4796 = arith.constant 43008 : i32
      %add3A_4797 = arith.addi %mul3A_0, %add3A_4796 : i32
      %jit3A_4798 = arith.constant 4096 : i32
      %div3A_4799 = arith.divsi %add3A_4797, %jit3A_4798 : i32
      %sign3A_4800 = arith.constant 0 : i32
      %sign3A_4801 = arith.cmpi sgt, %add3A_4797, %sign3A_4800 : i32
      %sign3A_4802 = arith.extui %sign3A_4801 : i1 to i32
      %sign3A_4803 = arith.constant 0 : i32
      %sign3A_4804 = arith.cmpi slt, %add3A_4797, %sign3A_4803 : i32
      %sign3A_4805 = arith.extui %sign3A_4804 : i1 to i32
      %sign3A_4806 = arith.subi %sign3A_4802, %sign3A_4805 : i32
      %sign3A_4807 = arith.constant 0 : i32
      %sign3A_4808 = arith.cmpi sgt, %jit3A_4798, %sign3A_4807 : i32
      %sign3A_4809 = arith.extui %sign3A_4808 : i1 to i32
      %sign3A_4810 = arith.constant 0 : i32
      %sign3A_4811 = arith.cmpi slt, %jit3A_4798, %sign3A_4810 : i32
      %sign3A_4812 = arith.extui %sign3A_4811 : i1 to i32
      %sign3A_4813 = arith.subi %sign3A_4809, %sign3A_4812 : i32
      %ne3A_4814 = arith.cmpi ne, %sign3A_4806, %sign3A_4813 : i32
      %rem3A_4815 = arith.remsi %add3A_4797, %jit3A_4798 : i32
      %ne3A_4816 = arith.constant 0 : i32
      %ne3A_4817 = arith.cmpi ne, %rem3A_4815, %ne3A_4816 : i32
      %and3A_4818 = arith.andi %ne3A_4814, %ne3A_4817 : i1
      %sub3A_4819 = arith.constant 1 : i32
      %sub3A_4820 = arith.subi %div3A_4799, %sub3A_4819 : i32
      %select_n3A_4821 = arith.select %and3A_4818, %sub3A_4820, %div3A_4799 : i32
      %mul3A_4822 = arith.constant 64 : i32
      %mul3A_4823 = arith.muli %select_n3A_4821, %mul3A_4822 : i32
      %add3A_4824 = arith.addi %mul3A_4823, %add3A_2502 : i32
      %mul3A_4825 = arith.constant 4096 : i32
      %mul3A_4826 = arith.muli %add3A_4824, %mul3A_4825 : i32
      %jit3A_4827 = arith.constant 4096 : i32
      %eq3A_4828 = arith.constant 0 : i32
      %eq3A_4829 = arith.cmpi eq, %jit3A_4827, %eq3A_4828 : i32
      %jit3A_4830 = arith.constant 1 : i32
      %select_n3A_4831 = arith.select %eq3A_4829, %jit3A_4830, %jit3A_4827 : i32
      %rem3A_4832 = arith.remsi %add3A_4797, %select_n3A_4831 : i32
      %ne3A_4833 = arith.constant 0 : i32
      %ne3A_4834 = arith.cmpi ne, %rem3A_4832, %ne3A_4833 : i32
      %lt3A_4835 = arith.constant 0 : i32
      %lt3A_4836 = arith.cmpi slt, %rem3A_4832, %lt3A_4835 : i32
      %lt3A_4837 = arith.constant 0 : i32
      %lt3A_4838 = arith.cmpi slt, %select_n3A_4831, %lt3A_4837 : i32
      %ne3A_4839 = arith.xori %lt3A_4836, %lt3A_4838 : i1
      %and3A_4840 = arith.andi %ne3A_4839, %ne3A_4834 : i1
      %add3A_4841 = arith.addi %rem3A_4832, %select_n3A_4831 : i32
      %select_n3A_4842 = arith.select %and3A_4840, %add3A_4841, %rem3A_4832 : i32
      %add3A_4843 = arith.addi %mul3A_4826, %select_n3A_4842 : i32
      %dma_start3A_4844 = tpu.memref_slice %arg4[%add3A_4843] : memref<52428800xf32, #tpu.memory_space<hbm>> -> memref<2048xf32, #tpu.memory_space<hbm>>
      %dma_start3A_4845 = tpu.memref_slice %arg4[%add3A_4843] : memref<52428800xf32, #tpu.memory_space<hbm>> -> memref<2048xf32, #tpu.memory_space<hbm>>
      tpu.enqueue_dma source(%arg7 : memref<2048xf32, #tpu.memory_space<vmem>>) target(%dma_start3A_4845 : memref<2048xf32, #tpu.memory_space<hbm>>) target_semaphore(%arg17 : memref<!tpu.dma_semaphore, #tpu.memory_space<semaphore_mem>>)
      %dma_wait3A_4846 = arith.constant 45056 : i32
      %dma_wait3A_4847 = tpu.memref_slice %arg5[%dma_wait3A_4846] : memref<51200xi32, #tpu.memory_space<vmem>> -> memref<2048xi32, #tpu.memory_space<vmem>>
      %dma_wait3A_4848 = arith.constant 0 : i32
      %dma_wait3A_4849 = tpu.memref_slice %arg10[%dma_wait3A_4848] : memref<1000000xf32, #tpu.memory_space<vmem_shared>> -> memref<1000000xf32, #tpu.memory_space<vmem_shared>>
      tpu.wait_indirect_dma semaphore(%arg14 : memref<!tpu.dma_semaphore, #tpu.memory_space<semaphore_mem>>) src(%dma_wait3A_4849 : memref<1000000xf32, #tpu.memory_space<vmem_shared>>) dst(%arg8 : memref<2048xf32, #tpu.memory_space<vmem>>)
      %add3A_4850 = arith.constant 45056 : i32
      %add3A_4851 = arith.addi %mul3A_0, %add3A_4850 : i32
      %jit3A_4852 = arith.constant 4096 : i32
      %div3A_4853 = arith.divsi %add3A_4851, %jit3A_4852 : i32
      %sign3A_4854 = arith.constant 0 : i32
      %sign3A_4855 = arith.cmpi sgt, %add3A_4851, %sign3A_4854 : i32
      %sign3A_4856 = arith.extui %sign3A_4855 : i1 to i32
      %sign3A_4857 = arith.constant 0 : i32
      %sign3A_4858 = arith.cmpi slt, %add3A_4851, %sign3A_4857 : i32
      %sign3A_4859 = arith.extui %sign3A_4858 : i1 to i32
      %sign3A_4860 = arith.subi %sign3A_4856, %sign3A_4859 : i32
      %sign3A_4861 = arith.constant 0 : i32
      %sign3A_4862 = arith.cmpi sgt, %jit3A_4852, %sign3A_4861 : i32
      %sign3A_4863 = arith.extui %sign3A_4862 : i1 to i32
      %sign3A_4864 = arith.constant 0 : i32
      %sign3A_4865 = arith.cmpi slt, %jit3A_4852, %sign3A_4864 : i32
      %sign3A_4866 = arith.extui %sign3A_4865 : i1 to i32
      %sign3A_4867 = arith.subi %sign3A_4863, %sign3A_4866 : i32
      %ne3A_4868 = arith.cmpi ne, %sign3A_4860, %sign3A_4867 : i32
      %rem3A_4869 = arith.remsi %add3A_4851, %jit3A_4852 : i32
      %ne3A_4870 = arith.constant 0 : i32
      %ne3A_4871 = arith.cmpi ne, %rem3A_4869, %ne3A_4870 : i32
      %and3A_4872 = arith.andi %ne3A_4868, %ne3A_4871 : i1
      %sub3A_4873 = arith.constant 1 : i32
      %sub3A_4874 = arith.subi %div3A_4853, %sub3A_4873 : i32
      %select_n3A_4875 = arith.select %and3A_4872, %sub3A_4874, %div3A_4853 : i32
      %mul3A_4876 = arith.constant 64 : i32
      %mul3A_4877 = arith.muli %select_n3A_4875, %mul3A_4876 : i32
      %add3A_4878 = arith.addi %mul3A_4877, %add3A_2502 : i32
      %mul3A_4879 = arith.constant 4096 : i32
      %mul3A_4880 = arith.muli %add3A_4878, %mul3A_4879 : i32
      %jit3A_4881 = arith.constant 4096 : i32
      %eq3A_4882 = arith.constant 0 : i32
      %eq3A_4883 = arith.cmpi eq, %jit3A_4881, %eq3A_4882 : i32
      %jit3A_4884 = arith.constant 1 : i32
      %select_n3A_4885 = arith.select %eq3A_4883, %jit3A_4884, %jit3A_4881 : i32
      %rem3A_4886 = arith.remsi %add3A_4851, %select_n3A_4885 : i32
      %ne3A_4887 = arith.constant 0 : i32
      %ne3A_4888 = arith.cmpi ne, %rem3A_4886, %ne3A_4887 : i32
      %lt3A_4889 = arith.constant 0 : i32
      %lt3A_4890 = arith.cmpi slt, %rem3A_4886, %lt3A_4889 : i32
      %lt3A_4891 = arith.constant 0 : i32
      %lt3A_4892 = arith.cmpi slt, %select_n3A_4885, %lt3A_4891 : i32
      %ne3A_4893 = arith.xori %lt3A_4890, %lt3A_4892 : i1
      %and3A_4894 = arith.andi %ne3A_4893, %ne3A_4888 : i1
      %add3A_4895 = arith.addi %rem3A_4886, %select_n3A_4885 : i32
      %select_n3A_4896 = arith.select %and3A_4894, %add3A_4895, %rem3A_4886 : i32
      %add3A_4897 = arith.addi %mul3A_4880, %select_n3A_4896 : i32
      %dma_start3A_4898 = tpu.memref_slice %arg4[%add3A_4897] : memref<52428800xf32, #tpu.memory_space<hbm>> -> memref<2048xf32, #tpu.memory_space<hbm>>
      %dma_start3A_4899 = tpu.memref_slice %arg4[%add3A_4897] : memref<52428800xf32, #tpu.memory_space<hbm>> -> memref<2048xf32, #tpu.memory_space<hbm>>
      tpu.enqueue_dma source(%arg8 : memref<2048xf32, #tpu.memory_space<vmem>>) target(%dma_start3A_4899 : memref<2048xf32, #tpu.memory_space<hbm>>) target_semaphore(%arg18 : memref<!tpu.dma_semaphore, #tpu.memory_space<semaphore_mem>>)
      %dma_wait3A_4900 = arith.constant 47104 : i32
      %dma_wait3A_4901 = tpu.memref_slice %arg5[%dma_wait3A_4900] : memref<51200xi32, #tpu.memory_space<vmem>> -> memref<2048xi32, #tpu.memory_space<vmem>>
      %dma_wait3A_4902 = arith.constant 0 : i32
      %dma_wait3A_4903 = tpu.memref_slice %arg10[%dma_wait3A_4902] : memref<1000000xf32, #tpu.memory_space<vmem_shared>> -> memref<1000000xf32, #tpu.memory_space<vmem_shared>>
      tpu.wait_indirect_dma semaphore(%arg15 : memref<!tpu.dma_semaphore, #tpu.memory_space<semaphore_mem>>) src(%dma_wait3A_4903 : memref<1000000xf32, #tpu.memory_space<vmem_shared>>) dst(%arg9 : memref<2048xf32, #tpu.memory_space<vmem>>)
      %add3A_4904 = arith.constant 47104 : i32
      %add3A_4905 = arith.addi %mul3A_0, %add3A_4904 : i32
      %jit3A_4906 = arith.constant 4096 : i32
      %div3A_4907 = arith.divsi %add3A_4905, %jit3A_4906 : i32
      %sign3A_4908 = arith.constant 0 : i32
      %sign3A_4909 = arith.cmpi sgt, %add3A_4905, %sign3A_4908 : i32
      %sign3A_4910 = arith.extui %sign3A_4909 : i1 to i32
      %sign3A_4911 = arith.constant 0 : i32
      %sign3A_4912 = arith.cmpi slt, %add3A_4905, %sign3A_4911 : i32
      %sign3A_4913 = arith.extui %sign3A_4912 : i1 to i32
      %sign3A_4914 = arith.subi %sign3A_4910, %sign3A_4913 : i32
      %sign3A_4915 = arith.constant 0 : i32
      %sign3A_4916 = arith.cmpi sgt, %jit3A_4906, %sign3A_4915 : i32
      %sign3A_4917 = arith.extui %sign3A_4916 : i1 to i32
      %sign3A_4918 = arith.constant 0 : i32
      %sign3A_4919 = arith.cmpi slt, %jit3A_4906, %sign3A_4918 : i32
      %sign3A_4920 = arith.extui %sign3A_4919 : i1 to i32
      %sign3A_4921 = arith.subi %sign3A_4917, %sign3A_4920 : i32
      %ne3A_4922 = arith.cmpi ne, %sign3A_4914, %sign3A_4921 : i32
      %rem3A_4923 = arith.remsi %add3A_4905, %jit3A_4906 : i32
      %ne3A_4924 = arith.constant 0 : i32
      %ne3A_4925 = arith.cmpi ne, %rem3A_4923, %ne3A_4924 : i32
      %and3A_4926 = arith.andi %ne3A_4922, %ne3A_4925 : i1
      %sub3A_4927 = arith.constant 1 : i32
      %sub3A_4928 = arith.subi %div3A_4907, %sub3A_4927 : i32
      %select_n3A_4929 = arith.select %and3A_4926, %sub3A_4928, %div3A_4907 : i32
      %mul3A_4930 = arith.constant 64 : i32
      %mul3A_4931 = arith.muli %select_n3A_4929, %mul3A_4930 : i32
      %add3A_4932 = arith.addi %mul3A_4931, %add3A_2502 : i32
      %mul3A_4933 = arith.constant 4096 : i32
      %mul3A_4934 = arith.muli %add3A_4932, %mul3A_4933 : i32
      %jit3A_4935 = arith.constant 4096 : i32
      %eq3A_4936 = arith.constant 0 : i32
      %eq3A_4937 = arith.cmpi eq, %jit3A_4935, %eq3A_4936 : i32
      %jit3A_4938 = arith.constant 1 : i32
      %select_n3A_4939 = arith.select %eq3A_4937, %jit3A_4938, %jit3A_4935 : i32
      %rem3A_4940 = arith.remsi %add3A_4905, %select_n3A_4939 : i32
      %ne3A_4941 = arith.constant 0 : i32
      %ne3A_4942 = arith.cmpi ne, %rem3A_4940, %ne3A_4941 : i32
      %lt3A_4943 = arith.constant 0 : i32
      %lt3A_4944 = arith.cmpi slt, %rem3A_4940, %lt3A_4943 : i32
      %lt3A_4945 = arith.constant 0 : i32
      %lt3A_4946 = arith.cmpi slt, %select_n3A_4939, %lt3A_4945 : i32
      %ne3A_4947 = arith.xori %lt3A_4944, %lt3A_4946 : i1
      %and3A_4948 = arith.andi %ne3A_4947, %ne3A_4942 : i1
      %add3A_4949 = arith.addi %rem3A_4940, %select_n3A_4939 : i32
      %select_n3A_4950 = arith.select %and3A_4948, %add3A_4949, %rem3A_4940 : i32
      %add3A_4951 = arith.addi %mul3A_4934, %select_n3A_4950 : i32
      %dma_start3A_4952 = tpu.memref_slice %arg4[%add3A_4951] : memref<52428800xf32, #tpu.memory_space<hbm>> -> memref<2048xf32, #tpu.memory_space<hbm>>
      %dma_start3A_4953 = tpu.memref_slice %arg4[%add3A_4951] : memref<52428800xf32, #tpu.memory_space<hbm>> -> memref<2048xf32, #tpu.memory_space<hbm>>
      tpu.enqueue_dma source(%arg9 : memref<2048xf32, #tpu.memory_space<vmem>>) target(%dma_start3A_4953 : memref<2048xf32, #tpu.memory_space<hbm>>) target_semaphore(%arg19 : memref<!tpu.dma_semaphore, #tpu.memory_space<semaphore_mem>>)
      %dma_wait3A_4954 = arith.constant 49152 : i32
      %dma_wait3A_4955 = tpu.memref_slice %arg5[%dma_wait3A_4954] : memref<51200xi32, #tpu.memory_space<vmem>> -> memref<2048xi32, #tpu.memory_space<vmem>>
      %dma_wait3A_4956 = arith.constant 0 : i32
      %dma_wait3A_4957 = tpu.memref_slice %arg10[%dma_wait3A_4956] : memref<1000000xf32, #tpu.memory_space<vmem_shared>> -> memref<1000000xf32, #tpu.memory_space<vmem_shared>>
      tpu.wait_indirect_dma semaphore(%arg12 : memref<!tpu.dma_semaphore, #tpu.memory_space<semaphore_mem>>) src(%dma_wait3A_4957 : memref<1000000xf32, #tpu.memory_space<vmem_shared>>) dst(%arg6 : memref<2048xf32, #tpu.memory_space<vmem>>)
      %add3A_4958 = arith.constant 49152 : i32
      %add3A_4959 = arith.addi %mul3A_0, %add3A_4958 : i32
      %jit3A_4960 = arith.constant 4096 : i32
      %div3A_4961 = arith.divsi %add3A_4959, %jit3A_4960 : i32
      %sign3A_4962 = arith.constant 0 : i32
      %sign3A_4963 = arith.cmpi sgt, %add3A_4959, %sign3A_4962 : i32
      %sign3A_4964 = arith.extui %sign3A_4963 : i1 to i32
      %sign3A_4965 = arith.constant 0 : i32
      %sign3A_4966 = arith.cmpi slt, %add3A_4959, %sign3A_4965 : i32
      %sign3A_4967 = arith.extui %sign3A_4966 : i1 to i32
      %sign3A_4968 = arith.subi %sign3A_4964, %sign3A_4967 : i32
      %sign3A_4969 = arith.constant 0 : i32
      %sign3A_4970 = arith.cmpi sgt, %jit3A_4960, %sign3A_4969 : i32
      %sign3A_4971 = arith.extui %sign3A_4970 : i1 to i32
      %sign3A_4972 = arith.constant 0 : i32
      %sign3A_4973 = arith.cmpi slt, %jit3A_4960, %sign3A_4972 : i32
      %sign3A_4974 = arith.extui %sign3A_4973 : i1 to i32
      %sign3A_4975 = arith.subi %sign3A_4971, %sign3A_4974 : i32
      %ne3A_4976 = arith.cmpi ne, %sign3A_4968, %sign3A_4975 : i32
      %rem3A_4977 = arith.remsi %add3A_4959, %jit3A_4960 : i32
      %ne3A_4978 = arith.constant 0 : i32
      %ne3A_4979 = arith.cmpi ne, %rem3A_4977, %ne3A_4978 : i32
      %and3A_4980 = arith.andi %ne3A_4976, %ne3A_4979 : i1
      %sub3A_4981 = arith.constant 1 : i32
      %sub3A_4982 = arith.subi %div3A_4961, %sub3A_4981 : i32
      %select_n3A_4983 = arith.select %and3A_4980, %sub3A_4982, %div3A_4961 : i32
      %mul3A_4984 = arith.constant 64 : i32
      %mul3A_4985 = arith.muli %select_n3A_4983, %mul3A_4984 : i32
      %add3A_4986 = arith.addi %mul3A_4985, %add3A_2502 : i32
      %mul3A_4987 = arith.constant 4096 : i32
      %mul3A_4988 = arith.muli %add3A_4986, %mul3A_4987 : i32
      %jit3A_4989 = arith.constant 4096 : i32
      %eq3A_4990 = arith.constant 0 : i32
      %eq3A_4991 = arith.cmpi eq, %jit3A_4989, %eq3A_4990 : i32
      %jit3A_4992 = arith.constant 1 : i32
      %select_n3A_4993 = arith.select %eq3A_4991, %jit3A_4992, %jit3A_4989 : i32
      %rem3A_4994 = arith.remsi %add3A_4959, %select_n3A_4993 : i32
      %ne3A_4995 = arith.constant 0 : i32
      %ne3A_4996 = arith.cmpi ne, %rem3A_4994, %ne3A_4995 : i32
      %lt3A_4997 = arith.constant 0 : i32
      %lt3A_4998 = arith.cmpi slt, %rem3A_4994, %lt3A_4997 : i32
      %lt3A_4999 = arith.constant 0 : i32
      %lt3A_5000 = arith.cmpi slt, %select_n3A_4993, %lt3A_4999 : i32
      %ne3A_5001 = arith.xori %lt3A_4998, %lt3A_5000 : i1
      %and3A_5002 = arith.andi %ne3A_5001, %ne3A_4996 : i1
      %add3A_5003 = arith.addi %rem3A_4994, %select_n3A_4993 : i32
      %select_n3A_5004 = arith.select %and3A_5002, %add3A_5003, %rem3A_4994 : i32
      %add3A_5005 = arith.addi %mul3A_4988, %select_n3A_5004 : i32
      %dma_start3A_5006 = tpu.memref_slice %arg4[%add3A_5005] : memref<52428800xf32, #tpu.memory_space<hbm>> -> memref<2048xf32, #tpu.memory_space<hbm>>
      %dma_start3A_5007 = tpu.memref_slice %arg4[%add3A_5005] : memref<52428800xf32, #tpu.memory_space<hbm>> -> memref<2048xf32, #tpu.memory_space<hbm>>
      tpu.enqueue_dma source(%arg6 : memref<2048xf32, #tpu.memory_space<vmem>>) target(%dma_start3A_5007 : memref<2048xf32, #tpu.memory_space<hbm>>) target_semaphore(%arg16 : memref<!tpu.dma_semaphore, #tpu.memory_space<semaphore_mem>>)
      %barrier3A_5008 = arith.constant 0 : index
      tpu.barrier barrier_id(%barrier3A_5008)
      %eq3A_5009 = arith.constant 0 : i32
      %eq3A_5010 = arith.cmpi eq, %arg1, %eq3A_5009 : i32
      %add3A_5011 = arith.constant 1 : i32
      %add3A_5012 = arith.addi %add3A_2501, %add3A_5011 : i32
      %lt3A_5013 = arith.constant 32 : i32
      %lt3A_5014 = arith.cmpi slt, %add3A_5012, %lt3A_5013 : i32
      %and3A_5015 = arith.andi %eq3A_5010, %lt3A_5014 : i1
      %convert_element_type3A_5016 = arith.extui %and3A_5015 : i1 to i32
      %cond3A_5017 = arith.constant 0 : i32
      %cond3A_5018 = arith.cmpi ne, %convert_element_type3A_5016, %cond3A_5017 : i32
      scf.if %cond3A_5018 {
        %add3A_5219 = arith.constant 1 : i32
        %add3A_5220 = arith.addi %add3A_2502, %add3A_5219 : i32
        %dma_start3A_5221 = arith.constant 0 : i32
        %dma_start3A_5222 = tpu.memref_slice %arg2[%add3A_5220, %dma_start3A_5221] : memref<64x1000000xf32, #tpu.memory_space<hbm>> -> memref<1x1000000xf32, #tpu.memory_space<hbm>>
        %dma_start3A_5223 = tpu.memref_squeeze %dma_start3A_5222 : memref<1x1000000xf32, #tpu.memory_space<hbm>> -> memref<1000000xf32, #tpu.memory_space<hbm>>
        tpu.enqueue_dma source(%dma_start3A_5223 : memref<1000000xf32, #tpu.memory_space<hbm>>) target(%arg10 : memref<1000000xf32, #tpu.memory_space<vmem_shared>>) target_semaphore(%arg11 : memref<!tpu.dma_semaphore, #tpu.memory_space<semaphore_mem>>)
      } else {
      }
      %add3A_5019 = arith.constant 43008 : i32
      %add3A_5020 = arith.addi %mul3A_0, %add3A_5019 : i32
      %jit3A_5021 = arith.constant 4096 : i32
      %div3A_5022 = arith.divsi %add3A_5020, %jit3A_5021 : i32
      %sign3A_5023 = arith.constant 0 : i32
      %sign3A_5024 = arith.cmpi sgt, %add3A_5020, %sign3A_5023 : i32
      %sign3A_5025 = arith.extui %sign3A_5024 : i1 to i32
      %sign3A_5026 = arith.constant 0 : i32
      %sign3A_5027 = arith.cmpi slt, %add3A_5020, %sign3A_5026 : i32
      %sign3A_5028 = arith.extui %sign3A_5027 : i1 to i32
      %sign3A_5029 = arith.subi %sign3A_5025, %sign3A_5028 : i32
      %sign3A_5030 = arith.constant 0 : i32
      %sign3A_5031 = arith.cmpi sgt, %jit3A_5021, %sign3A_5030 : i32
      %sign3A_5032 = arith.extui %sign3A_5031 : i1 to i32
      %sign3A_5033 = arith.constant 0 : i32
      %sign3A_5034 = arith.cmpi slt, %jit3A_5021, %sign3A_5033 : i32
      %sign3A_5035 = arith.extui %sign3A_5034 : i1 to i32
      %sign3A_5036 = arith.subi %sign3A_5032, %sign3A_5035 : i32
      %ne3A_5037 = arith.cmpi ne, %sign3A_5029, %sign3A_5036 : i32
      %rem3A_5038 = arith.remsi %add3A_5020, %jit3A_5021 : i32
      %ne3A_5039 = arith.constant 0 : i32
      %ne3A_5040 = arith.cmpi ne, %rem3A_5038, %ne3A_5039 : i32
      %and3A_5041 = arith.andi %ne3A_5037, %ne3A_5040 : i1
      %sub3A_5042 = arith.constant 1 : i32
      %sub3A_5043 = arith.subi %div3A_5022, %sub3A_5042 : i32
      %select_n3A_5044 = arith.select %and3A_5041, %sub3A_5043, %div3A_5022 : i32
      %mul3A_5045 = arith.constant 64 : i32
      %mul3A_5046 = arith.muli %select_n3A_5044, %mul3A_5045 : i32
      %add3A_5047 = arith.addi %mul3A_5046, %add3A_2502 : i32
      %mul3A_5048 = arith.constant 4096 : i32
      %mul3A_5049 = arith.muli %add3A_5047, %mul3A_5048 : i32
      %jit3A_5050 = arith.constant 4096 : i32
      %eq3A_5051 = arith.constant 0 : i32
      %eq3A_5052 = arith.cmpi eq, %jit3A_5050, %eq3A_5051 : i32
      %jit3A_5053 = arith.constant 1 : i32
      %select_n3A_5054 = arith.select %eq3A_5052, %jit3A_5053, %jit3A_5050 : i32
      %rem3A_5055 = arith.remsi %add3A_5020, %select_n3A_5054 : i32
      %ne3A_5056 = arith.constant 0 : i32
      %ne3A_5057 = arith.cmpi ne, %rem3A_5055, %ne3A_5056 : i32
      %lt3A_5058 = arith.constant 0 : i32
      %lt3A_5059 = arith.cmpi slt, %rem3A_5055, %lt3A_5058 : i32
      %lt3A_5060 = arith.constant 0 : i32
      %lt3A_5061 = arith.cmpi slt, %select_n3A_5054, %lt3A_5060 : i32
      %ne3A_5062 = arith.xori %lt3A_5059, %lt3A_5061 : i1
      %and3A_5063 = arith.andi %ne3A_5062, %ne3A_5057 : i1
      %add3A_5064 = arith.addi %rem3A_5055, %select_n3A_5054 : i32
      %select_n3A_5065 = arith.select %and3A_5063, %add3A_5064, %rem3A_5055 : i32
      %add3A_5066 = arith.addi %mul3A_5049, %select_n3A_5065 : i32
      %dma_wait3A_5067 = tpu.memref_slice %arg4[%add3A_5066] : memref<52428800xf32, #tpu.memory_space<hbm>> -> memref<2048xf32, #tpu.memory_space<hbm>>
      %dma_wait3A_5068 = tpu.memref_slice %arg4[%add3A_5066] : memref<52428800xf32, #tpu.memory_space<hbm>> -> memref<2048xf32, #tpu.memory_space<hbm>>
      tpu.wait_dma2 semaphore(%arg17 : memref<!tpu.dma_semaphore, #tpu.memory_space<semaphore_mem>>) src(%arg7 : memref<2048xf32, #tpu.memory_space<vmem>>) dst(%dma_wait3A_5068 : memref<2048xf32, #tpu.memory_space<hbm>>)
      %add3A_5069 = arith.constant 45056 : i32
      %add3A_5070 = arith.addi %mul3A_0, %add3A_5069 : i32
      %jit3A_5071 = arith.constant 4096 : i32
      %div3A_5072 = arith.divsi %add3A_5070, %jit3A_5071 : i32
      %sign3A_5073 = arith.constant 0 : i32
      %sign3A_5074 = arith.cmpi sgt, %add3A_5070, %sign3A_5073 : i32
      %sign3A_5075 = arith.extui %sign3A_5074 : i1 to i32
      %sign3A_5076 = arith.constant 0 : i32
      %sign3A_5077 = arith.cmpi slt, %add3A_5070, %sign3A_5076 : i32
      %sign3A_5078 = arith.extui %sign3A_5077 : i1 to i32
      %sign3A_5079 = arith.subi %sign3A_5075, %sign3A_5078 : i32
      %sign3A_5080 = arith.constant 0 : i32
      %sign3A_5081 = arith.cmpi sgt, %jit3A_5071, %sign3A_5080 : i32
      %sign3A_5082 = arith.extui %sign3A_5081 : i1 to i32
      %sign3A_5083 = arith.constant 0 : i32
      %sign3A_5084 = arith.cmpi slt, %jit3A_5071, %sign3A_5083 : i32
      %sign3A_5085 = arith.extui %sign3A_5084 : i1 to i32
      %sign3A_5086 = arith.subi %sign3A_5082, %sign3A_5085 : i32
      %ne3A_5087 = arith.cmpi ne, %sign3A_5079, %sign3A_5086 : i32
      %rem3A_5088 = arith.remsi %add3A_5070, %jit3A_5071 : i32
      %ne3A_5089 = arith.constant 0 : i32
      %ne3A_5090 = arith.cmpi ne, %rem3A_5088, %ne3A_5089 : i32
      %and3A_5091 = arith.andi %ne3A_5087, %ne3A_5090 : i1
      %sub3A_5092 = arith.constant 1 : i32
      %sub3A_5093 = arith.subi %div3A_5072, %sub3A_5092 : i32
      %select_n3A_5094 = arith.select %and3A_5091, %sub3A_5093, %div3A_5072 : i32
      %mul3A_5095 = arith.constant 64 : i32
      %mul3A_5096 = arith.muli %select_n3A_5094, %mul3A_5095 : i32
      %add3A_5097 = arith.addi %mul3A_5096, %add3A_2502 : i32
      %mul3A_5098 = arith.constant 4096 : i32
      %mul3A_5099 = arith.muli %add3A_5097, %mul3A_5098 : i32
      %jit3A_5100 = arith.constant 4096 : i32
      %eq3A_5101 = arith.constant 0 : i32
      %eq3A_5102 = arith.cmpi eq, %jit3A_5100, %eq3A_5101 : i32
      %jit3A_5103 = arith.constant 1 : i32
      %select_n3A_5104 = arith.select %eq3A_5102, %jit3A_5103, %jit3A_5100 : i32
      %rem3A_5105 = arith.remsi %add3A_5070, %select_n3A_5104 : i32
      %ne3A_5106 = arith.constant 0 : i32
      %ne3A_5107 = arith.cmpi ne, %rem3A_5105, %ne3A_5106 : i32
      %lt3A_5108 = arith.constant 0 : i32
      %lt3A_5109 = arith.cmpi slt, %rem3A_5105, %lt3A_5108 : i32
      %lt3A_5110 = arith.constant 0 : i32
      %lt3A_5111 = arith.cmpi slt, %select_n3A_5104, %lt3A_5110 : i32
      %ne3A_5112 = arith.xori %lt3A_5109, %lt3A_5111 : i1
      %and3A_5113 = arith.andi %ne3A_5112, %ne3A_5107 : i1
      %add3A_5114 = arith.addi %rem3A_5105, %select_n3A_5104 : i32
      %select_n3A_5115 = arith.select %and3A_5113, %add3A_5114, %rem3A_5105 : i32
      %add3A_5116 = arith.addi %mul3A_5099, %select_n3A_5115 : i32
      %dma_wait3A_5117 = tpu.memref_slice %arg4[%add3A_5116] : memref<52428800xf32, #tpu.memory_space<hbm>> -> memref<2048xf32, #tpu.memory_space<hbm>>
      %dma_wait3A_5118 = tpu.memref_slice %arg4[%add3A_5116] : memref<52428800xf32, #tpu.memory_space<hbm>> -> memref<2048xf32, #tpu.memory_space<hbm>>
      tpu.wait_dma2 semaphore(%arg18 : memref<!tpu.dma_semaphore, #tpu.memory_space<semaphore_mem>>) src(%arg8 : memref<2048xf32, #tpu.memory_space<vmem>>) dst(%dma_wait3A_5118 : memref<2048xf32, #tpu.memory_space<hbm>>)
      %add3A_5119 = arith.constant 47104 : i32
      %add3A_5120 = arith.addi %mul3A_0, %add3A_5119 : i32
      %jit3A_5121 = arith.constant 4096 : i32
      %div3A_5122 = arith.divsi %add3A_5120, %jit3A_5121 : i32
      %sign3A_5123 = arith.constant 0 : i32
      %sign3A_5124 = arith.cmpi sgt, %add3A_5120, %sign3A_5123 : i32
      %sign3A_5125 = arith.extui %sign3A_5124 : i1 to i32
      %sign3A_5126 = arith.constant 0 : i32
      %sign3A_5127 = arith.cmpi slt, %add3A_5120, %sign3A_5126 : i32
      %sign3A_5128 = arith.extui %sign3A_5127 : i1 to i32
      %sign3A_5129 = arith.subi %sign3A_5125, %sign3A_5128 : i32
      %sign3A_5130 = arith.constant 0 : i32
      %sign3A_5131 = arith.cmpi sgt, %jit3A_5121, %sign3A_5130 : i32
      %sign3A_5132 = arith.extui %sign3A_5131 : i1 to i32
      %sign3A_5133 = arith.constant 0 : i32
      %sign3A_5134 = arith.cmpi slt, %jit3A_5121, %sign3A_5133 : i32
      %sign3A_5135 = arith.extui %sign3A_5134 : i1 to i32
      %sign3A_5136 = arith.subi %sign3A_5132, %sign3A_5135 : i32
      %ne3A_5137 = arith.cmpi ne, %sign3A_5129, %sign3A_5136 : i32
      %rem3A_5138 = arith.remsi %add3A_5120, %jit3A_5121 : i32
      %ne3A_5139 = arith.constant 0 : i32
      %ne3A_5140 = arith.cmpi ne, %rem3A_5138, %ne3A_5139 : i32
      %and3A_5141 = arith.andi %ne3A_5137, %ne3A_5140 : i1
      %sub3A_5142 = arith.constant 1 : i32
      %sub3A_5143 = arith.subi %div3A_5122, %sub3A_5142 : i32
      %select_n3A_5144 = arith.select %and3A_5141, %sub3A_5143, %div3A_5122 : i32
      %mul3A_5145 = arith.constant 64 : i32
      %mul3A_5146 = arith.muli %select_n3A_5144, %mul3A_5145 : i32
      %add3A_5147 = arith.addi %mul3A_5146, %add3A_2502 : i32
      %mul3A_5148 = arith.constant 4096 : i32
      %mul3A_5149 = arith.muli %add3A_5147, %mul3A_5148 : i32
      %jit3A_5150 = arith.constant 4096 : i32
      %eq3A_5151 = arith.constant 0 : i32
      %eq3A_5152 = arith.cmpi eq, %jit3A_5150, %eq3A_5151 : i32
      %jit3A_5153 = arith.constant 1 : i32
      %select_n3A_5154 = arith.select %eq3A_5152, %jit3A_5153, %jit3A_5150 : i32
      %rem3A_5155 = arith.remsi %add3A_5120, %select_n3A_5154 : i32
      %ne3A_5156 = arith.constant 0 : i32
      %ne3A_5157 = arith.cmpi ne, %rem3A_5155, %ne3A_5156 : i32
      %lt3A_5158 = arith.constant 0 : i32
      %lt3A_5159 = arith.cmpi slt, %rem3A_5155, %lt3A_5158 : i32
      %lt3A_5160 = arith.constant 0 : i32
      %lt3A_5161 = arith.cmpi slt, %select_n3A_5154, %lt3A_5160 : i32
      %ne3A_5162 = arith.xori %lt3A_5159, %lt3A_5161 : i1
      %and3A_5163 = arith.andi %ne3A_5162, %ne3A_5157 : i1
      %add3A_5164 = arith.addi %rem3A_5155, %select_n3A_5154 : i32
      %select_n3A_5165 = arith.select %and3A_5163, %add3A_5164, %rem3A_5155 : i32
      %add3A_5166 = arith.addi %mul3A_5149, %select_n3A_5165 : i32
      %dma_wait3A_5167 = tpu.memref_slice %arg4[%add3A_5166] : memref<52428800xf32, #tpu.memory_space<hbm>> -> memref<2048xf32, #tpu.memory_space<hbm>>
      %dma_wait3A_5168 = tpu.memref_slice %arg4[%add3A_5166] : memref<52428800xf32, #tpu.memory_space<hbm>> -> memref<2048xf32, #tpu.memory_space<hbm>>
      tpu.wait_dma2 semaphore(%arg19 : memref<!tpu.dma_semaphore, #tpu.memory_space<semaphore_mem>>) src(%arg9 : memref<2048xf32, #tpu.memory_space<vmem>>) dst(%dma_wait3A_5168 : memref<2048xf32, #tpu.memory_space<hbm>>)
      %add3A_5169 = arith.constant 49152 : i32
      %add3A_5170 = arith.addi %mul3A_0, %add3A_5169 : i32
      %jit3A_5171 = arith.constant 4096 : i32
      %div3A_5172 = arith.divsi %add3A_5170, %jit3A_5171 : i32
      %sign3A_5173 = arith.constant 0 : i32
      %sign3A_5174 = arith.cmpi sgt, %add3A_5170, %sign3A_5173 : i32
      %sign3A_5175 = arith.extui %sign3A_5174 : i1 to i32
      %sign3A_5176 = arith.constant 0 : i32
      %sign3A_5177 = arith.cmpi slt, %add3A_5170, %sign3A_5176 : i32
      %sign3A_5178 = arith.extui %sign3A_5177 : i1 to i32
      %sign3A_5179 = arith.subi %sign3A_5175, %sign3A_5178 : i32
      %sign3A_5180 = arith.constant 0 : i32
      %sign3A_5181 = arith.cmpi sgt, %jit3A_5171, %sign3A_5180 : i32
      %sign3A_5182 = arith.extui %sign3A_5181 : i1 to i32
      %sign3A_5183 = arith.constant 0 : i32
      %sign3A_5184 = arith.cmpi slt, %jit3A_5171, %sign3A_5183 : i32
      %sign3A_5185 = arith.extui %sign3A_5184 : i1 to i32
      %sign3A_5186 = arith.subi %sign3A_5182, %sign3A_5185 : i32
      %ne3A_5187 = arith.cmpi ne, %sign3A_5179, %sign3A_5186 : i32
      %rem3A_5188 = arith.remsi %add3A_5170, %jit3A_5171 : i32
      %ne3A_5189 = arith.constant 0 : i32
      %ne3A_5190 = arith.cmpi ne, %rem3A_5188, %ne3A_5189 : i32
      %and3A_5191 = arith.andi %ne3A_5187, %ne3A_5190 : i1
      %sub3A_5192 = arith.constant 1 : i32
      %sub3A_5193 = arith.subi %div3A_5172, %sub3A_5192 : i32
      %select_n3A_5194 = arith.select %and3A_5191, %sub3A_5193, %div3A_5172 : i32
      %mul3A_5195 = arith.constant 64 : i32
      %mul3A_5196 = arith.muli %select_n3A_5194, %mul3A_5195 : i32
      %add3A_5197 = arith.addi %mul3A_5196, %add3A_2502 : i32
      %mul3A_5198 = arith.constant 4096 : i32
      %mul3A_5199 = arith.muli %add3A_5197, %mul3A_5198 : i32
      %jit3A_5200 = arith.constant 4096 : i32
      %eq3A_5201 = arith.constant 0 : i32
      %eq3A_5202 = arith.cmpi eq, %jit3A_5200, %eq3A_5201 : i32
      %jit3A_5203 = arith.constant 1 : i32
      %select_n3A_5204 = arith.select %eq3A_5202, %jit3A_5203, %jit3A_5200 : i32
      %rem3A_5205 = arith.remsi %add3A_5170, %select_n3A_5204 : i32
      %ne3A_5206 = arith.constant 0 : i32
      %ne3A_5207 = arith.cmpi ne, %rem3A_5205, %ne3A_5206 : i32
      %lt3A_5208 = arith.constant 0 : i32
      %lt3A_5209 = arith.cmpi slt, %rem3A_5205, %lt3A_5208 : i32
      %lt3A_5210 = arith.constant 0 : i32
      %lt3A_5211 = arith.cmpi slt, %select_n3A_5204, %lt3A_5210 : i32
      %ne3A_5212 = arith.xori %lt3A_5209, %lt3A_5211 : i1
      %and3A_5213 = arith.andi %ne3A_5212, %ne3A_5207 : i1
      %add3A_5214 = arith.addi %rem3A_5205, %select_n3A_5204 : i32
      %select_n3A_5215 = arith.select %and3A_5213, %add3A_5214, %rem3A_5205 : i32
      %add3A_5216 = arith.addi %mul3A_5199, %select_n3A_5215 : i32
      %dma_wait3A_5217 = tpu.memref_slice %arg4[%add3A_5216] : memref<52428800xf32, #tpu.memory_space<hbm>> -> memref<2048xf32, #tpu.memory_space<hbm>>
      %dma_wait3A_5218 = tpu.memref_slice %arg4[%add3A_5216] : memref<52428800xf32, #tpu.memory_space<hbm>> -> memref<2048xf32, #tpu.memory_space<hbm>>
      tpu.wait_dma2 semaphore(%arg16 : memref<!tpu.dma_semaphore, #tpu.memory_space<semaphore_mem>>) src(%arg6 : memref<2048xf32, #tpu.memory_space<vmem>>) dst(%dma_wait3A_5218 : memref<2048xf32, #tpu.memory_space<hbm>>)
    }
    %scan3A_2496 = arith.constant 32 : i32
    return
  }
}

</mosaic_0001>

<sc_bundles>
// kernel: kernel.3.cloned.1.call-start
scs
__scs_entry_jumppad:
0x0: {  	(pc) =	sbr.rel $0x88, $3  }
0x1: {  	(tag) =	ssettag $0x0;
	lr =	simm.s32 $0x1  }
0x2: {  	[smem:$0x3F9F] =	sst lr;
	_ =	strace $0xD0000000  }
0x3: {  	_ = 	snop  }
0x4: {  	_ = 	snop  }
0x5: {  	_ = 	snop  }
0x6: {  	_ = 	snop  }
0x7: {  	_ = 	snop  }
__scs_overlays_trampoline_lowered:
0x8: {  	[smem:$0x3FAE] =	sst s0  }
0x9: {  	[smem:$0x3FAF] =	sst s1  }
0xa: {  	[smem:$0x3FB0] =	sst s2  }
0xb: {  	[smem:$0x3FB1] =	sst s3  }
0xc: {  	[smem:$0x3FB2] =	sst s4  }
0xd: {  	[smem:$0x3FB3] =	sst s5  }
0xe: {  	[smem:$0x3FB4] =	sst s6  }
0xf: {  	[smem:$0x3FB5] =	sst s7  }
0x10: {  	[smem:$0x3FB6] =	sst s8  }
0x11: {  	[smem:$0x3FB7] =	sst s9;
	s0 =	simm.s32 @!p0 $0x0  }
0x12: {  	s1 =	sld [smem:$0x3F9D];
	s0 =	simm.s32 @p0 $0x1  }
0x13: {  	[smem:$0x3FB8] =	sst s0;
	s0 =	simm.s32 @!p1 $0x0  }
0x14: {  	s2 =	sld [smem:$0x3F9C];
	s0 =	simm.s32 @p1 $0x1  }
0x15: {  	[smem:$0x3FB9] =	sst s0;
	s0 =	simm.s32 @!p2 $0x0  }
0x16: {  	s3 =	sld [smem:$0x3FDB];
	s0 =	simm.s32 @p2 $0x1  }
0x17: {  	s4 =	simm.s32 $0x1BF5;
	[smem:$0x3FBB] =	sst s0  }
0x18: {  	s0 =	sld [smem:$0x3F9E];
	_ =	swait.ge [sflag:s4], $0x0  }
0x19: {  	s7 =	sld [smem:$0x3F9F]  }
0x1a: {  	s8 =	sadd.s32 $0xFFFFE003, lr  }
0x1b: {  	s9 =	sadd.s32 $0xFFFFFEF7, lr;
	s5 =	simm.s32 $0xFFFFFFFF;
	p2 =	slt.u32 s8, $0xFFFFF086  }
0x1c: {  	p1 =	slt.u32 s9, $0xF7A;
	s5 =	simm.s32 @!p2 $0x0  }
0x1d: {  	s5 =	simm.s32 @p1 $0x1;
	p0 =	seq.s32 s7, s2  }
0x1e: {  	s7 =	smul.u32 @!p0 $0xF7A, s2;
	p2 =	seq.s32 @!p0 s5, $0x0  }
0x1f: {  	s9 =	smul.u32 $0xF7A, s1;
	s8 =	simm.s32 @!p0 $0x1BF5;
	p2 =	por !p2, p0  }
0x20: {  	[sflag:s8] =	ssyncset.s32 @!p0 $0xFFFFF086;
	s6 =	sadd.s32 @!p0 s3, s7;
	s7 =	simm.s32 @!p0 $0x108  }
0x21: {  	s3 =	sadd.s32 s3, s9;
	s6 =	sadd.s32 @!p0 $0x88, s6;
	s7 =	simm.s32 @p2 $0x1082  }
0x22: {  	[simem:s7], [sflag:s8] =	dma.local @!p0 [hbm:s6], $0xF7A  }
0x23: {  	s9 =	sor.u32 $0xD0000000, s2;
	s6 =	simm.s32 $0x108;
	_ =	swait.ge @!p0 [sflag:s8], $0x0  }
0x24: {  	s3 =	sadd.s32 $0x88, s3;
	s6 =	simm.s32 @!p1 $0x1082;
	[sflag:s4] =	ssyncset.s32 $0xFFFFF086  }
0x25: {  	[simem:s6], [sflag:s4] =	dma.local [hbm:s3], $0xF7A  }
0x26: {  	[smem:$0x3F9F] =	sst s1;
	(tag) =	ssettag s2;
	_ =	strace s9  }
0x27: {  	s1 =	sld [smem:$0x3FAF]  }
0x28: {  	s2 =	sld [smem:$0x3FB0]  }
0x29: {  	s4 =	sld [smem:$0x3FB2]  }
0x2a: {  	p0 =	seq.s32 s5, $0x0;
	s5 =	sld [smem:$0x3FB3]  }
0x2b: {  	s6 =	sld [smem:$0x3FB4]  }
0x2c: {  	s7 =	sld [smem:$0x3FB5]  }
0x2d: {  	s3 =	simm.s32 $0x108;
	s8 =	sld [smem:$0x3FB6]  }
0x2e: {  	s3 =	simm.s32 @!p0 $0x1082;
	s9 =	sld [smem:$0x3FB7]  }
0x2f: {  	lr =	sadd.s32 s0, s3;
	s0 =	sld [smem:$0x3FAE]  }
0x30: {  	s3 =	sld [smem:$0x3FB1]  }
0x31: {  	[smem:$0x3FBA] =	sst s10  }
0x32: {  	s10 =	sld [smem:$0x3FB8];
	_ =	sdelay $0x3  }
0x33: {  	p0 =	seq.s32 s10, $0x1;
	s10 =	sld [smem:$0x3FBA];
	_ =	sdelay $0x3  }
0x34: {  	[smem:$0x3FBA] =	sst s10  }
0x35: {  	s10 =	sld [smem:$0x3FB9];
	_ =	sdelay $0x3  }
0x36: {  	p1 =	seq.s32 s10, $0x1;
	s10 =	sld [smem:$0x3FBA];
	_ =	sdelay $0x3  }
0x37: {  	[smem:$0x3FBA] =	sst s10  }
0x38: {  	s10 =	sld [smem:$0x3FBB]  }
0x39: {  	_ = 	snop;
	(pc) =	sbr.ind lr, $3  }
0x3a: {  	_ = 	snop  }
0x3b: {  	_ = 	snop  }
0x3c: {  	p2 =	seq.s32 s10, $0x1;
	s10 =	sld [smem:$0x3FBA]  }
0x3d: {  	_ =	shalt  }
0x3e: {  	_ =	shalt  }
0x3f: {  	_ =	shalt  }
0x40: {  	_ =	shalt  }
0x41: {  	_ =	shalt  }
0x42: {  	_ =	shalt  }
0x43: {  	_ =	shalt  }
0x44: {  	_ =	shalt  }
0x45: {  	_ =	shalt  }
0x46: {  	_ =	shalt  }
0x47: {  	_ =	shalt  }
0x48: {  	_ =	shalt  }
0x49: {  	_ =	shalt  }
0x4a: {  	_ =	shalt  }
0x4b: {  	_ =	shalt  }
0x4c: {  	_ =	shalt  }
0x4d: {  	_ =	shalt  }
0x4e: {  	_ =	shalt  }
0x4f: {  	_ =	shalt  }
0x50: {  	_ =	shalt  }
0x51: {  	_ =	shalt  }
0x52: {  	_ =	shalt  }
0x53: {  	_ =	shalt  }
0x54: {  	_ =	shalt  }
0x55: {  	_ =	shalt  }
0x56: {  	_ =	shalt  }
0x57: {  	_ =	shalt  }
0x58: {  	_ =	shalt  }
0x59: {  	_ =	shalt  }
0x5a: {  	_ =	shalt  }
0x5b: {  	_ =	shalt  }
0x5c: {  	_ =	shalt  }
0x5d: {  	_ =	shalt  }
0x5e: {  	_ =	shalt  }
0x5f: {  	_ =	shalt  }
0x60: {  	_ =	shalt  }
0x61: {  	_ =	shalt  }
0x62: {  	_ =	shalt  }
0x63: {  	_ =	shalt  }
0x64: {  	_ =	shalt  }
0x65: {  	_ =	shalt  }
0x66: {  	_ =	shalt  }
0x67: {  	_ =	shalt  }
0x68: {  	_ =	shalt  }
0x69: {  	_ =	shalt  }
0x6a: {  	_ =	shalt  }
0x6b: {  	_ =	shalt  }
0x6c: {  	_ =	shalt  }
0x6d: {  	_ =	shalt  }
0x6e: {  	_ =	shalt  }
0x6f: {  	_ =	shalt  }
0x70: {  	_ =	shalt  }
0x71: {  	_ =	shalt  }
0x72: {  	_ =	shalt  }
0x73: {  	_ =	shalt  }
0x74: {  	_ =	shalt  }
0x75: {  	_ =	shalt  }
0x76: {  	_ =	shalt  }
0x77: {  	_ =	shalt  }
0x78: {  	_ =	shalt  }
0x79: {  	_ =	shalt  }
0x7a: {  	_ =	shalt  }
0x7b: {  	_ =	shalt  }
0x7c: {  	_ =	shalt  }
0x7d: {  	_ =	shalt  }
0x7e: {  	_ =	shalt  }
0x7f: {  	_ =	shalt  }
0x80: {  	_ =	shalt  }
0x81: {  	_ =	shalt  }
0x82: {  	_ =	shalt  }
0x83: {  	_ =	shalt  }
0x84: {  	_ =	shalt  }
0x85: {  	_ =	shalt  }
0x86: {  	_ =	shalt  }
0x87: {  	_ =	shalt  }
.Lfunc_end0:
.L_simem_size_0:
called_computation_lowered:
.L_overlay_start_0:
0x88: {  	s2 =	sld [smem:$0x3FD9]  }
0x89: {  	s3 =	sld [smem:$0x3FFE];
	_ =	sdelay $0x1  }
0x8a: {  	s1 =	srdreg.scid  }
0x8b: {  	s0 =	sand.u32 $0x1, s1  }
0x8c: {  	s17 =	sshll.u32 s0, $0xA;
	s2 =	sadd.s32 s3, s2  }
0x8d: {  	s2 =	sadd.s32 s2, s17  }
0x8e: {  	[smem:$0x3FC6] =	sst s2  }
0x8f: {  	_ = 	snop  }
0x90: {  	s2 =	sld [smem:$0x3FC9]  }
0x91: {  	s18 =	sld [smem:$0x3FC8];
	(tm) =	ssettm $0x1  }
0x92: {  	s4 =	sld [smem:$0x3FFB];
	_ =	sdelay $0x3  }
0x93: {  	_ =	strace s4  }
0x94: {  	s4 =	sld [smem:$0x3FFC];
	_ =	sdelay $0x3  }
0x95: {  	_ =	strace s4  }
0x96: {  	s4 =	sld [smem:$0x3FFD];
	_ =	sdelay $0x3  }
0x97: {  	_ =	strace s4  }
0x98: {  	_ =	strace $0x8FFFFFFF  }
0x99: {  	s19 =	sld [smem:$0x3FDB];
	_ =	sdelay $0x1  }
0x9a: {  	s5 =	simm.s32 $_scs_section_size  }
0x9b: {  	s6 =	simm.s32 $_size__tile_overlayer_lowered;
	s7 =	simm.s32 $_tile_overlayer_lowered  }
0x9c: {  	s22 =	simm.s32 $0x1BFF;
	s21 =	sshll.u32 s7, $0x1;
	s4 =	sadd.s32 s5, s19  }
0x9d: {  	s8 =	simm.s32 $0x0;
	s20 =	sshll.u32 s6, $0x1;
	s6 =	sadd.s32 s21, s4  }
0x9e: {  	[timem:s8], [sflag:s22] =	dma.local [hbm:s6], s20  }
0x9f: {  	_ =	swait.ge [sflag:s22], s20  }
0xa0: {  	s5 =	ssub.s32 $0x0, s20;
	[sflag:s22] =	ssyncset.done $0x0  }
0xa1: {  	[sflag:s22] =	ssyncadd.s32 s5;
	_ =	sdelay $0x1  }
0xa2: {  	s23 =	simm.s32 $0x1B8B  }
0xa3: {  	_ =	swait.ge [sflag:s23], $0x1  }
0xa4: {  	[sflag:s23] =	ssyncset.done $0x0  }
0xa5: {  	s25 =	simm.s32 $0x1B8E;
	s24 =	sld [smem:$0x3FFE];
	[sflag:s23] =	ssyncadd.s32 $0xFFFFFFFF  }
0xa6: {  	s26 =	simm.s32 $execute0_lowered;
	[smem:$0x3FD2] =	sst s25  }
0xa7: {  	s6 =	sshll.u32 s26, $0x1;
	_ =	strace $0x80000046;
	[dreg:$0x1] =	wrdreg $0xFFFFFFFF  }
0xa8: {  	s28 =	simm.s32 $_size_execute0_lowered;
	s4 =	sadd.s32 s4, s6;
	[dreg:$0x0] =	wrdreg $0x0  }
0xa9: {  	s6 =	sshll.u32 s28, $0x1;
	[dreg:$0x2] =	wrdreg s4  }
0xaa: {  	[dreg:$0x3] =	wrdreg s6  }
0xab: {  	[dreg:$0x4] =	wrdreg $0xC0  }
0xac: {  	_ =	task [dreg:s8], $0x5FFFF  }
0xad: {  	[dreg:$0x1] =	wrdreg $0xFFFFFFFF  }
0xae: {  	[dreg:$0x0] =	wrdreg $0x60  }
0xaf: {  	[dreg:$0x2] =	wrdreg s18  }
0xb0: {  	[dreg:$0x3] =	wrdreg s2  }
0xb1: {  	[dreg:$0x4] =	wrdreg s24  }
0xb2: {  	[dreg:$0x5] =	wrdreg $0xE8000  }
0xb3: {  	[dreg:$0x6] =	wrdreg $0x9  }
0xb4: {  	_ =	task.clear_ibuf [dreg:s8], $0x7FFFF;
	_ =	strace $0x90000046  }
0xb5: {  	s29 =	simm.s32 $0x9;
	_ =	strace $0x80000048  }
0xb6: {  	_ =	swait.ge [sflag:s29], $0x1  }
0xb7: {  	[sflag:s29] =	ssyncadd.s32 $0xFFFFFFFF  }
0xb8: {  	_ =	strace $0x90000048  }
0xb9: {  	_ =	sfence  }
0xba: {  	s30 =	sld [smem:$0x0];
	_ =	sdelay $0x2  }
0xbb: {  	s31 =	sshll.u32 s1, $0xD;
	s1 =	sshrl.u32 s1, $0x2  }
0xbc: {  	s3 =	sand.u32 $0x4000, s31;
	s1 =	sadd.s32 s1, s30  }
0xbd: {  	s0 =	sor.u32 s3, s0;
	s1 =	sshll.u32 s1, $0x11  }
0xbe: {  	s0 =	sor.u32 s1, s0  }
0xbf: {  	s0 =	sadd.s32 $0x8F2B, s0  }
0xc0: {  	[sflag:s0] =	ssyncadd.remote.s32 $0x1  }
0xc1: {  	_ =	sfence.sel $0xFFFF  }
0xc2: {  	[dreg:$0x0] =	wrdreg $0xFFFFFFFF;
	(pc) =	sbr.abs _section_cstart, $3  }
0xc3: {  	[dreg:$0x1] =	wrdreg $0xFFFFFFFF  }
0xc4: {  	_ =	task.clear_ibuf [dreg:s8], $0x2FFFF;
	_ =	strace $0x9FFFFFFF  }
0xc5: {  	(tm) =	ssettm $0x7FFFFFFF  }
tec
execute0_lowered:
.L_overlay_start_1:
0x0: {  	(tag) =	ssettag $0x1  }
0x1: {  	s1 =	stileid.u32;
	s0 =	srdreg.scid  }
0x2: {  	s4 =	smul.u32 $0xC800, s1;
	s0 =	sand.u32 $0x1, s0  }
0x3: {  	[smem:$0x7DA] =	sst s0;
	s0 =	ssub.s32 $0x2, s0  }
0x4: {  	s5 =	sadd.s32 $0x800, s4;
	s26 =	sshrl.u32 s0, $0x1;
	s6 =	sadd.s32 $0x1000, s4  }
0x5: {  	s10 =	sadd.s32 $0x1800, s4;
	s13 =	sadd.s32 $0x2000, s4;
	s24 =	sadd.s32 $0x2800, s4  }
0x6: {  	s21 =	sadd.s32 $0x3000, s4;
	s22 =	sadd.s32 $0x3800, s4;
	s28 =	sadd.s32 $0x5000, s4  }
0x7: {  	s30 =	sadd.s32 $0x5800, s4;
	[smem:$0x7E0] =	sst s5;
	s2 =	sand.u32 $0x800, s5  }
0x8: {  	s3 =	sand.u32 $0x1F8000, s5;
	s5 =	sshrl.u32 s5, $0x5;
	[smem:$0x7DF] =	sst s6  }
0x9: {  	s0 =	ssub.s32 s0, s26;
	s8 =	sshrl.u32 s6, $0x5;
	s9 =	sand.u32 $0x1F8000, s6  }
0xa: {  	[smem:$0x7DE] =	sst s10;
	s11 =	sand.u32 $0x800, s10;
	s12 =	sand.u32 $0x1F8000, s10  }
0xb: {  	[smem:$0x7DD] =	sst s13;
	s15 =	sshrl.u32 s13, $0x5;
	s17 =	sand.u32 $0x800, s24  }
0xc: {  	s18 =	sand.u32 $0x1F8000, s24;
	s19 =	sshrl.u32 s24, $0x5;
	[smem:$0x7DC] =	sst s21  }
0xd: {  	s23 =	sshrl.u32 s21, $0x5;
	s25 =	sand.u32 $0x1F8000, s21;
	s26 =	sand.u32 $0x800, s22  }
0xe: {  	s1 =	sand.u32 $0x1F8000, s22;
	s6 =	sshrl.u32 s22, $0x5;
	s2 =	sshll.u32 s2, $0x3  }
0xf: {  	s5 =	sand.u32 $0x380, s5;
	[smem:$0x7FA] =	sst s0;
	s0 =	sand.u32 $0x380, s8  }
0x10: {  	s20 =	sand.u32 $0x380, s19;
	s8 =	sadd.s32 $0x4000, s4;
	s19 =	sand.u32 $0x1F8000, s30  }
0x11: {  	s2 =	sor.u32 s3, s2;
	s0 =	sor.u32 s9, s0;
	[smem:$0x7DB] =	sst s8  }
0x12: {  	s3 =	sand.u32 $0x1F8000, s13;
	s7 =	sor.u32 s5, s2;
	[smem:$0x7CC] =	sst s0  }
0x13: {  	s0 =	sshll.u32 s11, $0x3;
	s2 =	sshrl.u32 s10, $0x5;
	s10 =	sshrl.u32 s8, $0x5  }
0x14: {  	s11 =	sand.u32 $0x1F8000, s8;
	s0 =	sor.u32 s12, s0;
	s14 =	sand.u32 $0x380, s2  }
0x15: {  	[smem:$0x7E2] =	sst s7;
	s2 =	sand.u32 $0x380, s15;
	s0 =	sor.u32 s14, s0  }
0x16: {  	s7 =	sand.u32 $0x380, s6;
	s16 =	sor.u32 s3, s2;
	[smem:$0x7E3] =	sst s0  }
0x17: {  	s3 =	sshll.u32 s26, $0x3;
	s26 =	sadd.s32 $0x4800, s4;
	[smem:$0x7CD] =	sst s16  }
0x18: {  	s0 =	sshll.u32 s17, $0x3;
	s3 =	sor.u32 s1, s3;
	s12 =	sand.u32 $0x800, s26  }
0x19: {  	s13 =	sand.u32 $0x1F8000, s26;
	s14 =	sshrl.u32 s26, $0x5;
	s16 =	sshrl.u32 s28, $0x5  }
0x1a: {  	s17 =	sand.u32 $0x1F8000, s28;
	s0 =	sor.u32 s18, s0;
	s9 =	sor.u32 s7, s3  }
0x1b: {  	s15 =	sand.u32 $0x380, s14;
	s5 =	sand.u32 $0x380, s16;
	s18 =	sand.u32 $0x800, s30  }
0x1c: {  	s16 =	sadd.s32 $0x6800, s4;
	s14 =	sadd.s32 $0x7800, s4;
	s0 =	sor.u32 s20, s0  }
0x1d: {  	[smem:$0x7E8] =	sst s9;
	s21 =	sor.u32 s17, s5;
	s20 =	sshrl.u32 s30, $0x5  }
0x1e: {  	s2 =	sand.u32 $0x800, s16;
	s6 =	sand.u32 $0x1F8000, s16;
	s7 =	sshrl.u32 s16, $0x5  }
0x1f: {  	s17 =	sadd.s32 $0x8000, s4;
	[smem:$0x7E6] =	sst s0;
	s0 =	sand.u32 $0x380, s23  }
0x20: {  	s23 =	sand.u32 $0x380, s20;
	s20 =	sadd.s32 $0x6000, s4;
	s0 =	sor.u32 s25, s0  }
0x21: {  	s5 =	sshll.u32 s2, $0x3;
	[smem:$0x7CE] =	sst s0;
	s0 =	sand.u32 $0x380, s10  }
0x22: {  	s3 =	sand.u32 $0x380, s7;
	s7 =	sand.u32 $0x800, s14;
	s0 =	sor.u32 s11, s0  }
0x23: {  	s25 =	sshrl.u32 s20, $0x5;
	[smem:$0x7D1] =	sst s0;
	s0 =	sshll.u32 s12, $0x3  }
0x24: {  	s1 =	sand.u32 $0x1F8000, s20;
	s10 =	sshll.u32 s7, $0x3;
	s0 =	sor.u32 s13, s0  }
0x25: {  	s7 =	sadd.s32 $0x9800, s4;
	s11 =	sand.u32 $0x1F8000, s14;
	s0 =	sor.u32 s15, s0  }
0x26: {  	s12 =	sshrl.u32 s14, $0x5;
	[smem:$0x7E9] =	sst s0;
	s0 =	sshll.u32 s18, $0x3  }
0x27: {  	s13 =	sand.u32 $0x380, s12;
	s18 =	sadd.s32 $0x7000, s4;
	s0 =	sor.u32 s19, s0  }
0x28: {  	s8 =	sshrl.u32 s18, $0x5;
	s9 =	sand.u32 $0x1F8000, s18;
	s0 =	sor.u32 s23, s0  }
0x29: {  	s23 =	sshrl.u32 s17, $0x5;
	[smem:$0x7EC] =	sst s0;
	s0 =	sand.u32 $0x380, s25  }
0x2a: {  	s19 =	sor.u32 s1, s0;
	s0 =	sor.u32 s6, s5;
	s5 =	sand.u32 $0x380, s8  }
0x2b: {  	s6 =	sand.u32 $0x380, s23;
	s8 =	sand.u32 $0x1F8000, s17;
	s23 =	sand.u32 $0x1F8000, s7  }
0x2c: {  	s0 =	sor.u32 s3, s0;
	s15 =	sor.u32 s9, s5;
	s3 =	sor.u32 s11, s10  }
0x2d: {  	s9 =	sadd.s32 $0x8800, s4;
	s12 =	sor.u32 s8, s6;
	s11 =	sshrl.u32 s7, $0x5  }
0x2e: {  	[smem:$0x7EE] =	sst s0;
	s25 =	sor.u32 s13, s3;
	s0 =	sand.u32 $0x800, s9  }
0x2f: {  	s1 =	sand.u32 $0x1F8000, s9;
	s2 =	sshrl.u32 s9, $0x5;
	s13 =	sadd.s32 $0x9000, s4  }
0x30: {  	s29 =	sand.u32 $0x380, s11;
	[smem:$0x7EF] =	sst s25;
	s3 =	sshll.u32 s0, $0x3  }
0x31: {  	s6 =	sand.u32 $0x380, s2;
	s8 =	sshrl.u32 s13, $0x5;
	s25 =	sand.u32 $0x1F8000, s13  }
0x32: {  	s3 =	sor.u32 s1, s3;
	s10 =	sand.u32 $0x380, s8;
	s8 =	sadd.s32 $0xA000, s4  }
0x33: {  	s5 =	sor.u32 s6, s3;
	s6 =	sand.u32 $0x800, s7;
	s11 =	sor.u32 s25, s10  }
0x34: {  	s2 =	sshrl.u32 s8, $0x5;
	[smem:$0x7F2] =	sst s5;
	s3 =	sshll.u32 s6, $0x3  }
0x35: {  	s5 =	sadd.s32 $0xA800, s4;
	s6 =	sshrl.u32 s4, $0x5;
	s3 =	sor.u32 s23, s3  }
0x36: {  	s23 =	sor.u32 s4, s6;
	s31 =	sand.u32 $0x1F8000, s5;
	s6 =	sadd.s32 $0xB000, s4  }
0x37: {  	s1 =	sor.u32 s29, s3;
	s3 =	sand.u32 $0x380, s2;
	s29 =	sand.u32 $0x1F8000, s8  }
0x38: {  	s23 =	sand.u32 $0xF8380, s23;
	s10 =	sor.u32 s29, s3;
	s29 =	sand.u32 $0x800, s5  }
0x39: {  	s25 =	sshrl.u32 s6, $0x5;
	[smem:$0x7F4] =	sst s1;
	s29 =	sshll.u32 s29, $0x3  }
0x3a: {  	s3 =	sshrl.u32 s23, $0x3;
	s31 =	sor.u32 s31, s29;
	s29 =	sshrl.u32 s5, $0x5  }
0x3b: {  	s23 =	rddreg [dreg:$0x1];
	s2 =	sand.u32 $0x380, s29;
	s29 =	sand.u32 $0x800, s4  }
0x3c: {  	s25 =	sand.u32 $0x380, s25;
	s1 =	sand.u32 $0x1F8000, s6;
	s0 =	sadd.s32 s23, s29  }
0x3d: {  	s1 =	sor.u32 s1, s25;
	s25 =	sadd.s32 s3, s0;
	s3 =	sld [smem:$0x7CC]  }
0x3e: {  	[dreg:$0x1e] =	wrdreg s25  }
0x3f: {  	s25 =	sld [smem:$0x7CD];
	_ =	sdelay $0x1  }
0x40: {  	s19 =	sshrl.u32 s19, $0x3;
	s7 =	sshll.u32 s7, $0x6;
	s11 =	sshrl.u32 s11, $0x3  }
0x41: {  	s31 =	sor.u32 s2, s31;
	s2 =	sshrl.u32 s3, $0x3;
	s3 =	sshrl.u32 s25, $0x3  }
0x42: {  	s8 =	sshll.u32 s8, $0x6;
	s25 =	sld [smem:$0x7CE];
	s3 =	sadd.s32 s3, s0  }
0x43: {  	s6 =	sshll.u32 s6, $0x6;
	s8 =	sand.u32 $0x7FC0000, s8;
	[smem:$0x7CF] =	sst s3  }
0x44: {  	s6 =	sand.u32 $0x7FC0000, s6;
	s5 =	sshll.u32 s5, $0x6;
	s3 =	sld [smem:$0x7D1]  }
0x45: {  	s1 =	sshrl.u32 s1, $0x3;
	s5 =	sand.u32 $0x7FC0000, s5;
	s19 =	sadd.s32 s19, s0  }
0x46: {  	[smem:$0x7D4] =	sst s19;
	s2 =	sadd.s32 s2, s0;
	s25 =	sshrl.u32 s25, $0x3  }
0x47: {  	[dreg:$0x1f] =	wrdreg s2;
	s25 =	sadd.s32 s25, s0;
	s2 =	sshrl.u32 s3, $0x3  }
0x48: {  	[smem:$0x7D0] =	sst s25;
	s25 =	sshrl.u32 s21, $0x3;
	s2 =	sadd.s32 s2, s0  }
0x49: {  	s21 =	sshrl.u32 s15, $0x3;
	s3 =	sadd.s32 s25, s0;
	[smem:$0x7D2] =	sst s2  }
0x4a: {  	s25 =	sshrl.u32 s12, $0x3;
	s12 =	sadd.s32 s11, s0;
	[smem:$0x7D3] =	sst s3  }
0x4b: {  	s15 =	sshrl.u32 s10, $0x3;
	s2 =	sadd.s32 s21, s0;
	[smem:$0x7D7] =	sst s12  }
0x4c: {  	s10 =	sadd.s32 $0xB800, s4;
	s3 =	sadd.s32 s25, s0;
	[smem:$0x7D5] =	sst s2  }
0x4d: {  	s19 =	sand.u32 $0x1F8000, s10;
	s12 =	simm.s32 $0x0;
	[smem:$0x7D6] =	sst s3  }
0x4e: {  	s11 =	sshll.u32 s29, $0x3;
	s2 =	sadd.s32 s15, s0;
	[smem:$0x7FF] =	sst s12  }
0x4f: {  	s25 =	sshrl.u32 s10, $0x5;
	[smem:$0x7D8] =	sst s2;
	s2 =	sand.u32 $0x800, s10  }
0x50: {  	s0 =	sadd.s32 s1, s0;
	s1 =	rddreg [dreg:$0x2];
	s21 =	sshll.u32 s2, $0x3  }
0x51: {  	s3 =	sand.u32 $0x380, s25;
	[smem:$0x7D9] =	sst s0;
	s0 =	sor.u32 s19, s21  }
0x52: {  	s10 =	sshll.u32 s10, $0x6;
	s25 =	sor.u32 s3, s0;
	s3 =	sadd.s32 $0xC000, s4  }
0x53: {  	s1 =	sadd.s32 $0x400, s1;
	s15 =	sand.u32 $0x1F8000, s3;
	s21 =	sshll.u32 s3, $0x6  }
0x54: {  	s0 =	sor.u32 s11, s15;
	s11 =	sand.u32 $0x7FC0000, s21;
	s21 =	sld [smem:$0x7DA]  }
0x55: {  	s10 =	sand.u32 $0x7FC0000, s10;
	s19 =	rddreg [dreg:$0x0];
	s4 =	sshll.u32 s4, $0x6  }
0x56: {  	s4 =	sand.u32 $0x3FC0000, s4;
	s3 =	sshrl.u32 s3, $0x5;
	s15 =	rddreg [dreg:$0x3]  }
0x57: {  	s3 =	sand.u32 $0x380, s3;
	[smem:$0x7E1] =	sst s0;
	s0 =	sshll.u32 s21, $0x11  }
0x58: {  	_ =	strace $0x80000047;
	s11 =	sor.u32 s0, s11;
	s10 =	sor.u32 s0, s10  }
0x59: {  	s6 =	sor.u32 s0, s6;
	s5 =	sor.u32 s0, s5;
	s11 =	sor.u32 s29, s11  }
0x5a: {  	s10 =	sor.u32 s2, s10;
	s6 =	sor.u32 s29, s6;
	s11 =	sshrl.u32 s11, $0x3  }
0x5b: {  	s5 =	sor.u32 s2, s5;
	s10 =	sshrl.u32 s10, $0x3;
	s11 =	sadd.s32 s11, s1  }
0x5c: {  	s6 =	sshrl.u32 s6, $0x3;
	s10 =	sadd.s32 s10, s1;
	[dreg:$0x5] =	wrdreg s11  }
0x5d: {  	s5 =	sshrl.u32 s5, $0x3;
	s6 =	sadd.s32 s6, s1;
	[dreg:$0x6] =	wrdreg s10  }
0x5e: {  	s5 =	sadd.s32 s5, s1;
	[dreg:$0x7] =	wrdreg s6;
	s11 =	sor.u32 s0, s8  }
0x5f: {  	[dreg:$0x8] =	wrdreg s5;
	s8 =	sand.u32 $0x7FC0000, s7;
	s10 =	sshll.u32 s13, $0x6  }
0x60: {  	s13 =	sshll.u32 s9, $0x6;
	s6 =	sor.u32 s29, s11;
	s5 =	sor.u32 s0, s8  }
0x61: {  	s11 =	sand.u32 $0x7FC0000, s10;
	s7 =	sand.u32 $0x7FC0000, s13;
	s8 =	sshll.u32 s17, $0x6  }
0x62: {  	s10 =	sshll.u32 s14, $0x6;
	s13 =	sshll.u32 s18, $0x6;
	s18 =	sshll.u32 s16, $0x6  }
0x63: {  	s16 =	sshll.u32 s28, $0x6;
	s28 =	simm.s32 $0x3800;
	s6 =	sshrl.u32 s6, $0x3  }
0x64: {  	s5 =	sor.u32 s2, s5;
	s7 =	sor.u32 s0, s7;
	s9 =	sand.u32 $0x7FC0000, s8  }
0x65: {  	s8 =	sand.u32 $0x7FC0000, s18;
	s18 =	sshll.u32 s26, $0x6;
	s6 =	sadd.s32 s6, s1  }
0x66: {  	s5 =	sshrl.u32 s5, $0x3;
	[dreg:$0x9] =	wrdreg s6;
	s6 =	sor.u32 s0, s11  }
0x67: {  	s26 =	sand.u32 $0x7FC0000, s18;
	s5 =	sadd.s32 s5, s1;
	s6 =	sor.u32 s29, s6  }
0x68: {  	s11 =	sand.u32 $0x7FC0000, s10;
	[dreg:$0xa] =	wrdreg s5;
	s6 =	sshrl.u32 s6, $0x3  }
0x69: {  	s5 =	sadd.s32 s6, s1;
	s6 =	sor.u32 s2, s7;
	s7 =	sand.u32 $0x7FC0000, s13  }
0x6a: {  	[dreg:$0xb] =	wrdreg s5;
	s6 =	sshrl.u32 s6, $0x3;
	s5 =	sor.u32 s0, s9  }
0x6b: {  	s17 =	sor.u32 s0, s7;
	s9 =	sshll.u32 s20, $0x6;
	s20 =	smov.u32 s19  }
0x6c: {  	s6 =	sadd.s32 s6, s1;
	s5 =	sor.u32 s29, s5;
	s10 =	sand.u32 $0x7FC0000, s9  }
0x6d: {  	[dreg:$0xc] =	wrdreg s6;
	s5 =	sshrl.u32 s5, $0x3;
	s6 =	sor.u32 s0, s11  }
0x6e: {  	s11 =	sshll.u32 s30, $0x6;
	s30 =	simm.s32 $0x4800;
	s6 =	sor.u32 s2, s6  }
0x6f: {  	s5 =	sadd.s32 s5, s1;
	s7 =	sand.u32 $0x7FC0000, s11;
	s14 =	sshrl.u32 s6, $0x3  }
0x70: {  	[dreg:$0xd] =	wrdreg s5;
	s6 =	sor.u32 s29, s17;
	s5 =	sadd.s32 s14, s1  }
0x71: {  	s17 =	sand.u32 $0x7FC0000, s16;
	s6 =	sshrl.u32 s6, $0x3;
	[dreg:$0xe] =	wrdreg s5  }
0x72: {  	s6 =	sadd.s32 s6, s1;
	s5 =	sor.u32 s0, s8;
	s8 =	sld [smem:$0x7DB]  }
0x73: {  	[dreg:$0xf] =	wrdreg s6;
	s5 =	sor.u32 s2, s5;
	s6 =	sor.u32 s0, s10  }
0x74: {  	s14 =	sor.u32 s0, s7;
	s5 =	sshrl.u32 s5, $0x3;
	s6 =	sor.u32 s29, s6  }
0x75: {  	s13 =	sshrl.u32 s6, $0x3;
	s6 =	sor.u32 s2, s14;
	s14 =	sld [smem:$0x7DC]  }
0x76: {  	s5 =	sadd.s32 s5, s1;
	s7 =	sshll.u32 s8, $0x6;
	s8 =	sld [smem:$0x7DE]  }
0x77: {  	[dreg:$0x10] =	wrdreg s5;
	s5 =	sadd.s32 s13, s1;
	s6 =	sshrl.u32 s6, $0x3  }
0x78: {  	s7 =	sand.u32 $0x7FC0000, s7;
	[dreg:$0x11] =	wrdreg s5;
	s6 =	sadd.s32 s6, s1  }
0x79: {  	s5 =	sor.u32 s0, s17;
	s17 =	sshll.u32 s24, $0x6;
	s24 =	sld [smem:$0x7DD]  }
0x7a: {  	s11 =	sshll.u32 s22, $0x6;
	s10 =	sor.u32 s0, s7;
	[dreg:$0x12] =	wrdreg s6  }
0x7b: {  	s5 =	sor.u32 s29, s5;
	s6 =	sor.u32 s0, s26;
	s7 =	sshll.u32 s14, $0x6  }
0x7c: {  	s14 =	sld [smem:$0x7E0];
	s5 =	sshrl.u32 s5, $0x3;
	s6 =	sor.u32 s2, s6  }
0x7d: {  	s16 =	sand.u32 $0x7FC0000, s7;
	s7 =	sand.u32 $0x7FC0000, s17;
	s17 =	sld [smem:$0x7E1]  }
0x7e: {  	s5 =	sadd.s32 s5, s1;
	s9 =	sshrl.u32 s6, $0x3;
	s6 =	sor.u32 s29, s10  }
0x7f: {  	s22 =	sor.u32 s0, s7;
	s7 =	sshll.u32 s24, $0x6;
	s10 =	sld [smem:$0x7DF]  }
0x80: {  	[dreg:$0x13] =	wrdreg s5;
	s5 =	sadd.s32 s9, s1;
	s6 =	sshrl.u32 s6, $0x3  }
0x81: {  	s26 =	sand.u32 $0x7FC0000, s7;
	s7 =	sshll.u32 s8, $0x6;
	s8 =	sld [smem:$0x7EF]  }
0x82: {  	s13 =	sand.u32 $0x7FC0000, s11;
	[dreg:$0x14] =	wrdreg s5;
	s6 =	sadd.s32 s6, s1  }
0x83: {  	s5 =	sor.u32 s0, s13;
	s9 =	sand.u32 $0x7FC0000, s7;
	s3 =	sor.u32 s17, s3  }
0x84: {  	[dreg:$0x15] =	wrdreg s6;
	s5 =	sor.u32 s2, s5;
	s6 =	sor.u32 s0, s16  }
0x85: {  	s7 =	sshll.u32 s10, $0x6;
	s10 =	sld [smem:$0x7F2];
	s17 =	sshrl.u32 s3, $0x3  }
0x86: {  	s3 =	simm.s32 $0x800;
	s5 =	sshrl.u32 s5, $0x3;
	s6 =	sor.u32 s29, s6  }
0x87: {  	s7 =	sand.u32 $0x7FC0000, s7;
	s5 =	sadd.s32 s5, s1;
	s18 =	sshrl.u32 s6, $0x3  }
0x88: {  	s6 =	sor.u32 s2, s22;
	s13 =	sor.u32 s0, s7;
	s22 =	sld [smem:$0x7E3]  }
0x89: {  	s7 =	sshll.u32 s14, $0x6;
	[dreg:$0x16] =	wrdreg s5;
	s5 =	sadd.s32 s18, s1  }
0x8a: {  	s6 =	sshrl.u32 s6, $0x3;
	s16 =	sand.u32 $0x7FC0000, s7;
	s18 =	sld [smem:$0x7E2]  }
0x8b: {  	[dreg:$0x17] =	wrdreg s5;
	s6 =	sadd.s32 s6, s1;
	s5 =	sor.u32 s0, s26  }
0x8c: {  	[dreg:$0x18] =	wrdreg s6;
	s5 =	sor.u32 s29, s5;
	s6 =	sor.u32 s0, s9  }
0x8d: {  	s7 =	sld [smem:$0x7EE];
	s5 =	sshrl.u32 s5, $0x3;
	s6 =	sor.u32 s2, s6  }
0x8e: {  	s26 =	sld [smem:$0x7E6];
	s5 =	sadd.s32 s5, s1;
	s11 =	sshrl.u32 s6, $0x3  }
0x8f: {  	s6 =	sor.u32 s29, s13;
	s13 =	sshrl.u32 s31, $0x3;
	[dreg:$0x19] =	wrdreg s5  }
0x90: {  	s31 =	simm.s32 $0x5000;
	s5 =	sadd.s32 s11, s1;
	s11 =	sld [smem:$0x7F4]  }
0x91: {  	s6 =	sshrl.u32 s6, $0x3;
	s14 =	sadd.s32 s23, s13;
	[dreg:$0x1a] =	wrdreg s5  }
0x92: {  	s5 =	sor.u32 s0, s16;
	s0 =	sor.u32 s0, s4;
	s4 =	sld [smem:$0x7E9]  }
0x93: {  	s13 =	simm.s32 $0xE000;
	s6 =	sadd.s32 s6, s1;
	[smem:$0x7F6] =	sst s14  }
0x94: {  	s16 =	sshrl.u32 s25, $0x3;
	s25 =	sshll.u32 s21, $0xC;
	s2 =	sor.u32 s2, s5  }
0x95: {  	[dreg:$0x1b] =	wrdreg s6;
	s0 =	sor.u32 s29, s0;
	s2 =	sshrl.u32 s2, $0x3  }
0x96: {  	s6 =	sld [smem:$0x7EC];
	s0 =	sshrl.u32 s0, $0x3;
	s2 =	sadd.s32 s2, s1  }
0x97: {  	s0 =	sadd.s32 s0, s1;
	s1 =	sshrl.u32 s18, $0x3;
	[dreg:$0x1c] =	wrdreg s2  }
0x98: {  	s14 =	simm.s32 $0xC800;
	s1 =	sadd.s32 s23, s1;
	[dreg:$0x1d] =	wrdreg s0  }
0x99: {  	s29 =	simm.s32 $0x4000;
	s2 =	sshrl.u32 s22, $0x3;
	[smem:$0x7E4] =	sst s1  }
0x9a: {  	s18 =	smul.u32 $0x3D0A00, s21;
	s24 =	sadd.s32 s23, s2;
	s2 =	sld [smem:$0x7E8]  }
0x9b: {  	s22 =	stileid.u32;
	s1 =	sshrl.u32 s26, $0x3;
	s26 =	sld [smem:$0x7FA]  }
0x9c: {  	p0 =	sne.s32 s22, $0x0;
	s22 =	simm.s32 $0x2800;
	[smem:$0x7E5] =	sst s24  }
0x9d: {  	s1 =	sadd.s32 s23, s1;
	s24 =	sshll.u32 s21, $0x5;
	s21 =	simm.s32 $0x6800  }
0x9e: {  	[smem:$0x7E7] =	sst s1;
	s0 =	sor.u32 $0x1, s24;
	s24 =	simm.s32 $0x1800  }
0x9f: {  	s1 =	sshrl.u32 s2, $0x3;
	s2 =	sshrl.u32 s4, $0x3;
	[smem:$0x7FD] =	sst s0  }
0xa0: {  	s0 =	simm.s32 $0x2;
	s4 =	simm.s32 $0x6;
	s1 =	sadd.s32 s23, s1  }
0xa1: {  	s5 =	sadd.s32 s23, s2;
	s2 =	sshrl.u32 s8, $0x3;
	[smem:$0x7EA] =	sst s1  }
0xa2: {  	s8 =	simm.s32 $0x8;
	[smem:$0x7EB] =	sst s5;
	s1 =	sshrl.u32 s6, $0x3  }
0xa3: {  	s9 =	sadd.s32 s23, s2;
	s2 =	smax.u32 s26, $0x1;
	s1 =	sadd.s32 s23, s1  }
0xa4: {  	s26 =	simm.s32 $0x3000;
	[smem:$0x7ED] =	sst s1;
	s1 =	sshrl.u32 s7, $0x3  }
0xa5: {  	s5 =	simm.s32 $0x3;
	[smem:$0x7F1] =	sst s9;
	s1 =	sadd.s32 s23, s1  }
0xa6: {  	s6 =	simm.s32 $0x7;
	[smem:$0x7F0] =	sst s1;
	s1 =	sshrl.u32 s10, $0x3  }
0xa7: {  	[smem:$0x7FB] =	sst s2;
	s2 =	simm.s32 $0xD800;
	s1 =	sadd.s32 s23, s1  }
0xa8: {  	s9 =	simm.s32 $0x5;
	[smem:$0x7F3] =	sst s1;
	s1 =	sshrl.u32 s11, $0x3  }
0xa9: {  	s7 =	simm.s32 $0x4;
	s10 =	simm.s32 $0x9;
	s1 =	sadd.s32 s23, s1  }
0xaa: {  	[smem:$0x7F5] =	sst s1;
	s1 =	sadd.s32 s23, s16;
	s16 =	simm.s32 $0x0  }
0xab: {  	[smem:$0x7F7] =	sst s1;
	s1 =	sadd.s32 s23, s17;
	s23 =	sadd.s32 s19, s18  }
0xac: {  	s18 =	simm.s32 $0x5800;
	s19 =	simm.s32 $0x6000;
	[smem:$0x7F8] =	sst s1  }
0xad: {  	[smem:$0x7F9] =	sst s23;
	s1 =	sor.u32 $0x80, s25;
	s23 =	simm.s32 $0x1000  }
0xae: {  	s25 =	simm.s32 $0x2000;
	[smem:$0x7FC] =	sst s1;
	s1 =	simm.s32 $0xD000  }
.LBB2_1:
0xaf: {  	[smem:$0x7CB] =	sst s16  }
0xb0: {  	s11 =	rddreg [dreg:$0x1e];
	s16 =	simm.s32 $0x80;
	s17 =	simm.s32 $0x400  }
0xb1: {  	[tilespmem:s12], [sflag:$0x2] =	stream.strided.gather [hbm4b:s11+s16], $0x800, s17, s16, $0x38;
	[tilespmem:$0x1DC28] =	vst v63  }
0xb2: {  	s11 =	sld [smem:$0x7E4];
	_ =	sdelay $0x2  }
0xb3: {  	[tilespmem:s3], [sflag:$0x2] =	stream.strided.gather [hbm4b:s11+s16], $0x800, s17, s16, $0x38;
	[tilespmem:$0x1DC28] =	vst v63  }
0xb4: {  	s11 =	rddreg [dreg:$0x1f]  }
0xb5: {  	[tilespmem:s23], [sflag:$0x2] =	stream.strided.gather [hbm4b:s11+s16], $0x800, s17, s16, $0x38;
	[tilespmem:$0x1DC28] =	vst v63  }
0xb6: {  	s11 =	sld [smem:$0x7E5];
	_ =	sdelay $0x2  }
0xb7: {  	[tilespmem:s24], [sflag:$0x2] =	stream.strided.gather [hbm4b:s11+s16], $0x800, s17, s16, $0x38;
	[tilespmem:$0x1DC28] =	vst v63  }
0xb8: {  	s11 =	sld [smem:$0x7CF];
	_ =	sdelay $0x2  }
0xb9: {  	[tilespmem:s25], [sflag:$0x2] =	stream.strided.gather [hbm4b:s11+s16], $0x800, s17, s16, $0x38;
	[tilespmem:$0x1DC28] =	vst v63  }
0xba: {  	s11 =	sld [smem:$0x7E7];
	_ =	sdelay $0x2  }
0xbb: {  	[tilespmem:s22], [sflag:$0x2] =	stream.strided.gather [hbm4b:s11+s16], $0x800, s17, s16, $0x38;
	[tilespmem:$0x1DC28] =	vst v63  }
0xbc: {  	s11 =	sld [smem:$0x7D0];
	_ =	sdelay $0x2  }
0xbd: {  	[tilespmem:s26], [sflag:$0x2] =	stream.strided.gather [hbm4b:s11+s16], $0x800, s17, s16, $0x38;
	[tilespmem:$0x1DC28] =	vst v63  }
0xbe: {  	s11 =	sld [smem:$0x7EA];
	_ =	sdelay $0x2  }
0xbf: {  	[tilespmem:s28], [sflag:$0x2] =	stream.strided.gather [hbm4b:s11+s16], $0x800, s17, s16, $0x38;
	[tilespmem:$0x1DC28] =	vst v63  }
0xc0: {  	s11 =	sld [smem:$0x7D2];
	_ =	sdelay $0x2  }
0xc1: {  	[tilespmem:s29], [sflag:$0x2] =	stream.strided.gather [hbm4b:s11+s16], $0x800, s17, s16, $0x38;
	[tilespmem:$0x1DC28] =	vst v63  }
0xc2: {  	s11 =	sld [smem:$0x7EB];
	_ =	sdelay $0x2  }
0xc3: {  	[tilespmem:s30], [sflag:$0x2] =	stream.strided.gather [hbm4b:s11+s16], $0x800, s17, s16, $0x38;
	[tilespmem:$0x1DC28] =	vst v63  }
0xc4: {  	s11 =	sld [smem:$0x7D3];
	_ =	sdelay $0x2  }
0xc5: {  	[tilespmem:s31], [sflag:$0x2] =	stream.strided.gather [hbm4b:s11+s16], $0x800, s17, s16, $0x38;
	[tilespmem:$0x1DC28] =	vst v63  }
0xc6: {  	s11 =	sld [smem:$0x7ED];
	_ =	sdelay $0x2  }
0xc7: {  	[tilespmem:s18], [sflag:$0x2] =	stream.strided.gather [hbm4b:s11+s16], $0x800, s17, s16, $0x38;
	[tilespmem:$0x1DC28] =	vst v63  }
0xc8: {  	s18 =	sld [smem:$0x7D4];
	_ =	sdelay $0x2  }
0xc9: {  	[tilespmem:s19], [sflag:$0x2] =	stream.strided.gather [hbm4b:s18+s16], $0x800, s17, s16, $0x38;
	[tilespmem:$0x1DC28] =	vst v63  }
0xca: {  	s18 =	sld [smem:$0x7F0];
	_ =	sdelay $0x1  }
0xcb: {  	s19 =	sld [smem:$0x7D5]  }
0xcc: {  	[tilespmem:s21], [sflag:$0x2] =	stream.strided.gather [hbm4b:s18+s16], $0x800, s17, s16, $0x38;
	[tilespmem:$0x1DC28] =	vst v63  }
0xcd: {  	s21 =	simm.s32 $0x7000  }
0xce: {  	[tilespmem:s21], [sflag:$0x2] =	stream.strided.gather [hbm4b:s19+s16], $0x800, s17, s16, $0x38;
	[tilespmem:$0x1DC28] =	vst v63  }
0xcf: {  	s19 =	sld [smem:$0x7F1];
	_ =	sdelay $0x1  }
0xd0: {  	s21 =	simm.s32 $0x7800  }
0xd1: {  	[tilespmem:s21], [sflag:$0x2] =	stream.strided.gather [hbm4b:s19+s16], $0x800, s17, s16, $0x38;
	[tilespmem:$0x1DC28] =	vst v63  }
0xd2: {  	s19 =	sld [smem:$0x7D6];
	_ =	sdelay $0x1  }
0xd3: {  	s21 =	simm.s32 $0x8000  }
0xd4: {  	[tilespmem:s21], [sflag:$0x2] =	stream.strided.gather [hbm4b:s19+s16], $0x800, s17, s16, $0x38;
	[tilespmem:$0x1DC28] =	vst v63  }
0xd5: {  	s19 =	sld [smem:$0x7F3];
	_ =	sdelay $0x1  }
0xd6: {  	s21 =	simm.s32 $0x8800  }
0xd7: {  	[tilespmem:s21], [sflag:$0x2] =	stream.strided.gather [hbm4b:s19+s16], $0x800, s17, s16, $0x38;
	[tilespmem:$0x1DC28] =	vst v63  }
0xd8: {  	s19 =	sld [smem:$0x7D7];
	_ =	sdelay $0x1  }
0xd9: {  	s21 =	simm.s32 $0x9000  }
0xda: {  	[tilespmem:s21], [sflag:$0x2] =	stream.strided.gather [hbm4b:s19+s16], $0x800, s17, s16, $0x38;
	[tilespmem:$0x1DC28] =	vst v63  }
0xdb: {  	s19 =	sld [smem:$0x7F5];
	_ =	sdelay $0x1  }
0xdc: {  	s21 =	simm.s32 $0x9800  }
0xdd: {  	[tilespmem:s21], [sflag:$0x2] =	stream.strided.gather [hbm4b:s19+s16], $0x800, s17, s16, $0x38;
	[tilespmem:$0x1DC28] =	vst v63  }
0xde: {  	s19 =	sld [smem:$0x7D8];
	_ =	sdelay $0x1  }
0xdf: {  	s21 =	simm.s32 $0xA000  }
0xe0: {  	[tilespmem:s21], [sflag:$0x2] =	stream.strided.gather [hbm4b:s19+s16], $0x800, s17, s16, $0x38;
	[tilespmem:$0x1DC28] =	vst v63  }
0xe1: {  	s19 =	sld [smem:$0x7F6];
	_ =	sdelay $0x1  }
0xe2: {  	s21 =	simm.s32 $0xA800  }
0xe3: {  	[tilespmem:s21], [sflag:$0x2] =	stream.strided.gather [hbm4b:s19+s16], $0x800, s17, s16, $0x38;
	[tilespmem:$0x1DC28] =	vst v63  }
0xe4: {  	s19 =	sld [smem:$0x7D9];
	_ =	sdelay $0x1  }
0xe5: {  	s21 =	simm.s32 $0xB000  }
0xe6: {  	[tilespmem:s21], [sflag:$0x2] =	stream.strided.gather [hbm4b:s19+s16], $0x800, s17, s16, $0x38;
	[tilespmem:$0x1DC28] =	vst v63  }
0xe7: {  	s19 =	sld [smem:$0x7F7];
	_ =	sdelay $0x1  }
0xe8: {  	s21 =	simm.s32 $0xB800  }
0xe9: {  	[tilespmem:s21], [sflag:$0x2] =	stream.strided.gather [hbm4b:s19+s16], $0x800, s17, s16, $0x38;
	[tilespmem:$0x1DC28] =	vst v63  }
0xea: {  	s19 =	sld [smem:$0x7F8];
	_ =	sdelay $0x1  }
0xeb: {  	s21 =	simm.s32 $0xC000  }
0xec: {  	[tilespmem:s21], [sflag:$0x2] =	stream.strided.gather [hbm4b:s19+s16], $0x800, s17, s16, $0x38;
	[tilespmem:$0x1DC28] =	vst v63  }
0xed: {  	_ =	swait.ge [sflag:s0], $0x800  }
0xee: {  	[sflag:s0] =	ssyncset.done $0x0  }
0xef: {  	[sflag:s0] =	ssyncadd.s32 $0xFFFFF800  }
0xf0: {  	_ =	swait.ge [sflag:s0], $0x800  }
0xf1: {  	[sflag:s0] =	ssyncset.done $0x0  }
0xf2: {  	[sflag:s0] =	ssyncadd.s32 $0xFFFFF800  }
0xf3: {  	_ =	swait.ge [sflag:s0], $0x800  }
0xf4: {  	[sflag:s0] =	ssyncset.done $0x0  }
0xf5: {  	[sflag:s0] =	ssyncadd.s32 $0xFFFFF800  }
0xf6: {  	_ =	swait.ge [sflag:s0], $0x800  }
0xf7: {  	[sflag:s0] =	ssyncset.done $0x0  }
0xf8: {  	[sflag:s0] =	ssyncadd.s32 $0xFFFFF800  }
0xf9: {  	_ =	swait.ge [sflag:s0], $0x800  }
0xfa: {  	[sflag:s0] =	ssyncset.done $0x0  }
0xfb: {  	[sflag:s0] =	ssyncadd.s32 $0xFFFFF800  }
0xfc: {  	_ =	swait.ge [sflag:s0], $0x800  }
0xfd: {  	[sflag:s0] =	ssyncset.done $0x0  }
0xfe: {  	[sflag:s0] =	ssyncadd.s32 $0xFFFFF800  }
0xff: {  	_ =	swait.ge [sflag:s0], $0x800  }
0x100: {  	[sflag:s0] =	ssyncset.done $0x0  }
0x101: {  	[sflag:s0] =	ssyncadd.s32 $0xFFFFF800  }
0x102: {  	_ =	swait.ge [sflag:s0], $0x800  }
0x103: {  	[sflag:s0] =	ssyncset.done $0x0  }
0x104: {  	[sflag:s0] =	ssyncadd.s32 $0xFFFFF800  }
0x105: {  	_ =	swait.ge [sflag:s0], $0x800  }
0x106: {  	[sflag:s0] =	ssyncset.done $0x0  }
0x107: {  	[sflag:s0] =	ssyncadd.s32 $0xFFFFF800  }
0x108: {  	_ =	swait.ge [sflag:s0], $0x800  }
0x109: {  	[sflag:s0] =	ssyncset.done $0x0  }
0x10a: {  	[sflag:s0] =	ssyncadd.s32 $0xFFFFF800  }
0x10b: {  	_ =	swait.ge [sflag:s0], $0x800  }
0x10c: {  	[sflag:s0] =	ssyncset.done $0x0  }
0x10d: {  	[sflag:s0] =	ssyncadd.s32 $0xFFFFF800  }
0x10e: {  	_ =	swait.ge [sflag:s0], $0x800  }
0x10f: {  	[sflag:s0] =	ssyncset.done $0x0  }
0x110: {  	[sflag:s0] =	ssyncadd.s32 $0xFFFFF800  }
0x111: {  	_ =	swait.ge [sflag:s0], $0x800  }
0x112: {  	[sflag:s0] =	ssyncset.done $0x0  }
0x113: {  	[sflag:s0] =	ssyncadd.s32 $0xFFFFF800  }
0x114: {  	_ =	swait.ge [sflag:s0], $0x800  }
0x115: {  	[sflag:s0] =	ssyncset.done $0x0  }
0x116: {  	[sflag:s0] =	ssyncadd.s32 $0xFFFFF800  }
0x117: {  	_ =	swait.ge [sflag:s0], $0x800  }
0x118: {  	[sflag:s0] =	ssyncset.done $0x0  }
0x119: {  	[sflag:s0] =	ssyncadd.s32 $0xFFFFF800  }
0x11a: {  	_ =	swait.ge [sflag:s0], $0x800  }
0x11b: {  	[sflag:s0] =	ssyncset.done $0x0  }
0x11c: {  	[sflag:s0] =	ssyncadd.s32 $0xFFFFF800  }
0x11d: {  	_ =	swait.ge [sflag:s0], $0x800  }
0x11e: {  	[sflag:s0] =	ssyncset.done $0x0  }
0x11f: {  	[sflag:s0] =	ssyncadd.s32 $0xFFFFF800  }
0x120: {  	_ =	swait.ge [sflag:s0], $0x800  }
0x121: {  	[sflag:s0] =	ssyncset.done $0x0  }
0x122: {  	[sflag:s0] =	ssyncadd.s32 $0xFFFFF800  }
0x123: {  	_ =	swait.ge [sflag:s0], $0x800  }
0x124: {  	[sflag:s0] =	ssyncset.done $0x0  }
0x125: {  	[sflag:s0] =	ssyncadd.s32 $0xFFFFF800  }
0x126: {  	_ =	swait.ge [sflag:s0], $0x800  }
0x127: {  	[sflag:s0] =	ssyncset.done $0x0  }
0x128: {  	[sflag:s0] =	ssyncadd.s32 $0xFFFFF800  }
0x129: {  	_ =	swait.ge [sflag:s0], $0x800  }
0x12a: {  	[sflag:s0] =	ssyncset.done $0x0  }
0x12b: {  	[sflag:s0] =	ssyncadd.s32 $0xFFFFF800  }
0x12c: {  	_ =	swait.ge [sflag:s0], $0x800  }
0x12d: {  	[sflag:s0] =	ssyncset.done $0x0  }
0x12e: {  	[sflag:s0] =	ssyncadd.s32 $0xFFFFF800  }
0x12f: {  	_ =	swait.ge [sflag:s0], $0x800  }
0x130: {  	[sflag:s0] =	ssyncset.done $0x0  }
0x131: {  	[sflag:s0] =	ssyncadd.s32 $0xFFFFF800  }
0x132: {  	_ =	swait.ge [sflag:s0], $0x800  }
0x133: {  	[sflag:s0] =	ssyncset.done $0x0  }
0x134: {  	[sflag:s0] =	ssyncadd.s32 $0xFFFFF800  }
0x135: {  	_ =	swait.ge [sflag:s0], $0x800  }
0x136: {  	s11 =	simm.s32 @!p0 $0x1;
	s21 =	sld [smem:$0x7F9]  }
0x137: {  	s18 =	simm.s32 @!p0 $0x80;
	s16 =	sshrl.u32 @!p0 s15, $0x3;
	[sflag:s0] =	ssyncset.done $0x0  }
0x138: {  	s17 =	simm.s32 @!p0 $0x10;
	s19 =	simm.s32 @!p0 $0x1C01;
	[sflag:s0] =	ssyncadd.s32 $0xFFFFF800  }
0x139: {  	[spmem:s16@s17], [sflag:s19] =	dma.strided @!p0 [hbm:s21@s18], $0x1E850, s11, $0x10   }
0x13a: {  	_ =	swait.ge @!p0 [sflag:s11], $0x1E850  }
0x13b: {  	[sflag:s11] =	ssyncset.done @!p0 $0x0  }
0x13c: {  	[sflag:s11] =	ssyncadd.s32 @!p0 $0xFFFE17B0  }
0x13d: {  	[bflag:$0x0] =	sbarrier.arrive $0xFFFF  }
0x13e: {  	[tilespmem:s14], [sflag:$0x2] =	stream.indirect.gather [spmem:s15], $0x1, s12, s3, $0xb8;
	[tilespmem:$0x1DC28] =	vst v63  }
0x13f: {  	_ = 	snop  }
0x140: {  	[tilespmem:s1], [sflag:$0x3] =	stream.indirect.gather [spmem:s15], $0x1, s3, s3, $0xb8;
	[tilespmem:$0x1DC28] =	vst v63  }
0x141: {  	_ = 	snop  }
0x142: {  	[tilespmem:s2], [sflag:$0x4] =	stream.indirect.gather [spmem:s15], $0x1, s23, s3, $0xb8;
	[tilespmem:$0x1DC28] =	vst v63  }
0x143: {  	_ = 	snop  }
0x144: {  	[tilespmem:s13], [sflag:$0x5] =	stream.indirect.gather [spmem:s15], $0x1, s24, s3, $0xb8;
	[tilespmem:$0x1DC28] =	vst v63  }
0x145: {  	_ =	swait.ge [sflag:s0], $0x800  }
0x146: {  	s19 =	rddreg [dreg:$0x1d];
	[sflag:s0] =	ssyncset.done $0x0  }
0x147: {  	[sflag:s0] =	ssyncadd.s32 $0xFFFFF800;
	s16 =	sadd.s32 $0x0, s19  }
0x148: {  	[hbm4b:s16+s12] =	stream.linear.scatter [tilespmem:s14], [sflag:$0x6], $0x800, $0x38;
	[tilespmem:$0x1DC28] =	vst v63  }
0x149: {  	_ =	swait.ge [sflag:s4], $0x800  }
0x14a: {  	[sflag:s4] =	ssyncset.done $0x0  }
0x14b: {  	[sflag:s4] =	ssyncadd.s32 $0xFFFFF800  }
0x14c: {  	[tilespmem:s14], [sflag:$0x2] =	stream.indirect.gather [spmem:s15], $0x1, s25, s3, $0xb8;
	[tilespmem:$0x1DC28] =	vst v63  }
0x14d: {  	_ =	swait.ge [sflag:s5], $0x800  }
0x14e: {  	s21 =	rddreg [dreg:$0x1c];
	[sflag:s5] =	ssyncset.done $0x0  }
0x14f: {  	[sflag:s5] =	ssyncadd.s32 $0xFFFFF800;
	s16 =	sadd.s32 $0x0, s21  }
0x150: {  	[hbm4b:s16+s12] =	stream.linear.scatter [tilespmem:s1], [sflag:$0x7], $0x800, $0x38;
	[tilespmem:$0x1DC28] =	vst v63  }
0x151: {  	_ =	swait.ge [sflag:s6], $0x800  }
0x152: {  	[sflag:s6] =	ssyncset.done $0x0  }
0x153: {  	[sflag:s6] =	ssyncadd.s32 $0xFFFFF800  }
0x154: {  	[tilespmem:s1], [sflag:$0x3] =	stream.indirect.gather [spmem:s15], $0x1, s22, s3, $0xb8;
	[tilespmem:$0x1DC28] =	vst v63  }
0x155: {  	_ =	swait.ge [sflag:s7], $0x800  }
0x156: {  	s17 =	rddreg [dreg:$0x1b];
	[sflag:s7] =	ssyncset.done $0x0  }
0x157: {  	[sflag:s7] =	ssyncadd.s32 $0xFFFFF800;
	s16 =	sadd.s32 $0x0, s17  }
0x158: {  	[hbm4b:s16+s12] =	stream.linear.scatter [tilespmem:s2], [sflag:$0x8], $0x800, $0x38;
	[tilespmem:$0x1DC28] =	vst v63  }
0x159: {  	_ =	swait.ge [sflag:s8], $0x800  }
0x15a: {  	[sflag:s8] =	ssyncset.done $0x0  }
0x15b: {  	[sflag:s8] =	ssyncadd.s32 $0xFFFFF800  }
0x15c: {  	[tilespmem:s2], [sflag:$0x4] =	stream.indirect.gather [spmem:s15], $0x1, s26, s3, $0xb8;
	[tilespmem:$0x1DC28] =	vst v63  }
0x15d: {  	_ =	swait.ge [sflag:s9], $0x800  }
0x15e: {  	s18 =	rddreg [dreg:$0x1a];
	[sflag:s9] =	ssyncset.done $0x0  }
0x15f: {  	[sflag:s9] =	ssyncadd.s32 $0xFFFFF800;
	s16 =	sadd.s32 $0x0, s18  }
0x160: {  	[hbm4b:s16+s12] =	stream.linear.scatter [tilespmem:s13], [sflag:$0x9], $0x800, $0x38;
	[tilespmem:$0x1DC28] =	vst v63  }
0x161: {  	_ =	swait.ge [sflag:s10], $0x800  }
0x162: {  	[sflag:s10] =	ssyncset.done $0x0  }
0x163: {  	[sflag:s10] =	ssyncadd.s32 $0xFFFFF800  }
0x164: {  	[tilespmem:s13], [sflag:$0x5] =	stream.indirect.gather [spmem:s15], $0x1, s28, s3, $0xb8;
	[tilespmem:$0x1DC28] =	vst v63  }
0x165: {  	_ =	swait.ge [sflag:s0], $0x800  }
0x166: {  	s19 =	rddreg [dreg:$0x19];
	[sflag:s0] =	ssyncset.done $0x0  }
0x167: {  	[sflag:s0] =	ssyncadd.s32 $0xFFFFF800;
	s16 =	sadd.s32 $0x0, s19  }
0x168: {  	[hbm4b:s16+s12] =	stream.linear.scatter [tilespmem:s14], [sflag:$0x6], $0x800, $0x38;
	[tilespmem:$0x1DC28] =	vst v63  }
0x169: {  	_ =	swait.ge [sflag:s4], $0x800  }
0x16a: {  	[sflag:s4] =	ssyncset.done $0x0  }
0x16b: {  	[sflag:s4] =	ssyncadd.s32 $0xFFFFF800  }
0x16c: {  	[tilespmem:s14], [sflag:$0x2] =	stream.indirect.gather [spmem:s15], $0x1, s29, s3, $0xb8;
	[tilespmem:$0x1DC28] =	vst v63  }
0x16d: {  	_ =	swait.ge [sflag:s5], $0x800  }
0x16e: {  	s21 =	rddreg [dreg:$0x18];
	[sflag:s5] =	ssyncset.done $0x0  }
0x16f: {  	[sflag:s5] =	ssyncadd.s32 $0xFFFFF800;
	s16 =	sadd.s32 $0x0, s21  }
0x170: {  	[hbm4b:s16+s12] =	stream.linear.scatter [tilespmem:s1], [sflag:$0x7], $0x800, $0x38;
	[tilespmem:$0x1DC28] =	vst v63  }
0x171: {  	_ =	swait.ge [sflag:s6], $0x800  }
0x172: {  	[sflag:s6] =	ssyncset.done $0x0  }
0x173: {  	[sflag:s6] =	ssyncadd.s32 $0xFFFFF800  }
0x174: {  	[tilespmem:s1], [sflag:$0x3] =	stream.indirect.gather [spmem:s15], $0x1, s30, s3, $0xb8;
	[tilespmem:$0x1DC28] =	vst v63  }
0x175: {  	_ =	swait.ge [sflag:s7], $0x800  }
0x176: {  	s22 =	rddreg [dreg:$0x17];
	[sflag:s7] =	ssyncset.done $0x0  }
0x177: {  	[sflag:s7] =	ssyncadd.s32 $0xFFFFF800;
	s16 =	sadd.s32 $0x0, s22  }
0x178: {  	[hbm4b:s16+s12] =	stream.linear.scatter [tilespmem:s2], [sflag:$0x8], $0x800, $0x38;
	[tilespmem:$0x1DC28] =	vst v63  }
0x179: {  	_ =	swait.ge [sflag:s8], $0x800  }
0x17a: {  	[sflag:s8] =	ssyncset.done $0x0  }
0x17b: {  	[sflag:s8] =	ssyncadd.s32 $0xFFFFF800  }
0x17c: {  	[tilespmem:s2], [sflag:$0x4] =	stream.indirect.gather [spmem:s15], $0x1, s31, s3, $0xb8;
	[tilespmem:$0x1DC28] =	vst v63  }
0x17d: {  	_ =	swait.ge [sflag:s9], $0x800  }
0x17e: {  	s26 =	rddreg [dreg:$0x16];
	[sflag:s9] =	ssyncset.done $0x0  }
0x17f: {  	[sflag:s9] =	ssyncadd.s32 $0xFFFFF800;
	s16 =	sadd.s32 $0x0, s26  }
0x180: {  	[hbm4b:s16+s12] =	stream.linear.scatter [tilespmem:s13], [sflag:$0x9], $0x800, $0x38;
	[tilespmem:$0x1DC28] =	vst v63  }
0x181: {  	_ =	swait.ge [sflag:s10], $0x800  }
0x182: {  	[sflag:s10] =	ssyncset.done $0x0  }
0x183: {  	s17 =	simm.s32 $0x5800;
	[sflag:s10] =	ssyncadd.s32 $0xFFFFF800  }
0x184: {  	[tilespmem:s13], [sflag:$0x5] =	stream.indirect.gather [spmem:s15], $0x1, s17, s3, $0xb8;
	[tilespmem:$0x1DC28] =	vst v63  }
0x185: {  	_ =	swait.ge [sflag:s0], $0x800  }
0x186: {  	s18 =	rddreg [dreg:$0x15];
	[sflag:s0] =	ssyncset.done $0x0  }
0x187: {  	[sflag:s0] =	ssyncadd.s32 $0xFFFFF800;
	s16 =	sadd.s32 $0x0, s18  }
0x188: {  	[hbm4b:s16+s12] =	stream.linear.scatter [tilespmem:s14], [sflag:$0x6], $0x800, $0x38;
	[tilespmem:$0x1DC28] =	vst v63  }
0x189: {  	_ =	swait.ge [sflag:s4], $0x800  }
0x18a: {  	[sflag:s4] =	ssyncset.done $0x0  }
0x18b: {  	s19 =	simm.s32 $0x6000;
	[sflag:s4] =	ssyncadd.s32 $0xFFFFF800  }
0x18c: {  	[tilespmem:s14], [sflag:$0x2] =	stream.indirect.gather [spmem:s15], $0x1, s19, s3, $0xb8;
	[tilespmem:$0x1DC28] =	vst v63  }
0x18d: {  	_ =	swait.ge [sflag:s5], $0x800  }
0x18e: {  	s21 =	rddreg [dreg:$0x14];
	[sflag:s5] =	ssyncset.done $0x0  }
0x18f: {  	[sflag:s5] =	ssyncadd.s32 $0xFFFFF800;
	s16 =	sadd.s32 $0x0, s21  }
0x190: {  	[hbm4b:s16+s12] =	stream.linear.scatter [tilespmem:s1], [sflag:$0x7], $0x800, $0x38;
	[tilespmem:$0x1DC28] =	vst v63  }
0x191: {  	_ =	swait.ge [sflag:s6], $0x800  }
0x192: {  	[sflag:s6] =	ssyncset.done $0x0  }
0x193: {  	s22 =	simm.s32 $0x6800;
	[sflag:s6] =	ssyncadd.s32 $0xFFFFF800  }
0x194: {  	[tilespmem:s1], [sflag:$0x3] =	stream.indirect.gather [spmem:s15], $0x1, s22, s3, $0xb8;
	[tilespmem:$0x1DC28] =	vst v63  }
0x195: {  	_ =	swait.ge [sflag:s7], $0x800  }
0x196: {  	s26 =	rddreg [dreg:$0x13];
	[sflag:s7] =	ssyncset.done $0x0  }
0x197: {  	[sflag:s7] =	ssyncadd.s32 $0xFFFFF800;
	s16 =	sadd.s32 $0x0, s26  }
0x198: {  	[hbm4b:s16+s12] =	stream.linear.scatter [tilespmem:s2], [sflag:$0x8], $0x800, $0x38;
	[tilespmem:$0x1DC28] =	vst v63  }
0x199: {  	_ =	swait.ge [sflag:s8], $0x800  }
0x19a: {  	[sflag:s8] =	ssyncset.done $0x0  }
0x19b: {  	s17 =	simm.s32 $0x7000;
	[sflag:s8] =	ssyncadd.s32 $0xFFFFF800  }
0x19c: {  	[tilespmem:s2], [sflag:$0x4] =	stream.indirect.gather [spmem:s15], $0x1, s17, s3, $0xb8;
	[tilespmem:$0x1DC28] =	vst v63  }
0x19d: {  	_ =	swait.ge [sflag:s9], $0x800  }
0x19e: {  	s18 =	rddreg [dreg:$0x12];
	[sflag:s9] =	ssyncset.done $0x0  }
0x19f: {  	[sflag:s9] =	ssyncadd.s32 $0xFFFFF800;
	s16 =	sadd.s32 $0x0, s18  }
0x1a0: {  	[hbm4b:s16+s12] =	stream.linear.scatter [tilespmem:s13], [sflag:$0x9], $0x800, $0x38;
	[tilespmem:$0x1DC28] =	vst v63  }
0x1a1: {  	_ =	swait.ge [sflag:s10], $0x800  }
0x1a2: {  	[sflag:s10] =	ssyncset.done $0x0  }
0x1a3: {  	s19 =	simm.s32 $0x7800;
	[sflag:s10] =	ssyncadd.s32 $0xFFFFF800  }
0x1a4: {  	[tilespmem:s13], [sflag:$0x5] =	stream.indirect.gather [spmem:s15], $0x1, s19, s3, $0xb8;
	[tilespmem:$0x1DC28] =	vst v63  }
0x1a5: {  	_ =	swait.ge [sflag:s0], $0x800  }
0x1a6: {  	s21 =	rddreg [dreg:$0x11];
	[sflag:s0] =	ssyncset.done $0x0  }
0x1a7: {  	[sflag:s0] =	ssyncadd.s32 $0xFFFFF800;
	s16 =	sadd.s32 $0x0, s21  }
0x1a8: {  	[hbm4b:s16+s12] =	stream.linear.scatter [tilespmem:s14], [sflag:$0x6], $0x800, $0x38;
	[tilespmem:$0x1DC28] =	vst v63  }
0x1a9: {  	_ =	swait.ge [sflag:s4], $0x800  }
0x1aa: {  	[sflag:s4] =	ssyncset.done $0x0  }
0x1ab: {  	s22 =	simm.s32 $0x8000;
	[sflag:s4] =	ssyncadd.s32 $0xFFFFF800  }
0x1ac: {  	[tilespmem:s14], [sflag:$0x2] =	stream.indirect.gather [spmem:s15], $0x1, s22, s3, $0xb8;
	[tilespmem:$0x1DC28] =	vst v63  }
0x1ad: {  	_ =	swait.ge [sflag:s5], $0x800  }
0x1ae: {  	s26 =	rddreg [dreg:$0x10];
	[sflag:s5] =	ssyncset.done $0x0  }
0x1af: {  	[sflag:s5] =	ssyncadd.s32 $0xFFFFF800;
	s16 =	sadd.s32 $0x0, s26  }
0x1b0: {  	[hbm4b:s16+s12] =	stream.linear.scatter [tilespmem:s1], [sflag:$0x7], $0x800, $0x38;
	[tilespmem:$0x1DC28] =	vst v63  }
0x1b1: {  	_ =	swait.ge [sflag:s6], $0x800  }
0x1b2: {  	[sflag:s6] =	ssyncset.done $0x0  }
0x1b3: {  	s17 =	simm.s32 $0x8800;
	[sflag:s6] =	ssyncadd.s32 $0xFFFFF800  }
0x1b4: {  	[tilespmem:s1], [sflag:$0x3] =	stream.indirect.gather [spmem:s15], $0x1, s17, s3, $0xb8;
	[tilespmem:$0x1DC28] =	vst v63  }
0x1b5: {  	_ =	swait.ge [sflag:s7], $0x800  }
0x1b6: {  	s18 =	rddreg [dreg:$0xf];
	[sflag:s7] =	ssyncset.done $0x0  }
0x1b7: {  	[sflag:s7] =	ssyncadd.s32 $0xFFFFF800;
	s16 =	sadd.s32 $0x0, s18  }
0x1b8: {  	[hbm4b:s16+s12] =	stream.linear.scatter [tilespmem:s2], [sflag:$0x8], $0x800, $0x38;
	[tilespmem:$0x1DC28] =	vst v63  }
0x1b9: {  	_ =	swait.ge [sflag:s8], $0x800  }
0x1ba: {  	[sflag:s8] =	ssyncset.done $0x0  }
0x1bb: {  	s19 =	simm.s32 $0x9000;
	[sflag:s8] =	ssyncadd.s32 $0xFFFFF800  }
0x1bc: {  	[tilespmem:s2], [sflag:$0x4] =	stream.indirect.gather [spmem:s15], $0x1, s19, s3, $0xb8;
	[tilespmem:$0x1DC28] =	vst v63  }
0x1bd: {  	_ =	swait.ge [sflag:s9], $0x800  }
0x1be: {  	s21 =	rddreg [dreg:$0xe];
	[sflag:s9] =	ssyncset.done $0x0  }
0x1bf: {  	[sflag:s9] =	ssyncadd.s32 $0xFFFFF800;
	s16 =	sadd.s32 $0x0, s21  }
0x1c0: {  	[hbm4b:s16+s12] =	stream.linear.scatter [tilespmem:s13], [sflag:$0x9], $0x800, $0x38;
	[tilespmem:$0x1DC28] =	vst v63  }
0x1c1: {  	_ =	swait.ge [sflag:s10], $0x800  }
0x1c2: {  	[sflag:s10] =	ssyncset.done $0x0  }
0x1c3: {  	s22 =	simm.s32 $0x9800;
	[sflag:s10] =	ssyncadd.s32 $0xFFFFF800  }
0x1c4: {  	[tilespmem:s13], [sflag:$0x5] =	stream.indirect.gather [spmem:s15], $0x1, s22, s3, $0xb8;
	[tilespmem:$0x1DC28] =	vst v63  }
0x1c5: {  	_ =	swait.ge [sflag:s0], $0x800  }
0x1c6: {  	s26 =	rddreg [dreg:$0xd];
	[sflag:s0] =	ssyncset.done $0x0  }
0x1c7: {  	[sflag:s0] =	ssyncadd.s32 $0xFFFFF800;
	s16 =	sadd.s32 $0x0, s26  }
0x1c8: {  	[hbm4b:s16+s12] =	stream.linear.scatter [tilespmem:s14], [sflag:$0x6], $0x800, $0x38;
	[tilespmem:$0x1DC28] =	vst v63  }
0x1c9: {  	_ =	swait.ge [sflag:s4], $0x800  }
0x1ca: {  	[sflag:s4] =	ssyncset.done $0x0  }
0x1cb: {  	s17 =	simm.s32 $0xA000;
	[sflag:s4] =	ssyncadd.s32 $0xFFFFF800  }
0x1cc: {  	[tilespmem:s14], [sflag:$0x2] =	stream.indirect.gather [spmem:s15], $0x1, s17, s3, $0xb8;
	[tilespmem:$0x1DC28] =	vst v63  }
0x1cd: {  	_ =	swait.ge [sflag:s5], $0x800  }
0x1ce: {  	s18 =	rddreg [dreg:$0xc];
	[sflag:s5] =	ssyncset.done $0x0  }
0x1cf: {  	[sflag:s5] =	ssyncadd.s32 $0xFFFFF800;
	s16 =	sadd.s32 $0x0, s18  }
0x1d0: {  	[hbm4b:s16+s12] =	stream.linear.scatter [tilespmem:s1], [sflag:$0x7], $0x800, $0x38;
	[tilespmem:$0x1DC28] =	vst v63  }
0x1d1: {  	_ =	swait.ge [sflag:s6], $0x800  }
0x1d2: {  	[sflag:s6] =	ssyncset.done $0x0  }
0x1d3: {  	s19 =	simm.s32 $0xA800;
	[sflag:s6] =	ssyncadd.s32 $0xFFFFF800  }
0x1d4: {  	[tilespmem:s1], [sflag:$0x3] =	stream.indirect.gather [spmem:s15], $0x1, s19, s3, $0xb8;
	[tilespmem:$0x1DC28] =	vst v63  }
0x1d5: {  	_ =	swait.ge [sflag:s7], $0x800  }
0x1d6: {  	s21 =	rddreg [dreg:$0xb];
	[sflag:s7] =	ssyncset.done $0x0  }
0x1d7: {  	[sflag:s7] =	ssyncadd.s32 $0xFFFFF800;
	s16 =	sadd.s32 $0x0, s21  }
0x1d8: {  	[hbm4b:s16+s12] =	stream.linear.scatter [tilespmem:s2], [sflag:$0x8], $0x800, $0x38;
	[tilespmem:$0x1DC28] =	vst v63  }
0x1d9: {  	_ =	swait.ge [sflag:s8], $0x800  }
0x1da: {  	[sflag:s8] =	ssyncset.done $0x0  }
0x1db: {  	s22 =	simm.s32 $0xB000;
	[sflag:s8] =	ssyncadd.s32 $0xFFFFF800  }
0x1dc: {  	[tilespmem:s2], [sflag:$0x4] =	stream.indirect.gather [spmem:s15], $0x1, s22, s3, $0xb8;
	[tilespmem:$0x1DC28] =	vst v63  }
0x1dd: {  	_ =	swait.ge [sflag:s9], $0x800  }
0x1de: {  	s26 =	rddreg [dreg:$0xa];
	[sflag:s9] =	ssyncset.done $0x0  }
0x1df: {  	[sflag:s9] =	ssyncadd.s32 $0xFFFFF800;
	s16 =	sadd.s32 $0x0, s26  }
0x1e0: {  	[hbm4b:s16+s12] =	stream.linear.scatter [tilespmem:s13], [sflag:$0x9], $0x800, $0x38;
	[tilespmem:$0x1DC28] =	vst v63  }
0x1e1: {  	_ =	swait.ge [sflag:s10], $0x800  }
0x1e2: {  	[sflag:s10] =	ssyncset.done $0x0  }
0x1e3: {  	s17 =	simm.s32 $0xB800;
	[sflag:s10] =	ssyncadd.s32 $0xFFFFF800  }
0x1e4: {  	[tilespmem:s13], [sflag:$0x5] =	stream.indirect.gather [spmem:s15], $0x1, s17, s3, $0xb8;
	[tilespmem:$0x1DC28] =	vst v63  }
0x1e5: {  	_ =	swait.ge [sflag:s0], $0x800  }
0x1e6: {  	s18 =	rddreg [dreg:$0x9];
	[sflag:s0] =	ssyncset.done $0x0  }
0x1e7: {  	[sflag:s0] =	ssyncadd.s32 $0xFFFFF800;
	s16 =	sadd.s32 $0x0, s18  }
0x1e8: {  	[hbm4b:s16+s12] =	stream.linear.scatter [tilespmem:s14], [sflag:$0x6], $0x800, $0x38;
	[tilespmem:$0x1DC28] =	vst v63  }
0x1e9: {  	_ =	swait.ge [sflag:s4], $0x800  }
0x1ea: {  	[sflag:s4] =	ssyncset.done $0x0  }
0x1eb: {  	s19 =	simm.s32 $0xC000;
	[sflag:s4] =	ssyncadd.s32 $0xFFFFF800  }
0x1ec: {  	[tilespmem:s14], [sflag:$0x2] =	stream.indirect.gather [spmem:s15], $0x1, s19, s3, $0xb8;
	[tilespmem:$0x1DC28] =	vst v63  }
0x1ed: {  	_ =	swait.ge [sflag:s5], $0x800  }
0x1ee: {  	s21 =	rddreg [dreg:$0x8];
	[sflag:s5] =	ssyncset.done $0x0  }
0x1ef: {  	[sflag:s5] =	ssyncadd.s32 $0xFFFFF800;
	s16 =	sadd.s32 $0x0, s21  }
0x1f0: {  	[hbm4b:s16+s12] =	stream.linear.scatter [tilespmem:s1], [sflag:$0x7], $0x800, $0x38;
	[tilespmem:$0x1DC28] =	vst v63  }
0x1f1: {  	_ =	swait.ge [sflag:s7], $0x800  }
0x1f2: {  	s22 =	rddreg [dreg:$0x7];
	[sflag:s7] =	ssyncset.done $0x0  }
0x1f3: {  	[sflag:s7] =	ssyncadd.s32 $0xFFFFF800;
	s16 =	sadd.s32 $0x0, s22  }
0x1f4: {  	[hbm4b:s16+s12] =	stream.linear.scatter [tilespmem:s2], [sflag:$0x8], $0x800, $0x38;
	[tilespmem:$0x1DC28] =	vst v63  }
0x1f5: {  	_ =	swait.ge [sflag:s9], $0x800  }
0x1f6: {  	s26 =	rddreg [dreg:$0x6];
	[sflag:s9] =	ssyncset.done $0x0  }
0x1f7: {  	[sflag:s9] =	ssyncadd.s32 $0xFFFFF800;
	s16 =	sadd.s32 $0x0, s26  }
0x1f8: {  	[hbm4b:s16+s12] =	stream.linear.scatter [tilespmem:s13], [sflag:$0x9], $0x800, $0x38;
	[tilespmem:$0x1DC28] =	vst v63  }
0x1f9: {  	_ =	swait.ge [sflag:s0], $0x800  }
0x1fa: {  	p1 =	por @!p0 $0x0, $0x0;
	s22 =	sld [smem:$0x7FD]  }
0x1fb: {  	p1 =	por p1, p0;
	s18 =	rddreg [dreg:$0x5];
	[sflag:s0] =	ssyncset.done $0x0  }
0x1fc: {  	s21 =	sld [smem:$0x7FC];
	[sflag:s0] =	ssyncadd.s32 $0xFFFFF800;
	s18 =	sadd.s32 $0x0, s18  }
0x1fd: {  	[hbm4b:s18+s12] =	stream.linear.scatter [tilespmem:s14], [sflag:$0x6], $0x800, $0x38;
	[tilespmem:$0x1DC28] =	vst v63  }
0x1fe: {  	s16 =	sshrl.u32 @!p1 s22, $0x3  }
0x1ff: {  	s17 =	smul.u32 @!p1 $0x7A1400, s16  }
0x200: {  	s16 =	sand.u32 @!p1 $0x380, s21  }
0x201: {  	s28 =	simm.s32 @!p1 $0x80;
	s19 =	simm.s32 @!p1 $0x10;
	s16 =	sor.u32 @!p1 s16, s17  }
0x202: {  	s26 =	simm.s32 @!p1 $0x1C01;
	s18 =	sshrl.u32 @!p1 s15, $0x3;
	s16 =	sshrl.u32 @!p1 s16, $0x3  }
0x203: {  	[bflag:$0x0] =	sbarrier.arrive $0xFFFF;
	s17 =	simm.s32 @!p1 $0x1;
	s16 =	sadd.s32 @!p1 s20, s16  }
0x204: {  	[spmem:s18@s19], [sflag:s26] =	dma.strided @!p1 [hbm:s16@s28], $0x1E850, s17, $0x10   }
0x205: {  	_ =	swait.ge [sflag:s6], $0x800  }
0x206: {  	[sflag:s6] =	ssyncset.done $0x0  }
0x207: {  	[sflag:s6] =	ssyncadd.s32 $0xFFFFF800  }
0x208: {  	_ =	swait.ge [sflag:s8], $0x800  }
0x209: {  	[sflag:s8] =	ssyncset.done $0x0  }
0x20a: {  	[sflag:s8] =	ssyncadd.s32 $0xFFFFF800  }
0x20b: {  	s29 =	simm.s32 $0x3000;
	_ =	swait.ge [sflag:s10], $0x800  }
0x20c: {  	s30 =	simm.s32 $0x3800;
	s31 =	simm.s32 $0x4000;
	[sflag:s10] =	ssyncset.done $0x0  }
0x20d: {  	s16 =	simm.s32 $0x200;
	s17 =	sadd.s32 $0x1, s22;
	[sflag:s10] =	ssyncadd.s32 $0xFFFFF800  }
0x20e: {  	s18 =	smov.u32 s21;
	s28 =	simm.s32 $0x5000;
	_ =	swait.ge [sflag:s4], $0x800  }
.LBB2_2:
0x20f: {  	[sflag:s4] =	ssyncset.done $0x0  }
0x210: {  	[sflag:s4] =	ssyncadd.s32 $0xFFFFF800  }
0x211: {  	_ =	swait.ge @!p0 [sflag:s11], $0x1E850  }
0x212: {  	[sflag:s11] =	ssyncset.done @!p0 $0x0  }
0x213: {  	[sflag:s11] =	ssyncadd.s32 @!p0 $0xFFFE17B0  }
0x214: {  	[bflag:$0x0] =	sbarrier.arrive $0xFFFF  }
0x215: {  	[tilespmem:s14], [sflag:$0x2] =	stream.indirect.gather [spmem:s15], $0x1, s12, s3, $0xb8;
	[tilespmem:$0x1DC28] =	vst v63  }
0x216: {  	_ = 	snop  }
0x217: {  	[tilespmem:s1], [sflag:$0x3] =	stream.indirect.gather [spmem:s15], $0x1, s3, s3, $0xb8;
	[tilespmem:$0x1DC28] =	vst v63  }
0x218: {  	_ = 	snop  }
0x219: {  	[tilespmem:s2], [sflag:$0x4] =	stream.indirect.gather [spmem:s15], $0x1, s23, s3, $0xb8;
	[tilespmem:$0x1DC28] =	vst v63  }
0x21a: {  	_ = 	snop  }
0x21b: {  	[tilespmem:s13], [sflag:$0x5] =	stream.indirect.gather [spmem:s15], $0x1, s24, s3, $0xb8;
	[tilespmem:$0x1DC28] =	vst v63  }
0x21c: {  	_ =	swait.ge [sflag:s0], $0x800  }
0x21d: {  	s19 =	smov.u32 s16;
	s21 =	rddreg [dreg:$0x1d];
	[sflag:s0] =	ssyncset.done $0x0  }
0x21e: {  	s26 =	smov.u32 s20;
	[sflag:s0] =	ssyncadd.s32 $0xFFFFF800;
	s20 =	sadd.s32 s19, s21  }
0x21f: {  	[hbm4b:s20+s12] =	stream.linear.scatter [tilespmem:s14], [sflag:$0x6], $0x800, $0x38;
	[tilespmem:$0x1DC28] =	vst v63  }
0x220: {  	_ =	swait.ge [sflag:s4], $0x800  }
0x221: {  	[sflag:s4] =	ssyncset.done $0x0  }
0x222: {  	[sflag:s4] =	ssyncadd.s32 $0xFFFFF800  }
0x223: {  	[tilespmem:s14], [sflag:$0x2] =	stream.indirect.gather [spmem:s15], $0x1, s25, s3, $0xb8;
	[tilespmem:$0x1DC28] =	vst v63  }
0x224: {  	_ =	swait.ge [sflag:s5], $0x800  }
0x225: {  	s22 =	rddreg [dreg:$0x1c];
	[sflag:s5] =	ssyncset.done $0x0  }
0x226: {  	[sflag:s5] =	ssyncadd.s32 $0xFFFFF800;
	s20 =	sadd.s32 s19, s22  }
0x227: {  	[hbm4b:s20+s12] =	stream.linear.scatter [tilespmem:s1], [sflag:$0x7], $0x800, $0x38;
	[tilespmem:$0x1DC28] =	vst v63  }
0x228: {  	_ =	swait.ge [sflag:s6], $0x800  }
0x229: {  	[sflag:s6] =	ssyncset.done $0x0  }
0x22a: {  	s23 =	simm.s32 $0x2800;
	[sflag:s6] =	ssyncadd.s32 $0xFFFFF800  }
0x22b: {  	[tilespmem:s1], [sflag:$0x3] =	stream.indirect.gather [spmem:s15], $0x1, s23, s3, $0xb8;
	[tilespmem:$0x1DC28] =	vst v63  }
0x22c: {  	_ =	swait.ge [sflag:s7], $0x800  }
0x22d: {  	s24 =	rddreg [dreg:$0x1b];
	[sflag:s7] =	ssyncset.done $0x0  }
0x22e: {  	[sflag:s7] =	ssyncadd.s32 $0xFFFFF800;
	s20 =	sadd.s32 s19, s24  }
0x22f: {  	[hbm4b:s20+s12] =	stream.linear.scatter [tilespmem:s2], [sflag:$0x8], $0x800, $0x38;
	[tilespmem:$0x1DC28] =	vst v63  }
0x230: {  	_ =	swait.ge [sflag:s8], $0x800  }
0x231: {  	[sflag:s8] =	ssyncset.done $0x0  }
0x232: {  	[sflag:s8] =	ssyncadd.s32 $0xFFFFF800  }
0x233: {  	[tilespmem:s2], [sflag:$0x4] =	stream.indirect.gather [spmem:s15], $0x1, s29, s3, $0xb8;
	[tilespmem:$0x1DC28] =	vst v63  }
0x234: {  	_ =	swait.ge [sflag:s9], $0x800  }
0x235: {  	s25 =	rddreg [dreg:$0x1a];
	[sflag:s9] =	ssyncset.done $0x0  }
0x236: {  	[sflag:s9] =	ssyncadd.s32 $0xFFFFF800;
	s20 =	sadd.s32 s19, s25  }
0x237: {  	[hbm4b:s20+s12] =	stream.linear.scatter [tilespmem:s13], [sflag:$0x9], $0x800, $0x38;
	[tilespmem:$0x1DC28] =	vst v63  }
0x238: {  	_ =	swait.ge [sflag:s10], $0x800  }
0x239: {  	[sflag:s10] =	ssyncset.done $0x0  }
0x23a: {  	[sflag:s10] =	ssyncadd.s32 $0xFFFFF800  }
0x23b: {  	[tilespmem:s13], [sflag:$0x5] =	stream.indirect.gather [spmem:s15], $0x1, s30, s3, $0xb8;
	[tilespmem:$0x1DC28] =	vst v63  }
0x23c: {  	_ =	swait.ge [sflag:s0], $0x800  }
0x23d: {  	s21 =	rddreg [dreg:$0x19];
	[sflag:s0] =	ssyncset.done $0x0  }
0x23e: {  	[sflag:s0] =	ssyncadd.s32 $0xFFFFF800;
	s20 =	sadd.s32 s19, s21  }
0x23f: {  	[hbm4b:s20+s12] =	stream.linear.scatter [tilespmem:s14], [sflag:$0x6], $0x800, $0x38;
	[tilespmem:$0x1DC28] =	vst v63  }
0x240: {  	_ =	swait.ge [sflag:s4], $0x800  }
0x241: {  	[sflag:s4] =	ssyncset.done $0x0  }
0x242: {  	[sflag:s4] =	ssyncadd.s32 $0xFFFFF800  }
0x243: {  	[tilespmem:s14], [sflag:$0x2] =	stream.indirect.gather [spmem:s15], $0x1, s31, s3, $0xb8;
	[tilespmem:$0x1DC28] =	vst v63  }
0x244: {  	_ =	swait.ge [sflag:s5], $0x800  }
0x245: {  	s22 =	rddreg [dreg:$0x18];
	[sflag:s5] =	ssyncset.done $0x0  }
0x246: {  	[sflag:s5] =	ssyncadd.s32 $0xFFFFF800;
	s20 =	sadd.s32 s19, s22  }
0x247: {  	[hbm4b:s20+s12] =	stream.linear.scatter [tilespmem:s1], [sflag:$0x7], $0x800, $0x38;
	[tilespmem:$0x1DC28] =	vst v63  }
0x248: {  	_ =	swait.ge [sflag:s6], $0x800  }
0x249: {  	[sflag:s6] =	ssyncset.done $0x0  }
0x24a: {  	s23 =	simm.s32 $0x4800;
	[sflag:s6] =	ssyncadd.s32 $0xFFFFF800  }
0x24b: {  	[tilespmem:s1], [sflag:$0x3] =	stream.indirect.gather [spmem:s15], $0x1, s23, s3, $0xb8;
	[tilespmem:$0x1DC28] =	vst v63  }
0x24c: {  	_ =	swait.ge [sflag:s7], $0x800  }
0x24d: {  	s24 =	rddreg [dreg:$0x17];
	[sflag:s7] =	ssyncset.done $0x0  }
0x24e: {  	[sflag:s7] =	ssyncadd.s32 $0xFFFFF800;
	s20 =	sadd.s32 s19, s24  }
0x24f: {  	[hbm4b:s20+s12] =	stream.linear.scatter [tilespmem:s2], [sflag:$0x8], $0x800, $0x38;
	[tilespmem:$0x1DC28] =	vst v63  }
0x250: {  	_ =	swait.ge [sflag:s8], $0x800  }
0x251: {  	[sflag:s8] =	ssyncset.done $0x0  }
0x252: {  	[sflag:s8] =	ssyncadd.s32 $0xFFFFF800  }
0x253: {  	[tilespmem:s2], [sflag:$0x4] =	stream.indirect.gather [spmem:s15], $0x1, s28, s3, $0xb8;
	[tilespmem:$0x1DC28] =	vst v63  }
0x254: {  	_ =	swait.ge [sflag:s9], $0x800  }
0x255: {  	s25 =	rddreg [dreg:$0x16];
	[sflag:s9] =	ssyncset.done $0x0  }
0x256: {  	[sflag:s9] =	ssyncadd.s32 $0xFFFFF800;
	s20 =	sadd.s32 s19, s25  }
0x257: {  	[hbm4b:s20+s12] =	stream.linear.scatter [tilespmem:s13], [sflag:$0x9], $0x800, $0x38;
	[tilespmem:$0x1DC28] =	vst v63  }
0x258: {  	_ =	swait.ge [sflag:s10], $0x800  }
0x259: {  	[sflag:s10] =	ssyncset.done $0x0  }
0x25a: {  	s21 =	simm.s32 $0x5800;
	[sflag:s10] =	ssyncadd.s32 $0xFFFFF800  }
0x25b: {  	[tilespmem:s13], [sflag:$0x5] =	stream.indirect.gather [spmem:s15], $0x1, s21, s3, $0xb8;
	[tilespmem:$0x1DC28] =	vst v63  }
0x25c: {  	_ =	swait.ge [sflag:s0], $0x800  }
0x25d: {  	s22 =	rddreg [dreg:$0x15];
	[sflag:s0] =	ssyncset.done $0x0  }
0x25e: {  	[sflag:s0] =	ssyncadd.s32 $0xFFFFF800;
	s20 =	sadd.s32 s19, s22  }
0x25f: {  	[hbm4b:s20+s12] =	stream.linear.scatter [tilespmem:s14], [sflag:$0x6], $0x800, $0x38;
	[tilespmem:$0x1DC28] =	vst v63  }
0x260: {  	_ =	swait.ge [sflag:s4], $0x800  }
0x261: {  	[sflag:s4] =	ssyncset.done $0x0  }
0x262: {  	s23 =	simm.s32 $0x6000;
	[sflag:s4] =	ssyncadd.s32 $0xFFFFF800  }
0x263: {  	[tilespmem:s14], [sflag:$0x2] =	stream.indirect.gather [spmem:s15], $0x1, s23, s3, $0xb8;
	[tilespmem:$0x1DC28] =	vst v63  }
0x264: {  	_ =	swait.ge [sflag:s5], $0x800  }
0x265: {  	s24 =	rddreg [dreg:$0x14];
	[sflag:s5] =	ssyncset.done $0x0  }
0x266: {  	[sflag:s5] =	ssyncadd.s32 $0xFFFFF800;
	s20 =	sadd.s32 s19, s24  }
0x267: {  	[hbm4b:s20+s12] =	stream.linear.scatter [tilespmem:s1], [sflag:$0x7], $0x800, $0x38;
	[tilespmem:$0x1DC28] =	vst v63  }
0x268: {  	_ =	swait.ge [sflag:s6], $0x800  }
0x269: {  	[sflag:s6] =	ssyncset.done $0x0  }
0x26a: {  	s25 =	simm.s32 $0x6800;
	[sflag:s6] =	ssyncadd.s32 $0xFFFFF800  }
0x26b: {  	[tilespmem:s1], [sflag:$0x3] =	stream.indirect.gather [spmem:s15], $0x1, s25, s3, $0xb8;
	[tilespmem:$0x1DC28] =	vst v63  }
0x26c: {  	_ =	swait.ge [sflag:s7], $0x800  }
0x26d: {  	s21 =	rddreg [dreg:$0x13];
	[sflag:s7] =	ssyncset.done $0x0  }
0x26e: {  	[sflag:s7] =	ssyncadd.s32 $0xFFFFF800;
	s20 =	sadd.s32 s19, s21  }
0x26f: {  	[hbm4b:s20+s12] =	stream.linear.scatter [tilespmem:s2], [sflag:$0x8], $0x800, $0x38;
	[tilespmem:$0x1DC28] =	vst v63  }
0x270: {  	_ =	swait.ge [sflag:s8], $0x800  }
0x271: {  	[sflag:s8] =	ssyncset.done $0x0  }
0x272: {  	s22 =	simm.s32 $0x7000;
	[sflag:s8] =	ssyncadd.s32 $0xFFFFF800  }
0x273: {  	[tilespmem:s2], [sflag:$0x4] =	stream.indirect.gather [spmem:s15], $0x1, s22, s3, $0xb8;
	[tilespmem:$0x1DC28] =	vst v63  }
0x274: {  	_ =	swait.ge [sflag:s9], $0x800  }
0x275: {  	s23 =	rddreg [dreg:$0x12];
	[sflag:s9] =	ssyncset.done $0x0  }
0x276: {  	[sflag:s9] =	ssyncadd.s32 $0xFFFFF800;
	s20 =	sadd.s32 s19, s23  }
0x277: {  	[hbm4b:s20+s12] =	stream.linear.scatter [tilespmem:s13], [sflag:$0x9], $0x800, $0x38;
	[tilespmem:$0x1DC28] =	vst v63  }
0x278: {  	_ =	swait.ge [sflag:s10], $0x800  }
0x279: {  	[sflag:s10] =	ssyncset.done $0x0  }
0x27a: {  	s24 =	simm.s32 $0x7800;
	[sflag:s10] =	ssyncadd.s32 $0xFFFFF800  }
0x27b: {  	[tilespmem:s13], [sflag:$0x5] =	stream.indirect.gather [spmem:s15], $0x1, s24, s3, $0xb8;
	[tilespmem:$0x1DC28] =	vst v63  }
0x27c: {  	_ =	swait.ge [sflag:s0], $0x800  }
0x27d: {  	s25 =	rddreg [dreg:$0x11];
	[sflag:s0] =	ssyncset.done $0x0  }
0x27e: {  	[sflag:s0] =	ssyncadd.s32 $0xFFFFF800;
	s20 =	sadd.s32 s19, s25  }
0x27f: {  	[hbm4b:s20+s12] =	stream.linear.scatter [tilespmem:s14], [sflag:$0x6], $0x800, $0x38;
	[tilespmem:$0x1DC28] =	vst v63  }
0x280: {  	_ =	swait.ge [sflag:s4], $0x800  }
0x281: {  	[sflag:s4] =	ssyncset.done $0x0  }
0x282: {  	s21 =	simm.s32 $0x8000;
	[sflag:s4] =	ssyncadd.s32 $0xFFFFF800  }
0x283: {  	[tilespmem:s14], [sflag:$0x2] =	stream.indirect.gather [spmem:s15], $0x1, s21, s3, $0xb8;
	[tilespmem:$0x1DC28] =	vst v63  }
0x284: {  	_ =	swait.ge [sflag:s5], $0x800  }
0x285: {  	s22 =	rddreg [dreg:$0x10];
	[sflag:s5] =	ssyncset.done $0x0  }
0x286: {  	[sflag:s5] =	ssyncadd.s32 $0xFFFFF800;
	s20 =	sadd.s32 s19, s22  }
0x287: {  	[hbm4b:s20+s12] =	stream.linear.scatter [tilespmem:s1], [sflag:$0x7], $0x800, $0x38;
	[tilespmem:$0x1DC28] =	vst v63  }
0x288: {  	_ =	swait.ge [sflag:s6], $0x800  }
0x289: {  	[sflag:s6] =	ssyncset.done $0x0  }
0x28a: {  	s23 =	simm.s32 $0x8800;
	[sflag:s6] =	ssyncadd.s32 $0xFFFFF800  }
0x28b: {  	[tilespmem:s1], [sflag:$0x3] =	stream.indirect.gather [spmem:s15], $0x1, s23, s3, $0xb8;
	[tilespmem:$0x1DC28] =	vst v63  }
0x28c: {  	_ =	swait.ge [sflag:s7], $0x800  }
0x28d: {  	s24 =	rddreg [dreg:$0xf];
	[sflag:s7] =	ssyncset.done $0x0  }
0x28e: {  	[sflag:s7] =	ssyncadd.s32 $0xFFFFF800;
	s20 =	sadd.s32 s19, s24  }
0x28f: {  	[hbm4b:s20+s12] =	stream.linear.scatter [tilespmem:s2], [sflag:$0x8], $0x800, $0x38;
	[tilespmem:$0x1DC28] =	vst v63  }
0x290: {  	_ =	swait.ge [sflag:s8], $0x800  }
0x291: {  	[sflag:s8] =	ssyncset.done $0x0  }
0x292: {  	s25 =	simm.s32 $0x9000;
	[sflag:s8] =	ssyncadd.s32 $0xFFFFF800  }
0x293: {  	[tilespmem:s2], [sflag:$0x4] =	stream.indirect.gather [spmem:s15], $0x1, s25, s3, $0xb8;
	[tilespmem:$0x1DC28] =	vst v63  }
0x294: {  	_ =	swait.ge [sflag:s9], $0x800  }
0x295: {  	s21 =	rddreg [dreg:$0xe];
	[sflag:s9] =	ssyncset.done $0x0  }
0x296: {  	[sflag:s9] =	ssyncadd.s32 $0xFFFFF800;
	s20 =	sadd.s32 s19, s21  }
0x297: {  	[hbm4b:s20+s12] =	stream.linear.scatter [tilespmem:s13], [sflag:$0x9], $0x800, $0x38;
	[tilespmem:$0x1DC28] =	vst v63  }
0x298: {  	_ =	swait.ge [sflag:s10], $0x800  }
0x299: {  	[sflag:s10] =	ssyncset.done $0x0  }
0x29a: {  	s22 =	simm.s32 $0x9800;
	[sflag:s10] =	ssyncadd.s32 $0xFFFFF800  }
0x29b: {  	[tilespmem:s13], [sflag:$0x5] =	stream.indirect.gather [spmem:s15], $0x1, s22, s3, $0xb8;
	[tilespmem:$0x1DC28] =	vst v63  }
0x29c: {  	_ =	swait.ge [sflag:s0], $0x800  }
0x29d: {  	s23 =	rddreg [dreg:$0xd];
	[sflag:s0] =	ssyncset.done $0x0  }
0x29e: {  	[sflag:s0] =	ssyncadd.s32 $0xFFFFF800;
	s20 =	sadd.s32 s19, s23  }
0x29f: {  	[hbm4b:s20+s12] =	stream.linear.scatter [tilespmem:s14], [sflag:$0x6], $0x800, $0x38;
	[tilespmem:$0x1DC28] =	vst v63  }
0x2a0: {  	_ =	swait.ge [sflag:s4], $0x800  }
0x2a1: {  	[sflag:s4] =	ssyncset.done $0x0  }
0x2a2: {  	s24 =	simm.s32 $0xA000;
	[sflag:s4] =	ssyncadd.s32 $0xFFFFF800  }
0x2a3: {  	[tilespmem:s14], [sflag:$0x2] =	stream.indirect.gather [spmem:s15], $0x1, s24, s3, $0xb8;
	[tilespmem:$0x1DC28] =	vst v63  }
0x2a4: {  	_ =	swait.ge [sflag:s5], $0x800  }
0x2a5: {  	s25 =	rddreg [dreg:$0xc];
	[sflag:s5] =	ssyncset.done $0x0  }
0x2a6: {  	[sflag:s5] =	ssyncadd.s32 $0xFFFFF800;
	s20 =	sadd.s32 s19, s25  }
0x2a7: {  	[hbm4b:s20+s12] =	stream.linear.scatter [tilespmem:s1], [sflag:$0x7], $0x800, $0x38;
	[tilespmem:$0x1DC28] =	vst v63  }
0x2a8: {  	_ =	swait.ge [sflag:s6], $0x800  }
0x2a9: {  	[sflag:s6] =	ssyncset.done $0x0  }
0x2aa: {  	s21 =	simm.s32 $0xA800;
	[sflag:s6] =	ssyncadd.s32 $0xFFFFF800  }
0x2ab: {  	[tilespmem:s1], [sflag:$0x3] =	stream.indirect.gather [spmem:s15], $0x1, s21, s3, $0xb8;
	[tilespmem:$0x1DC28] =	vst v63  }
0x2ac: {  	_ =	swait.ge [sflag:s7], $0x800  }
0x2ad: {  	s22 =	rddreg [dreg:$0xb];
	[sflag:s7] =	ssyncset.done $0x0  }
0x2ae: {  	[sflag:s7] =	ssyncadd.s32 $0xFFFFF800;
	s20 =	sadd.s32 s19, s22  }
0x2af: {  	[hbm4b:s20+s12] =	stream.linear.scatter [tilespmem:s2], [sflag:$0x8], $0x800, $0x38;
	[tilespmem:$0x1DC28] =	vst v63  }
0x2b0: {  	_ =	swait.ge [sflag:s8], $0x800  }
0x2b1: {  	[sflag:s8] =	ssyncset.done $0x0  }
0x2b2: {  	s23 =	simm.s32 $0xB000;
	[sflag:s8] =	ssyncadd.s32 $0xFFFFF800  }
0x2b3: {  	[tilespmem:s2], [sflag:$0x4] =	stream.indirect.gather [spmem:s15], $0x1, s23, s3, $0xb8;
	[tilespmem:$0x1DC28] =	vst v63  }
0x2b4: {  	_ =	swait.ge [sflag:s9], $0x800  }
0x2b5: {  	s24 =	rddreg [dreg:$0xa];
	[sflag:s9] =	ssyncset.done $0x0  }
0x2b6: {  	[sflag:s9] =	ssyncadd.s32 $0xFFFFF800;
	s20 =	sadd.s32 s19, s24  }
0x2b7: {  	[hbm4b:s20+s12] =	stream.linear.scatter [tilespmem:s13], [sflag:$0x9], $0x800, $0x38;
	[tilespmem:$0x1DC28] =	vst v63  }
0x2b8: {  	_ =	swait.ge [sflag:s10], $0x800  }
0x2b9: {  	[sflag:s10] =	ssyncset.done $0x0  }
0x2ba: {  	s25 =	simm.s32 $0xB800;
	[sflag:s10] =	ssyncadd.s32 $0xFFFFF800  }
0x2bb: {  	[tilespmem:s13], [sflag:$0x5] =	stream.indirect.gather [spmem:s15], $0x1, s25, s3, $0xb8;
	[tilespmem:$0x1DC28] =	vst v63  }
0x2bc: {  	_ =	swait.ge [sflag:s0], $0x800  }
0x2bd: {  	s21 =	rddreg [dreg:$0x9];
	[sflag:s0] =	ssyncset.done $0x0  }
0x2be: {  	[sflag:s0] =	ssyncadd.s32 $0xFFFFF800;
	s20 =	sadd.s32 s19, s21  }
0x2bf: {  	[hbm4b:s20+s12] =	stream.linear.scatter [tilespmem:s14], [sflag:$0x6], $0x800, $0x38;
	[tilespmem:$0x1DC28] =	vst v63  }
0x2c0: {  	_ =	swait.ge [sflag:s4], $0x800  }
0x2c1: {  	[sflag:s4] =	ssyncset.done $0x0  }
0x2c2: {  	s22 =	simm.s32 $0xC000;
	[sflag:s4] =	ssyncadd.s32 $0xFFFFF800  }
0x2c3: {  	[tilespmem:s14], [sflag:$0x2] =	stream.indirect.gather [spmem:s15], $0x1, s22, s3, $0xb8;
	[tilespmem:$0x1DC28] =	vst v63  }
0x2c4: {  	_ =	swait.ge [sflag:s5], $0x800  }
0x2c5: {  	s23 =	rddreg [dreg:$0x8];
	[sflag:s5] =	ssyncset.done $0x0  }
0x2c6: {  	[sflag:s5] =	ssyncadd.s32 $0xFFFFF800;
	s20 =	sadd.s32 s19, s23  }
0x2c7: {  	[hbm4b:s20+s12] =	stream.linear.scatter [tilespmem:s1], [sflag:$0x7], $0x800, $0x38;
	[tilespmem:$0x1DC28] =	vst v63  }
0x2c8: {  	_ =	swait.ge [sflag:s7], $0x800  }
0x2c9: {  	s24 =	rddreg [dreg:$0x7];
	[sflag:s7] =	ssyncset.done $0x0  }
0x2ca: {  	[sflag:s7] =	ssyncadd.s32 $0xFFFFF800;
	s20 =	sadd.s32 s19, s24  }
0x2cb: {  	[hbm4b:s20+s12] =	stream.linear.scatter [tilespmem:s2], [sflag:$0x8], $0x800, $0x38;
	[tilespmem:$0x1DC28] =	vst v63  }
0x2cc: {  	_ =	swait.ge [sflag:s9], $0x800  }
0x2cd: {  	p2 =	seq.s32 @!p0 s19, $0x3E00;
	s25 =	rddreg [dreg:$0x6];
	[sflag:s9] =	ssyncset.done $0x0  }
0x2ce: {  	p2 =	por p2, p0;
	[sflag:s9] =	ssyncadd.s32 $0xFFFFF800;
	s20 =	sadd.s32 s19, s25  }
0x2cf: {  	[hbm4b:s20+s12] =	stream.linear.scatter [tilespmem:s13], [sflag:$0x9], $0x800, $0x38;
	[tilespmem:$0x1DC28] =	vst v63  }
0x2d0: {  	s18 =	sadd.s32 $0x80, s18;
	s21 =	simm.s32 @!p2 $0x1C01;
	s20 =	sshrl.u32 @!p2 s17, $0x3  }
0x2d1: {  	s23 =	simm.s32 @!p2 $0x80;
	_ =	swait.ge [sflag:s0], $0x800;
	s20 =	smul.u32 @!p2 $0x7A1400, s20  }
0x2d2: {  	s24 =	sand.u32 @!p2 $0x380, s18;
	s25 =	simm.s32 @!p2 $0x10;
	[sflag:s0] =	ssyncset.done $0x0  }
0x2d3: {  	s22 =	rddreg [dreg:$0x5];
	[sflag:s0] =	ssyncadd.s32 $0xFFFFF800;
	s20 =	sor.u32 @!p2 s24, s20  }
0x2d4: {  	s24 =	simm.s32 @!p2 $0x1;
	s19 =	sadd.s32 s19, s22;
	s20 =	sshrl.u32 @!p2 s20, $0x3  }
0x2d5: {  	[hbm4b:s19+s12] =	stream.linear.scatter [tilespmem:s14], [sflag:$0x6], $0x800, $0x38;
	[tilespmem:$0x1DC28] =	vst v63  }
0x2d6: {  	s22 =	sshrl.u32 @!p2 s15, $0x3;
	[bflag:$0x0] =	sbarrier.arrive $0xFFFF;
	s19 =	sadd.s32 @!p2 s26, s20  }
0x2d7: {  	[spmem:s22@s25], [sflag:s21] =	dma.strided @!p2 [hbm:s19@s23], $0x1E850, s24, $0x10   }
0x2d8: {  	_ =	swait.ge [sflag:s6], $0x800  }
0x2d9: {  	[sflag:s6] =	ssyncset.done $0x0  }
0x2da: {  	[sflag:s6] =	ssyncadd.s32 $0xFFFFF800  }
0x2db: {  	s16 =	sadd.s32 $0x200, s16;
	_ =	swait.ge [sflag:s8], $0x800  }
0x2dc: {  	p1 =	sne.s32 s16, $0x4000;
	[sflag:s8] =	ssyncset.done $0x0  }
.Ltmp0:
0x2dd: {  	[sflag:s8] =	ssyncadd.s32 $0xFFFFF800;
	(pc) =	sbr.rel @p1 .LBB2_2-.Ltmp0, $4  }
0x2de: {  	_ =	swait.ge [sflag:s10], $0x800  }
0x2df: {  	s17 =	sadd.s32 $0x1, s17;
	[sflag:s10] =	ssyncset.done $0x0  }
0x2e0: {  	s20 =	smov.u32 s26;
	s25 =	simm.s32 $0x2000;
	[sflag:s10] =	ssyncadd.s32 $0xFFFFF800  }
0x2e1: {  	s24 =	simm.s32 $0x1800;
	s23 =	simm.s32 $0x1000;
	_ =	swait.ge [sflag:s4], $0x800  }
0x2e2: {  	s16 =	sld [smem:$0x7CB]  }
0x2e3: {  	s11 =	sld [smem:$0x7FB];
	_ =	sdelay $0x1  }
0x2e4: {  	s16 =	sadd.s32 $0x1, s16  }
0x2e5: {  	p1 =	sne.s32 s16, s11  }
.Ltmp1:
0x2e6: {  	_ = 	snop;
	(pc) =	sbr.rel @p1 .LBB2_1-.Ltmp1, $4  }
0x2e7: {  	[sflag:s4] =	ssyncset.done $0x0;
	s22 =	simm.s32 $0x2800  }
0x2e8: {  	s26 =	simm.s32 $0x3000;
	s28 =	simm.s32 $0x3800;
	s29 =	simm.s32 $0x4000  }
0x2e9: {  	s30 =	simm.s32 $0x4800;
	s31 =	simm.s32 $0x5000;
	s18 =	simm.s32 $0x5800  }
0x2ea: {  	s19 =	simm.s32 $0x6000;
	s21 =	simm.s32 $0x6800;
	[sflag:s4] =	ssyncadd.s32 $0xFFFFF800  }
0x2eb: {  	_ =	sfence.sel $0x180000  }
0x2ec: {  	[bflag:$0x0] =	sbarrier.arrive $0xFFFF  }
0x2ed: {  	_ =	strace $0x90000047  }
0x2ee: {  	[bflag:$0x2] =	sbarrier.arrive $0xFFFF  }
0x2ef: {  	s0 =	rddreg [dreg:$0x4]  }
0x2f0: {  	s0 =	sadd.s32 @!p0 $0x100000, s0  }
0x2f1: {  	[sflag:s0] =	ssyncadd.tile.s32 @!p0 $0x1;
	_ =	shalt  }
.Lfunc_end2:
_tile_overlayer_lowered:
.L_overlay_start_2:
0x2f2: {  	(tag) =	ssettag $0x2  }
0x2f3: {  	s0 =	rddreg [dreg:$0x0];
	s2 =	stileid.u32  }
0x2f4: {  	s1 =	rddreg [dreg:$0x1];
	p0 =	sne.s32 s2, $0x0  }
0x2f5: {  	s3 =	rddreg [dreg:$0x2];
	[bflag:$0x3] =	sbarrier.arrive $0xFFFF;
	s2 =	simm.s32 @!p0 $0x1C0A  }
0x2f6: {  	[timem:s3], [sflag:s2] =	dma.local @!p0 [hbm:s0], s1  }
0x2f7: {  	s0 =	simm.s32 @!p0 $0xA  }
0x2f8: {  	_ =	swait.ge @!p0 [sflag:s0], s1  }
0x2f9: {  	s1 =	ssub.s32 @!p0 $0x0, s1;
	[sflag:s0] =	ssyncset.done @!p0 $0x0  }
0x2fa: {  	[sflag:s0] =	ssyncadd.s32 @!p0 s1  }
0x2fb: {  	[bflag:$0x3] =	sbarrier.arrive $0xFFFF  }
0x2fc: {  	_ =	shalt  }

</sc_bundles>
